<compile_context>
chip_gen: v7x
topology: tpu7x:2x2x1
jax: 0.10.2.dev20260603
libtpu: 0.0.44.dev20260713+nightly
codegen_flags: <defaults>
</compile_context>

<pallas_src>
import functools

import jax
import jax.numpy as jnp
from jax import lax
from jax.experimental import pallas as pl
from jax.experimental.pallas import tpu as pltpu
from jax.experimental.pallas import tpu_sc as plsc

L = 200
D = 64
NBH = 32
BW = 128


def _sc_gather(table, idx3):
    info = plsc.get_sparse_core_info()
    nc = info.num_cores
    mesh = plsc.VectorSubcoreMesh(core_axis_name="c", subcore_axis_name="s")

    @functools.partial(
        pl.kernel,
        out_type=jax.ShapeDtypeStruct((L, 8, NBH, 8 * BW), jnp.float32),
        mesh=mesh,
        scratch_types=[
            pltpu.VMEM((L, BW), jnp.int32),
            pltpu.VMEM((2, BW, D), jnp.float32),
            pltpu.VMEM((2, 8, 8 * BW), jnp.float32),
            pltpu.SemaphoreType.DMA,
            pltpu.SemaphoreType.DMA,
            pltpu.SemaphoreType.DMA,
            pltpu.SemaphoreType.DMA,
        ],
        compiler_params=pltpu.CompilerParams(
            use_tc_tiling_on_sc=False, needs_layout_passes=False
        ),
    )
    def k(table_hbm, idx_hbm, out_hbm, idx_v, rows_v, blk_v,
          sem_g0, sem_g1, sem_o0, sem_o1):
        wid = lax.axis_index("s") * nc + lax.axis_index("c")
        sem_g = (sem_g0, sem_g1)
        sem_o = (sem_o0, sem_o1)

        def gather(l, p):
            return pltpu.make_async_copy(
                table_hbm.at[idx_v.at[l]], rows_v.at[p], sem_g[p]
            )

        def store(l, p):
            return pltpu.make_async_copy(
                blk_v.at[p], out_hbm.at[l, :, wid], sem_o[p]
            )

        pltpu.sync_copy(idx_hbm.at[:, wid], idx_v)

        gather(0, 0).start()
        gather(1, 1).start()

        lane = jnp.arange(16, dtype=jnp.int32)
        rows = [lane + (16 * j) for j in range(8)]

        def transpose(p):
            @plsc.parallel_loop(0, 16, unroll=2)
            def tr(k):
                rot = (lane + k) & 15
                rhi = rot >> 3
                clow = ((rot & 7) << 7) + lane
                for m in range(4):
                    lcol = rot + (16 * m)
                    rowm = rhi + (2 * m)
                    for j in range(8):
                        vec = plsc.load_gather(
                            rows_v.at[p], [rows[j], lcol]
                        )
                        plsc.store_scatter(
                            blk_v.at[p], [rowm, clow + (16 * j)], vec
                        )

        def body(i, _):
            for p in (0, 1):
                l = 2 * i + p
                gather(l, p).wait()

                @pl.when(i >= 1)
                def _wait_prev_store():
                    store(l - 2, p).wait()

                transpose(p)
                store(l, p).start()

                @pl.when(l + 2 < L)
                def _next_gather():
                    gather(l + 2, p).start()
            return _

        lax.fori_loop(0, L // 2, body, 0)
        store(L - 2, 0).wait()
        store(L - 1, 1).wait()

    return k(table, idx3)


def kernel(code, static_mask, numeric_value, time_delta_days,
           numeric_value_mask, mask, table):
    B, _ = code.shape
    idx3 = code.astype(jnp.int32).T.reshape(L, NBH, BW)
    x = _sc_gather(table, idx3)
    x = x.reshape(L, 8, NBH, 8, BW)
    y = jnp.transpose(x, (2, 4, 0, 1, 3))
    return y.reshape(B, L, D)

# --- scband reference (transcript-rebuilt; emitter-appended) ---
"""Pipeline reference for scband-triplet-encoder-45097156608381 (READ-ONLY COPY).

The authoritative reference and input builder live on the scoring server;
editing this copy changes nothing except your own understanding.
"""

import jax, jax.numpy as jnp
import numpy as np

VOCAB = 100000
TOKEN_DIM = 64
B = 4096
L = 200


def setup_inputs(seed: int = 0) -> dict:
    key = jax.random.key(seed)
    k_code, k_nv, k_td, k_tab = jax.random.split(key, 4)
    code = jax.random.randint(k_code, (B, L), 0, VOCAB, dtype=jnp.int64 if jax.config.read('jax_enable_x64') else jnp.int32)
    static_mask = jnp.zeros((B, L), dtype=jnp.bool_)
    numeric_value = jax.random.normal(k_nv, (B, L), dtype=jnp.float32)
    time_delta_days = jax.random.uniform(k_td, (B, L), dtype=jnp.float32)
    numeric_value_mask = jnp.ones((B, L), dtype=jnp.bool_)
    mask = jnp.ones((B, L), dtype=jnp.bool_)
    # learned embedding table (code_embedder.weight), per init_kwargs
    table = jax.random.normal(k_tab, (VOCAB, TOKEN_DIM), dtype=jnp.float32) * 0.02
    return {
        'code': code,
        'static_mask': static_mask,
        'numeric_value': numeric_value,
        'time_delta_days': time_delta_days,
        'numeric_value_mask': numeric_value_mask,
        'mask': mask,
        'table': table,
    }


def reference(code, static_mask, numeric_value, time_delta_days, numeric_value_mask, mask, table):
    # code_emb = Embedding(code).permute(0, 2, 1) -> [B, D, L]
    code_emb = jnp.take(table, code, axis=0)            # [B, L, D]
    embedding = jnp.transpose(code_emb, (0, 2, 1))      # [B, D, L]
    # length check: embedding.shape[-1] (= L) must be <= max_seq_len (256); L=200 ok
    # return embedding.transpose(1, 2) -> [B, L, D]
    out = jnp.transpose(embedding, (0, 2, 1))           # [B, L, D]
    return out

if __name__ == "__main__":
    import jax
    _d = setup_inputs()
    print(jax.jit(kernel)(*tuple(_d.values())))

</pallas_src>

<mosaic_0001>
#map = affine_map<(d0, d1) -> (0, 0)>
#map1 = affine_map<(d0, d1) -> (0, 0, 0)>
#map2 = affine_map<(d0, d1) -> (0, 0, 0, 0)>
module attributes {stable_mosaic.version = 14 : i64} {
  func.func @k(%arg0: i32, %arg1: i32, %arg2: memref<100000x64xf32, #tpu.memory_space<hbm>>, %arg3: memref<200x32x128xi32, #tpu.memory_space<hbm>>, %arg4: memref<200x8x32x1024xf32, #tpu.memory_space<hbm>>, %arg5: memref<200x128xi32, #tpu.memory_space<vmem>>, %arg6: memref<2x128x64xf32, #tpu.memory_space<vmem>>, %arg7: memref<2x8x1024xf32, #tpu.memory_space<vmem>>, %arg8: memref<!tpu.dma_semaphore, #tpu.memory_space<semaphore_mem>>, %arg9: memref<!tpu.dma_semaphore, #tpu.memory_space<semaphore_mem>>, %arg10: memref<!tpu.dma_semaphore, #tpu.memory_space<semaphore_mem>>, %arg11: memref<!tpu.dma_semaphore, #tpu.memory_space<semaphore_mem>>) attributes {dimension_semantics = [#tpu.dimension_semantics<core_parallel>, #tpu.dimension_semantics<subcore_parallel>], iteration_bounds = array<i64: 2, 16>, scalar_prefetch = 0 : i64, scratch_operands = 7 : i64, tpu.core_type = #tpu.core_type<sc_vector_subcore>, window_params = [{transform_indices = #map}, {transform_indices = #map1}, {transform_indices = #map2}]} {
    %mul3A = arith.constant 2 : i32
    %mul3A_0 = arith.muli %arg1, %mul3A : i32
    %add3A = arith.addi %mul3A_0, %arg0 : i32
    "tpu.region"() ({
      %run_scoped3A = tpu.sem_alloc : memref<!tpu.dma_semaphore, #tpu.memory_space<semaphore_mem>>
      %dma_start3A_88 = arith.constant 0 : i32
      %dma_start3A_89 = arith.constant 0 : i32
      %dma_start3A_90 = tpu.memref_slice %arg3[%dma_start3A_88, %add3A, %dma_start3A_89] : memref<200x32x128xi32, #tpu.memory_space<hbm>> -> memref<200x1x128xi32, #tpu.memory_space<hbm>>
      %dma_start3A_91 = tpu.memref_squeeze %dma_start3A_90 : memref<200x1x128xi32, #tpu.memory_space<hbm>> -> memref<200x128xi32, #tpu.memory_space<hbm>>
      %dma_start3A_92 = arith.constant 0 : i32
      %dma_start3A_93 = arith.constant 0 : i32
      %dma_start3A_94 = tpu.memref_slice %arg3[%dma_start3A_92, %add3A, %dma_start3A_93] : memref<200x32x128xi32, #tpu.memory_space<hbm>> -> memref<200x1x128xi32, #tpu.memory_space<hbm>>
      %dma_start3A_95 = tpu.memref_squeeze %dma_start3A_94 : memref<200x1x128xi32, #tpu.memory_space<hbm>> -> memref<200x128xi32, #tpu.memory_space<hbm>>
      tpu.enqueue_dma source(%dma_start3A_95 : memref<200x128xi32, #tpu.memory_space<hbm>>) target(%arg5 : memref<200x128xi32, #tpu.memory_space<vmem>>) target_semaphore(%run_scoped3A : memref<!tpu.dma_semaphore, #tpu.memory_space<semaphore_mem>>)
      %dma_wait3A_96 = arith.constant 0 : i32
      %dma_wait3A_97 = arith.constant 0 : i32
      %dma_wait3A_98 = tpu.memref_slice %arg3[%dma_wait3A_96, %add3A, %dma_wait3A_97] : memref<200x32x128xi32, #tpu.memory_space<hbm>> -> memref<200x1x128xi32, #tpu.memory_space<hbm>>
      %dma_wait3A_99 = tpu.memref_squeeze %dma_wait3A_98 : memref<200x1x128xi32, #tpu.memory_space<hbm>> -> memref<200x128xi32, #tpu.memory_space<hbm>>
      %dma_wait3A_100 = arith.constant 0 : i32
      %dma_wait3A_101 = arith.constant 0 : i32
      %dma_wait3A_102 = tpu.memref_slice %arg3[%dma_wait3A_100, %add3A, %dma_wait3A_101] : memref<200x32x128xi32, #tpu.memory_space<hbm>> -> memref<200x1x128xi32, #tpu.memory_space<hbm>>
      %dma_wait3A_103 = tpu.memref_squeeze %dma_wait3A_102 : memref<200x1x128xi32, #tpu.memory_space<hbm>> -> memref<200x128xi32, #tpu.memory_space<hbm>>
      tpu.wait_dma2 semaphore(%run_scoped3A : memref<!tpu.dma_semaphore, #tpu.memory_space<semaphore_mem>>) src(%dma_wait3A_103 : memref<200x128xi32, #tpu.memory_space<hbm>>) dst(%arg5 : memref<200x128xi32, #tpu.memory_space<vmem>>)
      tpu.yield
    }) : () -> ()
    %dma_start3A = arith.constant 0 : i32
    %dma_start3A_1 = arith.constant 0 : i32
    %dma_start3A_2 = arith.constant 0 : i32
    %dma_start3A_3 = arith.constant 0 : i32
    %dma_start3A_4 = tpu.memref_slice %arg6[%dma_start3A_1, %dma_start3A_2, %dma_start3A_3] : memref<2x128x64xf32, #tpu.memory_space<vmem>> -> memref<1x128x64xf32, #tpu.memory_space<vmem>>
    %dma_start3A_5 = tpu.memref_squeeze %dma_start3A_4 : memref<1x128x64xf32, #tpu.memory_space<vmem>> -> memref<128x64xf32, #tpu.memory_space<vmem>>
    %dma_start3A_6 = arith.constant 0 : i32
    %dma_start3A_7 = tpu.memref_slice %arg5[%dma_start3A, %dma_start3A_6] : memref<200x128xi32, #tpu.memory_space<vmem>> -> memref<1x128xi32, #tpu.memory_space<vmem>>
    %dma_start3A_8 = tpu.memref_squeeze %dma_start3A_7 : memref<1x128xi32, #tpu.memory_space<vmem>> -> memref<128xi32, #tpu.memory_space<vmem>>
    %dma_start3A_9 = arith.constant 0 : i32
    %dma_start3A_10 = arith.constant 0 : i32
    %dma_start3A_11 = tpu.memref_slice %arg2[%dma_start3A_9, %dma_start3A_10] : memref<100000x64xf32, #tpu.memory_space<hbm>> -> memref<100000x64xf32, #tpu.memory_space<hbm>>
    tpu.enqueue_indirect_dma source(%dma_start3A_11 : memref<100000x64xf32, #tpu.memory_space<hbm>>) target(%dma_start3A_5 : memref<128x64xf32, #tpu.memory_space<vmem>>) offsets(%dma_start3A_8 : memref<128xi32, #tpu.memory_space<vmem>>) semaphore(%arg8 : memref<!tpu.dma_semaphore, #tpu.memory_space<semaphore_mem>>)
    %dma_start3A_12 = arith.constant 1 : i32
    %dma_start3A_13 = arith.constant 1 : i32
    %dma_start3A_14 = arith.constant 0 : i32
    %dma_start3A_15 = arith.constant 0 : i32
    %dma_start3A_16 = tpu.memref_slice %arg6[%dma_start3A_13, %dma_start3A_14, %dma_start3A_15] : memref<2x128x64xf32, #tpu.memory_space<vmem>> -> memref<1x128x64xf32, #tpu.memory_space<vmem>>
    %dma_start3A_17 = tpu.memref_squeeze %dma_start3A_16 : memref<1x128x64xf32, #tpu.memory_space<vmem>> -> memref<128x64xf32, #tpu.memory_space<vmem>>
    %dma_start3A_18 = arith.constant 0 : i32
    %dma_start3A_19 = tpu.memref_slice %arg5[%dma_start3A_12, %dma_start3A_18] : memref<200x128xi32, #tpu.memory_space<vmem>> -> memref<1x128xi32, #tpu.memory_space<vmem>>
    %dma_start3A_20 = tpu.memref_squeeze %dma_start3A_19 : memref<1x128xi32, #tpu.memory_space<vmem>> -> memref<128xi32, #tpu.memory_space<vmem>>
    %dma_start3A_21 = arith.constant 0 : i32
    %dma_start3A_22 = arith.constant 0 : i32
    %dma_start3A_23 = tpu.memref_slice %arg2[%dma_start3A_21, %dma_start3A_22] : memref<100000x64xf32, #tpu.memory_space<hbm>> -> memref<100000x64xf32, #tpu.memory_space<hbm>>
    tpu.enqueue_indirect_dma source(%dma_start3A_23 : memref<100000x64xf32, #tpu.memory_space<hbm>>) target(%dma_start3A_17 : memref<128x64xf32, #tpu.memory_space<vmem>>) offsets(%dma_start3A_20 : memref<128xi32, #tpu.memory_space<vmem>>) semaphore(%arg9 : memref<!tpu.dma_semaphore, #tpu.memory_space<semaphore_mem>>)
    %iota3A = tpu.iota {dimensions = array<i32: 0>} : vector<16xi32>
    %add3A_24 = arith.constant 0 : i32
    %add3A_25 = vector.broadcast %add3A_24 : i32 to vector<16xi32>
    %add3A_26 = arith.addi %iota3A, %add3A_25 : vector<16xi32>
    %add3A_27 = arith.constant 16 : i32
    %add3A_28 = vector.broadcast %add3A_27 : i32 to vector<16xi32>
    %add3A_29 = arith.addi %iota3A, %add3A_28 : vector<16xi32>
    %add3A_30 = arith.constant 32 : i32
    %add3A_31 = vector.broadcast %add3A_30 : i32 to vector<16xi32>
    %add3A_32 = arith.addi %iota3A, %add3A_31 : vector<16xi32>
    %add3A_33 = arith.constant 48 : i32
    %add3A_34 = vector.broadcast %add3A_33 : i32 to vector<16xi32>
    %add3A_35 = arith.addi %iota3A, %add3A_34 : vector<16xi32>
    %add3A_36 = arith.constant 64 : i32
    %add3A_37 = vector.broadcast %add3A_36 : i32 to vector<16xi32>
    %add3A_38 = arith.addi %iota3A, %add3A_37 : vector<16xi32>
    %add3A_39 = arith.constant 80 : i32
    %add3A_40 = vector.broadcast %add3A_39 : i32 to vector<16xi32>
    %add3A_41 = arith.addi %iota3A, %add3A_40 : vector<16xi32>
    %add3A_42 = arith.constant 96 : i32
    %add3A_43 = vector.broadcast %add3A_42 : i32 to vector<16xi32>
    %add3A_44 = arith.addi %iota3A, %add3A_43 : vector<16xi32>
    %add3A_45 = arith.constant 112 : i32
    %add3A_46 = vector.broadcast %add3A_45 : i32 to vector<16xi32>
    %add3A_47 = arith.addi %iota3A, %add3A_46 : vector<16xi32>
    %scan3A = arith.constant 0 : i32
    %scan3A_48 = arith.constant 0 : i32
    %scan3A_49 = arith.constant 100 : i32
    %scan3A_50 = arith.addi %scan3A_48, %scan3A_49 : i32
    %scan3A_51 = arith.constant 1 : i32
    scf.for %scan3A_88 = %scan3A_48 to %scan3A_50 step %scan3A_51  : i32 {
      %mul3A_89 = arith.constant 2 : i32
      %mul3A_90 = arith.muli %mul3A_89, %scan3A_88 : i32
      %add3A_91 = arith.constant 0 : i32
      %add3A_92 = arith.addi %mul3A_90, %add3A_91 : i32
      %dma_wait3A_93 = arith.constant 0 : i32
      %dma_wait3A_94 = arith.constant 0 : i32
      %dma_wait3A_95 = arith.constant 0 : i32
      %dma_wait3A_96 = tpu.memref_slice %arg6[%dma_wait3A_93, %dma_wait3A_94, %dma_wait3A_95] : memref<2x128x64xf32, #tpu.memory_space<vmem>> -> memref<1x128x64xf32, #tpu.memory_space<vmem>>
      %dma_wait3A_97 = tpu.memref_squeeze %dma_wait3A_96 : memref<1x128x64xf32, #tpu.memory_space<vmem>> -> memref<128x64xf32, #tpu.memory_space<vmem>>
      %dma_wait3A_98 = arith.constant 0 : i32
      %dma_wait3A_99 = tpu.memref_slice %arg5[%add3A_92, %dma_wait3A_98] : memref<200x128xi32, #tpu.memory_space<vmem>> -> memref<1x128xi32, #tpu.memory_space<vmem>>
      %dma_wait3A_100 = tpu.memref_squeeze %dma_wait3A_99 : memref<1x128xi32, #tpu.memory_space<vmem>> -> memref<128xi32, #tpu.memory_space<vmem>>
      %dma_wait3A_101 = arith.constant 0 : i32
      %dma_wait3A_102 = arith.constant 0 : i32
      %dma_wait3A_103 = tpu.memref_slice %arg2[%dma_wait3A_101, %dma_wait3A_102] : memref<100000x64xf32, #tpu.memory_space<hbm>> -> memref<100000x64xf32, #tpu.memory_space<hbm>>
      tpu.wait_indirect_dma semaphore(%arg8 : memref<!tpu.dma_semaphore, #tpu.memory_space<semaphore_mem>>) src(%dma_wait3A_103 : memref<100000x64xf32, #tpu.memory_space<hbm>>) dst(%dma_wait3A_97 : memref<128x64xf32, #tpu.memory_space<vmem>>)
      %ge3A = arith.constant 1 : i32
      %ge3A_104 = arith.cmpi sge, %scan3A_88, %ge3A : i32
      %convert_element_type3A = arith.extui %ge3A_104 : i1 to i32
      %cond3A = arith.constant 0 : i32
      %cond3A_105 = arith.cmpi ne, %convert_element_type3A, %cond3A : i32
      scf.if %cond3A_105 {
        %sub3A = arith.constant 2 : i32
        %sub3A_178 = arith.subi %add3A_92, %sub3A : i32
        %dma_wait3A_179 = arith.constant 0 : i32
        %dma_wait3A_180 = arith.constant 0 : i32
        %dma_wait3A_181 = arith.constant 0 : i32
        %dma_wait3A_182 = tpu.memref_slice %arg7[%dma_wait3A_179, %dma_wait3A_180, %dma_wait3A_181] : memref<2x8x1024xf32, #tpu.memory_space<vmem>> -> memref<1x8x1024xf32, #tpu.memory_space<vmem>>
        %dma_wait3A_183 = tpu.memref_squeeze %dma_wait3A_182 : memref<1x8x1024xf32, #tpu.memory_space<vmem>> -> memref<8x1024xf32, #tpu.memory_space<vmem>>
        %dma_wait3A_184 = arith.constant 0 : i32
        %dma_wait3A_185 = arith.constant 0 : i32
        %dma_wait3A_186 = tpu.memref_slice %arg4[%sub3A_178, %dma_wait3A_184, %add3A, %dma_wait3A_185] : memref<200x8x32x1024xf32, #tpu.memory_space<hbm>> -> memref<1x8x1x1024xf32, #tpu.memory_space<hbm>>
        %dma_wait3A_187 = tpu.memref_squeeze %dma_wait3A_186 : memref<1x8x1x1024xf32, #tpu.memory_space<hbm>> -> memref<8x1024xf32, #tpu.memory_space<hbm>>
        %dma_wait3A_188 = arith.constant 0 : i32
        %dma_wait3A_189 = arith.constant 0 : i32
        %dma_wait3A_190 = tpu.memref_slice %arg4[%sub3A_178, %dma_wait3A_188, %add3A, %dma_wait3A_189] : memref<200x8x32x1024xf32, #tpu.memory_space<hbm>> -> memref<1x8x1x1024xf32, #tpu.memory_space<hbm>>
        %dma_wait3A_191 = tpu.memref_squeeze %dma_wait3A_190 : memref<1x8x1x1024xf32, #tpu.memory_space<hbm>> -> memref<8x1024xf32, #tpu.memory_space<hbm>>
        %dma_wait3A_192 = arith.constant 0 : i32
        %dma_wait3A_193 = arith.constant 0 : i32
        %dma_wait3A_194 = tpu.memref_slice %arg7[%dma_wait3A_179, %dma_wait3A_192, %dma_wait3A_193] : memref<2x8x1024xf32, #tpu.memory_space<vmem>> -> memref<1x8x1024xf32, #tpu.memory_space<vmem>>
        %dma_wait3A_195 = tpu.memref_squeeze %dma_wait3A_194 : memref<1x8x1024xf32, #tpu.memory_space<vmem>> -> memref<8x1024xf32, #tpu.memory_space<vmem>>
        tpu.wait_dma2 semaphore(%arg10 : memref<!tpu.dma_semaphore, #tpu.memory_space<semaphore_mem>>) src(%dma_wait3A_195 : memref<8x1024xf32, #tpu.memory_space<vmem>>) dst(%dma_wait3A_191 : memref<8x1024xf32, #tpu.memory_space<hbm>>)
      } else {
      }
      %parallel_loop3A = arith.constant 0 : i32
      %parallel_loop3A_106 = arith.constant 16 : i32
      %parallel_loop3A_107 = arith.constant 1 : i32
      scf.for %parallel_loop3A_178 = %parallel_loop3A to %parallel_loop3A_106 step %parallel_loop3A_107  : i32 {
        %parallel_loop3A_179 = vector.broadcast %parallel_loop3A_178 : i32 to vector<16xi32>
        %parallel_loop3A_180 = arith.addi %iota3A, %parallel_loop3A_179 : vector<16xi32>
        %parallel_loop3A_181 = arith.constant 15 : i32
        %parallel_loop3A_182 = vector.broadcast %parallel_loop3A_181 : i32 to vector<16xi32>
        %parallel_loop3A_183 = arith.andi %parallel_loop3A_180, %parallel_loop3A_182 : vector<16xi32>
        %parallel_loop3A_184 = arith.constant 3 : i32
        %parallel_loop3A_185 = vector.broadcast %parallel_loop3A_184 : i32 to vector<16xi32>
        %parallel_loop3A_186 = arith.shrsi %parallel_loop3A_183, %parallel_loop3A_185 : vector<16xi32>
        %parallel_loop3A_187 = arith.constant 7 : i32
        %parallel_loop3A_188 = vector.broadcast %parallel_loop3A_187 : i32 to vector<16xi32>
        %parallel_loop3A_189 = arith.andi %parallel_loop3A_183, %parallel_loop3A_188 : vector<16xi32>
        %parallel_loop3A_190 = arith.constant 7 : i32
        %parallel_loop3A_191 = vector.broadcast %parallel_loop3A_190 : i32 to vector<16xi32>
        %parallel_loop3A_192 = arith.shli %parallel_loop3A_189, %parallel_loop3A_191 : vector<16xi32>
        %parallel_loop3A_193 = arith.addi %parallel_loop3A_192, %iota3A : vector<16xi32>
        %parallel_loop3A_194 = arith.constant 0 : i32
        %parallel_loop3A_195 = vector.broadcast %parallel_loop3A_194 : i32 to vector<16xi32>
        %parallel_loop3A_196 = arith.addi %parallel_loop3A_183, %parallel_loop3A_195 : vector<16xi32>
        %parallel_loop3A_197 = arith.constant 0 : i32
        %parallel_loop3A_198 = vector.broadcast %parallel_loop3A_197 : i32 to vector<16xi32>
        %parallel_loop3A_199 = arith.addi %parallel_loop3A_186, %parallel_loop3A_198 : vector<16xi32>
        %parallel_loop3A_200 = arith.constant 0 : i32
        %parallel_loop3A_201 = arith.constant 0 : i32
        %parallel_loop3A_202 = arith.constant 0 : i32
        %parallel_loop3A_203 = tpu.memref_slice %arg6[%parallel_loop3A_200, %parallel_loop3A_201, %parallel_loop3A_202] : memref<2x128x64xf32, #tpu.memory_space<vmem>> -> memref<1x128x64xf32, #tpu.memory_space<vmem>>
        %parallel_loop3A_204 = tpu.memref_squeeze %parallel_loop3A_203 : memref<1x128x64xf32, #tpu.memory_space<vmem>> -> memref<128x64xf32, #tpu.memory_space<vmem>>
        %parallel_loop3A_205 = tpu.vector_load_idx %parallel_loop3A_204[%add3A_26, %parallel_loop3A_196] : memref<128x64xf32, #tpu.memory_space<vmem>>[vector<16xi32>, vector<16xi32>], vector<16xf32>,
        %parallel_loop3A_206 = arith.constant 0 : i32
        %parallel_loop3A_207 = vector.broadcast %parallel_loop3A_206 : i32 to vector<16xi32>
        %parallel_loop3A_208 = arith.addi %parallel_loop3A_193, %parallel_loop3A_207 : vector<16xi32>
        %parallel_loop3A_209 = arith.constant 0 : i32
        %parallel_loop3A_210 = arith.constant 0 : i32
        %parallel_loop3A_211 = arith.constant 0 : i32
        %parallel_loop3A_212 = tpu.memref_slice %arg7[%parallel_loop3A_209, %parallel_loop3A_210, %parallel_loop3A_211] : memref<2x8x1024xf32, #tpu.memory_space<vmem>> -> memref<1x8x1024xf32, #tpu.memory_space<vmem>>
        %parallel_loop3A_213 = tpu.memref_squeeze %parallel_loop3A_212 : memref<1x8x1024xf32, #tpu.memory_space<vmem>> -> memref<8x1024xf32, #tpu.memory_space<vmem>>
        tpu.vector_store_idx %parallel_loop3A_213[%parallel_loop3A_199, %parallel_loop3A_208], %parallel_loop3A_205 : memref<8x1024xf32, #tpu.memory_space<vmem>>[vector<16xi32>, vector<16xi32>], vector<16xf32>,
        %parallel_loop3A_214 = arith.constant 0 : i32
        %parallel_loop3A_215 = arith.constant 0 : i32
        %parallel_loop3A_216 = arith.constant 0 : i32
        %parallel_loop3A_217 = tpu.memref_slice %arg6[%parallel_loop3A_214, %parallel_loop3A_215, %parallel_loop3A_216] : memref<2x128x64xf32, #tpu.memory_space<vmem>> -> memref<1x128x64xf32, #tpu.memory_space<vmem>>
        %parallel_loop3A_218 = tpu.memref_squeeze %parallel_loop3A_217 : memref<1x128x64xf32, #tpu.memory_space<vmem>> -> memref<128x64xf32, #tpu.memory_space<vmem>>
        %parallel_loop3A_219 = tpu.vector_load_idx %parallel_loop3A_218[%add3A_29, %parallel_loop3A_196] : memref<128x64xf32, #tpu.memory_space<vmem>>[vector<16xi32>, vector<16xi32>], vector<16xf32>,
        %parallel_loop3A_220 = arith.constant 16 : i32
        %parallel_loop3A_221 = vector.broadcast %parallel_loop3A_220 : i32 to vector<16xi32>
        %parallel_loop3A_222 = arith.addi %parallel_loop3A_193, %parallel_loop3A_221 : vector<16xi32>
        %parallel_loop3A_223 = arith.constant 0 : i32
        %parallel_loop3A_224 = arith.constant 0 : i32
        %parallel_loop3A_225 = arith.constant 0 : i32
        %parallel_loop3A_226 = tpu.memref_slice %arg7[%parallel_loop3A_223, %parallel_loop3A_224, %parallel_loop3A_225] : memref<2x8x1024xf32, #tpu.memory_space<vmem>> -> memref<1x8x1024xf32, #tpu.memory_space<vmem>>
        %parallel_loop3A_227 = tpu.memref_squeeze %parallel_loop3A_226 : memref<1x8x1024xf32, #tpu.memory_space<vmem>> -> memref<8x1024xf32, #tpu.memory_space<vmem>>
        tpu.vector_store_idx %parallel_loop3A_227[%parallel_loop3A_199, %parallel_loop3A_222], %parallel_loop3A_219 : memref<8x1024xf32, #tpu.memory_space<vmem>>[vector<16xi32>, vector<16xi32>], vector<16xf32>,
        %parallel_loop3A_228 = arith.constant 0 : i32
        %parallel_loop3A_229 = arith.constant 0 : i32
        %parallel_loop3A_230 = arith.constant 0 : i32
        %parallel_loop3A_231 = tpu.memref_slice %arg6[%parallel_loop3A_228, %parallel_loop3A_229, %parallel_loop3A_230] : memref<2x128x64xf32, #tpu.memory_space<vmem>> -> memref<1x128x64xf32, #tpu.memory_space<vmem>>
        %parallel_loop3A_232 = tpu.memref_squeeze %parallel_loop3A_231 : memref<1x128x64xf32, #tpu.memory_space<vmem>> -> memref<128x64xf32, #tpu.memory_space<vmem>>
        %parallel_loop3A_233 = tpu.vector_load_idx %parallel_loop3A_232[%add3A_32, %parallel_loop3A_196] : memref<128x64xf32, #tpu.memory_space<vmem>>[vector<16xi32>, vector<16xi32>], vector<16xf32>,
        %parallel_loop3A_234 = arith.constant 32 : i32
        %parallel_loop3A_235 = vector.broadcast %parallel_loop3A_234 : i32 to vector<16xi32>
        %parallel_loop3A_236 = arith.addi %parallel_loop3A_193, %parallel_loop3A_235 : vector<16xi32>
        %parallel_loop3A_237 = arith.constant 0 : i32
        %parallel_loop3A_238 = arith.constant 0 : i32
        %parallel_loop3A_239 = arith.constant 0 : i32
        %parallel_loop3A_240 = tpu.memref_slice %arg7[%parallel_loop3A_237, %parallel_loop3A_238, %parallel_loop3A_239] : memref<2x8x1024xf32, #tpu.memory_space<vmem>> -> memref<1x8x1024xf32, #tpu.memory_space<vmem>>
        %parallel_loop3A_241 = tpu.memref_squeeze %parallel_loop3A_240 : memref<1x8x1024xf32, #tpu.memory_space<vmem>> -> memref<8x1024xf32, #tpu.memory_space<vmem>>
        tpu.vector_store_idx %parallel_loop3A_241[%parallel_loop3A_199, %parallel_loop3A_236], %parallel_loop3A_233 : memref<8x1024xf32, #tpu.memory_space<vmem>>[vector<16xi32>, vector<16xi32>], vector<16xf32>,
        %parallel_loop3A_242 = arith.constant 0 : i32
        %parallel_loop3A_243 = arith.constant 0 : i32
        %parallel_loop3A_244 = arith.constant 0 : i32
        %parallel_loop3A_245 = tpu.memref_slice %arg6[%parallel_loop3A_242, %parallel_loop3A_243, %parallel_loop3A_244] : memref<2x128x64xf32, #tpu.memory_space<vmem>> -> memref<1x128x64xf32, #tpu.memory_space<vmem>>
        %parallel_loop3A_246 = tpu.memref_squeeze %parallel_loop3A_245 : memref<1x128x64xf32, #tpu.memory_space<vmem>> -> memref<128x64xf32, #tpu.memory_space<vmem>>
        %parallel_loop3A_247 = tpu.vector_load_idx %parallel_loop3A_246[%add3A_35, %parallel_loop3A_196] : memref<128x64xf32, #tpu.memory_space<vmem>>[vector<16xi32>, vector<16xi32>], vector<16xf32>,
        %parallel_loop3A_248 = arith.constant 48 : i32
        %parallel_loop3A_249 = vector.broadcast %parallel_loop3A_248 : i32 to vector<16xi32>
        %parallel_loop3A_250 = arith.addi %parallel_loop3A_193, %parallel_loop3A_249 : vector<16xi32>
        %parallel_loop3A_251 = arith.constant 0 : i32
        %parallel_loop3A_252 = arith.constant 0 : i32
        %parallel_loop3A_253 = arith.constant 0 : i32
        %parallel_loop3A_254 = tpu.memref_slice %arg7[%parallel_loop3A_251, %parallel_loop3A_252, %parallel_loop3A_253] : memref<2x8x1024xf32, #tpu.memory_space<vmem>> -> memref<1x8x1024xf32, #tpu.memory_space<vmem>>
        %parallel_loop3A_255 = tpu.memref_squeeze %parallel_loop3A_254 : memref<1x8x1024xf32, #tpu.memory_space<vmem>> -> memref<8x1024xf32, #tpu.memory_space<vmem>>
        tpu.vector_store_idx %parallel_loop3A_255[%parallel_loop3A_199, %parallel_loop3A_250], %parallel_loop3A_247 : memref<8x1024xf32, #tpu.memory_space<vmem>>[vector<16xi32>, vector<16xi32>], vector<16xf32>,
        %parallel_loop3A_256 = arith.constant 0 : i32
        %parallel_loop3A_257 = arith.constant 0 : i32
        %parallel_loop3A_258 = arith.constant 0 : i32
        %parallel_loop3A_259 = tpu.memref_slice %arg6[%parallel_loop3A_256, %parallel_loop3A_257, %parallel_loop3A_258] : memref<2x128x64xf32, #tpu.memory_space<vmem>> -> memref<1x128x64xf32, #tpu.memory_space<vmem>>
        %parallel_loop3A_260 = tpu.memref_squeeze %parallel_loop3A_259 : memref<1x128x64xf32, #tpu.memory_space<vmem>> -> memref<128x64xf32, #tpu.memory_space<vmem>>
        %parallel_loop3A_261 = tpu.vector_load_idx %parallel_loop3A_260[%add3A_38, %parallel_loop3A_196] : memref<128x64xf32, #tpu.memory_space<vmem>>[vector<16xi32>, vector<16xi32>], vector<16xf32>,
        %parallel_loop3A_262 = arith.constant 64 : i32
        %parallel_loop3A_263 = vector.broadcast %parallel_loop3A_262 : i32 to vector<16xi32>
        %parallel_loop3A_264 = arith.addi %parallel_loop3A_193, %parallel_loop3A_263 : vector<16xi32>
        %parallel_loop3A_265 = arith.constant 0 : i32
        %parallel_loop3A_266 = arith.constant 0 : i32
        %parallel_loop3A_267 = arith.constant 0 : i32
        %parallel_loop3A_268 = tpu.memref_slice %arg7[%parallel_loop3A_265, %parallel_loop3A_266, %parallel_loop3A_267] : memref<2x8x1024xf32, #tpu.memory_space<vmem>> -> memref<1x8x1024xf32, #tpu.memory_space<vmem>>
        %parallel_loop3A_269 = tpu.memref_squeeze %parallel_loop3A_268 : memref<1x8x1024xf32, #tpu.memory_space<vmem>> -> memref<8x1024xf32, #tpu.memory_space<vmem>>
        tpu.vector_store_idx %parallel_loop3A_269[%parallel_loop3A_199, %parallel_loop3A_264], %parallel_loop3A_261 : memref<8x1024xf32, #tpu.memory_space<vmem>>[vector<16xi32>, vector<16xi32>], vector<16xf32>,
        %parallel_loop3A_270 = arith.constant 0 : i32
        %parallel_loop3A_271 = arith.constant 0 : i32
        %parallel_loop3A_272 = arith.constant 0 : i32
        %parallel_loop3A_273 = tpu.memref_slice %arg6[%parallel_loop3A_270, %parallel_loop3A_271, %parallel_loop3A_272] : memref<2x128x64xf32, #tpu.memory_space<vmem>> -> memref<1x128x64xf32, #tpu.memory_space<vmem>>
        %parallel_loop3A_274 = tpu.memref_squeeze %parallel_loop3A_273 : memref<1x128x64xf32, #tpu.memory_space<vmem>> -> memref<128x64xf32, #tpu.memory_space<vmem>>
        %parallel_loop3A_275 = tpu.vector_load_idx %parallel_loop3A_274[%add3A_41, %parallel_loop3A_196] : memref<128x64xf32, #tpu.memory_space<vmem>>[vector<16xi32>, vector<16xi32>], vector<16xf32>,
        %parallel_loop3A_276 = arith.constant 80 : i32
        %parallel_loop3A_277 = vector.broadcast %parallel_loop3A_276 : i32 to vector<16xi32>
        %parallel_loop3A_278 = arith.addi %parallel_loop3A_193, %parallel_loop3A_277 : vector<16xi32>
        %parallel_loop3A_279 = arith.constant 0 : i32
        %parallel_loop3A_280 = arith.constant 0 : i32
        %parallel_loop3A_281 = arith.constant 0 : i32
        %parallel_loop3A_282 = tpu.memref_slice %arg7[%parallel_loop3A_279, %parallel_loop3A_280, %parallel_loop3A_281] : memref<2x8x1024xf32, #tpu.memory_space<vmem>> -> memref<1x8x1024xf32, #tpu.memory_space<vmem>>
        %parallel_loop3A_283 = tpu.memref_squeeze %parallel_loop3A_282 : memref<1x8x1024xf32, #tpu.memory_space<vmem>> -> memref<8x1024xf32, #tpu.memory_space<vmem>>
        tpu.vector_store_idx %parallel_loop3A_283[%parallel_loop3A_199, %parallel_loop3A_278], %parallel_loop3A_275 : memref<8x1024xf32, #tpu.memory_space<vmem>>[vector<16xi32>, vector<16xi32>], vector<16xf32>,
        %parallel_loop3A_284 = arith.constant 0 : i32
        %parallel_loop3A_285 = arith.constant 0 : i32
        %parallel_loop3A_286 = arith.constant 0 : i32
        %parallel_loop3A_287 = tpu.memref_slice %arg6[%parallel_loop3A_284, %parallel_loop3A_285, %parallel_loop3A_286] : memref<2x128x64xf32, #tpu.memory_space<vmem>> -> memref<1x128x64xf32, #tpu.memory_space<vmem>>
        %parallel_loop3A_288 = tpu.memref_squeeze %parallel_loop3A_287 : memref<1x128x64xf32, #tpu.memory_space<vmem>> -> memref<128x64xf32, #tpu.memory_space<vmem>>
        %parallel_loop3A_289 = tpu.vector_load_idx %parallel_loop3A_288[%add3A_44, %parallel_loop3A_196] : memref<128x64xf32, #tpu.memory_space<vmem>>[vector<16xi32>, vector<16xi32>], vector<16xf32>,
        %parallel_loop3A_290 = arith.constant 96 : i32
        %parallel_loop3A_291 = vector.broadcast %parallel_loop3A_290 : i32 to vector<16xi32>
        %parallel_loop3A_292 = arith.addi %parallel_loop3A_193, %parallel_loop3A_291 : vector<16xi32>
        %parallel_loop3A_293 = arith.constant 0 : i32
        %parallel_loop3A_294 = arith.constant 0 : i32
        %parallel_loop3A_295 = arith.constant 0 : i32
        %parallel_loop3A_296 = tpu.memref_slice %arg7[%parallel_loop3A_293, %parallel_loop3A_294, %parallel_loop3A_295] : memref<2x8x1024xf32, #tpu.memory_space<vmem>> -> memref<1x8x1024xf32, #tpu.memory_space<vmem>>
        %parallel_loop3A_297 = tpu.memref_squeeze %parallel_loop3A_296 : memref<1x8x1024xf32, #tpu.memory_space<vmem>> -> memref<8x1024xf32, #tpu.memory_space<vmem>>
        tpu.vector_store_idx %parallel_loop3A_297[%parallel_loop3A_199, %parallel_loop3A_292], %parallel_loop3A_289 : memref<8x1024xf32, #tpu.memory_space<vmem>>[vector<16xi32>, vector<16xi32>], vector<16xf32>,
        %parallel_loop3A_298 = arith.constant 0 : i32
        %parallel_loop3A_299 = arith.constant 0 : i32
        %parallel_loop3A_300 = arith.constant 0 : i32
        %parallel_loop3A_301 = tpu.memref_slice %arg6[%parallel_loop3A_298, %parallel_loop3A_299, %parallel_loop3A_300] : memref<2x128x64xf32, #tpu.memory_space<vmem>> -> memref<1x128x64xf32, #tpu.memory_space<vmem>>
        %parallel_loop3A_302 = tpu.memref_squeeze %parallel_loop3A_301 : memref<1x128x64xf32, #tpu.memory_space<vmem>> -> memref<128x64xf32, #tpu.memory_space<vmem>>
        %parallel_loop3A_303 = tpu.vector_load_idx %parallel_loop3A_302[%add3A_47, %parallel_loop3A_196] : memref<128x64xf32, #tpu.memory_space<vmem>>[vector<16xi32>, vector<16xi32>], vector<16xf32>,
        %parallel_loop3A_304 = arith.constant 112 : i32
        %parallel_loop3A_305 = vector.broadcast %parallel_loop3A_304 : i32 to vector<16xi32>
        %parallel_loop3A_306 = arith.addi %parallel_loop3A_193, %parallel_loop3A_305 : vector<16xi32>
        %parallel_loop3A_307 = arith.constant 0 : i32
        %parallel_loop3A_308 = arith.constant 0 : i32
        %parallel_loop3A_309 = arith.constant 0 : i32
        %parallel_loop3A_310 = tpu.memref_slice %arg7[%parallel_loop3A_307, %parallel_loop3A_308, %parallel_loop3A_309] : memref<2x8x1024xf32, #tpu.memory_space<vmem>> -> memref<1x8x1024xf32, #tpu.memory_space<vmem>>
        %parallel_loop3A_311 = tpu.memref_squeeze %parallel_loop3A_310 : memref<1x8x1024xf32, #tpu.memory_space<vmem>> -> memref<8x1024xf32, #tpu.memory_space<vmem>>
        tpu.vector_store_idx %parallel_loop3A_311[%parallel_loop3A_199, %parallel_loop3A_306], %parallel_loop3A_303 : memref<8x1024xf32, #tpu.memory_space<vmem>>[vector<16xi32>, vector<16xi32>], vector<16xf32>,
        %parallel_loop3A_312 = arith.constant 16 : i32
        %parallel_loop3A_313 = vector.broadcast %parallel_loop3A_312 : i32 to vector<16xi32>
        %parallel_loop3A_314 = arith.addi %parallel_loop3A_183, %parallel_loop3A_313 : vector<16xi32>
        %parallel_loop3A_315 = arith.constant 2 : i32
        %parallel_loop3A_316 = vector.broadcast %parallel_loop3A_315 : i32 to vector<16xi32>
        %parallel_loop3A_317 = arith.addi %parallel_loop3A_186, %parallel_loop3A_316 : vector<16xi32>
        %parallel_loop3A_318 = arith.constant 0 : i32
        %parallel_loop3A_319 = arith.constant 0 : i32
        %parallel_loop3A_320 = arith.constant 0 : i32
        %parallel_loop3A_321 = tpu.memref_slice %arg6[%parallel_loop3A_318, %parallel_loop3A_319, %parallel_loop3A_320] : memref<2x128x64xf32, #tpu.memory_space<vmem>> -> memref<1x128x64xf32, #tpu.memory_space<vmem>>
        %parallel_loop3A_322 = tpu.memref_squeeze %parallel_loop3A_321 : memref<1x128x64xf32, #tpu.memory_space<vmem>> -> memref<128x64xf32, #tpu.memory_space<vmem>>
        %parallel_loop3A_323 = tpu.vector_load_idx %parallel_loop3A_322[%add3A_26, %parallel_loop3A_314] : memref<128x64xf32, #tpu.memory_space<vmem>>[vector<16xi32>, vector<16xi32>], vector<16xf32>,
        %parallel_loop3A_324 = arith.constant 0 : i32
        %parallel_loop3A_325 = vector.broadcast %parallel_loop3A_324 : i32 to vector<16xi32>
        %parallel_loop3A_326 = arith.addi %parallel_loop3A_193, %parallel_loop3A_325 : vector<16xi32>
        %parallel_loop3A_327 = arith.constant 0 : i32
        %parallel_loop3A_328 = arith.constant 0 : i32
        %parallel_loop3A_329 = arith.constant 0 : i32
        %parallel_loop3A_330 = tpu.memref_slice %arg7[%parallel_loop3A_327, %parallel_loop3A_328, %parallel_loop3A_329] : memref<2x8x1024xf32, #tpu.memory_space<vmem>> -> memref<1x8x1024xf32, #tpu.memory_space<vmem>>
        %parallel_loop3A_331 = tpu.memref_squeeze %parallel_loop3A_330 : memref<1x8x1024xf32, #tpu.memory_space<vmem>> -> memref<8x1024xf32, #tpu.memory_space<vmem>>
        tpu.vector_store_idx %parallel_loop3A_331[%parallel_loop3A_317, %parallel_loop3A_326], %parallel_loop3A_323 : memref<8x1024xf32, #tpu.memory_space<vmem>>[vector<16xi32>, vector<16xi32>], vector<16xf32>,
        %parallel_loop3A_332 = arith.constant 0 : i32
        %parallel_loop3A_333 = arith.constant 0 : i32
        %parallel_loop3A_334 = arith.constant 0 : i32
        %parallel_loop3A_335 = tpu.memref_slice %arg6[%parallel_loop3A_332, %parallel_loop3A_333, %parallel_loop3A_334] : memref<2x128x64xf32, #tpu.memory_space<vmem>> -> memref<1x128x64xf32, #tpu.memory_space<vmem>>
        %parallel_loop3A_336 = tpu.memref_squeeze %parallel_loop3A_335 : memref<1x128x64xf32, #tpu.memory_space<vmem>> -> memref<128x64xf32, #tpu.memory_space<vmem>>
        %parallel_loop3A_337 = tpu.vector_load_idx %parallel_loop3A_336[%add3A_29, %parallel_loop3A_314] : memref<128x64xf32, #tpu.memory_space<vmem>>[vector<16xi32>, vector<16xi32>], vector<16xf32>,
        %parallel_loop3A_338 = arith.constant 16 : i32
        %parallel_loop3A_339 = vector.broadcast %parallel_loop3A_338 : i32 to vector<16xi32>
        %parallel_loop3A_340 = arith.addi %parallel_loop3A_193, %parallel_loop3A_339 : vector<16xi32>
        %parallel_loop3A_341 = arith.constant 0 : i32
        %parallel_loop3A_342 = arith.constant 0 : i32
        %parallel_loop3A_343 = arith.constant 0 : i32
        %parallel_loop3A_344 = tpu.memref_slice %arg7[%parallel_loop3A_341, %parallel_loop3A_342, %parallel_loop3A_343] : memref<2x8x1024xf32, #tpu.memory_space<vmem>> -> memref<1x8x1024xf32, #tpu.memory_space<vmem>>
        %parallel_loop3A_345 = tpu.memref_squeeze %parallel_loop3A_344 : memref<1x8x1024xf32, #tpu.memory_space<vmem>> -> memref<8x1024xf32, #tpu.memory_space<vmem>>
        tpu.vector_store_idx %parallel_loop3A_345[%parallel_loop3A_317, %parallel_loop3A_340], %parallel_loop3A_337 : memref<8x1024xf32, #tpu.memory_space<vmem>>[vector<16xi32>, vector<16xi32>], vector<16xf32>,
        %parallel_loop3A_346 = arith.constant 0 : i32
        %parallel_loop3A_347 = arith.constant 0 : i32
        %parallel_loop3A_348 = arith.constant 0 : i32
        %parallel_loop3A_349 = tpu.memref_slice %arg6[%parallel_loop3A_346, %parallel_loop3A_347, %parallel_loop3A_348] : memref<2x128x64xf32, #tpu.memory_space<vmem>> -> memref<1x128x64xf32, #tpu.memory_space<vmem>>
        %parallel_loop3A_350 = tpu.memref_squeeze %parallel_loop3A_349 : memref<1x128x64xf32, #tpu.memory_space<vmem>> -> memref<128x64xf32, #tpu.memory_space<vmem>>
        %parallel_loop3A_351 = tpu.vector_load_idx %parallel_loop3A_350[%add3A_32, %parallel_loop3A_314] : memref<128x64xf32, #tpu.memory_space<vmem>>[vector<16xi32>, vector<16xi32>], vector<16xf32>,
        %parallel_loop3A_352 = arith.constant 32 : i32
        %parallel_loop3A_353 = vector.broadcast %parallel_loop3A_352 : i32 to vector<16xi32>
        %parallel_loop3A_354 = arith.addi %parallel_loop3A_193, %parallel_loop3A_353 : vector<16xi32>
        %parallel_loop3A_355 = arith.constant 0 : i32
        %parallel_loop3A_356 = arith.constant 0 : i32
        %parallel_loop3A_357 = arith.constant 0 : i32
        %parallel_loop3A_358 = tpu.memref_slice %arg7[%parallel_loop3A_355, %parallel_loop3A_356, %parallel_loop3A_357] : memref<2x8x1024xf32, #tpu.memory_space<vmem>> -> memref<1x8x1024xf32, #tpu.memory_space<vmem>>
        %parallel_loop3A_359 = tpu.memref_squeeze %parallel_loop3A_358 : memref<1x8x1024xf32, #tpu.memory_space<vmem>> -> memref<8x1024xf32, #tpu.memory_space<vmem>>
        tpu.vector_store_idx %parallel_loop3A_359[%parallel_loop3A_317, %parallel_loop3A_354], %parallel_loop3A_351 : memref<8x1024xf32, #tpu.memory_space<vmem>>[vector<16xi32>, vector<16xi32>], vector<16xf32>,
        %parallel_loop3A_360 = arith.constant 0 : i32
        %parallel_loop3A_361 = arith.constant 0 : i32
        %parallel_loop3A_362 = arith.constant 0 : i32
        %parallel_loop3A_363 = tpu.memref_slice %arg6[%parallel_loop3A_360, %parallel_loop3A_361, %parallel_loop3A_362] : memref<2x128x64xf32, #tpu.memory_space<vmem>> -> memref<1x128x64xf32, #tpu.memory_space<vmem>>
        %parallel_loop3A_364 = tpu.memref_squeeze %parallel_loop3A_363 : memref<1x128x64xf32, #tpu.memory_space<vmem>> -> memref<128x64xf32, #tpu.memory_space<vmem>>
        %parallel_loop3A_365 = tpu.vector_load_idx %parallel_loop3A_364[%add3A_35, %parallel_loop3A_314] : memref<128x64xf32, #tpu.memory_space<vmem>>[vector<16xi32>, vector<16xi32>], vector<16xf32>,
        %parallel_loop3A_366 = arith.constant 48 : i32
        %parallel_loop3A_367 = vector.broadcast %parallel_loop3A_366 : i32 to vector<16xi32>
        %parallel_loop3A_368 = arith.addi %parallel_loop3A_193, %parallel_loop3A_367 : vector<16xi32>
        %parallel_loop3A_369 = arith.constant 0 : i32
        %parallel_loop3A_370 = arith.constant 0 : i32
        %parallel_loop3A_371 = arith.constant 0 : i32
        %parallel_loop3A_372 = tpu.memref_slice %arg7[%parallel_loop3A_369, %parallel_loop3A_370, %parallel_loop3A_371] : memref<2x8x1024xf32, #tpu.memory_space<vmem>> -> memref<1x8x1024xf32, #tpu.memory_space<vmem>>
        %parallel_loop3A_373 = tpu.memref_squeeze %parallel_loop3A_372 : memref<1x8x1024xf32, #tpu.memory_space<vmem>> -> memref<8x1024xf32, #tpu.memory_space<vmem>>
        tpu.vector_store_idx %parallel_loop3A_373[%parallel_loop3A_317, %parallel_loop3A_368], %parallel_loop3A_365 : memref<8x1024xf32, #tpu.memory_space<vmem>>[vector<16xi32>, vector<16xi32>], vector<16xf32>,
        %parallel_loop3A_374 = arith.constant 0 : i32
        %parallel_loop3A_375 = arith.constant 0 : i32
        %parallel_loop3A_376 = arith.constant 0 : i32
        %parallel_loop3A_377 = tpu.memref_slice %arg6[%parallel_loop3A_374, %parallel_loop3A_375, %parallel_loop3A_376] : memref<2x128x64xf32, #tpu.memory_space<vmem>> -> memref<1x128x64xf32, #tpu.memory_space<vmem>>
        %parallel_loop3A_378 = tpu.memref_squeeze %parallel_loop3A_377 : memref<1x128x64xf32, #tpu.memory_space<vmem>> -> memref<128x64xf32, #tpu.memory_space<vmem>>
        %parallel_loop3A_379 = tpu.vector_load_idx %parallel_loop3A_378[%add3A_38, %parallel_loop3A_314] : memref<128x64xf32, #tpu.memory_space<vmem>>[vector<16xi32>, vector<16xi32>], vector<16xf32>,
        %parallel_loop3A_380 = arith.constant 64 : i32
        %parallel_loop3A_381 = vector.broadcast %parallel_loop3A_380 : i32 to vector<16xi32>
        %parallel_loop3A_382 = arith.addi %parallel_loop3A_193, %parallel_loop3A_381 : vector<16xi32>
        %parallel_loop3A_383 = arith.constant 0 : i32
        %parallel_loop3A_384 = arith.constant 0 : i32
        %parallel_loop3A_385 = arith.constant 0 : i32
        %parallel_loop3A_386 = tpu.memref_slice %arg7[%parallel_loop3A_383, %parallel_loop3A_384, %parallel_loop3A_385] : memref<2x8x1024xf32, #tpu.memory_space<vmem>> -> memref<1x8x1024xf32, #tpu.memory_space<vmem>>
        %parallel_loop3A_387 = tpu.memref_squeeze %parallel_loop3A_386 : memref<1x8x1024xf32, #tpu.memory_space<vmem>> -> memref<8x1024xf32, #tpu.memory_space<vmem>>
        tpu.vector_store_idx %parallel_loop3A_387[%parallel_loop3A_317, %parallel_loop3A_382], %parallel_loop3A_379 : memref<8x1024xf32, #tpu.memory_space<vmem>>[vector<16xi32>, vector<16xi32>], vector<16xf32>,
        %parallel_loop3A_388 = arith.constant 0 : i32
        %parallel_loop3A_389 = arith.constant 0 : i32
        %parallel_loop3A_390 = arith.constant 0 : i32
        %parallel_loop3A_391 = tpu.memref_slice %arg6[%parallel_loop3A_388, %parallel_loop3A_389, %parallel_loop3A_390] : memref<2x128x64xf32, #tpu.memory_space<vmem>> -> memref<1x128x64xf32, #tpu.memory_space<vmem>>
        %parallel_loop3A_392 = tpu.memref_squeeze %parallel_loop3A_391 : memref<1x128x64xf32, #tpu.memory_space<vmem>> -> memref<128x64xf32, #tpu.memory_space<vmem>>
        %parallel_loop3A_393 = tpu.vector_load_idx %parallel_loop3A_392[%add3A_41, %parallel_loop3A_314] : memref<128x64xf32, #tpu.memory_space<vmem>>[vector<16xi32>, vector<16xi32>], vector<16xf32>,
        %parallel_loop3A_394 = arith.constant 80 : i32
        %parallel_loop3A_395 = vector.broadcast %parallel_loop3A_394 : i32 to vector<16xi32>
        %parallel_loop3A_396 = arith.addi %parallel_loop3A_193, %parallel_loop3A_395 : vector<16xi32>
        %parallel_loop3A_397 = arith.constant 0 : i32
        %parallel_loop3A_398 = arith.constant 0 : i32
        %parallel_loop3A_399 = arith.constant 0 : i32
        %parallel_loop3A_400 = tpu.memref_slice %arg7[%parallel_loop3A_397, %parallel_loop3A_398, %parallel_loop3A_399] : memref<2x8x1024xf32, #tpu.memory_space<vmem>> -> memref<1x8x1024xf32, #tpu.memory_space<vmem>>
        %parallel_loop3A_401 = tpu.memref_squeeze %parallel_loop3A_400 : memref<1x8x1024xf32, #tpu.memory_space<vmem>> -> memref<8x1024xf32, #tpu.memory_space<vmem>>
        tpu.vector_store_idx %parallel_loop3A_401[%parallel_loop3A_317, %parallel_loop3A_396], %parallel_loop3A_393 : memref<8x1024xf32, #tpu.memory_space<vmem>>[vector<16xi32>, vector<16xi32>], vector<16xf32>,
        %parallel_loop3A_402 = arith.constant 0 : i32
        %parallel_loop3A_403 = arith.constant 0 : i32
        %parallel_loop3A_404 = arith.constant 0 : i32
        %parallel_loop3A_405 = tpu.memref_slice %arg6[%parallel_loop3A_402, %parallel_loop3A_403, %parallel_loop3A_404] : memref<2x128x64xf32, #tpu.memory_space<vmem>> -> memref<1x128x64xf32, #tpu.memory_space<vmem>>
        %parallel_loop3A_406 = tpu.memref_squeeze %parallel_loop3A_405 : memref<1x128x64xf32, #tpu.memory_space<vmem>> -> memref<128x64xf32, #tpu.memory_space<vmem>>
        %parallel_loop3A_407 = tpu.vector_load_idx %parallel_loop3A_406[%add3A_44, %parallel_loop3A_314] : memref<128x64xf32, #tpu.memory_space<vmem>>[vector<16xi32>, vector<16xi32>], vector<16xf32>,
        %parallel_loop3A_408 = arith.constant 96 : i32
        %parallel_loop3A_409 = vector.broadcast %parallel_loop3A_408 : i32 to vector<16xi32>
        %parallel_loop3A_410 = arith.addi %parallel_loop3A_193, %parallel_loop3A_409 : vector<16xi32>
        %parallel_loop3A_411 = arith.constant 0 : i32
        %parallel_loop3A_412 = arith.constant 0 : i32
        %parallel_loop3A_413 = arith.constant 0 : i32
        %parallel_loop3A_414 = tpu.memref_slice %arg7[%parallel_loop3A_411, %parallel_loop3A_412, %parallel_loop3A_413] : memref<2x8x1024xf32, #tpu.memory_space<vmem>> -> memref<1x8x1024xf32, #tpu.memory_space<vmem>>
        %parallel_loop3A_415 = tpu.memref_squeeze %parallel_loop3A_414 : memref<1x8x1024xf32, #tpu.memory_space<vmem>> -> memref<8x1024xf32, #tpu.memory_space<vmem>>
        tpu.vector_store_idx %parallel_loop3A_415[%parallel_loop3A_317, %parallel_loop3A_410], %parallel_loop3A_407 : memref<8x1024xf32, #tpu.memory_space<vmem>>[vector<16xi32>, vector<16xi32>], vector<16xf32>,
        %parallel_loop3A_416 = arith.constant 0 : i32
        %parallel_loop3A_417 = arith.constant 0 : i32
        %parallel_loop3A_418 = arith.constant 0 : i32
        %parallel_loop3A_419 = tpu.memref_slice %arg6[%parallel_loop3A_416, %parallel_loop3A_417, %parallel_loop3A_418] : memref<2x128x64xf32, #tpu.memory_space<vmem>> -> memref<1x128x64xf32, #tpu.memory_space<vmem>>
        %parallel_loop3A_420 = tpu.memref_squeeze %parallel_loop3A_419 : memref<1x128x64xf32, #tpu.memory_space<vmem>> -> memref<128x64xf32, #tpu.memory_space<vmem>>
        %parallel_loop3A_421 = tpu.vector_load_idx %parallel_loop3A_420[%add3A_47, %parallel_loop3A_314] : memref<128x64xf32, #tpu.memory_space<vmem>>[vector<16xi32>, vector<16xi32>], vector<16xf32>,
        %parallel_loop3A_422 = arith.constant 112 : i32
        %parallel_loop3A_423 = vector.broadcast %parallel_loop3A_422 : i32 to vector<16xi32>
        %parallel_loop3A_424 = arith.addi %parallel_loop3A_193, %parallel_loop3A_423 : vector<16xi32>
        %parallel_loop3A_425 = arith.constant 0 : i32
        %parallel_loop3A_426 = arith.constant 0 : i32
        %parallel_loop3A_427 = arith.constant 0 : i32
        %parallel_loop3A_428 = tpu.memref_slice %arg7[%parallel_loop3A_425, %parallel_loop3A_426, %parallel_loop3A_427] : memref<2x8x1024xf32, #tpu.memory_space<vmem>> -> memref<1x8x1024xf32, #tpu.memory_space<vmem>>
        %parallel_loop3A_429 = tpu.memref_squeeze %parallel_loop3A_428 : memref<1x8x1024xf32, #tpu.memory_space<vmem>> -> memref<8x1024xf32, #tpu.memory_space<vmem>>
        tpu.vector_store_idx %parallel_loop3A_429[%parallel_loop3A_317, %parallel_loop3A_424], %parallel_loop3A_421 : memref<8x1024xf32, #tpu.memory_space<vmem>>[vector<16xi32>, vector<16xi32>], vector<16xf32>,
        %parallel_loop3A_430 = arith.constant 32 : i32
        %parallel_loop3A_431 = vector.broadcast %parallel_loop3A_430 : i32 to vector<16xi32>
        %parallel_loop3A_432 = arith.addi %parallel_loop3A_183, %parallel_loop3A_431 : vector<16xi32>
        %parallel_loop3A_433 = arith.constant 4 : i32
        %parallel_loop3A_434 = vector.broadcast %parallel_loop3A_433 : i32 to vector<16xi32>
        %parallel_loop3A_435 = arith.addi %parallel_loop3A_186, %parallel_loop3A_434 : vector<16xi32>
        %parallel_loop3A_436 = arith.constant 0 : i32
        %parallel_loop3A_437 = arith.constant 0 : i32
        %parallel_loop3A_438 = arith.constant 0 : i32
        %parallel_loop3A_439 = tpu.memref_slice %arg6[%parallel_loop3A_436, %parallel_loop3A_437, %parallel_loop3A_438] : memref<2x128x64xf32, #tpu.memory_space<vmem>> -> memref<1x128x64xf32, #tpu.memory_space<vmem>>
        %parallel_loop3A_440 = tpu.memref_squeeze %parallel_loop3A_439 : memref<1x128x64xf32, #tpu.memory_space<vmem>> -> memref<128x64xf32, #tpu.memory_space<vmem>>
        %parallel_loop3A_441 = tpu.vector_load_idx %parallel_loop3A_440[%add3A_26, %parallel_loop3A_432] : memref<128x64xf32, #tpu.memory_space<vmem>>[vector<16xi32>, vector<16xi32>], vector<16xf32>,
        %parallel_loop3A_442 = arith.constant 0 : i32
        %parallel_loop3A_443 = vector.broadcast %parallel_loop3A_442 : i32 to vector<16xi32>
        %parallel_loop3A_444 = arith.addi %parallel_loop3A_193, %parallel_loop3A_443 : vector<16xi32>
        %parallel_loop3A_445 = arith.constant 0 : i32
        %parallel_loop3A_446 = arith.constant 0 : i32
        %parallel_loop3A_447 = arith.constant 0 : i32
        %parallel_loop3A_448 = tpu.memref_slice %arg7[%parallel_loop3A_445, %parallel_loop3A_446, %parallel_loop3A_447] : memref<2x8x1024xf32, #tpu.memory_space<vmem>> -> memref<1x8x1024xf32, #tpu.memory_space<vmem>>
        %parallel_loop3A_449 = tpu.memref_squeeze %parallel_loop3A_448 : memref<1x8x1024xf32, #tpu.memory_space<vmem>> -> memref<8x1024xf32, #tpu.memory_space<vmem>>
        tpu.vector_store_idx %parallel_loop3A_449[%parallel_loop3A_435, %parallel_loop3A_444], %parallel_loop3A_441 : memref<8x1024xf32, #tpu.memory_space<vmem>>[vector<16xi32>, vector<16xi32>], vector<16xf32>,
        %parallel_loop3A_450 = arith.constant 0 : i32
        %parallel_loop3A_451 = arith.constant 0 : i32
        %parallel_loop3A_452 = arith.constant 0 : i32
        %parallel_loop3A_453 = tpu.memref_slice %arg6[%parallel_loop3A_450, %parallel_loop3A_451, %parallel_loop3A_452] : memref<2x128x64xf32, #tpu.memory_space<vmem>> -> memref<1x128x64xf32, #tpu.memory_space<vmem>>
        %parallel_loop3A_454 = tpu.memref_squeeze %parallel_loop3A_453 : memref<1x128x64xf32, #tpu.memory_space<vmem>> -> memref<128x64xf32, #tpu.memory_space<vmem>>
        %parallel_loop3A_455 = tpu.vector_load_idx %parallel_loop3A_454[%add3A_29, %parallel_loop3A_432] : memref<128x64xf32, #tpu.memory_space<vmem>>[vector<16xi32>, vector<16xi32>], vector<16xf32>,
        %parallel_loop3A_456 = arith.constant 16 : i32
        %parallel_loop3A_457 = vector.broadcast %parallel_loop3A_456 : i32 to vector<16xi32>
        %parallel_loop3A_458 = arith.addi %parallel_loop3A_193, %parallel_loop3A_457 : vector<16xi32>
        %parallel_loop3A_459 = arith.constant 0 : i32
        %parallel_loop3A_460 = arith.constant 0 : i32
        %parallel_loop3A_461 = arith.constant 0 : i32
        %parallel_loop3A_462 = tpu.memref_slice %arg7[%parallel_loop3A_459, %parallel_loop3A_460, %parallel_loop3A_461] : memref<2x8x1024xf32, #tpu.memory_space<vmem>> -> memref<1x8x1024xf32, #tpu.memory_space<vmem>>
        %parallel_loop3A_463 = tpu.memref_squeeze %parallel_loop3A_462 : memref<1x8x1024xf32, #tpu.memory_space<vmem>> -> memref<8x1024xf32, #tpu.memory_space<vmem>>
        tpu.vector_store_idx %parallel_loop3A_463[%parallel_loop3A_435, %parallel_loop3A_458], %parallel_loop3A_455 : memref<8x1024xf32, #tpu.memory_space<vmem>>[vector<16xi32>, vector<16xi32>], vector<16xf32>,
        %parallel_loop3A_464 = arith.constant 0 : i32
        %parallel_loop3A_465 = arith.constant 0 : i32
        %parallel_loop3A_466 = arith.constant 0 : i32
        %parallel_loop3A_467 = tpu.memref_slice %arg6[%parallel_loop3A_464, %parallel_loop3A_465, %parallel_loop3A_466] : memref<2x128x64xf32, #tpu.memory_space<vmem>> -> memref<1x128x64xf32, #tpu.memory_space<vmem>>
        %parallel_loop3A_468 = tpu.memref_squeeze %parallel_loop3A_467 : memref<1x128x64xf32, #tpu.memory_space<vmem>> -> memref<128x64xf32, #tpu.memory_space<vmem>>
        %parallel_loop3A_469 = tpu.vector_load_idx %parallel_loop3A_468[%add3A_32, %parallel_loop3A_432] : memref<128x64xf32, #tpu.memory_space<vmem>>[vector<16xi32>, vector<16xi32>], vector<16xf32>,
        %parallel_loop3A_470 = arith.constant 32 : i32
        %parallel_loop3A_471 = vector.broadcast %parallel_loop3A_470 : i32 to vector<16xi32>
        %parallel_loop3A_472 = arith.addi %parallel_loop3A_193, %parallel_loop3A_471 : vector<16xi32>
        %parallel_loop3A_473 = arith.constant 0 : i32
        %parallel_loop3A_474 = arith.constant 0 : i32
        %parallel_loop3A_475 = arith.constant 0 : i32
        %parallel_loop3A_476 = tpu.memref_slice %arg7[%parallel_loop3A_473, %parallel_loop3A_474, %parallel_loop3A_475] : memref<2x8x1024xf32, #tpu.memory_space<vmem>> -> memref<1x8x1024xf32, #tpu.memory_space<vmem>>
        %parallel_loop3A_477 = tpu.memref_squeeze %parallel_loop3A_476 : memref<1x8x1024xf32, #tpu.memory_space<vmem>> -> memref<8x1024xf32, #tpu.memory_space<vmem>>
        tpu.vector_store_idx %parallel_loop3A_477[%parallel_loop3A_435, %parallel_loop3A_472], %parallel_loop3A_469 : memref<8x1024xf32, #tpu.memory_space<vmem>>[vector<16xi32>, vector<16xi32>], vector<16xf32>,
        %parallel_loop3A_478 = arith.constant 0 : i32
        %parallel_loop3A_479 = arith.constant 0 : i32
        %parallel_loop3A_480 = arith.constant 0 : i32
        %parallel_loop3A_481 = tpu.memref_slice %arg6[%parallel_loop3A_478, %parallel_loop3A_479, %parallel_loop3A_480] : memref<2x128x64xf32, #tpu.memory_space<vmem>> -> memref<1x128x64xf32, #tpu.memory_space<vmem>>
        %parallel_loop3A_482 = tpu.memref_squeeze %parallel_loop3A_481 : memref<1x128x64xf32, #tpu.memory_space<vmem>> -> memref<128x64xf32, #tpu.memory_space<vmem>>
        %parallel_loop3A_483 = tpu.vector_load_idx %parallel_loop3A_482[%add3A_35, %parallel_loop3A_432] : memref<128x64xf32, #tpu.memory_space<vmem>>[vector<16xi32>, vector<16xi32>], vector<16xf32>,
        %parallel_loop3A_484 = arith.constant 48 : i32
        %parallel_loop3A_485 = vector.broadcast %parallel_loop3A_484 : i32 to vector<16xi32>
        %parallel_loop3A_486 = arith.addi %parallel_loop3A_193, %parallel_loop3A_485 : vector<16xi32>
        %parallel_loop3A_487 = arith.constant 0 : i32
        %parallel_loop3A_488 = arith.constant 0 : i32
        %parallel_loop3A_489 = arith.constant 0 : i32
        %parallel_loop3A_490 = tpu.memref_slice %arg7[%parallel_loop3A_487, %parallel_loop3A_488, %parallel_loop3A_489] : memref<2x8x1024xf32, #tpu.memory_space<vmem>> -> memref<1x8x1024xf32, #tpu.memory_space<vmem>>
        %parallel_loop3A_491 = tpu.memref_squeeze %parallel_loop3A_490 : memref<1x8x1024xf32, #tpu.memory_space<vmem>> -> memref<8x1024xf32, #tpu.memory_space<vmem>>
        tpu.vector_store_idx %parallel_loop3A_491[%parallel_loop3A_435, %parallel_loop3A_486], %parallel_loop3A_483 : memref<8x1024xf32, #tpu.memory_space<vmem>>[vector<16xi32>, vector<16xi32>], vector<16xf32>,
        %parallel_loop3A_492 = arith.constant 0 : i32
        %parallel_loop3A_493 = arith.constant 0 : i32
        %parallel_loop3A_494 = arith.constant 0 : i32
        %parallel_loop3A_495 = tpu.memref_slice %arg6[%parallel_loop3A_492, %parallel_loop3A_493, %parallel_loop3A_494] : memref<2x128x64xf32, #tpu.memory_space<vmem>> -> memref<1x128x64xf32, #tpu.memory_space<vmem>>
        %parallel_loop3A_496 = tpu.memref_squeeze %parallel_loop3A_495 : memref<1x128x64xf32, #tpu.memory_space<vmem>> -> memref<128x64xf32, #tpu.memory_space<vmem>>
        %parallel_loop3A_497 = tpu.vector_load_idx %parallel_loop3A_496[%add3A_38, %parallel_loop3A_432] : memref<128x64xf32, #tpu.memory_space<vmem>>[vector<16xi32>, vector<16xi32>], vector<16xf32>,
        %parallel_loop3A_498 = arith.constant 64 : i32
        %parallel_loop3A_499 = vector.broadcast %parallel_loop3A_498 : i32 to vector<16xi32>
        %parallel_loop3A_500 = arith.addi %parallel_loop3A_193, %parallel_loop3A_499 : vector<16xi32>
        %parallel_loop3A_501 = arith.constant 0 : i32
        %parallel_loop3A_502 = arith.constant 0 : i32
        %parallel_loop3A_503 = arith.constant 0 : i32
        %parallel_loop3A_504 = tpu.memref_slice %arg7[%parallel_loop3A_501, %parallel_loop3A_502, %parallel_loop3A_503] : memref<2x8x1024xf32, #tpu.memory_space<vmem>> -> memref<1x8x1024xf32, #tpu.memory_space<vmem>>
        %parallel_loop3A_505 = tpu.memref_squeeze %parallel_loop3A_504 : memref<1x8x1024xf32, #tpu.memory_space<vmem>> -> memref<8x1024xf32, #tpu.memory_space<vmem>>
        tpu.vector_store_idx %parallel_loop3A_505[%parallel_loop3A_435, %parallel_loop3A_500], %parallel_loop3A_497 : memref<8x1024xf32, #tpu.memory_space<vmem>>[vector<16xi32>, vector<16xi32>], vector<16xf32>,
        %parallel_loop3A_506 = arith.constant 0 : i32
        %parallel_loop3A_507 = arith.constant 0 : i32
        %parallel_loop3A_508 = arith.constant 0 : i32
        %parallel_loop3A_509 = tpu.memref_slice %arg6[%parallel_loop3A_506, %parallel_loop3A_507, %parallel_loop3A_508] : memref<2x128x64xf32, #tpu.memory_space<vmem>> -> memref<1x128x64xf32, #tpu.memory_space<vmem>>
        %parallel_loop3A_510 = tpu.memref_squeeze %parallel_loop3A_509 : memref<1x128x64xf32, #tpu.memory_space<vmem>> -> memref<128x64xf32, #tpu.memory_space<vmem>>
        %parallel_loop3A_511 = tpu.vector_load_idx %parallel_loop3A_510[%add3A_41, %parallel_loop3A_432] : memref<128x64xf32, #tpu.memory_space<vmem>>[vector<16xi32>, vector<16xi32>], vector<16xf32>,
        %parallel_loop3A_512 = arith.constant 80 : i32
        %parallel_loop3A_513 = vector.broadcast %parallel_loop3A_512 : i32 to vector<16xi32>
        %parallel_loop3A_514 = arith.addi %parallel_loop3A_193, %parallel_loop3A_513 : vector<16xi32>
        %parallel_loop3A_515 = arith.constant 0 : i32
        %parallel_loop3A_516 = arith.constant 0 : i32
        %parallel_loop3A_517 = arith.constant 0 : i32
        %parallel_loop3A_518 = tpu.memref_slice %arg7[%parallel_loop3A_515, %parallel_loop3A_516, %parallel_loop3A_517] : memref<2x8x1024xf32, #tpu.memory_space<vmem>> -> memref<1x8x1024xf32, #tpu.memory_space<vmem>>
        %parallel_loop3A_519 = tpu.memref_squeeze %parallel_loop3A_518 : memref<1x8x1024xf32, #tpu.memory_space<vmem>> -> memref<8x1024xf32, #tpu.memory_space<vmem>>
        tpu.vector_store_idx %parallel_loop3A_519[%parallel_loop3A_435, %parallel_loop3A_514], %parallel_loop3A_511 : memref<8x1024xf32, #tpu.memory_space<vmem>>[vector<16xi32>, vector<16xi32>], vector<16xf32>,
        %parallel_loop3A_520 = arith.constant 0 : i32
        %parallel_loop3A_521 = arith.constant 0 : i32
        %parallel_loop3A_522 = arith.constant 0 : i32
        %parallel_loop3A_523 = tpu.memref_slice %arg6[%parallel_loop3A_520, %parallel_loop3A_521, %parallel_loop3A_522] : memref<2x128x64xf32, #tpu.memory_space<vmem>> -> memref<1x128x64xf32, #tpu.memory_space<vmem>>
        %parallel_loop3A_524 = tpu.memref_squeeze %parallel_loop3A_523 : memref<1x128x64xf32, #tpu.memory_space<vmem>> -> memref<128x64xf32, #tpu.memory_space<vmem>>
        %parallel_loop3A_525 = tpu.vector_load_idx %parallel_loop3A_524[%add3A_44, %parallel_loop3A_432] : memref<128x64xf32, #tpu.memory_space<vmem>>[vector<16xi32>, vector<16xi32>], vector<16xf32>,
        %parallel_loop3A_526 = arith.constant 96 : i32
        %parallel_loop3A_527 = vector.broadcast %parallel_loop3A_526 : i32 to vector<16xi32>
        %parallel_loop3A_528 = arith.addi %parallel_loop3A_193, %parallel_loop3A_527 : vector<16xi32>
        %parallel_loop3A_529 = arith.constant 0 : i32
        %parallel_loop3A_530 = arith.constant 0 : i32
        %parallel_loop3A_531 = arith.constant 0 : i32
        %parallel_loop3A_532 = tpu.memref_slice %arg7[%parallel_loop3A_529, %parallel_loop3A_530, %parallel_loop3A_531] : memref<2x8x1024xf32, #tpu.memory_space<vmem>> -> memref<1x8x1024xf32, #tpu.memory_space<vmem>>
        %parallel_loop3A_533 = tpu.memref_squeeze %parallel_loop3A_532 : memref<1x8x1024xf32, #tpu.memory_space<vmem>> -> memref<8x1024xf32, #tpu.memory_space<vmem>>
        tpu.vector_store_idx %parallel_loop3A_533[%parallel_loop3A_435, %parallel_loop3A_528], %parallel_loop3A_525 : memref<8x1024xf32, #tpu.memory_space<vmem>>[vector<16xi32>, vector<16xi32>], vector<16xf32>,
        %parallel_loop3A_534 = arith.constant 0 : i32
        %parallel_loop3A_535 = arith.constant 0 : i32
        %parallel_loop3A_536 = arith.constant 0 : i32
        %parallel_loop3A_537 = tpu.memref_slice %arg6[%parallel_loop3A_534, %parallel_loop3A_535, %parallel_loop3A_536] : memref<2x128x64xf32, #tpu.memory_space<vmem>> -> memref<1x128x64xf32, #tpu.memory_space<vmem>>
        %parallel_loop3A_538 = tpu.memref_squeeze %parallel_loop3A_537 : memref<1x128x64xf32, #tpu.memory_space<vmem>> -> memref<128x64xf32, #tpu.memory_space<vmem>>
        %parallel_loop3A_539 = tpu.vector_load_idx %parallel_loop3A_538[%add3A_47, %parallel_loop3A_432] : memref<128x64xf32, #tpu.memory_space<vmem>>[vector<16xi32>, vector<16xi32>], vector<16xf32>,
        %parallel_loop3A_540 = arith.constant 112 : i32
        %parallel_loop3A_541 = vector.broadcast %parallel_loop3A_540 : i32 to vector<16xi32>
        %parallel_loop3A_542 = arith.addi %parallel_loop3A_193, %parallel_loop3A_541 : vector<16xi32>
        %parallel_loop3A_543 = arith.constant 0 : i32
        %parallel_loop3A_544 = arith.constant 0 : i32
        %parallel_loop3A_545 = arith.constant 0 : i32
        %parallel_loop3A_546 = tpu.memref_slice %arg7[%parallel_loop3A_543, %parallel_loop3A_544, %parallel_loop3A_545] : memref<2x8x1024xf32, #tpu.memory_space<vmem>> -> memref<1x8x1024xf32, #tpu.memory_space<vmem>>
        %parallel_loop3A_547 = tpu.memref_squeeze %parallel_loop3A_546 : memref<1x8x1024xf32, #tpu.memory_space<vmem>> -> memref<8x1024xf32, #tpu.memory_space<vmem>>
        tpu.vector_store_idx %parallel_loop3A_547[%parallel_loop3A_435, %parallel_loop3A_542], %parallel_loop3A_539 : memref<8x1024xf32, #tpu.memory_space<vmem>>[vector<16xi32>, vector<16xi32>], vector<16xf32>,
        %parallel_loop3A_548 = arith.constant 48 : i32
        %parallel_loop3A_549 = vector.broadcast %parallel_loop3A_548 : i32 to vector<16xi32>
        %parallel_loop3A_550 = arith.addi %parallel_loop3A_183, %parallel_loop3A_549 : vector<16xi32>
        %parallel_loop3A_551 = arith.constant 6 : i32
        %parallel_loop3A_552 = vector.broadcast %parallel_loop3A_551 : i32 to vector<16xi32>
        %parallel_loop3A_553 = arith.addi %parallel_loop3A_186, %parallel_loop3A_552 : vector<16xi32>
        %parallel_loop3A_554 = arith.constant 0 : i32
        %parallel_loop3A_555 = arith.constant 0 : i32
        %parallel_loop3A_556 = arith.constant 0 : i32
        %parallel_loop3A_557 = tpu.memref_slice %arg6[%parallel_loop3A_554, %parallel_loop3A_555, %parallel_loop3A_556] : memref<2x128x64xf32, #tpu.memory_space<vmem>> -> memref<1x128x64xf32, #tpu.memory_space<vmem>>
        %parallel_loop3A_558 = tpu.memref_squeeze %parallel_loop3A_557 : memref<1x128x64xf32, #tpu.memory_space<vmem>> -> memref<128x64xf32, #tpu.memory_space<vmem>>
        %parallel_loop3A_559 = tpu.vector_load_idx %parallel_loop3A_558[%add3A_26, %parallel_loop3A_550] : memref<128x64xf32, #tpu.memory_space<vmem>>[vector<16xi32>, vector<16xi32>], vector<16xf32>,
        %parallel_loop3A_560 = arith.constant 0 : i32
        %parallel_loop3A_561 = vector.broadcast %parallel_loop3A_560 : i32 to vector<16xi32>
        %parallel_loop3A_562 = arith.addi %parallel_loop3A_193, %parallel_loop3A_561 : vector<16xi32>
        %parallel_loop3A_563 = arith.constant 0 : i32
        %parallel_loop3A_564 = arith.constant 0 : i32
        %parallel_loop3A_565 = arith.constant 0 : i32
        %parallel_loop3A_566 = tpu.memref_slice %arg7[%parallel_loop3A_563, %parallel_loop3A_564, %parallel_loop3A_565] : memref<2x8x1024xf32, #tpu.memory_space<vmem>> -> memref<1x8x1024xf32, #tpu.memory_space<vmem>>
        %parallel_loop3A_567 = tpu.memref_squeeze %parallel_loop3A_566 : memref<1x8x1024xf32, #tpu.memory_space<vmem>> -> memref<8x1024xf32, #tpu.memory_space<vmem>>
        tpu.vector_store_idx %parallel_loop3A_567[%parallel_loop3A_553, %parallel_loop3A_562], %parallel_loop3A_559 : memref<8x1024xf32, #tpu.memory_space<vmem>>[vector<16xi32>, vector<16xi32>], vector<16xf32>,
        %parallel_loop3A_568 = arith.constant 0 : i32
        %parallel_loop3A_569 = arith.constant 0 : i32
        %parallel_loop3A_570 = arith.constant 0 : i32
        %parallel_loop3A_571 = tpu.memref_slice %arg6[%parallel_loop3A_568, %parallel_loop3A_569, %parallel_loop3A_570] : memref<2x128x64xf32, #tpu.memory_space<vmem>> -> memref<1x128x64xf32, #tpu.memory_space<vmem>>
        %parallel_loop3A_572 = tpu.memref_squeeze %parallel_loop3A_571 : memref<1x128x64xf32, #tpu.memory_space<vmem>> -> memref<128x64xf32, #tpu.memory_space<vmem>>
        %parallel_loop3A_573 = tpu.vector_load_idx %parallel_loop3A_572[%add3A_29, %parallel_loop3A_550] : memref<128x64xf32, #tpu.memory_space<vmem>>[vector<16xi32>, vector<16xi32>], vector<16xf32>,
        %parallel_loop3A_574 = arith.constant 16 : i32
        %parallel_loop3A_575 = vector.broadcast %parallel_loop3A_574 : i32 to vector<16xi32>
        %parallel_loop3A_576 = arith.addi %parallel_loop3A_193, %parallel_loop3A_575 : vector<16xi32>
        %parallel_loop3A_577 = arith.constant 0 : i32
        %parallel_loop3A_578 = arith.constant 0 : i32
        %parallel_loop3A_579 = arith.constant 0 : i32
        %parallel_loop3A_580 = tpu.memref_slice %arg7[%parallel_loop3A_577, %parallel_loop3A_578, %parallel_loop3A_579] : memref<2x8x1024xf32, #tpu.memory_space<vmem>> -> memref<1x8x1024xf32, #tpu.memory_space<vmem>>
        %parallel_loop3A_581 = tpu.memref_squeeze %parallel_loop3A_580 : memref<1x8x1024xf32, #tpu.memory_space<vmem>> -> memref<8x1024xf32, #tpu.memory_space<vmem>>
        tpu.vector_store_idx %parallel_loop3A_581[%parallel_loop3A_553, %parallel_loop3A_576], %parallel_loop3A_573 : memref<8x1024xf32, #tpu.memory_space<vmem>>[vector<16xi32>, vector<16xi32>], vector<16xf32>,
        %parallel_loop3A_582 = arith.constant 0 : i32
        %parallel_loop3A_583 = arith.constant 0 : i32
        %parallel_loop3A_584 = arith.constant 0 : i32
        %parallel_loop3A_585 = tpu.memref_slice %arg6[%parallel_loop3A_582, %parallel_loop3A_583, %parallel_loop3A_584] : memref<2x128x64xf32, #tpu.memory_space<vmem>> -> memref<1x128x64xf32, #tpu.memory_space<vmem>>
        %parallel_loop3A_586 = tpu.memref_squeeze %parallel_loop3A_585 : memref<1x128x64xf32, #tpu.memory_space<vmem>> -> memref<128x64xf32, #tpu.memory_space<vmem>>
        %parallel_loop3A_587 = tpu.vector_load_idx %parallel_loop3A_586[%add3A_32, %parallel_loop3A_550] : memref<128x64xf32, #tpu.memory_space<vmem>>[vector<16xi32>, vector<16xi32>], vector<16xf32>,
        %parallel_loop3A_588 = arith.constant 32 : i32
        %parallel_loop3A_589 = vector.broadcast %parallel_loop3A_588 : i32 to vector<16xi32>
        %parallel_loop3A_590 = arith.addi %parallel_loop3A_193, %parallel_loop3A_589 : vector<16xi32>
        %parallel_loop3A_591 = arith.constant 0 : i32
        %parallel_loop3A_592 = arith.constant 0 : i32
        %parallel_loop3A_593 = arith.constant 0 : i32
        %parallel_loop3A_594 = tpu.memref_slice %arg7[%parallel_loop3A_591, %parallel_loop3A_592, %parallel_loop3A_593] : memref<2x8x1024xf32, #tpu.memory_space<vmem>> -> memref<1x8x1024xf32, #tpu.memory_space<vmem>>
        %parallel_loop3A_595 = tpu.memref_squeeze %parallel_loop3A_594 : memref<1x8x1024xf32, #tpu.memory_space<vmem>> -> memref<8x1024xf32, #tpu.memory_space<vmem>>
        tpu.vector_store_idx %parallel_loop3A_595[%parallel_loop3A_553, %parallel_loop3A_590], %parallel_loop3A_587 : memref<8x1024xf32, #tpu.memory_space<vmem>>[vector<16xi32>, vector<16xi32>], vector<16xf32>,
        %parallel_loop3A_596 = arith.constant 0 : i32
        %parallel_loop3A_597 = arith.constant 0 : i32
        %parallel_loop3A_598 = arith.constant 0 : i32
        %parallel_loop3A_599 = tpu.memref_slice %arg6[%parallel_loop3A_596, %parallel_loop3A_597, %parallel_loop3A_598] : memref<2x128x64xf32, #tpu.memory_space<vmem>> -> memref<1x128x64xf32, #tpu.memory_space<vmem>>
        %parallel_loop3A_600 = tpu.memref_squeeze %parallel_loop3A_599 : memref<1x128x64xf32, #tpu.memory_space<vmem>> -> memref<128x64xf32, #tpu.memory_space<vmem>>
        %parallel_loop3A_601 = tpu.vector_load_idx %parallel_loop3A_600[%add3A_35, %parallel_loop3A_550] : memref<128x64xf32, #tpu.memory_space<vmem>>[vector<16xi32>, vector<16xi32>], vector<16xf32>,
        %parallel_loop3A_602 = arith.constant 48 : i32
        %parallel_loop3A_603 = vector.broadcast %parallel_loop3A_602 : i32 to vector<16xi32>
        %parallel_loop3A_604 = arith.addi %parallel_loop3A_193, %parallel_loop3A_603 : vector<16xi32>
        %parallel_loop3A_605 = arith.constant 0 : i32
        %parallel_loop3A_606 = arith.constant 0 : i32
        %parallel_loop3A_607 = arith.constant 0 : i32
        %parallel_loop3A_608 = tpu.memref_slice %arg7[%parallel_loop3A_605, %parallel_loop3A_606, %parallel_loop3A_607] : memref<2x8x1024xf32, #tpu.memory_space<vmem>> -> memref<1x8x1024xf32, #tpu.memory_space<vmem>>
        %parallel_loop3A_609 = tpu.memref_squeeze %parallel_loop3A_608 : memref<1x8x1024xf32, #tpu.memory_space<vmem>> -> memref<8x1024xf32, #tpu.memory_space<vmem>>
        tpu.vector_store_idx %parallel_loop3A_609[%parallel_loop3A_553, %parallel_loop3A_604], %parallel_loop3A_601 : memref<8x1024xf32, #tpu.memory_space<vmem>>[vector<16xi32>, vector<16xi32>], vector<16xf32>,
        %parallel_loop3A_610 = arith.constant 0 : i32
        %parallel_loop3A_611 = arith.constant 0 : i32
        %parallel_loop3A_612 = arith.constant 0 : i32
        %parallel_loop3A_613 = tpu.memref_slice %arg6[%parallel_loop3A_610, %parallel_loop3A_611, %parallel_loop3A_612] : memref<2x128x64xf32, #tpu.memory_space<vmem>> -> memref<1x128x64xf32, #tpu.memory_space<vmem>>
        %parallel_loop3A_614 = tpu.memref_squeeze %parallel_loop3A_613 : memref<1x128x64xf32, #tpu.memory_space<vmem>> -> memref<128x64xf32, #tpu.memory_space<vmem>>
        %parallel_loop3A_615 = tpu.vector_load_idx %parallel_loop3A_614[%add3A_38, %parallel_loop3A_550] : memref<128x64xf32, #tpu.memory_space<vmem>>[vector<16xi32>, vector<16xi32>], vector<16xf32>,
        %parallel_loop3A_616 = arith.constant 64 : i32
        %parallel_loop3A_617 = vector.broadcast %parallel_loop3A_616 : i32 to vector<16xi32>
        %parallel_loop3A_618 = arith.addi %parallel_loop3A_193, %parallel_loop3A_617 : vector<16xi32>
        %parallel_loop3A_619 = arith.constant 0 : i32
        %parallel_loop3A_620 = arith.constant 0 : i32
        %parallel_loop3A_621 = arith.constant 0 : i32
        %parallel_loop3A_622 = tpu.memref_slice %arg7[%parallel_loop3A_619, %parallel_loop3A_620, %parallel_loop3A_621] : memref<2x8x1024xf32, #tpu.memory_space<vmem>> -> memref<1x8x1024xf32, #tpu.memory_space<vmem>>
        %parallel_loop3A_623 = tpu.memref_squeeze %parallel_loop3A_622 : memref<1x8x1024xf32, #tpu.memory_space<vmem>> -> memref<8x1024xf32, #tpu.memory_space<vmem>>
        tpu.vector_store_idx %parallel_loop3A_623[%parallel_loop3A_553, %parallel_loop3A_618], %parallel_loop3A_615 : memref<8x1024xf32, #tpu.memory_space<vmem>>[vector<16xi32>, vector<16xi32>], vector<16xf32>,
        %parallel_loop3A_624 = arith.constant 0 : i32
        %parallel_loop3A_625 = arith.constant 0 : i32
        %parallel_loop3A_626 = arith.constant 0 : i32
        %parallel_loop3A_627 = tpu.memref_slice %arg6[%parallel_loop3A_624, %parallel_loop3A_625, %parallel_loop3A_626] : memref<2x128x64xf32, #tpu.memory_space<vmem>> -> memref<1x128x64xf32, #tpu.memory_space<vmem>>
        %parallel_loop3A_628 = tpu.memref_squeeze %parallel_loop3A_627 : memref<1x128x64xf32, #tpu.memory_space<vmem>> -> memref<128x64xf32, #tpu.memory_space<vmem>>
        %parallel_loop3A_629 = tpu.vector_load_idx %parallel_loop3A_628[%add3A_41, %parallel_loop3A_550] : memref<128x64xf32, #tpu.memory_space<vmem>>[vector<16xi32>, vector<16xi32>], vector<16xf32>,
        %parallel_loop3A_630 = arith.constant 80 : i32
        %parallel_loop3A_631 = vector.broadcast %parallel_loop3A_630 : i32 to vector<16xi32>
        %parallel_loop3A_632 = arith.addi %parallel_loop3A_193, %parallel_loop3A_631 : vector<16xi32>
        %parallel_loop3A_633 = arith.constant 0 : i32
        %parallel_loop3A_634 = arith.constant 0 : i32
        %parallel_loop3A_635 = arith.constant 0 : i32
        %parallel_loop3A_636 = tpu.memref_slice %arg7[%parallel_loop3A_633, %parallel_loop3A_634, %parallel_loop3A_635] : memref<2x8x1024xf32, #tpu.memory_space<vmem>> -> memref<1x8x1024xf32, #tpu.memory_space<vmem>>
        %parallel_loop3A_637 = tpu.memref_squeeze %parallel_loop3A_636 : memref<1x8x1024xf32, #tpu.memory_space<vmem>> -> memref<8x1024xf32, #tpu.memory_space<vmem>>
        tpu.vector_store_idx %parallel_loop3A_637[%parallel_loop3A_553, %parallel_loop3A_632], %parallel_loop3A_629 : memref<8x1024xf32, #tpu.memory_space<vmem>>[vector<16xi32>, vector<16xi32>], vector<16xf32>,
        %parallel_loop3A_638 = arith.constant 0 : i32
        %parallel_loop3A_639 = arith.constant 0 : i32
        %parallel_loop3A_640 = arith.constant 0 : i32
        %parallel_loop3A_641 = tpu.memref_slice %arg6[%parallel_loop3A_638, %parallel_loop3A_639, %parallel_loop3A_640] : memref<2x128x64xf32, #tpu.memory_space<vmem>> -> memref<1x128x64xf32, #tpu.memory_space<vmem>>
        %parallel_loop3A_642 = tpu.memref_squeeze %parallel_loop3A_641 : memref<1x128x64xf32, #tpu.memory_space<vmem>> -> memref<128x64xf32, #tpu.memory_space<vmem>>
        %parallel_loop3A_643 = tpu.vector_load_idx %parallel_loop3A_642[%add3A_44, %parallel_loop3A_550] : memref<128x64xf32, #tpu.memory_space<vmem>>[vector<16xi32>, vector<16xi32>], vector<16xf32>,
        %parallel_loop3A_644 = arith.constant 96 : i32
        %parallel_loop3A_645 = vector.broadcast %parallel_loop3A_644 : i32 to vector<16xi32>
        %parallel_loop3A_646 = arith.addi %parallel_loop3A_193, %parallel_loop3A_645 : vector<16xi32>
        %parallel_loop3A_647 = arith.constant 0 : i32
        %parallel_loop3A_648 = arith.constant 0 : i32
        %parallel_loop3A_649 = arith.constant 0 : i32
        %parallel_loop3A_650 = tpu.memref_slice %arg7[%parallel_loop3A_647, %parallel_loop3A_648, %parallel_loop3A_649] : memref<2x8x1024xf32, #tpu.memory_space<vmem>> -> memref<1x8x1024xf32, #tpu.memory_space<vmem>>
        %parallel_loop3A_651 = tpu.memref_squeeze %parallel_loop3A_650 : memref<1x8x1024xf32, #tpu.memory_space<vmem>> -> memref<8x1024xf32, #tpu.memory_space<vmem>>
        tpu.vector_store_idx %parallel_loop3A_651[%parallel_loop3A_553, %parallel_loop3A_646], %parallel_loop3A_643 : memref<8x1024xf32, #tpu.memory_space<vmem>>[vector<16xi32>, vector<16xi32>], vector<16xf32>,
        %parallel_loop3A_652 = arith.constant 0 : i32
        %parallel_loop3A_653 = arith.constant 0 : i32
        %parallel_loop3A_654 = arith.constant 0 : i32
        %parallel_loop3A_655 = tpu.memref_slice %arg6[%parallel_loop3A_652, %parallel_loop3A_653, %parallel_loop3A_654] : memref<2x128x64xf32, #tpu.memory_space<vmem>> -> memref<1x128x64xf32, #tpu.memory_space<vmem>>
        %parallel_loop3A_656 = tpu.memref_squeeze %parallel_loop3A_655 : memref<1x128x64xf32, #tpu.memory_space<vmem>> -> memref<128x64xf32, #tpu.memory_space<vmem>>
        %parallel_loop3A_657 = tpu.vector_load_idx %parallel_loop3A_656[%add3A_47, %parallel_loop3A_550] : memref<128x64xf32, #tpu.memory_space<vmem>>[vector<16xi32>, vector<16xi32>], vector<16xf32>,
        %parallel_loop3A_658 = arith.constant 112 : i32
        %parallel_loop3A_659 = vector.broadcast %parallel_loop3A_658 : i32 to vector<16xi32>
        %parallel_loop3A_660 = arith.addi %parallel_loop3A_193, %parallel_loop3A_659 : vector<16xi32>
        %parallel_loop3A_661 = arith.constant 0 : i32
        %parallel_loop3A_662 = arith.constant 0 : i32
        %parallel_loop3A_663 = arith.constant 0 : i32
        %parallel_loop3A_664 = tpu.memref_slice %arg7[%parallel_loop3A_661, %parallel_loop3A_662, %parallel_loop3A_663] : memref<2x8x1024xf32, #tpu.memory_space<vmem>> -> memref<1x8x1024xf32, #tpu.memory_space<vmem>>
        %parallel_loop3A_665 = tpu.memref_squeeze %parallel_loop3A_664 : memref<1x8x1024xf32, #tpu.memory_space<vmem>> -> memref<8x1024xf32, #tpu.memory_space<vmem>>
        tpu.vector_store_idx %parallel_loop3A_665[%parallel_loop3A_553, %parallel_loop3A_660], %parallel_loop3A_657 : memref<8x1024xf32, #tpu.memory_space<vmem>>[vector<16xi32>, vector<16xi32>], vector<16xf32>,
      } {sc.loop_unroll_factor = 2 : i64, sc.parallel_access}
      %dma_start3A_108 = arith.constant 0 : i32
      %dma_start3A_109 = arith.constant 0 : i32
      %dma_start3A_110 = arith.constant 0 : i32
      %dma_start3A_111 = tpu.memref_slice %arg7[%dma_start3A_108, %dma_start3A_109, %dma_start3A_110] : memref<2x8x1024xf32, #tpu.memory_space<vmem>> -> memref<1x8x1024xf32, #tpu.memory_space<vmem>>
      %dma_start3A_112 = tpu.memref_squeeze %dma_start3A_111 : memref<1x8x1024xf32, #tpu.memory_space<vmem>> -> memref<8x1024xf32, #tpu.memory_space<vmem>>
      %dma_start3A_113 = arith.constant 0 : i32
      %dma_start3A_114 = arith.constant 0 : i32
      %dma_start3A_115 = tpu.memref_slice %arg4[%add3A_92, %dma_start3A_113, %add3A, %dma_start3A_114] : memref<200x8x32x1024xf32, #tpu.memory_space<hbm>> -> memref<1x8x1x1024xf32, #tpu.memory_space<hbm>>
      %dma_start3A_116 = tpu.memref_squeeze %dma_start3A_115 : memref<1x8x1x1024xf32, #tpu.memory_space<hbm>> -> memref<8x1024xf32, #tpu.memory_space<hbm>>
      %dma_start3A_117 = arith.constant 0 : i32
      %dma_start3A_118 = arith.constant 0 : i32
      %dma_start3A_119 = tpu.memref_slice %arg4[%add3A_92, %dma_start3A_117, %add3A, %dma_start3A_118] : memref<200x8x32x1024xf32, #tpu.memory_space<hbm>> -> memref<1x8x1x1024xf32, #tpu.memory_space<hbm>>
      %dma_start3A_120 = tpu.memref_squeeze %dma_start3A_119 : memref<1x8x1x1024xf32, #tpu.memory_space<hbm>> -> memref<8x1024xf32, #tpu.memory_space<hbm>>
      %dma_start3A_121 = arith.constant 0 : i32
      %dma_start3A_122 = arith.constant 0 : i32
      %dma_start3A_123 = tpu.memref_slice %arg7[%dma_start3A_108, %dma_start3A_121, %dma_start3A_122] : memref<2x8x1024xf32, #tpu.memory_space<vmem>> -> memref<1x8x1024xf32, #tpu.memory_space<vmem>>
      %dma_start3A_124 = tpu.memref_squeeze %dma_start3A_123 : memref<1x8x1024xf32, #tpu.memory_space<vmem>> -> memref<8x1024xf32, #tpu.memory_space<vmem>>
      tpu.enqueue_dma source(%dma_start3A_124 : memref<8x1024xf32, #tpu.memory_space<vmem>>) target(%dma_start3A_120 : memref<8x1024xf32, #tpu.memory_space<hbm>>) target_semaphore(%arg10 : memref<!tpu.dma_semaphore, #tpu.memory_space<semaphore_mem>>)
      %add3A_125 = arith.constant 2 : i32
      %add3A_126 = arith.addi %add3A_92, %add3A_125 : i32
      %lt3A = arith.constant 200 : i32
      %lt3A_127 = arith.cmpi slt, %add3A_126, %lt3A : i32
      %convert_element_type3A_128 = arith.extui %lt3A_127 : i1 to i32
      %cond3A_129 = arith.constant 0 : i32
      %cond3A_130 = arith.cmpi ne, %convert_element_type3A_128, %cond3A_129 : i32
      scf.if %cond3A_130 {
        %add3A_178 = arith.constant 2 : i32
        %add3A_179 = arith.addi %add3A_92, %add3A_178 : i32
        %dma_start3A_180 = arith.constant 0 : i32
        %dma_start3A_181 = arith.constant 0 : i32
        %dma_start3A_182 = arith.constant 0 : i32
        %dma_start3A_183 = tpu.memref_slice %arg6[%dma_start3A_180, %dma_start3A_181, %dma_start3A_182] : memref<2x128x64xf32, #tpu.memory_space<vmem>> -> memref<1x128x64xf32, #tpu.memory_space<vmem>>
        %dma_start3A_184 = tpu.memref_squeeze %dma_start3A_183 : memref<1x128x64xf32, #tpu.memory_space<vmem>> -> memref<128x64xf32, #tpu.memory_space<vmem>>
        %dma_start3A_185 = arith.constant 0 : i32
        %dma_start3A_186 = tpu.memref_slice %arg5[%add3A_179, %dma_start3A_185] : memref<200x128xi32, #tpu.memory_space<vmem>> -> memref<1x128xi32, #tpu.memory_space<vmem>>
        %dma_start3A_187 = tpu.memref_squeeze %dma_start3A_186 : memref<1x128xi32, #tpu.memory_space<vmem>> -> memref<128xi32, #tpu.memory_space<vmem>>
        %dma_start3A_188 = arith.constant 0 : i32
        %dma_start3A_189 = arith.constant 0 : i32
        %dma_start3A_190 = tpu.memref_slice %arg2[%dma_start3A_188, %dma_start3A_189] : memref<100000x64xf32, #tpu.memory_space<hbm>> -> memref<100000x64xf32, #tpu.memory_space<hbm>>
        tpu.enqueue_indirect_dma source(%dma_start3A_190 : memref<100000x64xf32, #tpu.memory_space<hbm>>) target(%dma_start3A_184 : memref<128x64xf32, #tpu.memory_space<vmem>>) offsets(%dma_start3A_187 : memref<128xi32, #tpu.memory_space<vmem>>) semaphore(%arg8 : memref<!tpu.dma_semaphore, #tpu.memory_space<semaphore_mem>>)
      } else {
      }
      %mul3A_131 = arith.constant 2 : i32
      %mul3A_132 = arith.muli %mul3A_131, %scan3A_88 : i32
      %add3A_133 = arith.constant 1 : i32
      %add3A_134 = arith.addi %mul3A_132, %add3A_133 : i32
      %dma_wait3A_135 = arith.constant 1 : i32
      %dma_wait3A_136 = arith.constant 0 : i32
      %dma_wait3A_137 = arith.constant 0 : i32
      %dma_wait3A_138 = tpu.memref_slice %arg6[%dma_wait3A_135, %dma_wait3A_136, %dma_wait3A_137] : memref<2x128x64xf32, #tpu.memory_space<vmem>> -> memref<1x128x64xf32, #tpu.memory_space<vmem>>
      %dma_wait3A_139 = tpu.memref_squeeze %dma_wait3A_138 : memref<1x128x64xf32, #tpu.memory_space<vmem>> -> memref<128x64xf32, #tpu.memory_space<vmem>>
      %dma_wait3A_140 = arith.constant 0 : i32
      %dma_wait3A_141 = tpu.memref_slice %arg5[%add3A_134, %dma_wait3A_140] : memref<200x128xi32, #tpu.memory_space<vmem>> -> memref<1x128xi32, #tpu.memory_space<vmem>>
      %dma_wait3A_142 = tpu.memref_squeeze %dma_wait3A_141 : memref<1x128xi32, #tpu.memory_space<vmem>> -> memref<128xi32, #tpu.memory_space<vmem>>
      %dma_wait3A_143 = arith.constant 0 : i32
      %dma_wait3A_144 = arith.constant 0 : i32
      %dma_wait3A_145 = tpu.memref_slice %arg2[%dma_wait3A_143, %dma_wait3A_144] : memref<100000x64xf32, #tpu.memory_space<hbm>> -> memref<100000x64xf32, #tpu.memory_space<hbm>>
      tpu.wait_indirect_dma semaphore(%arg9 : memref<!tpu.dma_semaphore, #tpu.memory_space<semaphore_mem>>) src(%dma_wait3A_145 : memref<100000x64xf32, #tpu.memory_space<hbm>>) dst(%dma_wait3A_139 : memref<128x64xf32, #tpu.memory_space<vmem>>)
      %ge3A_146 = arith.constant 1 : i32
      %ge3A_147 = arith.cmpi sge, %scan3A_88, %ge3A_146 : i32
      %convert_element_type3A_148 = arith.extui %ge3A_147 : i1 to i32
      %cond3A_149 = arith.constant 0 : i32
      %cond3A_150 = arith.cmpi ne, %convert_element_type3A_148, %cond3A_149 : i32
      scf.if %cond3A_150 {
        %sub3A = arith.constant 2 : i32
        %sub3A_178 = arith.subi %add3A_134, %sub3A : i32
        %dma_wait3A_179 = arith.constant 1 : i32
        %dma_wait3A_180 = arith.constant 0 : i32
        %dma_wait3A_181 = arith.constant 0 : i32
        %dma_wait3A_182 = tpu.memref_slice %arg7[%dma_wait3A_179, %dma_wait3A_180, %dma_wait3A_181] : memref<2x8x1024xf32, #tpu.memory_space<vmem>> -> memref<1x8x1024xf32, #tpu.memory_space<vmem>>
        %dma_wait3A_183 = tpu.memref_squeeze %dma_wait3A_182 : memref<1x8x1024xf32, #tpu.memory_space<vmem>> -> memref<8x1024xf32, #tpu.memory_space<vmem>>
        %dma_wait3A_184 = arith.constant 0 : i32
        %dma_wait3A_185 = arith.constant 0 : i32
        %dma_wait3A_186 = tpu.memref_slice %arg4[%sub3A_178, %dma_wait3A_184, %add3A, %dma_wait3A_185] : memref<200x8x32x1024xf32, #tpu.memory_space<hbm>> -> memref<1x8x1x1024xf32, #tpu.memory_space<hbm>>
        %dma_wait3A_187 = tpu.memref_squeeze %dma_wait3A_186 : memref<1x8x1x1024xf32, #tpu.memory_space<hbm>> -> memref<8x1024xf32, #tpu.memory_space<hbm>>
        %dma_wait3A_188 = arith.constant 0 : i32
        %dma_wait3A_189 = arith.constant 0 : i32
        %dma_wait3A_190 = tpu.memref_slice %arg4[%sub3A_178, %dma_wait3A_188, %add3A, %dma_wait3A_189] : memref<200x8x32x1024xf32, #tpu.memory_space<hbm>> -> memref<1x8x1x1024xf32, #tpu.memory_space<hbm>>
        %dma_wait3A_191 = tpu.memref_squeeze %dma_wait3A_190 : memref<1x8x1x1024xf32, #tpu.memory_space<hbm>> -> memref<8x1024xf32, #tpu.memory_space<hbm>>
        %dma_wait3A_192 = arith.constant 0 : i32
        %dma_wait3A_193 = arith.constant 0 : i32
        %dma_wait3A_194 = tpu.memref_slice %arg7[%dma_wait3A_179, %dma_wait3A_192, %dma_wait3A_193] : memref<2x8x1024xf32, #tpu.memory_space<vmem>> -> memref<1x8x1024xf32, #tpu.memory_space<vmem>>
        %dma_wait3A_195 = tpu.memref_squeeze %dma_wait3A_194 : memref<1x8x1024xf32, #tpu.memory_space<vmem>> -> memref<8x1024xf32, #tpu.memory_space<vmem>>
        tpu.wait_dma2 semaphore(%arg11 : memref<!tpu.dma_semaphore, #tpu.memory_space<semaphore_mem>>) src(%dma_wait3A_195 : memref<8x1024xf32, #tpu.memory_space<vmem>>) dst(%dma_wait3A_191 : memref<8x1024xf32, #tpu.memory_space<hbm>>)
      } else {
      }
      %parallel_loop3A_151 = arith.constant 0 : i32
      %parallel_loop3A_152 = arith.constant 16 : i32
      %parallel_loop3A_153 = arith.constant 1 : i32
      scf.for %parallel_loop3A_178 = %parallel_loop3A_151 to %parallel_loop3A_152 step %parallel_loop3A_153  : i32 {
        %parallel_loop3A_179 = vector.broadcast %parallel_loop3A_178 : i32 to vector<16xi32>
        %parallel_loop3A_180 = arith.addi %iota3A, %parallel_loop3A_179 : vector<16xi32>
        %parallel_loop3A_181 = arith.constant 15 : i32
        %parallel_loop3A_182 = vector.broadcast %parallel_loop3A_181 : i32 to vector<16xi32>
        %parallel_loop3A_183 = arith.andi %parallel_loop3A_180, %parallel_loop3A_182 : vector<16xi32>
        %parallel_loop3A_184 = arith.constant 3 : i32
        %parallel_loop3A_185 = vector.broadcast %parallel_loop3A_184 : i32 to vector<16xi32>
        %parallel_loop3A_186 = arith.shrsi %parallel_loop3A_183, %parallel_loop3A_185 : vector<16xi32>
        %parallel_loop3A_187 = arith.constant 7 : i32
        %parallel_loop3A_188 = vector.broadcast %parallel_loop3A_187 : i32 to vector<16xi32>
        %parallel_loop3A_189 = arith.andi %parallel_loop3A_183, %parallel_loop3A_188 : vector<16xi32>
        %parallel_loop3A_190 = arith.constant 7 : i32
        %parallel_loop3A_191 = vector.broadcast %parallel_loop3A_190 : i32 to vector<16xi32>
        %parallel_loop3A_192 = arith.shli %parallel_loop3A_189, %parallel_loop3A_191 : vector<16xi32>
        %parallel_loop3A_193 = arith.addi %parallel_loop3A_192, %iota3A : vector<16xi32>
        %parallel_loop3A_194 = arith.constant 0 : i32
        %parallel_loop3A_195 = vector.broadcast %parallel_loop3A_194 : i32 to vector<16xi32>
        %parallel_loop3A_196 = arith.addi %parallel_loop3A_183, %parallel_loop3A_195 : vector<16xi32>
        %parallel_loop3A_197 = arith.constant 0 : i32
        %parallel_loop3A_198 = vector.broadcast %parallel_loop3A_197 : i32 to vector<16xi32>
        %parallel_loop3A_199 = arith.addi %parallel_loop3A_186, %parallel_loop3A_198 : vector<16xi32>
        %parallel_loop3A_200 = arith.constant 1 : i32
        %parallel_loop3A_201 = arith.constant 0 : i32
        %parallel_loop3A_202 = arith.constant 0 : i32
        %parallel_loop3A_203 = tpu.memref_slice %arg6[%parallel_loop3A_200, %parallel_loop3A_201, %parallel_loop3A_202] : memref<2x128x64xf32, #tpu.memory_space<vmem>> -> memref<1x128x64xf32, #tpu.memory_space<vmem>>
        %parallel_loop3A_204 = tpu.memref_squeeze %parallel_loop3A_203 : memref<1x128x64xf32, #tpu.memory_space<vmem>> -> memref<128x64xf32, #tpu.memory_space<vmem>>
        %parallel_loop3A_205 = tpu.vector_load_idx %parallel_loop3A_204[%add3A_26, %parallel_loop3A_196] : memref<128x64xf32, #tpu.memory_space<vmem>>[vector<16xi32>, vector<16xi32>], vector<16xf32>,
        %parallel_loop3A_206 = arith.constant 0 : i32
        %parallel_loop3A_207 = vector.broadcast %parallel_loop3A_206 : i32 to vector<16xi32>
        %parallel_loop3A_208 = arith.addi %parallel_loop3A_193, %parallel_loop3A_207 : vector<16xi32>
        %parallel_loop3A_209 = arith.constant 1 : i32
        %parallel_loop3A_210 = arith.constant 0 : i32
        %parallel_loop3A_211 = arith.constant 0 : i32
        %parallel_loop3A_212 = tpu.memref_slice %arg7[%parallel_loop3A_209, %parallel_loop3A_210, %parallel_loop3A_211] : memref<2x8x1024xf32, #tpu.memory_space<vmem>> -> memref<1x8x1024xf32, #tpu.memory_space<vmem>>
        %parallel_loop3A_213 = tpu.memref_squeeze %parallel_loop3A_212 : memref<1x8x1024xf32, #tpu.memory_space<vmem>> -> memref<8x1024xf32, #tpu.memory_space<vmem>>
        tpu.vector_store_idx %parallel_loop3A_213[%parallel_loop3A_199, %parallel_loop3A_208], %parallel_loop3A_205 : memref<8x1024xf32, #tpu.memory_space<vmem>>[vector<16xi32>, vector<16xi32>], vector<16xf32>,
        %parallel_loop3A_214 = arith.constant 1 : i32
        %parallel_loop3A_215 = arith.constant 0 : i32
        %parallel_loop3A_216 = arith.constant 0 : i32
        %parallel_loop3A_217 = tpu.memref_slice %arg6[%parallel_loop3A_214, %parallel_loop3A_215, %parallel_loop3A_216] : memref<2x128x64xf32, #tpu.memory_space<vmem>> -> memref<1x128x64xf32, #tpu.memory_space<vmem>>
        %parallel_loop3A_218 = tpu.memref_squeeze %parallel_loop3A_217 : memref<1x128x64xf32, #tpu.memory_space<vmem>> -> memref<128x64xf32, #tpu.memory_space<vmem>>
        %parallel_loop3A_219 = tpu.vector_load_idx %parallel_loop3A_218[%add3A_29, %parallel_loop3A_196] : memref<128x64xf32, #tpu.memory_space<vmem>>[vector<16xi32>, vector<16xi32>], vector<16xf32>,
        %parallel_loop3A_220 = arith.constant 16 : i32
        %parallel_loop3A_221 = vector.broadcast %parallel_loop3A_220 : i32 to vector<16xi32>
        %parallel_loop3A_222 = arith.addi %parallel_loop3A_193, %parallel_loop3A_221 : vector<16xi32>
        %parallel_loop3A_223 = arith.constant 1 : i32
        %parallel_loop3A_224 = arith.constant 0 : i32
        %parallel_loop3A_225 = arith.constant 0 : i32
        %parallel_loop3A_226 = tpu.memref_slice %arg7[%parallel_loop3A_223, %parallel_loop3A_224, %parallel_loop3A_225] : memref<2x8x1024xf32, #tpu.memory_space<vmem>> -> memref<1x8x1024xf32, #tpu.memory_space<vmem>>
        %parallel_loop3A_227 = tpu.memref_squeeze %parallel_loop3A_226 : memref<1x8x1024xf32, #tpu.memory_space<vmem>> -> memref<8x1024xf32, #tpu.memory_space<vmem>>
        tpu.vector_store_idx %parallel_loop3A_227[%parallel_loop3A_199, %parallel_loop3A_222], %parallel_loop3A_219 : memref<8x1024xf32, #tpu.memory_space<vmem>>[vector<16xi32>, vector<16xi32>], vector<16xf32>,
        %parallel_loop3A_228 = arith.constant 1 : i32
        %parallel_loop3A_229 = arith.constant 0 : i32
        %parallel_loop3A_230 = arith.constant 0 : i32
        %parallel_loop3A_231 = tpu.memref_slice %arg6[%parallel_loop3A_228, %parallel_loop3A_229, %parallel_loop3A_230] : memref<2x128x64xf32, #tpu.memory_space<vmem>> -> memref<1x128x64xf32, #tpu.memory_space<vmem>>
        %parallel_loop3A_232 = tpu.memref_squeeze %parallel_loop3A_231 : memref<1x128x64xf32, #tpu.memory_space<vmem>> -> memref<128x64xf32, #tpu.memory_space<vmem>>
        %parallel_loop3A_233 = tpu.vector_load_idx %parallel_loop3A_232[%add3A_32, %parallel_loop3A_196] : memref<128x64xf32, #tpu.memory_space<vmem>>[vector<16xi32>, vector<16xi32>], vector<16xf32>,
        %parallel_loop3A_234 = arith.constant 32 : i32
        %parallel_loop3A_235 = vector.broadcast %parallel_loop3A_234 : i32 to vector<16xi32>
        %parallel_loop3A_236 = arith.addi %parallel_loop3A_193, %parallel_loop3A_235 : vector<16xi32>
        %parallel_loop3A_237 = arith.constant 1 : i32
        %parallel_loop3A_238 = arith.constant 0 : i32
        %parallel_loop3A_239 = arith.constant 0 : i32
        %parallel_loop3A_240 = tpu.memref_slice %arg7[%parallel_loop3A_237, %parallel_loop3A_238, %parallel_loop3A_239] : memref<2x8x1024xf32, #tpu.memory_space<vmem>> -> memref<1x8x1024xf32, #tpu.memory_space<vmem>>
        %parallel_loop3A_241 = tpu.memref_squeeze %parallel_loop3A_240 : memref<1x8x1024xf32, #tpu.memory_space<vmem>> -> memref<8x1024xf32, #tpu.memory_space<vmem>>
        tpu.vector_store_idx %parallel_loop3A_241[%parallel_loop3A_199, %parallel_loop3A_236], %parallel_loop3A_233 : memref<8x1024xf32, #tpu.memory_space<vmem>>[vector<16xi32>, vector<16xi32>], vector<16xf32>,
        %parallel_loop3A_242 = arith.constant 1 : i32
        %parallel_loop3A_243 = arith.constant 0 : i32
        %parallel_loop3A_244 = arith.constant 0 : i32
        %parallel_loop3A_245 = tpu.memref_slice %arg6[%parallel_loop3A_242, %parallel_loop3A_243, %parallel_loop3A_244] : memref<2x128x64xf32, #tpu.memory_space<vmem>> -> memref<1x128x64xf32, #tpu.memory_space<vmem>>
        %parallel_loop3A_246 = tpu.memref_squeeze %parallel_loop3A_245 : memref<1x128x64xf32, #tpu.memory_space<vmem>> -> memref<128x64xf32, #tpu.memory_space<vmem>>
        %parallel_loop3A_247 = tpu.vector_load_idx %parallel_loop3A_246[%add3A_35, %parallel_loop3A_196] : memref<128x64xf32, #tpu.memory_space<vmem>>[vector<16xi32>, vector<16xi32>], vector<16xf32>,
        %parallel_loop3A_248 = arith.constant 48 : i32
        %parallel_loop3A_249 = vector.broadcast %parallel_loop3A_248 : i32 to vector<16xi32>
        %parallel_loop3A_250 = arith.addi %parallel_loop3A_193, %parallel_loop3A_249 : vector<16xi32>
        %parallel_loop3A_251 = arith.constant 1 : i32
        %parallel_loop3A_252 = arith.constant 0 : i32
        %parallel_loop3A_253 = arith.constant 0 : i32
        %parallel_loop3A_254 = tpu.memref_slice %arg7[%parallel_loop3A_251, %parallel_loop3A_252, %parallel_loop3A_253] : memref<2x8x1024xf32, #tpu.memory_space<vmem>> -> memref<1x8x1024xf32, #tpu.memory_space<vmem>>
        %parallel_loop3A_255 = tpu.memref_squeeze %parallel_loop3A_254 : memref<1x8x1024xf32, #tpu.memory_space<vmem>> -> memref<8x1024xf32, #tpu.memory_space<vmem>>
        tpu.vector_store_idx %parallel_loop3A_255[%parallel_loop3A_199, %parallel_loop3A_250], %parallel_loop3A_247 : memref<8x1024xf32, #tpu.memory_space<vmem>>[vector<16xi32>, vector<16xi32>], vector<16xf32>,
        %parallel_loop3A_256 = arith.constant 1 : i32
        %parallel_loop3A_257 = arith.constant 0 : i32
        %parallel_loop3A_258 = arith.constant 0 : i32
        %parallel_loop3A_259 = tpu.memref_slice %arg6[%parallel_loop3A_256, %parallel_loop3A_257, %parallel_loop3A_258] : memref<2x128x64xf32, #tpu.memory_space<vmem>> -> memref<1x128x64xf32, #tpu.memory_space<vmem>>
        %parallel_loop3A_260 = tpu.memref_squeeze %parallel_loop3A_259 : memref<1x128x64xf32, #tpu.memory_space<vmem>> -> memref<128x64xf32, #tpu.memory_space<vmem>>
        %parallel_loop3A_261 = tpu.vector_load_idx %parallel_loop3A_260[%add3A_38, %parallel_loop3A_196] : memref<128x64xf32, #tpu.memory_space<vmem>>[vector<16xi32>, vector<16xi32>], vector<16xf32>,
        %parallel_loop3A_262 = arith.constant 64 : i32
        %parallel_loop3A_263 = vector.broadcast %parallel_loop3A_262 : i32 to vector<16xi32>
        %parallel_loop3A_264 = arith.addi %parallel_loop3A_193, %parallel_loop3A_263 : vector<16xi32>
        %parallel_loop3A_265 = arith.constant 1 : i32
        %parallel_loop3A_266 = arith.constant 0 : i32
        %parallel_loop3A_267 = arith.constant 0 : i32
        %parallel_loop3A_268 = tpu.memref_slice %arg7[%parallel_loop3A_265, %parallel_loop3A_266, %parallel_loop3A_267] : memref<2x8x1024xf32, #tpu.memory_space<vmem>> -> memref<1x8x1024xf32, #tpu.memory_space<vmem>>
        %parallel_loop3A_269 = tpu.memref_squeeze %parallel_loop3A_268 : memref<1x8x1024xf32, #tpu.memory_space<vmem>> -> memref<8x1024xf32, #tpu.memory_space<vmem>>
        tpu.vector_store_idx %parallel_loop3A_269[%parallel_loop3A_199, %parallel_loop3A_264], %parallel_loop3A_261 : memref<8x1024xf32, #tpu.memory_space<vmem>>[vector<16xi32>, vector<16xi32>], vector<16xf32>,
        %parallel_loop3A_270 = arith.constant 1 : i32
        %parallel_loop3A_271 = arith.constant 0 : i32
        %parallel_loop3A_272 = arith.constant 0 : i32
        %parallel_loop3A_273 = tpu.memref_slice %arg6[%parallel_loop3A_270, %parallel_loop3A_271, %parallel_loop3A_272] : memref<2x128x64xf32, #tpu.memory_space<vmem>> -> memref<1x128x64xf32, #tpu.memory_space<vmem>>
        %parallel_loop3A_274 = tpu.memref_squeeze %parallel_loop3A_273 : memref<1x128x64xf32, #tpu.memory_space<vmem>> -> memref<128x64xf32, #tpu.memory_space<vmem>>
        %parallel_loop3A_275 = tpu.vector_load_idx %parallel_loop3A_274[%add3A_41, %parallel_loop3A_196] : memref<128x64xf32, #tpu.memory_space<vmem>>[vector<16xi32>, vector<16xi32>], vector<16xf32>,
        %parallel_loop3A_276 = arith.constant 80 : i32
        %parallel_loop3A_277 = vector.broadcast %parallel_loop3A_276 : i32 to vector<16xi32>
        %parallel_loop3A_278 = arith.addi %parallel_loop3A_193, %parallel_loop3A_277 : vector<16xi32>
        %parallel_loop3A_279 = arith.constant 1 : i32
        %parallel_loop3A_280 = arith.constant 0 : i32
        %parallel_loop3A_281 = arith.constant 0 : i32
        %parallel_loop3A_282 = tpu.memref_slice %arg7[%parallel_loop3A_279, %parallel_loop3A_280, %parallel_loop3A_281] : memref<2x8x1024xf32, #tpu.memory_space<vmem>> -> memref<1x8x1024xf32, #tpu.memory_space<vmem>>
        %parallel_loop3A_283 = tpu.memref_squeeze %parallel_loop3A_282 : memref<1x8x1024xf32, #tpu.memory_space<vmem>> -> memref<8x1024xf32, #tpu.memory_space<vmem>>
        tpu.vector_store_idx %parallel_loop3A_283[%parallel_loop3A_199, %parallel_loop3A_278], %parallel_loop3A_275 : memref<8x1024xf32, #tpu.memory_space<vmem>>[vector<16xi32>, vector<16xi32>], vector<16xf32>,
        %parallel_loop3A_284 = arith.constant 1 : i32
        %parallel_loop3A_285 = arith.constant 0 : i32
        %parallel_loop3A_286 = arith.constant 0 : i32
        %parallel_loop3A_287 = tpu.memref_slice %arg6[%parallel_loop3A_284, %parallel_loop3A_285, %parallel_loop3A_286] : memref<2x128x64xf32, #tpu.memory_space<vmem>> -> memref<1x128x64xf32, #tpu.memory_space<vmem>>
        %parallel_loop3A_288 = tpu.memref_squeeze %parallel_loop3A_287 : memref<1x128x64xf32, #tpu.memory_space<vmem>> -> memref<128x64xf32, #tpu.memory_space<vmem>>
        %parallel_loop3A_289 = tpu.vector_load_idx %parallel_loop3A_288[%add3A_44, %parallel_loop3A_196] : memref<128x64xf32, #tpu.memory_space<vmem>>[vector<16xi32>, vector<16xi32>], vector<16xf32>,
        %parallel_loop3A_290 = arith.constant 96 : i32
        %parallel_loop3A_291 = vector.broadcast %parallel_loop3A_290 : i32 to vector<16xi32>
        %parallel_loop3A_292 = arith.addi %parallel_loop3A_193, %parallel_loop3A_291 : vector<16xi32>
        %parallel_loop3A_293 = arith.constant 1 : i32
        %parallel_loop3A_294 = arith.constant 0 : i32
        %parallel_loop3A_295 = arith.constant 0 : i32
        %parallel_loop3A_296 = tpu.memref_slice %arg7[%parallel_loop3A_293, %parallel_loop3A_294, %parallel_loop3A_295] : memref<2x8x1024xf32, #tpu.memory_space<vmem>> -> memref<1x8x1024xf32, #tpu.memory_space<vmem>>
        %parallel_loop3A_297 = tpu.memref_squeeze %parallel_loop3A_296 : memref<1x8x1024xf32, #tpu.memory_space<vmem>> -> memref<8x1024xf32, #tpu.memory_space<vmem>>
        tpu.vector_store_idx %parallel_loop3A_297[%parallel_loop3A_199, %parallel_loop3A_292], %parallel_loop3A_289 : memref<8x1024xf32, #tpu.memory_space<vmem>>[vector<16xi32>, vector<16xi32>], vector<16xf32>,
        %parallel_loop3A_298 = arith.constant 1 : i32
        %parallel_loop3A_299 = arith.constant 0 : i32
        %parallel_loop3A_300 = arith.constant 0 : i32
        %parallel_loop3A_301 = tpu.memref_slice %arg6[%parallel_loop3A_298, %parallel_loop3A_299, %parallel_loop3A_300] : memref<2x128x64xf32, #tpu.memory_space<vmem>> -> memref<1x128x64xf32, #tpu.memory_space<vmem>>
        %parallel_loop3A_302 = tpu.memref_squeeze %parallel_loop3A_301 : memref<1x128x64xf32, #tpu.memory_space<vmem>> -> memref<128x64xf32, #tpu.memory_space<vmem>>
        %parallel_loop3A_303 = tpu.vector_load_idx %parallel_loop3A_302[%add3A_47, %parallel_loop3A_196] : memref<128x64xf32, #tpu.memory_space<vmem>>[vector<16xi32>, vector<16xi32>], vector<16xf32>,
        %parallel_loop3A_304 = arith.constant 112 : i32
        %parallel_loop3A_305 = vector.broadcast %parallel_loop3A_304 : i32 to vector<16xi32>
        %parallel_loop3A_306 = arith.addi %parallel_loop3A_193, %parallel_loop3A_305 : vector<16xi32>
        %parallel_loop3A_307 = arith.constant 1 : i32
        %parallel_loop3A_308 = arith.constant 0 : i32
        %parallel_loop3A_309 = arith.constant 0 : i32
        %parallel_loop3A_310 = tpu.memref_slice %arg7[%parallel_loop3A_307, %parallel_loop3A_308, %parallel_loop3A_309] : memref<2x8x1024xf32, #tpu.memory_space<vmem>> -> memref<1x8x1024xf32, #tpu.memory_space<vmem>>
        %parallel_loop3A_311 = tpu.memref_squeeze %parallel_loop3A_310 : memref<1x8x1024xf32, #tpu.memory_space<vmem>> -> memref<8x1024xf32, #tpu.memory_space<vmem>>
        tpu.vector_store_idx %parallel_loop3A_311[%parallel_loop3A_199, %parallel_loop3A_306], %parallel_loop3A_303 : memref<8x1024xf32, #tpu.memory_space<vmem>>[vector<16xi32>, vector<16xi32>], vector<16xf32>,
        %parallel_loop3A_312 = arith.constant 16 : i32
        %parallel_loop3A_313 = vector.broadcast %parallel_loop3A_312 : i32 to vector<16xi32>
        %parallel_loop3A_314 = arith.addi %parallel_loop3A_183, %parallel_loop3A_313 : vector<16xi32>
        %parallel_loop3A_315 = arith.constant 2 : i32
        %parallel_loop3A_316 = vector.broadcast %parallel_loop3A_315 : i32 to vector<16xi32>
        %parallel_loop3A_317 = arith.addi %parallel_loop3A_186, %parallel_loop3A_316 : vector<16xi32>
        %parallel_loop3A_318 = arith.constant 1 : i32
        %parallel_loop3A_319 = arith.constant 0 : i32
        %parallel_loop3A_320 = arith.constant 0 : i32
        %parallel_loop3A_321 = tpu.memref_slice %arg6[%parallel_loop3A_318, %parallel_loop3A_319, %parallel_loop3A_320] : memref<2x128x64xf32, #tpu.memory_space<vmem>> -> memref<1x128x64xf32, #tpu.memory_space<vmem>>
        %parallel_loop3A_322 = tpu.memref_squeeze %parallel_loop3A_321 : memref<1x128x64xf32, #tpu.memory_space<vmem>> -> memref<128x64xf32, #tpu.memory_space<vmem>>
        %parallel_loop3A_323 = tpu.vector_load_idx %parallel_loop3A_322[%add3A_26, %parallel_loop3A_314] : memref<128x64xf32, #tpu.memory_space<vmem>>[vector<16xi32>, vector<16xi32>], vector<16xf32>,
        %parallel_loop3A_324 = arith.constant 0 : i32
        %parallel_loop3A_325 = vector.broadcast %parallel_loop3A_324 : i32 to vector<16xi32>
        %parallel_loop3A_326 = arith.addi %parallel_loop3A_193, %parallel_loop3A_325 : vector<16xi32>
        %parallel_loop3A_327 = arith.constant 1 : i32
        %parallel_loop3A_328 = arith.constant 0 : i32
        %parallel_loop3A_329 = arith.constant 0 : i32
        %parallel_loop3A_330 = tpu.memref_slice %arg7[%parallel_loop3A_327, %parallel_loop3A_328, %parallel_loop3A_329] : memref<2x8x1024xf32, #tpu.memory_space<vmem>> -> memref<1x8x1024xf32, #tpu.memory_space<vmem>>
        %parallel_loop3A_331 = tpu.memref_squeeze %parallel_loop3A_330 : memref<1x8x1024xf32, #tpu.memory_space<vmem>> -> memref<8x1024xf32, #tpu.memory_space<vmem>>
        tpu.vector_store_idx %parallel_loop3A_331[%parallel_loop3A_317, %parallel_loop3A_326], %parallel_loop3A_323 : memref<8x1024xf32, #tpu.memory_space<vmem>>[vector<16xi32>, vector<16xi32>], vector<16xf32>,
        %parallel_loop3A_332 = arith.constant 1 : i32
        %parallel_loop3A_333 = arith.constant 0 : i32
        %parallel_loop3A_334 = arith.constant 0 : i32
        %parallel_loop3A_335 = tpu.memref_slice %arg6[%parallel_loop3A_332, %parallel_loop3A_333, %parallel_loop3A_334] : memref<2x128x64xf32, #tpu.memory_space<vmem>> -> memref<1x128x64xf32, #tpu.memory_space<vmem>>
        %parallel_loop3A_336 = tpu.memref_squeeze %parallel_loop3A_335 : memref<1x128x64xf32, #tpu.memory_space<vmem>> -> memref<128x64xf32, #tpu.memory_space<vmem>>
        %parallel_loop3A_337 = tpu.vector_load_idx %parallel_loop3A_336[%add3A_29, %parallel_loop3A_314] : memref<128x64xf32, #tpu.memory_space<vmem>>[vector<16xi32>, vector<16xi32>], vector<16xf32>,
        %parallel_loop3A_338 = arith.constant 16 : i32
        %parallel_loop3A_339 = vector.broadcast %parallel_loop3A_338 : i32 to vector<16xi32>
        %parallel_loop3A_340 = arith.addi %parallel_loop3A_193, %parallel_loop3A_339 : vector<16xi32>
        %parallel_loop3A_341 = arith.constant 1 : i32
        %parallel_loop3A_342 = arith.constant 0 : i32
        %parallel_loop3A_343 = arith.constant 0 : i32
        %parallel_loop3A_344 = tpu.memref_slice %arg7[%parallel_loop3A_341, %parallel_loop3A_342, %parallel_loop3A_343] : memref<2x8x1024xf32, #tpu.memory_space<vmem>> -> memref<1x8x1024xf32, #tpu.memory_space<vmem>>
        %parallel_loop3A_345 = tpu.memref_squeeze %parallel_loop3A_344 : memref<1x8x1024xf32, #tpu.memory_space<vmem>> -> memref<8x1024xf32, #tpu.memory_space<vmem>>
        tpu.vector_store_idx %parallel_loop3A_345[%parallel_loop3A_317, %parallel_loop3A_340], %parallel_loop3A_337 : memref<8x1024xf32, #tpu.memory_space<vmem>>[vector<16xi32>, vector<16xi32>], vector<16xf32>,
        %parallel_loop3A_346 = arith.constant 1 : i32
        %parallel_loop3A_347 = arith.constant 0 : i32
        %parallel_loop3A_348 = arith.constant 0 : i32
        %parallel_loop3A_349 = tpu.memref_slice %arg6[%parallel_loop3A_346, %parallel_loop3A_347, %parallel_loop3A_348] : memref<2x128x64xf32, #tpu.memory_space<vmem>> -> memref<1x128x64xf32, #tpu.memory_space<vmem>>
        %parallel_loop3A_350 = tpu.memref_squeeze %parallel_loop3A_349 : memref<1x128x64xf32, #tpu.memory_space<vmem>> -> memref<128x64xf32, #tpu.memory_space<vmem>>
        %parallel_loop3A_351 = tpu.vector_load_idx %parallel_loop3A_350[%add3A_32, %parallel_loop3A_314] : memref<128x64xf32, #tpu.memory_space<vmem>>[vector<16xi32>, vector<16xi32>], vector<16xf32>,
        %parallel_loop3A_352 = arith.constant 32 : i32
        %parallel_loop3A_353 = vector.broadcast %parallel_loop3A_352 : i32 to vector<16xi32>
        %parallel_loop3A_354 = arith.addi %parallel_loop3A_193, %parallel_loop3A_353 : vector<16xi32>
        %parallel_loop3A_355 = arith.constant 1 : i32
        %parallel_loop3A_356 = arith.constant 0 : i32
        %parallel_loop3A_357 = arith.constant 0 : i32
        %parallel_loop3A_358 = tpu.memref_slice %arg7[%parallel_loop3A_355, %parallel_loop3A_356, %parallel_loop3A_357] : memref<2x8x1024xf32, #tpu.memory_space<vmem>> -> memref<1x8x1024xf32, #tpu.memory_space<vmem>>
        %parallel_loop3A_359 = tpu.memref_squeeze %parallel_loop3A_358 : memref<1x8x1024xf32, #tpu.memory_space<vmem>> -> memref<8x1024xf32, #tpu.memory_space<vmem>>
        tpu.vector_store_idx %parallel_loop3A_359[%parallel_loop3A_317, %parallel_loop3A_354], %parallel_loop3A_351 : memref<8x1024xf32, #tpu.memory_space<vmem>>[vector<16xi32>, vector<16xi32>], vector<16xf32>,
        %parallel_loop3A_360 = arith.constant 1 : i32
        %parallel_loop3A_361 = arith.constant 0 : i32
        %parallel_loop3A_362 = arith.constant 0 : i32
        %parallel_loop3A_363 = tpu.memref_slice %arg6[%parallel_loop3A_360, %parallel_loop3A_361, %parallel_loop3A_362] : memref<2x128x64xf32, #tpu.memory_space<vmem>> -> memref<1x128x64xf32, #tpu.memory_space<vmem>>
        %parallel_loop3A_364 = tpu.memref_squeeze %parallel_loop3A_363 : memref<1x128x64xf32, #tpu.memory_space<vmem>> -> memref<128x64xf32, #tpu.memory_space<vmem>>
        %parallel_loop3A_365 = tpu.vector_load_idx %parallel_loop3A_364[%add3A_35, %parallel_loop3A_314] : memref<128x64xf32, #tpu.memory_space<vmem>>[vector<16xi32>, vector<16xi32>], vector<16xf32>,
        %parallel_loop3A_366 = arith.constant 48 : i32
        %parallel_loop3A_367 = vector.broadcast %parallel_loop3A_366 : i32 to vector<16xi32>
        %parallel_loop3A_368 = arith.addi %parallel_loop3A_193, %parallel_loop3A_367 : vector<16xi32>
        %parallel_loop3A_369 = arith.constant 1 : i32
        %parallel_loop3A_370 = arith.constant 0 : i32
        %parallel_loop3A_371 = arith.constant 0 : i32
        %parallel_loop3A_372 = tpu.memref_slice %arg7[%parallel_loop3A_369, %parallel_loop3A_370, %parallel_loop3A_371] : memref<2x8x1024xf32, #tpu.memory_space<vmem>> -> memref<1x8x1024xf32, #tpu.memory_space<vmem>>
        %parallel_loop3A_373 = tpu.memref_squeeze %parallel_loop3A_372 : memref<1x8x1024xf32, #tpu.memory_space<vmem>> -> memref<8x1024xf32, #tpu.memory_space<vmem>>
        tpu.vector_store_idx %parallel_loop3A_373[%parallel_loop3A_317, %parallel_loop3A_368], %parallel_loop3A_365 : memref<8x1024xf32, #tpu.memory_space<vmem>>[vector<16xi32>, vector<16xi32>], vector<16xf32>,
        %parallel_loop3A_374 = arith.constant 1 : i32
        %parallel_loop3A_375 = arith.constant 0 : i32
        %parallel_loop3A_376 = arith.constant 0 : i32
        %parallel_loop3A_377 = tpu.memref_slice %arg6[%parallel_loop3A_374, %parallel_loop3A_375, %parallel_loop3A_376] : memref<2x128x64xf32, #tpu.memory_space<vmem>> -> memref<1x128x64xf32, #tpu.memory_space<vmem>>
        %parallel_loop3A_378 = tpu.memref_squeeze %parallel_loop3A_377 : memref<1x128x64xf32, #tpu.memory_space<vmem>> -> memref<128x64xf32, #tpu.memory_space<vmem>>
        %parallel_loop3A_379 = tpu.vector_load_idx %parallel_loop3A_378[%add3A_38, %parallel_loop3A_314] : memref<128x64xf32, #tpu.memory_space<vmem>>[vector<16xi32>, vector<16xi32>], vector<16xf32>,
        %parallel_loop3A_380 = arith.constant 64 : i32
        %parallel_loop3A_381 = vector.broadcast %parallel_loop3A_380 : i32 to vector<16xi32>
        %parallel_loop3A_382 = arith.addi %parallel_loop3A_193, %parallel_loop3A_381 : vector<16xi32>
        %parallel_loop3A_383 = arith.constant 1 : i32
        %parallel_loop3A_384 = arith.constant 0 : i32
        %parallel_loop3A_385 = arith.constant 0 : i32
        %parallel_loop3A_386 = tpu.memref_slice %arg7[%parallel_loop3A_383, %parallel_loop3A_384, %parallel_loop3A_385] : memref<2x8x1024xf32, #tpu.memory_space<vmem>> -> memref<1x8x1024xf32, #tpu.memory_space<vmem>>
        %parallel_loop3A_387 = tpu.memref_squeeze %parallel_loop3A_386 : memref<1x8x1024xf32, #tpu.memory_space<vmem>> -> memref<8x1024xf32, #tpu.memory_space<vmem>>
        tpu.vector_store_idx %parallel_loop3A_387[%parallel_loop3A_317, %parallel_loop3A_382], %parallel_loop3A_379 : memref<8x1024xf32, #tpu.memory_space<vmem>>[vector<16xi32>, vector<16xi32>], vector<16xf32>,
        %parallel_loop3A_388 = arith.constant 1 : i32
        %parallel_loop3A_389 = arith.constant 0 : i32
        %parallel_loop3A_390 = arith.constant 0 : i32
        %parallel_loop3A_391 = tpu.memref_slice %arg6[%parallel_loop3A_388, %parallel_loop3A_389, %parallel_loop3A_390] : memref<2x128x64xf32, #tpu.memory_space<vmem>> -> memref<1x128x64xf32, #tpu.memory_space<vmem>>
        %parallel_loop3A_392 = tpu.memref_squeeze %parallel_loop3A_391 : memref<1x128x64xf32, #tpu.memory_space<vmem>> -> memref<128x64xf32, #tpu.memory_space<vmem>>
        %parallel_loop3A_393 = tpu.vector_load_idx %parallel_loop3A_392[%add3A_41, %parallel_loop3A_314] : memref<128x64xf32, #tpu.memory_space<vmem>>[vector<16xi32>, vector<16xi32>], vector<16xf32>,
        %parallel_loop3A_394 = arith.constant 80 : i32
        %parallel_loop3A_395 = vector.broadcast %parallel_loop3A_394 : i32 to vector<16xi32>
        %parallel_loop3A_396 = arith.addi %parallel_loop3A_193, %parallel_loop3A_395 : vector<16xi32>
        %parallel_loop3A_397 = arith.constant 1 : i32
        %parallel_loop3A_398 = arith.constant 0 : i32
        %parallel_loop3A_399 = arith.constant 0 : i32
        %parallel_loop3A_400 = tpu.memref_slice %arg7[%parallel_loop3A_397, %parallel_loop3A_398, %parallel_loop3A_399] : memref<2x8x1024xf32, #tpu.memory_space<vmem>> -> memref<1x8x1024xf32, #tpu.memory_space<vmem>>
        %parallel_loop3A_401 = tpu.memref_squeeze %parallel_loop3A_400 : memref<1x8x1024xf32, #tpu.memory_space<vmem>> -> memref<8x1024xf32, #tpu.memory_space<vmem>>
        tpu.vector_store_idx %parallel_loop3A_401[%parallel_loop3A_317, %parallel_loop3A_396], %parallel_loop3A_393 : memref<8x1024xf32, #tpu.memory_space<vmem>>[vector<16xi32>, vector<16xi32>], vector<16xf32>,
        %parallel_loop3A_402 = arith.constant 1 : i32
        %parallel_loop3A_403 = arith.constant 0 : i32
        %parallel_loop3A_404 = arith.constant 0 : i32
        %parallel_loop3A_405 = tpu.memref_slice %arg6[%parallel_loop3A_402, %parallel_loop3A_403, %parallel_loop3A_404] : memref<2x128x64xf32, #tpu.memory_space<vmem>> -> memref<1x128x64xf32, #tpu.memory_space<vmem>>
        %parallel_loop3A_406 = tpu.memref_squeeze %parallel_loop3A_405 : memref<1x128x64xf32, #tpu.memory_space<vmem>> -> memref<128x64xf32, #tpu.memory_space<vmem>>
        %parallel_loop3A_407 = tpu.vector_load_idx %parallel_loop3A_406[%add3A_44, %parallel_loop3A_314] : memref<128x64xf32, #tpu.memory_space<vmem>>[vector<16xi32>, vector<16xi32>], vector<16xf32>,
        %parallel_loop3A_408 = arith.constant 96 : i32
        %parallel_loop3A_409 = vector.broadcast %parallel_loop3A_408 : i32 to vector<16xi32>
        %parallel_loop3A_410 = arith.addi %parallel_loop3A_193, %parallel_loop3A_409 : vector<16xi32>
        %parallel_loop3A_411 = arith.constant 1 : i32
        %parallel_loop3A_412 = arith.constant 0 : i32
        %parallel_loop3A_413 = arith.constant 0 : i32
        %parallel_loop3A_414 = tpu.memref_slice %arg7[%parallel_loop3A_411, %parallel_loop3A_412, %parallel_loop3A_413] : memref<2x8x1024xf32, #tpu.memory_space<vmem>> -> memref<1x8x1024xf32, #tpu.memory_space<vmem>>
        %parallel_loop3A_415 = tpu.memref_squeeze %parallel_loop3A_414 : memref<1x8x1024xf32, #tpu.memory_space<vmem>> -> memref<8x1024xf32, #tpu.memory_space<vmem>>
        tpu.vector_store_idx %parallel_loop3A_415[%parallel_loop3A_317, %parallel_loop3A_410], %parallel_loop3A_407 : memref<8x1024xf32, #tpu.memory_space<vmem>>[vector<16xi32>, vector<16xi32>], vector<16xf32>,
        %parallel_loop3A_416 = arith.constant 1 : i32
        %parallel_loop3A_417 = arith.constant 0 : i32
        %parallel_loop3A_418 = arith.constant 0 : i32
        %parallel_loop3A_419 = tpu.memref_slice %arg6[%parallel_loop3A_416, %parallel_loop3A_417, %parallel_loop3A_418] : memref<2x128x64xf32, #tpu.memory_space<vmem>> -> memref<1x128x64xf32, #tpu.memory_space<vmem>>
        %parallel_loop3A_420 = tpu.memref_squeeze %parallel_loop3A_419 : memref<1x128x64xf32, #tpu.memory_space<vmem>> -> memref<128x64xf32, #tpu.memory_space<vmem>>
        %parallel_loop3A_421 = tpu.vector_load_idx %parallel_loop3A_420[%add3A_47, %parallel_loop3A_314] : memref<128x64xf32, #tpu.memory_space<vmem>>[vector<16xi32>, vector<16xi32>], vector<16xf32>,
        %parallel_loop3A_422 = arith.constant 112 : i32
        %parallel_loop3A_423 = vector.broadcast %parallel_loop3A_422 : i32 to vector<16xi32>
        %parallel_loop3A_424 = arith.addi %parallel_loop3A_193, %parallel_loop3A_423 : vector<16xi32>
        %parallel_loop3A_425 = arith.constant 1 : i32
        %parallel_loop3A_426 = arith.constant 0 : i32
        %parallel_loop3A_427 = arith.constant 0 : i32
        %parallel_loop3A_428 = tpu.memref_slice %arg7[%parallel_loop3A_425, %parallel_loop3A_426, %parallel_loop3A_427] : memref<2x8x1024xf32, #tpu.memory_space<vmem>> -> memref<1x8x1024xf32, #tpu.memory_space<vmem>>
        %parallel_loop3A_429 = tpu.memref_squeeze %parallel_loop3A_428 : memref<1x8x1024xf32, #tpu.memory_space<vmem>> -> memref<8x1024xf32, #tpu.memory_space<vmem>>
        tpu.vector_store_idx %parallel_loop3A_429[%parallel_loop3A_317, %parallel_loop3A_424], %parallel_loop3A_421 : memref<8x1024xf32, #tpu.memory_space<vmem>>[vector<16xi32>, vector<16xi32>], vector<16xf32>,
        %parallel_loop3A_430 = arith.constant 32 : i32
        %parallel_loop3A_431 = vector.broadcast %parallel_loop3A_430 : i32 to vector<16xi32>
        %parallel_loop3A_432 = arith.addi %parallel_loop3A_183, %parallel_loop3A_431 : vector<16xi32>
        %parallel_loop3A_433 = arith.constant 4 : i32
        %parallel_loop3A_434 = vector.broadcast %parallel_loop3A_433 : i32 to vector<16xi32>
        %parallel_loop3A_435 = arith.addi %parallel_loop3A_186, %parallel_loop3A_434 : vector<16xi32>
        %parallel_loop3A_436 = arith.constant 1 : i32
        %parallel_loop3A_437 = arith.constant 0 : i32
        %parallel_loop3A_438 = arith.constant 0 : i32
        %parallel_loop3A_439 = tpu.memref_slice %arg6[%parallel_loop3A_436, %parallel_loop3A_437, %parallel_loop3A_438] : memref<2x128x64xf32, #tpu.memory_space<vmem>> -> memref<1x128x64xf32, #tpu.memory_space<vmem>>
        %parallel_loop3A_440 = tpu.memref_squeeze %parallel_loop3A_439 : memref<1x128x64xf32, #tpu.memory_space<vmem>> -> memref<128x64xf32, #tpu.memory_space<vmem>>
        %parallel_loop3A_441 = tpu.vector_load_idx %parallel_loop3A_440[%add3A_26, %parallel_loop3A_432] : memref<128x64xf32, #tpu.memory_space<vmem>>[vector<16xi32>, vector<16xi32>], vector<16xf32>,
        %parallel_loop3A_442 = arith.constant 0 : i32
        %parallel_loop3A_443 = vector.broadcast %parallel_loop3A_442 : i32 to vector<16xi32>
        %parallel_loop3A_444 = arith.addi %parallel_loop3A_193, %parallel_loop3A_443 : vector<16xi32>
        %parallel_loop3A_445 = arith.constant 1 : i32
        %parallel_loop3A_446 = arith.constant 0 : i32
        %parallel_loop3A_447 = arith.constant 0 : i32
        %parallel_loop3A_448 = tpu.memref_slice %arg7[%parallel_loop3A_445, %parallel_loop3A_446, %parallel_loop3A_447] : memref<2x8x1024xf32, #tpu.memory_space<vmem>> -> memref<1x8x1024xf32, #tpu.memory_space<vmem>>
        %parallel_loop3A_449 = tpu.memref_squeeze %parallel_loop3A_448 : memref<1x8x1024xf32, #tpu.memory_space<vmem>> -> memref<8x1024xf32, #tpu.memory_space<vmem>>
        tpu.vector_store_idx %parallel_loop3A_449[%parallel_loop3A_435, %parallel_loop3A_444], %parallel_loop3A_441 : memref<8x1024xf32, #tpu.memory_space<vmem>>[vector<16xi32>, vector<16xi32>], vector<16xf32>,
        %parallel_loop3A_450 = arith.constant 1 : i32
        %parallel_loop3A_451 = arith.constant 0 : i32
        %parallel_loop3A_452 = arith.constant 0 : i32
        %parallel_loop3A_453 = tpu.memref_slice %arg6[%parallel_loop3A_450, %parallel_loop3A_451, %parallel_loop3A_452] : memref<2x128x64xf32, #tpu.memory_space<vmem>> -> memref<1x128x64xf32, #tpu.memory_space<vmem>>
        %parallel_loop3A_454 = tpu.memref_squeeze %parallel_loop3A_453 : memref<1x128x64xf32, #tpu.memory_space<vmem>> -> memref<128x64xf32, #tpu.memory_space<vmem>>
        %parallel_loop3A_455 = tpu.vector_load_idx %parallel_loop3A_454[%add3A_29, %parallel_loop3A_432] : memref<128x64xf32, #tpu.memory_space<vmem>>[vector<16xi32>, vector<16xi32>], vector<16xf32>,
        %parallel_loop3A_456 = arith.constant 16 : i32
        %parallel_loop3A_457 = vector.broadcast %parallel_loop3A_456 : i32 to vector<16xi32>
        %parallel_loop3A_458 = arith.addi %parallel_loop3A_193, %parallel_loop3A_457 : vector<16xi32>
        %parallel_loop3A_459 = arith.constant 1 : i32
        %parallel_loop3A_460 = arith.constant 0 : i32
        %parallel_loop3A_461 = arith.constant 0 : i32
        %parallel_loop3A_462 = tpu.memref_slice %arg7[%parallel_loop3A_459, %parallel_loop3A_460, %parallel_loop3A_461] : memref<2x8x1024xf32, #tpu.memory_space<vmem>> -> memref<1x8x1024xf32, #tpu.memory_space<vmem>>
        %parallel_loop3A_463 = tpu.memref_squeeze %parallel_loop3A_462 : memref<1x8x1024xf32, #tpu.memory_space<vmem>> -> memref<8x1024xf32, #tpu.memory_space<vmem>>
        tpu.vector_store_idx %parallel_loop3A_463[%parallel_loop3A_435, %parallel_loop3A_458], %parallel_loop3A_455 : memref<8x1024xf32, #tpu.memory_space<vmem>>[vector<16xi32>, vector<16xi32>], vector<16xf32>,
        %parallel_loop3A_464 = arith.constant 1 : i32
        %parallel_loop3A_465 = arith.constant 0 : i32
        %parallel_loop3A_466 = arith.constant 0 : i32
        %parallel_loop3A_467 = tpu.memref_slice %arg6[%parallel_loop3A_464, %parallel_loop3A_465, %parallel_loop3A_466] : memref<2x128x64xf32, #tpu.memory_space<vmem>> -> memref<1x128x64xf32, #tpu.memory_space<vmem>>
        %parallel_loop3A_468 = tpu.memref_squeeze %parallel_loop3A_467 : memref<1x128x64xf32, #tpu.memory_space<vmem>> -> memref<128x64xf32, #tpu.memory_space<vmem>>
        %parallel_loop3A_469 = tpu.vector_load_idx %parallel_loop3A_468[%add3A_32, %parallel_loop3A_432] : memref<128x64xf32, #tpu.memory_space<vmem>>[vector<16xi32>, vector<16xi32>], vector<16xf32>,
        %parallel_loop3A_470 = arith.constant 32 : i32
        %parallel_loop3A_471 = vector.broadcast %parallel_loop3A_470 : i32 to vector<16xi32>
        %parallel_loop3A_472 = arith.addi %parallel_loop3A_193, %parallel_loop3A_471 : vector<16xi32>
        %parallel_loop3A_473 = arith.constant 1 : i32
        %parallel_loop3A_474 = arith.constant 0 : i32
        %parallel_loop3A_475 = arith.constant 0 : i32
        %parallel_loop3A_476 = tpu.memref_slice %arg7[%parallel_loop3A_473, %parallel_loop3A_474, %parallel_loop3A_475] : memref<2x8x1024xf32, #tpu.memory_space<vmem>> -> memref<1x8x1024xf32, #tpu.memory_space<vmem>>
        %parallel_loop3A_477 = tpu.memref_squeeze %parallel_loop3A_476 : memref<1x8x1024xf32, #tpu.memory_space<vmem>> -> memref<8x1024xf32, #tpu.memory_space<vmem>>
        tpu.vector_store_idx %parallel_loop3A_477[%parallel_loop3A_435, %parallel_loop3A_472], %parallel_loop3A_469 : memref<8x1024xf32, #tpu.memory_space<vmem>>[vector<16xi32>, vector<16xi32>], vector<16xf32>,
        %parallel_loop3A_478 = arith.constant 1 : i32
        %parallel_loop3A_479 = arith.constant 0 : i32
        %parallel_loop3A_480 = arith.constant 0 : i32
        %parallel_loop3A_481 = tpu.memref_slice %arg6[%parallel_loop3A_478, %parallel_loop3A_479, %parallel_loop3A_480] : memref<2x128x64xf32, #tpu.memory_space<vmem>> -> memref<1x128x64xf32, #tpu.memory_space<vmem>>
        %parallel_loop3A_482 = tpu.memref_squeeze %parallel_loop3A_481 : memref<1x128x64xf32, #tpu.memory_space<vmem>> -> memref<128x64xf32, #tpu.memory_space<vmem>>
        %parallel_loop3A_483 = tpu.vector_load_idx %parallel_loop3A_482[%add3A_35, %parallel_loop3A_432] : memref<128x64xf32, #tpu.memory_space<vmem>>[vector<16xi32>, vector<16xi32>], vector<16xf32>,
        %parallel_loop3A_484 = arith.constant 48 : i32
        %parallel_loop3A_485 = vector.broadcast %parallel_loop3A_484 : i32 to vector<16xi32>
        %parallel_loop3A_486 = arith.addi %parallel_loop3A_193, %parallel_loop3A_485 : vector<16xi32>
        %parallel_loop3A_487 = arith.constant 1 : i32
        %parallel_loop3A_488 = arith.constant 0 : i32
        %parallel_loop3A_489 = arith.constant 0 : i32
        %parallel_loop3A_490 = tpu.memref_slice %arg7[%parallel_loop3A_487, %parallel_loop3A_488, %parallel_loop3A_489] : memref<2x8x1024xf32, #tpu.memory_space<vmem>> -> memref<1x8x1024xf32, #tpu.memory_space<vmem>>
        %parallel_loop3A_491 = tpu.memref_squeeze %parallel_loop3A_490 : memref<1x8x1024xf32, #tpu.memory_space<vmem>> -> memref<8x1024xf32, #tpu.memory_space<vmem>>
        tpu.vector_store_idx %parallel_loop3A_491[%parallel_loop3A_435, %parallel_loop3A_486], %parallel_loop3A_483 : memref<8x1024xf32, #tpu.memory_space<vmem>>[vector<16xi32>, vector<16xi32>], vector<16xf32>,
        %parallel_loop3A_492 = arith.constant 1 : i32
        %parallel_loop3A_493 = arith.constant 0 : i32
        %parallel_loop3A_494 = arith.constant 0 : i32
        %parallel_loop3A_495 = tpu.memref_slice %arg6[%parallel_loop3A_492, %parallel_loop3A_493, %parallel_loop3A_494] : memref<2x128x64xf32, #tpu.memory_space<vmem>> -> memref<1x128x64xf32, #tpu.memory_space<vmem>>
        %parallel_loop3A_496 = tpu.memref_squeeze %parallel_loop3A_495 : memref<1x128x64xf32, #tpu.memory_space<vmem>> -> memref<128x64xf32, #tpu.memory_space<vmem>>
        %parallel_loop3A_497 = tpu.vector_load_idx %parallel_loop3A_496[%add3A_38, %parallel_loop3A_432] : memref<128x64xf32, #tpu.memory_space<vmem>>[vector<16xi32>, vector<16xi32>], vector<16xf32>,
        %parallel_loop3A_498 = arith.constant 64 : i32
        %parallel_loop3A_499 = vector.broadcast %parallel_loop3A_498 : i32 to vector<16xi32>
        %parallel_loop3A_500 = arith.addi %parallel_loop3A_193, %parallel_loop3A_499 : vector<16xi32>
        %parallel_loop3A_501 = arith.constant 1 : i32
        %parallel_loop3A_502 = arith.constant 0 : i32
        %parallel_loop3A_503 = arith.constant 0 : i32
        %parallel_loop3A_504 = tpu.memref_slice %arg7[%parallel_loop3A_501, %parallel_loop3A_502, %parallel_loop3A_503] : memref<2x8x1024xf32, #tpu.memory_space<vmem>> -> memref<1x8x1024xf32, #tpu.memory_space<vmem>>
        %parallel_loop3A_505 = tpu.memref_squeeze %parallel_loop3A_504 : memref<1x8x1024xf32, #tpu.memory_space<vmem>> -> memref<8x1024xf32, #tpu.memory_space<vmem>>
        tpu.vector_store_idx %parallel_loop3A_505[%parallel_loop3A_435, %parallel_loop3A_500], %parallel_loop3A_497 : memref<8x1024xf32, #tpu.memory_space<vmem>>[vector<16xi32>, vector<16xi32>], vector<16xf32>,
        %parallel_loop3A_506 = arith.constant 1 : i32
        %parallel_loop3A_507 = arith.constant 0 : i32
        %parallel_loop3A_508 = arith.constant 0 : i32
        %parallel_loop3A_509 = tpu.memref_slice %arg6[%parallel_loop3A_506, %parallel_loop3A_507, %parallel_loop3A_508] : memref<2x128x64xf32, #tpu.memory_space<vmem>> -> memref<1x128x64xf32, #tpu.memory_space<vmem>>
        %parallel_loop3A_510 = tpu.memref_squeeze %parallel_loop3A_509 : memref<1x128x64xf32, #tpu.memory_space<vmem>> -> memref<128x64xf32, #tpu.memory_space<vmem>>
        %parallel_loop3A_511 = tpu.vector_load_idx %parallel_loop3A_510[%add3A_41, %parallel_loop3A_432] : memref<128x64xf32, #tpu.memory_space<vmem>>[vector<16xi32>, vector<16xi32>], vector<16xf32>,
        %parallel_loop3A_512 = arith.constant 80 : i32
        %parallel_loop3A_513 = vector.broadcast %parallel_loop3A_512 : i32 to vector<16xi32>
        %parallel_loop3A_514 = arith.addi %parallel_loop3A_193, %parallel_loop3A_513 : vector<16xi32>
        %parallel_loop3A_515 = arith.constant 1 : i32
        %parallel_loop3A_516 = arith.constant 0 : i32
        %parallel_loop3A_517 = arith.constant 0 : i32
        %parallel_loop3A_518 = tpu.memref_slice %arg7[%parallel_loop3A_515, %parallel_loop3A_516, %parallel_loop3A_517] : memref<2x8x1024xf32, #tpu.memory_space<vmem>> -> memref<1x8x1024xf32, #tpu.memory_space<vmem>>
        %parallel_loop3A_519 = tpu.memref_squeeze %parallel_loop3A_518 : memref<1x8x1024xf32, #tpu.memory_space<vmem>> -> memref<8x1024xf32, #tpu.memory_space<vmem>>
        tpu.vector_store_idx %parallel_loop3A_519[%parallel_loop3A_435, %parallel_loop3A_514], %parallel_loop3A_511 : memref<8x1024xf32, #tpu.memory_space<vmem>>[vector<16xi32>, vector<16xi32>], vector<16xf32>,
        %parallel_loop3A_520 = arith.constant 1 : i32
        %parallel_loop3A_521 = arith.constant 0 : i32
        %parallel_loop3A_522 = arith.constant 0 : i32
        %parallel_loop3A_523 = tpu.memref_slice %arg6[%parallel_loop3A_520, %parallel_loop3A_521, %parallel_loop3A_522] : memref<2x128x64xf32, #tpu.memory_space<vmem>> -> memref<1x128x64xf32, #tpu.memory_space<vmem>>
        %parallel_loop3A_524 = tpu.memref_squeeze %parallel_loop3A_523 : memref<1x128x64xf32, #tpu.memory_space<vmem>> -> memref<128x64xf32, #tpu.memory_space<vmem>>
        %parallel_loop3A_525 = tpu.vector_load_idx %parallel_loop3A_524[%add3A_44, %parallel_loop3A_432] : memref<128x64xf32, #tpu.memory_space<vmem>>[vector<16xi32>, vector<16xi32>], vector<16xf32>,
        %parallel_loop3A_526 = arith.constant 96 : i32
        %parallel_loop3A_527 = vector.broadcast %parallel_loop3A_526 : i32 to vector<16xi32>
        %parallel_loop3A_528 = arith.addi %parallel_loop3A_193, %parallel_loop3A_527 : vector<16xi32>
        %parallel_loop3A_529 = arith.constant 1 : i32
        %parallel_loop3A_530 = arith.constant 0 : i32
        %parallel_loop3A_531 = arith.constant 0 : i32
        %parallel_loop3A_532 = tpu.memref_slice %arg7[%parallel_loop3A_529, %parallel_loop3A_530, %parallel_loop3A_531] : memref<2x8x1024xf32, #tpu.memory_space<vmem>> -> memref<1x8x1024xf32, #tpu.memory_space<vmem>>
        %parallel_loop3A_533 = tpu.memref_squeeze %parallel_loop3A_532 : memref<1x8x1024xf32, #tpu.memory_space<vmem>> -> memref<8x1024xf32, #tpu.memory_space<vmem>>
        tpu.vector_store_idx %parallel_loop3A_533[%parallel_loop3A_435, %parallel_loop3A_528], %parallel_loop3A_525 : memref<8x1024xf32, #tpu.memory_space<vmem>>[vector<16xi32>, vector<16xi32>], vector<16xf32>,
        %parallel_loop3A_534 = arith.constant 1 : i32
        %parallel_loop3A_535 = arith.constant 0 : i32
        %parallel_loop3A_536 = arith.constant 0 : i32
        %parallel_loop3A_537 = tpu.memref_slice %arg6[%parallel_loop3A_534, %parallel_loop3A_535, %parallel_loop3A_536] : memref<2x128x64xf32, #tpu.memory_space<vmem>> -> memref<1x128x64xf32, #tpu.memory_space<vmem>>
        %parallel_loop3A_538 = tpu.memref_squeeze %parallel_loop3A_537 : memref<1x128x64xf32, #tpu.memory_space<vmem>> -> memref<128x64xf32, #tpu.memory_space<vmem>>
        %parallel_loop3A_539 = tpu.vector_load_idx %parallel_loop3A_538[%add3A_47, %parallel_loop3A_432] : memref<128x64xf32, #tpu.memory_space<vmem>>[vector<16xi32>, vector<16xi32>], vector<16xf32>,
        %parallel_loop3A_540 = arith.constant 112 : i32
        %parallel_loop3A_541 = vector.broadcast %parallel_loop3A_540 : i32 to vector<16xi32>
        %parallel_loop3A_542 = arith.addi %parallel_loop3A_193, %parallel_loop3A_541 : vector<16xi32>
        %parallel_loop3A_543 = arith.constant 1 : i32
        %parallel_loop3A_544 = arith.constant 0 : i32
        %parallel_loop3A_545 = arith.constant 0 : i32
        %parallel_loop3A_546 = tpu.memref_slice %arg7[%parallel_loop3A_543, %parallel_loop3A_544, %parallel_loop3A_545] : memref<2x8x1024xf32, #tpu.memory_space<vmem>> -> memref<1x8x1024xf32, #tpu.memory_space<vmem>>
        %parallel_loop3A_547 = tpu.memref_squeeze %parallel_loop3A_546 : memref<1x8x1024xf32, #tpu.memory_space<vmem>> -> memref<8x1024xf32, #tpu.memory_space<vmem>>
        tpu.vector_store_idx %parallel_loop3A_547[%parallel_loop3A_435, %parallel_loop3A_542], %parallel_loop3A_539 : memref<8x1024xf32, #tpu.memory_space<vmem>>[vector<16xi32>, vector<16xi32>], vector<16xf32>,
        %parallel_loop3A_548 = arith.constant 48 : i32
        %parallel_loop3A_549 = vector.broadcast %parallel_loop3A_548 : i32 to vector<16xi32>
        %parallel_loop3A_550 = arith.addi %parallel_loop3A_183, %parallel_loop3A_549 : vector<16xi32>
        %parallel_loop3A_551 = arith.constant 6 : i32
        %parallel_loop3A_552 = vector.broadcast %parallel_loop3A_551 : i32 to vector<16xi32>
        %parallel_loop3A_553 = arith.addi %parallel_loop3A_186, %parallel_loop3A_552 : vector<16xi32>
        %parallel_loop3A_554 = arith.constant 1 : i32
        %parallel_loop3A_555 = arith.constant 0 : i32
        %parallel_loop3A_556 = arith.constant 0 : i32
        %parallel_loop3A_557 = tpu.memref_slice %arg6[%parallel_loop3A_554, %parallel_loop3A_555, %parallel_loop3A_556] : memref<2x128x64xf32, #tpu.memory_space<vmem>> -> memref<1x128x64xf32, #tpu.memory_space<vmem>>
        %parallel_loop3A_558 = tpu.memref_squeeze %parallel_loop3A_557 : memref<1x128x64xf32, #tpu.memory_space<vmem>> -> memref<128x64xf32, #tpu.memory_space<vmem>>
        %parallel_loop3A_559 = tpu.vector_load_idx %parallel_loop3A_558[%add3A_26, %parallel_loop3A_550] : memref<128x64xf32, #tpu.memory_space<vmem>>[vector<16xi32>, vector<16xi32>], vector<16xf32>,
        %parallel_loop3A_560 = arith.constant 0 : i32
        %parallel_loop3A_561 = vector.broadcast %parallel_loop3A_560 : i32 to vector<16xi32>
        %parallel_loop3A_562 = arith.addi %parallel_loop3A_193, %parallel_loop3A_561 : vector<16xi32>
        %parallel_loop3A_563 = arith.constant 1 : i32
        %parallel_loop3A_564 = arith.constant 0 : i32
        %parallel_loop3A_565 = arith.constant 0 : i32
        %parallel_loop3A_566 = tpu.memref_slice %arg7[%parallel_loop3A_563, %parallel_loop3A_564, %parallel_loop3A_565] : memref<2x8x1024xf32, #tpu.memory_space<vmem>> -> memref<1x8x1024xf32, #tpu.memory_space<vmem>>
        %parallel_loop3A_567 = tpu.memref_squeeze %parallel_loop3A_566 : memref<1x8x1024xf32, #tpu.memory_space<vmem>> -> memref<8x1024xf32, #tpu.memory_space<vmem>>
        tpu.vector_store_idx %parallel_loop3A_567[%parallel_loop3A_553, %parallel_loop3A_562], %parallel_loop3A_559 : memref<8x1024xf32, #tpu.memory_space<vmem>>[vector<16xi32>, vector<16xi32>], vector<16xf32>,
        %parallel_loop3A_568 = arith.constant 1 : i32
        %parallel_loop3A_569 = arith.constant 0 : i32
        %parallel_loop3A_570 = arith.constant 0 : i32
        %parallel_loop3A_571 = tpu.memref_slice %arg6[%parallel_loop3A_568, %parallel_loop3A_569, %parallel_loop3A_570] : memref<2x128x64xf32, #tpu.memory_space<vmem>> -> memref<1x128x64xf32, #tpu.memory_space<vmem>>
        %parallel_loop3A_572 = tpu.memref_squeeze %parallel_loop3A_571 : memref<1x128x64xf32, #tpu.memory_space<vmem>> -> memref<128x64xf32, #tpu.memory_space<vmem>>
        %parallel_loop3A_573 = tpu.vector_load_idx %parallel_loop3A_572[%add3A_29, %parallel_loop3A_550] : memref<128x64xf32, #tpu.memory_space<vmem>>[vector<16xi32>, vector<16xi32>], vector<16xf32>,
        %parallel_loop3A_574 = arith.constant 16 : i32
        %parallel_loop3A_575 = vector.broadcast %parallel_loop3A_574 : i32 to vector<16xi32>
        %parallel_loop3A_576 = arith.addi %parallel_loop3A_193, %parallel_loop3A_575 : vector<16xi32>
        %parallel_loop3A_577 = arith.constant 1 : i32
        %parallel_loop3A_578 = arith.constant 0 : i32
        %parallel_loop3A_579 = arith.constant 0 : i32
        %parallel_loop3A_580 = tpu.memref_slice %arg7[%parallel_loop3A_577, %parallel_loop3A_578, %parallel_loop3A_579] : memref<2x8x1024xf32, #tpu.memory_space<vmem>> -> memref<1x8x1024xf32, #tpu.memory_space<vmem>>
        %parallel_loop3A_581 = tpu.memref_squeeze %parallel_loop3A_580 : memref<1x8x1024xf32, #tpu.memory_space<vmem>> -> memref<8x1024xf32, #tpu.memory_space<vmem>>
        tpu.vector_store_idx %parallel_loop3A_581[%parallel_loop3A_553, %parallel_loop3A_576], %parallel_loop3A_573 : memref<8x1024xf32, #tpu.memory_space<vmem>>[vector<16xi32>, vector<16xi32>], vector<16xf32>,
        %parallel_loop3A_582 = arith.constant 1 : i32
        %parallel_loop3A_583 = arith.constant 0 : i32
        %parallel_loop3A_584 = arith.constant 0 : i32
        %parallel_loop3A_585 = tpu.memref_slice %arg6[%parallel_loop3A_582, %parallel_loop3A_583, %parallel_loop3A_584] : memref<2x128x64xf32, #tpu.memory_space<vmem>> -> memref<1x128x64xf32, #tpu.memory_space<vmem>>
        %parallel_loop3A_586 = tpu.memref_squeeze %parallel_loop3A_585 : memref<1x128x64xf32, #tpu.memory_space<vmem>> -> memref<128x64xf32, #tpu.memory_space<vmem>>
        %parallel_loop3A_587 = tpu.vector_load_idx %parallel_loop3A_586[%add3A_32, %parallel_loop3A_550] : memref<128x64xf32, #tpu.memory_space<vmem>>[vector<16xi32>, vector<16xi32>], vector<16xf32>,
        %parallel_loop3A_588 = arith.constant 32 : i32
        %parallel_loop3A_589 = vector.broadcast %parallel_loop3A_588 : i32 to vector<16xi32>
        %parallel_loop3A_590 = arith.addi %parallel_loop3A_193, %parallel_loop3A_589 : vector<16xi32>
        %parallel_loop3A_591 = arith.constant 1 : i32
        %parallel_loop3A_592 = arith.constant 0 : i32
        %parallel_loop3A_593 = arith.constant 0 : i32
        %parallel_loop3A_594 = tpu.memref_slice %arg7[%parallel_loop3A_591, %parallel_loop3A_592, %parallel_loop3A_593] : memref<2x8x1024xf32, #tpu.memory_space<vmem>> -> memref<1x8x1024xf32, #tpu.memory_space<vmem>>
        %parallel_loop3A_595 = tpu.memref_squeeze %parallel_loop3A_594 : memref<1x8x1024xf32, #tpu.memory_space<vmem>> -> memref<8x1024xf32, #tpu.memory_space<vmem>>
        tpu.vector_store_idx %parallel_loop3A_595[%parallel_loop3A_553, %parallel_loop3A_590], %parallel_loop3A_587 : memref<8x1024xf32, #tpu.memory_space<vmem>>[vector<16xi32>, vector<16xi32>], vector<16xf32>,
        %parallel_loop3A_596 = arith.constant 1 : i32
        %parallel_loop3A_597 = arith.constant 0 : i32
        %parallel_loop3A_598 = arith.constant 0 : i32
        %parallel_loop3A_599 = tpu.memref_slice %arg6[%parallel_loop3A_596, %parallel_loop3A_597, %parallel_loop3A_598] : memref<2x128x64xf32, #tpu.memory_space<vmem>> -> memref<1x128x64xf32, #tpu.memory_space<vmem>>
        %parallel_loop3A_600 = tpu.memref_squeeze %parallel_loop3A_599 : memref<1x128x64xf32, #tpu.memory_space<vmem>> -> memref<128x64xf32, #tpu.memory_space<vmem>>
        %parallel_loop3A_601 = tpu.vector_load_idx %parallel_loop3A_600[%add3A_35, %parallel_loop3A_550] : memref<128x64xf32, #tpu.memory_space<vmem>>[vector<16xi32>, vector<16xi32>], vector<16xf32>,
        %parallel_loop3A_602 = arith.constant 48 : i32
        %parallel_loop3A_603 = vector.broadcast %parallel_loop3A_602 : i32 to vector<16xi32>
        %parallel_loop3A_604 = arith.addi %parallel_loop3A_193, %parallel_loop3A_603 : vector<16xi32>
        %parallel_loop3A_605 = arith.constant 1 : i32
        %parallel_loop3A_606 = arith.constant 0 : i32
        %parallel_loop3A_607 = arith.constant 0 : i32
        %parallel_loop3A_608 = tpu.memref_slice %arg7[%parallel_loop3A_605, %parallel_loop3A_606, %parallel_loop3A_607] : memref<2x8x1024xf32, #tpu.memory_space<vmem>> -> memref<1x8x1024xf32, #tpu.memory_space<vmem>>
        %parallel_loop3A_609 = tpu.memref_squeeze %parallel_loop3A_608 : memref<1x8x1024xf32, #tpu.memory_space<vmem>> -> memref<8x1024xf32, #tpu.memory_space<vmem>>
        tpu.vector_store_idx %parallel_loop3A_609[%parallel_loop3A_553, %parallel_loop3A_604], %parallel_loop3A_601 : memref<8x1024xf32, #tpu.memory_space<vmem>>[vector<16xi32>, vector<16xi32>], vector<16xf32>,
        %parallel_loop3A_610 = arith.constant 1 : i32
        %parallel_loop3A_611 = arith.constant 0 : i32
        %parallel_loop3A_612 = arith.constant 0 : i32
        %parallel_loop3A_613 = tpu.memref_slice %arg6[%parallel_loop3A_610, %parallel_loop3A_611, %parallel_loop3A_612] : memref<2x128x64xf32, #tpu.memory_space<vmem>> -> memref<1x128x64xf32, #tpu.memory_space<vmem>>
        %parallel_loop3A_614 = tpu.memref_squeeze %parallel_loop3A_613 : memref<1x128x64xf32, #tpu.memory_space<vmem>> -> memref<128x64xf32, #tpu.memory_space<vmem>>
        %parallel_loop3A_615 = tpu.vector_load_idx %parallel_loop3A_614[%add3A_38, %parallel_loop3A_550] : memref<128x64xf32, #tpu.memory_space<vmem>>[vector<16xi32>, vector<16xi32>], vector<16xf32>,
        %parallel_loop3A_616 = arith.constant 64 : i32
        %parallel_loop3A_617 = vector.broadcast %parallel_loop3A_616 : i32 to vector<16xi32>
        %parallel_loop3A_618 = arith.addi %parallel_loop3A_193, %parallel_loop3A_617 : vector<16xi32>
        %parallel_loop3A_619 = arith.constant 1 : i32
        %parallel_loop3A_620 = arith.constant 0 : i32
        %parallel_loop3A_621 = arith.constant 0 : i32
        %parallel_loop3A_622 = tpu.memref_slice %arg7[%parallel_loop3A_619, %parallel_loop3A_620, %parallel_loop3A_621] : memref<2x8x1024xf32, #tpu.memory_space<vmem>> -> memref<1x8x1024xf32, #tpu.memory_space<vmem>>
        %parallel_loop3A_623 = tpu.memref_squeeze %parallel_loop3A_622 : memref<1x8x1024xf32, #tpu.memory_space<vmem>> -> memref<8x1024xf32, #tpu.memory_space<vmem>>
        tpu.vector_store_idx %parallel_loop3A_623[%parallel_loop3A_553, %parallel_loop3A_618], %parallel_loop3A_615 : memref<8x1024xf32, #tpu.memory_space<vmem>>[vector<16xi32>, vector<16xi32>], vector<16xf32>,
        %parallel_loop3A_624 = arith.constant 1 : i32
        %parallel_loop3A_625 = arith.constant 0 : i32
        %parallel_loop3A_626 = arith.constant 0 : i32
        %parallel_loop3A_627 = tpu.memref_slice %arg6[%parallel_loop3A_624, %parallel_loop3A_625, %parallel_loop3A_626] : memref<2x128x64xf32, #tpu.memory_space<vmem>> -> memref<1x128x64xf32, #tpu.memory_space<vmem>>
        %parallel_loop3A_628 = tpu.memref_squeeze %parallel_loop3A_627 : memref<1x128x64xf32, #tpu.memory_space<vmem>> -> memref<128x64xf32, #tpu.memory_space<vmem>>
        %parallel_loop3A_629 = tpu.vector_load_idx %parallel_loop3A_628[%add3A_41, %parallel_loop3A_550] : memref<128x64xf32, #tpu.memory_space<vmem>>[vector<16xi32>, vector<16xi32>], vector<16xf32>,
        %parallel_loop3A_630 = arith.constant 80 : i32
        %parallel_loop3A_631 = vector.broadcast %parallel_loop3A_630 : i32 to vector<16xi32>
        %parallel_loop3A_632 = arith.addi %parallel_loop3A_193, %parallel_loop3A_631 : vector<16xi32>
        %parallel_loop3A_633 = arith.constant 1 : i32
        %parallel_loop3A_634 = arith.constant 0 : i32
        %parallel_loop3A_635 = arith.constant 0 : i32
        %parallel_loop3A_636 = tpu.memref_slice %arg7[%parallel_loop3A_633, %parallel_loop3A_634, %parallel_loop3A_635] : memref<2x8x1024xf32, #tpu.memory_space<vmem>> -> memref<1x8x1024xf32, #tpu.memory_space<vmem>>
        %parallel_loop3A_637 = tpu.memref_squeeze %parallel_loop3A_636 : memref<1x8x1024xf32, #tpu.memory_space<vmem>> -> memref<8x1024xf32, #tpu.memory_space<vmem>>
        tpu.vector_store_idx %parallel_loop3A_637[%parallel_loop3A_553, %parallel_loop3A_632], %parallel_loop3A_629 : memref<8x1024xf32, #tpu.memory_space<vmem>>[vector<16xi32>, vector<16xi32>], vector<16xf32>,
        %parallel_loop3A_638 = arith.constant 1 : i32
        %parallel_loop3A_639 = arith.constant 0 : i32
        %parallel_loop3A_640 = arith.constant 0 : i32
        %parallel_loop3A_641 = tpu.memref_slice %arg6[%parallel_loop3A_638, %parallel_loop3A_639, %parallel_loop3A_640] : memref<2x128x64xf32, #tpu.memory_space<vmem>> -> memref<1x128x64xf32, #tpu.memory_space<vmem>>
        %parallel_loop3A_642 = tpu.memref_squeeze %parallel_loop3A_641 : memref<1x128x64xf32, #tpu.memory_space<vmem>> -> memref<128x64xf32, #tpu.memory_space<vmem>>
        %parallel_loop3A_643 = tpu.vector_load_idx %parallel_loop3A_642[%add3A_44, %parallel_loop3A_550] : memref<128x64xf32, #tpu.memory_space<vmem>>[vector<16xi32>, vector<16xi32>], vector<16xf32>,
        %parallel_loop3A_644 = arith.constant 96 : i32
        %parallel_loop3A_645 = vector.broadcast %parallel_loop3A_644 : i32 to vector<16xi32>
        %parallel_loop3A_646 = arith.addi %parallel_loop3A_193, %parallel_loop3A_645 : vector<16xi32>
        %parallel_loop3A_647 = arith.constant 1 : i32
        %parallel_loop3A_648 = arith.constant 0 : i32
        %parallel_loop3A_649 = arith.constant 0 : i32
        %parallel_loop3A_650 = tpu.memref_slice %arg7[%parallel_loop3A_647, %parallel_loop3A_648, %parallel_loop3A_649] : memref<2x8x1024xf32, #tpu.memory_space<vmem>> -> memref<1x8x1024xf32, #tpu.memory_space<vmem>>
        %parallel_loop3A_651 = tpu.memref_squeeze %parallel_loop3A_650 : memref<1x8x1024xf32, #tpu.memory_space<vmem>> -> memref<8x1024xf32, #tpu.memory_space<vmem>>
        tpu.vector_store_idx %parallel_loop3A_651[%parallel_loop3A_553, %parallel_loop3A_646], %parallel_loop3A_643 : memref<8x1024xf32, #tpu.memory_space<vmem>>[vector<16xi32>, vector<16xi32>], vector<16xf32>,
        %parallel_loop3A_652 = arith.constant 1 : i32
        %parallel_loop3A_653 = arith.constant 0 : i32
        %parallel_loop3A_654 = arith.constant 0 : i32
        %parallel_loop3A_655 = tpu.memref_slice %arg6[%parallel_loop3A_652, %parallel_loop3A_653, %parallel_loop3A_654] : memref<2x128x64xf32, #tpu.memory_space<vmem>> -> memref<1x128x64xf32, #tpu.memory_space<vmem>>
        %parallel_loop3A_656 = tpu.memref_squeeze %parallel_loop3A_655 : memref<1x128x64xf32, #tpu.memory_space<vmem>> -> memref<128x64xf32, #tpu.memory_space<vmem>>
        %parallel_loop3A_657 = tpu.vector_load_idx %parallel_loop3A_656[%add3A_47, %parallel_loop3A_550] : memref<128x64xf32, #tpu.memory_space<vmem>>[vector<16xi32>, vector<16xi32>], vector<16xf32>,
        %parallel_loop3A_658 = arith.constant 112 : i32
        %parallel_loop3A_659 = vector.broadcast %parallel_loop3A_658 : i32 to vector<16xi32>
        %parallel_loop3A_660 = arith.addi %parallel_loop3A_193, %parallel_loop3A_659 : vector<16xi32>
        %parallel_loop3A_661 = arith.constant 1 : i32
        %parallel_loop3A_662 = arith.constant 0 : i32
        %parallel_loop3A_663 = arith.constant 0 : i32
        %parallel_loop3A_664 = tpu.memref_slice %arg7[%parallel_loop3A_661, %parallel_loop3A_662, %parallel_loop3A_663] : memref<2x8x1024xf32, #tpu.memory_space<vmem>> -> memref<1x8x1024xf32, #tpu.memory_space<vmem>>
        %parallel_loop3A_665 = tpu.memref_squeeze %parallel_loop3A_664 : memref<1x8x1024xf32, #tpu.memory_space<vmem>> -> memref<8x1024xf32, #tpu.memory_space<vmem>>
        tpu.vector_store_idx %parallel_loop3A_665[%parallel_loop3A_553, %parallel_loop3A_660], %parallel_loop3A_657 : memref<8x1024xf32, #tpu.memory_space<vmem>>[vector<16xi32>, vector<16xi32>], vector<16xf32>,
      } {sc.loop_unroll_factor = 2 : i64, sc.parallel_access}
      %dma_start3A_154 = arith.constant 1 : i32
      %dma_start3A_155 = arith.constant 0 : i32
      %dma_start3A_156 = arith.constant 0 : i32
      %dma_start3A_157 = tpu.memref_slice %arg7[%dma_start3A_154, %dma_start3A_155, %dma_start3A_156] : memref<2x8x1024xf32, #tpu.memory_space<vmem>> -> memref<1x8x1024xf32, #tpu.memory_space<vmem>>
      %dma_start3A_158 = tpu.memref_squeeze %dma_start3A_157 : memref<1x8x1024xf32, #tpu.memory_space<vmem>> -> memref<8x1024xf32, #tpu.memory_space<vmem>>
      %dma_start3A_159 = arith.constant 0 : i32
      %dma_start3A_160 = arith.constant 0 : i32
      %dma_start3A_161 = tpu.memref_slice %arg4[%add3A_134, %dma_start3A_159, %add3A, %dma_start3A_160] : memref<200x8x32x1024xf32, #tpu.memory_space<hbm>> -> memref<1x8x1x1024xf32, #tpu.memory_space<hbm>>
      %dma_start3A_162 = tpu.memref_squeeze %dma_start3A_161 : memref<1x8x1x1024xf32, #tpu.memory_space<hbm>> -> memref<8x1024xf32, #tpu.memory_space<hbm>>
      %dma_start3A_163 = arith.constant 0 : i32
      %dma_start3A_164 = arith.constant 0 : i32
      %dma_start3A_165 = tpu.memref_slice %arg4[%add3A_134, %dma_start3A_163, %add3A, %dma_start3A_164] : memref<200x8x32x1024xf32, #tpu.memory_space<hbm>> -> memref<1x8x1x1024xf32, #tpu.memory_space<hbm>>
      %dma_start3A_166 = tpu.memref_squeeze %dma_start3A_165 : memref<1x8x1x1024xf32, #tpu.memory_space<hbm>> -> memref<8x1024xf32, #tpu.memory_space<hbm>>
      %dma_start3A_167 = arith.constant 0 : i32
      %dma_start3A_168 = arith.constant 0 : i32
      %dma_start3A_169 = tpu.memref_slice %arg7[%dma_start3A_154, %dma_start3A_167, %dma_start3A_168] : memref<2x8x1024xf32, #tpu.memory_space<vmem>> -> memref<1x8x1024xf32, #tpu.memory_space<vmem>>
      %dma_start3A_170 = tpu.memref_squeeze %dma_start3A_169 : memref<1x8x1024xf32, #tpu.memory_space<vmem>> -> memref<8x1024xf32, #tpu.memory_space<vmem>>
      tpu.enqueue_dma source(%dma_start3A_170 : memref<8x1024xf32, #tpu.memory_space<vmem>>) target(%dma_start3A_166 : memref<8x1024xf32, #tpu.memory_space<hbm>>) target_semaphore(%arg11 : memref<!tpu.dma_semaphore, #tpu.memory_space<semaphore_mem>>)
      %add3A_171 = arith.constant 2 : i32
      %add3A_172 = arith.addi %add3A_134, %add3A_171 : i32
      %lt3A_173 = arith.constant 200 : i32
      %lt3A_174 = arith.cmpi slt, %add3A_172, %lt3A_173 : i32
      %convert_element_type3A_175 = arith.extui %lt3A_174 : i1 to i32
      %cond3A_176 = arith.constant 0 : i32
      %cond3A_177 = arith.cmpi ne, %convert_element_type3A_175, %cond3A_176 : i32
      scf.if %cond3A_177 {
        %add3A_178 = arith.constant 2 : i32
        %add3A_179 = arith.addi %add3A_134, %add3A_178 : i32
        %dma_start3A_180 = arith.constant 1 : i32
        %dma_start3A_181 = arith.constant 0 : i32
        %dma_start3A_182 = arith.constant 0 : i32
        %dma_start3A_183 = tpu.memref_slice %arg6[%dma_start3A_180, %dma_start3A_181, %dma_start3A_182] : memref<2x128x64xf32, #tpu.memory_space<vmem>> -> memref<1x128x64xf32, #tpu.memory_space<vmem>>
        %dma_start3A_184 = tpu.memref_squeeze %dma_start3A_183 : memref<1x128x64xf32, #tpu.memory_space<vmem>> -> memref<128x64xf32, #tpu.memory_space<vmem>>
        %dma_start3A_185 = arith.constant 0 : i32
        %dma_start3A_186 = tpu.memref_slice %arg5[%add3A_179, %dma_start3A_185] : memref<200x128xi32, #tpu.memory_space<vmem>> -> memref<1x128xi32, #tpu.memory_space<vmem>>
        %dma_start3A_187 = tpu.memref_squeeze %dma_start3A_186 : memref<1x128xi32, #tpu.memory_space<vmem>> -> memref<128xi32, #tpu.memory_space<vmem>>
        %dma_start3A_188 = arith.constant 0 : i32
        %dma_start3A_189 = arith.constant 0 : i32
        %dma_start3A_190 = tpu.memref_slice %arg2[%dma_start3A_188, %dma_start3A_189] : memref<100000x64xf32, #tpu.memory_space<hbm>> -> memref<100000x64xf32, #tpu.memory_space<hbm>>
        tpu.enqueue_indirect_dma source(%dma_start3A_190 : memref<100000x64xf32, #tpu.memory_space<hbm>>) target(%dma_start3A_184 : memref<128x64xf32, #tpu.memory_space<vmem>>) offsets(%dma_start3A_187 : memref<128xi32, #tpu.memory_space<vmem>>) semaphore(%arg9 : memref<!tpu.dma_semaphore, #tpu.memory_space<semaphore_mem>>)
      } else {
      }
    }
    %scan3A_52 = arith.constant 100 : i32
    %dma_wait3A = arith.constant 0 : i32
    %dma_wait3A_53 = arith.constant 198 : i32
    %dma_wait3A_54 = arith.constant 0 : i32
    %dma_wait3A_55 = arith.constant 0 : i32
    %dma_wait3A_56 = tpu.memref_slice %arg7[%dma_wait3A, %dma_wait3A_54, %dma_wait3A_55] : memref<2x8x1024xf32, #tpu.memory_space<vmem>> -> memref<1x8x1024xf32, #tpu.memory_space<vmem>>
    %dma_wait3A_57 = tpu.memref_squeeze %dma_wait3A_56 : memref<1x8x1024xf32, #tpu.memory_space<vmem>> -> memref<8x1024xf32, #tpu.memory_space<vmem>>
    %dma_wait3A_58 = arith.constant 0 : i32
    %dma_wait3A_59 = arith.constant 0 : i32
    %dma_wait3A_60 = tpu.memref_slice %arg4[%dma_wait3A_53, %dma_wait3A_58, %add3A, %dma_wait3A_59] : memref<200x8x32x1024xf32, #tpu.memory_space<hbm>> -> memref<1x8x1x1024xf32, #tpu.memory_space<hbm>>
    %dma_wait3A_61 = tpu.memref_squeeze %dma_wait3A_60 : memref<1x8x1x1024xf32, #tpu.memory_space<hbm>> -> memref<8x1024xf32, #tpu.memory_space<hbm>>
    %dma_wait3A_62 = arith.constant 0 : i32
    %dma_wait3A_63 = arith.constant 0 : i32
    %dma_wait3A_64 = tpu.memref_slice %arg4[%dma_wait3A_53, %dma_wait3A_62, %add3A, %dma_wait3A_63] : memref<200x8x32x1024xf32, #tpu.memory_space<hbm>> -> memref<1x8x1x1024xf32, #tpu.memory_space<hbm>>
    %dma_wait3A_65 = tpu.memref_squeeze %dma_wait3A_64 : memref<1x8x1x1024xf32, #tpu.memory_space<hbm>> -> memref<8x1024xf32, #tpu.memory_space<hbm>>
    %dma_wait3A_66 = arith.constant 0 : i32
    %dma_wait3A_67 = arith.constant 0 : i32
    %dma_wait3A_68 = tpu.memref_slice %arg7[%dma_wait3A, %dma_wait3A_66, %dma_wait3A_67] : memref<2x8x1024xf32, #tpu.memory_space<vmem>> -> memref<1x8x1024xf32, #tpu.memory_space<vmem>>
    %dma_wait3A_69 = tpu.memref_squeeze %dma_wait3A_68 : memref<1x8x1024xf32, #tpu.memory_space<vmem>> -> memref<8x1024xf32, #tpu.memory_space<vmem>>
    tpu.wait_dma2 semaphore(%arg10 : memref<!tpu.dma_semaphore, #tpu.memory_space<semaphore_mem>>) src(%dma_wait3A_69 : memref<8x1024xf32, #tpu.memory_space<vmem>>) dst(%dma_wait3A_65 : memref<8x1024xf32, #tpu.memory_space<hbm>>)
    %dma_wait3A_70 = arith.constant 1 : i32
    %dma_wait3A_71 = arith.constant 199 : i32
    %dma_wait3A_72 = arith.constant 0 : i32
    %dma_wait3A_73 = arith.constant 0 : i32
    %dma_wait3A_74 = tpu.memref_slice %arg7[%dma_wait3A_70, %dma_wait3A_72, %dma_wait3A_73] : memref<2x8x1024xf32, #tpu.memory_space<vmem>> -> memref<1x8x1024xf32, #tpu.memory_space<vmem>>
    %dma_wait3A_75 = tpu.memref_squeeze %dma_wait3A_74 : memref<1x8x1024xf32, #tpu.memory_space<vmem>> -> memref<8x1024xf32, #tpu.memory_space<vmem>>
    %dma_wait3A_76 = arith.constant 0 : i32
    %dma_wait3A_77 = arith.constant 0 : i32
    %dma_wait3A_78 = tpu.memref_slice %arg4[%dma_wait3A_71, %dma_wait3A_76, %add3A, %dma_wait3A_77] : memref<200x8x32x1024xf32, #tpu.memory_space<hbm>> -> memref<1x8x1x1024xf32, #tpu.memory_space<hbm>>
    %dma_wait3A_79 = tpu.memref_squeeze %dma_wait3A_78 : memref<1x8x1x1024xf32, #tpu.memory_space<hbm>> -> memref<8x1024xf32, #tpu.memory_space<hbm>>
    %dma_wait3A_80 = arith.constant 0 : i32
    %dma_wait3A_81 = arith.constant 0 : i32
    %dma_wait3A_82 = tpu.memref_slice %arg4[%dma_wait3A_71, %dma_wait3A_80, %add3A, %dma_wait3A_81] : memref<200x8x32x1024xf32, #tpu.memory_space<hbm>> -> memref<1x8x1x1024xf32, #tpu.memory_space<hbm>>
    %dma_wait3A_83 = tpu.memref_squeeze %dma_wait3A_82 : memref<1x8x1x1024xf32, #tpu.memory_space<hbm>> -> memref<8x1024xf32, #tpu.memory_space<hbm>>
    %dma_wait3A_84 = arith.constant 0 : i32
    %dma_wait3A_85 = arith.constant 0 : i32
    %dma_wait3A_86 = tpu.memref_slice %arg7[%dma_wait3A_70, %dma_wait3A_84, %dma_wait3A_85] : memref<2x8x1024xf32, #tpu.memory_space<vmem>> -> memref<1x8x1024xf32, #tpu.memory_space<vmem>>
    %dma_wait3A_87 = tpu.memref_squeeze %dma_wait3A_86 : memref<1x8x1024xf32, #tpu.memory_space<vmem>> -> memref<8x1024xf32, #tpu.memory_space<vmem>>
    tpu.wait_dma2 semaphore(%arg11 : memref<!tpu.dma_semaphore, #tpu.memory_space<semaphore_mem>>) src(%dma_wait3A_87 : memref<8x1024xf32, #tpu.memory_space<vmem>>) dst(%dma_wait3A_83 : memref<8x1024xf32, #tpu.memory_space<hbm>>)
    return
  }
}

</mosaic_0001>

<sc_bundles>
// kernel: kernel.3.cloned.1.call-start
scs
__scs_entry_jumppad:
0x0: {  	(pc) =	sbr.rel $0x88, $3  }
0x1: {  	(tag) =	ssettag $0x0;
	lr =	simm.s32 $0x1  }
0x2: {  	[smem:$0x3F9F] =	sst lr;
	_ =	strace $0xD0000000  }
0x3: {  	_ = 	snop  }
0x4: {  	_ = 	snop  }
0x5: {  	_ = 	snop  }
0x6: {  	_ = 	snop  }
0x7: {  	_ = 	snop  }
__scs_overlays_trampoline_lowered:
0x8: {  	[smem:$0x3FAE] =	sst s0  }
0x9: {  	[smem:$0x3FAF] =	sst s1  }
0xa: {  	[smem:$0x3FB0] =	sst s2  }
0xb: {  	[smem:$0x3FB1] =	sst s3  }
0xc: {  	[smem:$0x3FB2] =	sst s4  }
0xd: {  	[smem:$0x3FB3] =	sst s5  }
0xe: {  	[smem:$0x3FB4] =	sst s6  }
0xf: {  	[smem:$0x3FB5] =	sst s7  }
0x10: {  	[smem:$0x3FB6] =	sst s8  }
0x11: {  	[smem:$0x3FB7] =	sst s9;
	s0 =	simm.s32 @!p0 $0x0  }
0x12: {  	s1 =	sld [smem:$0x3F9D];
	s0 =	simm.s32 @p0 $0x1  }
0x13: {  	[smem:$0x3FB8] =	sst s0;
	s0 =	simm.s32 @!p1 $0x0  }
0x14: {  	s2 =	sld [smem:$0x3F9C];
	s0 =	simm.s32 @p1 $0x1  }
0x15: {  	[smem:$0x3FB9] =	sst s0;
	s0 =	simm.s32 @!p2 $0x0  }
0x16: {  	s3 =	sld [smem:$0x3FDB];
	s0 =	simm.s32 @p2 $0x1  }
0x17: {  	s4 =	simm.s32 $0x1BF5;
	[smem:$0x3FBB] =	sst s0  }
0x18: {  	s0 =	sld [smem:$0x3F9E];
	_ =	swait.ge [sflag:s4], $0x0  }
0x19: {  	s7 =	sld [smem:$0x3F9F]  }
0x1a: {  	s8 =	sadd.s32 $0xFFFFE003, lr  }
0x1b: {  	s9 =	sadd.s32 $0xFFFFFEF7, lr;
	s5 =	simm.s32 $0xFFFFFFFF;
	p2 =	slt.u32 s8, $0xFFFFF086  }
0x1c: {  	p1 =	slt.u32 s9, $0xF7A;
	s5 =	simm.s32 @!p2 $0x0  }
0x1d: {  	s5 =	simm.s32 @p1 $0x1;
	p0 =	seq.s32 s7, s2  }
0x1e: {  	s7 =	smul.u32 @!p0 $0xF7A, s2;
	p2 =	seq.s32 @!p0 s5, $0x0  }
0x1f: {  	s9 =	smul.u32 $0xF7A, s1;
	s8 =	simm.s32 @!p0 $0x1BF5;
	p2 =	por !p2, p0  }
0x20: {  	[sflag:s8] =	ssyncset.s32 @!p0 $0xFFFFF086;
	s6 =	sadd.s32 @!p0 s3, s7;
	s7 =	simm.s32 @!p0 $0x108  }
0x21: {  	s3 =	sadd.s32 s3, s9;
	s6 =	sadd.s32 @!p0 $0x88, s6;
	s7 =	simm.s32 @p2 $0x1082  }
0x22: {  	[simem:s7], [sflag:s8] =	dma.local @!p0 [hbm:s6], $0xF7A  }
0x23: {  	s9 =	sor.u32 $0xD0000000, s2;
	s6 =	simm.s32 $0x108;
	_ =	swait.ge @!p0 [sflag:s8], $0x0  }
0x24: {  	s3 =	sadd.s32 $0x88, s3;
	s6 =	simm.s32 @!p1 $0x1082;
	[sflag:s4] =	ssyncset.s32 $0xFFFFF086  }
0x25: {  	[simem:s6], [sflag:s4] =	dma.local [hbm:s3], $0xF7A  }
0x26: {  	[smem:$0x3F9F] =	sst s1;
	(tag) =	ssettag s2;
	_ =	strace s9  }
0x27: {  	s1 =	sld [smem:$0x3FAF]  }
0x28: {  	s2 =	sld [smem:$0x3FB0]  }
0x29: {  	s4 =	sld [smem:$0x3FB2]  }
0x2a: {  	p0 =	seq.s32 s5, $0x0;
	s5 =	sld [smem:$0x3FB3]  }
0x2b: {  	s6 =	sld [smem:$0x3FB4]  }
0x2c: {  	s7 =	sld [smem:$0x3FB5]  }
0x2d: {  	s3 =	simm.s32 $0x108;
	s8 =	sld [smem:$0x3FB6]  }
0x2e: {  	s3 =	simm.s32 @!p0 $0x1082;
	s9 =	sld [smem:$0x3FB7]  }
0x2f: {  	lr =	sadd.s32 s0, s3;
	s0 =	sld [smem:$0x3FAE]  }
0x30: {  	s3 =	sld [smem:$0x3FB1]  }
0x31: {  	[smem:$0x3FBA] =	sst s10  }
0x32: {  	s10 =	sld [smem:$0x3FB8];
	_ =	sdelay $0x3  }
0x33: {  	p0 =	seq.s32 s10, $0x1;
	s10 =	sld [smem:$0x3FBA];
	_ =	sdelay $0x3  }
0x34: {  	[smem:$0x3FBA] =	sst s10  }
0x35: {  	s10 =	sld [smem:$0x3FB9];
	_ =	sdelay $0x3  }
0x36: {  	p1 =	seq.s32 s10, $0x1;
	s10 =	sld [smem:$0x3FBA];
	_ =	sdelay $0x3  }
0x37: {  	[smem:$0x3FBA] =	sst s10  }
0x38: {  	s10 =	sld [smem:$0x3FBB]  }
0x39: {  	_ = 	snop;
	(pc) =	sbr.ind lr, $3  }
0x3a: {  	_ = 	snop  }
0x3b: {  	_ = 	snop  }
0x3c: {  	p2 =	seq.s32 s10, $0x1;
	s10 =	sld [smem:$0x3FBA]  }
0x3d: {  	_ =	shalt  }
0x3e: {  	_ =	shalt  }
0x3f: {  	_ =	shalt  }
0x40: {  	_ =	shalt  }
0x41: {  	_ =	shalt  }
0x42: {  	_ =	shalt  }
0x43: {  	_ =	shalt  }
0x44: {  	_ =	shalt  }
0x45: {  	_ =	shalt  }
0x46: {  	_ =	shalt  }
0x47: {  	_ =	shalt  }
0x48: {  	_ =	shalt  }
0x49: {  	_ =	shalt  }
0x4a: {  	_ =	shalt  }
0x4b: {  	_ =	shalt  }
0x4c: {  	_ =	shalt  }
0x4d: {  	_ =	shalt  }
0x4e: {  	_ =	shalt  }
0x4f: {  	_ =	shalt  }
0x50: {  	_ =	shalt  }
0x51: {  	_ =	shalt  }
0x52: {  	_ =	shalt  }
0x53: {  	_ =	shalt  }
0x54: {  	_ =	shalt  }
0x55: {  	_ =	shalt  }
0x56: {  	_ =	shalt  }
0x57: {  	_ =	shalt  }
0x58: {  	_ =	shalt  }
0x59: {  	_ =	shalt  }
0x5a: {  	_ =	shalt  }
0x5b: {  	_ =	shalt  }
0x5c: {  	_ =	shalt  }
0x5d: {  	_ =	shalt  }
0x5e: {  	_ =	shalt  }
0x5f: {  	_ =	shalt  }
0x60: {  	_ =	shalt  }
0x61: {  	_ =	shalt  }
0x62: {  	_ =	shalt  }
0x63: {  	_ =	shalt  }
0x64: {  	_ =	shalt  }
0x65: {  	_ =	shalt  }
0x66: {  	_ =	shalt  }
0x67: {  	_ =	shalt  }
0x68: {  	_ =	shalt  }
0x69: {  	_ =	shalt  }
0x6a: {  	_ =	shalt  }
0x6b: {  	_ =	shalt  }
0x6c: {  	_ =	shalt  }
0x6d: {  	_ =	shalt  }
0x6e: {  	_ =	shalt  }
0x6f: {  	_ =	shalt  }
0x70: {  	_ =	shalt  }
0x71: {  	_ =	shalt  }
0x72: {  	_ =	shalt  }
0x73: {  	_ =	shalt  }
0x74: {  	_ =	shalt  }
0x75: {  	_ =	shalt  }
0x76: {  	_ =	shalt  }
0x77: {  	_ =	shalt  }
0x78: {  	_ =	shalt  }
0x79: {  	_ =	shalt  }
0x7a: {  	_ =	shalt  }
0x7b: {  	_ =	shalt  }
0x7c: {  	_ =	shalt  }
0x7d: {  	_ =	shalt  }
0x7e: {  	_ =	shalt  }
0x7f: {  	_ =	shalt  }
0x80: {  	_ =	shalt  }
0x81: {  	_ =	shalt  }
0x82: {  	_ =	shalt  }
0x83: {  	_ =	shalt  }
0x84: {  	_ =	shalt  }
0x85: {  	_ =	shalt  }
0x86: {  	_ =	shalt  }
0x87: {  	_ =	shalt  }
.Lfunc_end0:
.L_simem_size_0:
called_computation_lowered:
.L_overlay_start_0:
0x88: {  	s2 =	sld [smem:$0x3FD9]  }
0x89: {  	s3 =	sld [smem:$0x3FFE];
	_ =	sdelay $0x1  }
0x8a: {  	s1 =	srdreg.scid  }
0x8b: {  	s0 =	sand.u32 $0x1, s1  }
0x8c: {  	s17 =	sshll.u32 s0, $0xA;
	s2 =	sadd.s32 s3, s2  }
0x8d: {  	s2 =	sadd.s32 s2, s17  }
0x8e: {  	[smem:$0x3FC6] =	sst s2  }
0x8f: {  	_ = 	snop  }
0x90: {  	s2 =	sld [smem:$0x3FD0];
	(tm) =	ssettm $0x1  }
0x91: {  	s18 =	sld [smem:$0x3FFB];
	_ =	sdelay $0x3  }
0x92: {  	_ =	strace s18  }
0x93: {  	s3 =	sld [smem:$0x3FFC];
	_ =	sdelay $0x3  }
0x94: {  	_ =	strace s3  }
0x95: {  	s3 =	sld [smem:$0x3FFD];
	_ =	sdelay $0x3  }
0x96: {  	_ =	strace s3  }
0x97: {  	_ =	strace $0x8FFFFFFF  }
0x98: {  	s19 =	sld [smem:$0x3FDB];
	_ =	sdelay $0x1  }
0x99: {  	s4 =	simm.s32 $_scs_section_size  }
0x9a: {  	s5 =	simm.s32 $_size__tile_overlayer_lowered;
	s6 =	simm.s32 $_tile_overlayer_lowered  }
0x9b: {  	s22 =	simm.s32 $0x1BFF;
	s21 =	sshll.u32 s6, $0x1;
	s3 =	sadd.s32 s4, s19  }
0x9c: {  	s7 =	simm.s32 $0x0;
	s20 =	sshll.u32 s5, $0x1;
	s5 =	sadd.s32 s21, s3  }
0x9d: {  	[timem:s7], [sflag:s22] =	dma.local [hbm:s5], s20  }
0x9e: {  	_ =	swait.ge [sflag:s22], s20  }
0x9f: {  	s4 =	ssub.s32 $0x0, s20;
	[sflag:s22] =	ssyncset.done $0x0  }
0xa0: {  	[sflag:s22] =	ssyncadd.s32 s4;
	_ =	sdelay $0x1  }
0xa1: {  	s23 =	simm.s32 $0x1B8B  }
0xa2: {  	_ =	swait.ge [sflag:s23], $0x1  }
0xa3: {  	[sflag:s23] =	ssyncset.done $0x0  }
0xa4: {  	s25 =	simm.s32 $0x1B8E;
	s24 =	sld [smem:$0x3FFE];
	[sflag:s23] =	ssyncadd.s32 $0xFFFFFFFF  }
0xa5: {  	s26 =	simm.s32 $execute0_lowered;
	[smem:$0x3FD2] =	sst s25  }
0xa6: {  	s5 =	sshll.u32 s26, $0x1;
	_ =	strace $0x80000046;
	[dreg:$0x1] =	wrdreg $0xFFFFFFFF  }
0xa7: {  	s28 =	simm.s32 $_size_execute0_lowered;
	s3 =	sadd.s32 s3, s5;
	[dreg:$0x0] =	wrdreg $0x0  }
0xa8: {  	s5 =	sshll.u32 s28, $0x1;
	[dreg:$0x2] =	wrdreg s3  }
0xa9: {  	[dreg:$0x3] =	wrdreg s5  }
0xaa: {  	[dreg:$0x4] =	wrdreg $0xC0  }
0xab: {  	_ =	task [dreg:s7], $0x5FFFF  }
0xac: {  	[dreg:$0x1] =	wrdreg $0xFFFFFFFF  }
0xad: {  	[dreg:$0x0] =	wrdreg $0x60  }
0xae: {  	[dreg:$0x2] =	wrdreg s24  }
0xaf: {  	[dreg:$0x3] =	wrdreg s2  }
0xb0: {  	[dreg:$0x4] =	wrdreg $0x9  }
0xb1: {  	_ =	task.clear_ibuf [dreg:s7], $0x5FFFF;
	_ =	strace $0x90000046  }
0xb2: {  	s29 =	simm.s32 $0x9;
	_ =	strace $0x80000048  }
0xb3: {  	_ =	swait.ge [sflag:s29], $0x1  }
0xb4: {  	[sflag:s29] =	ssyncadd.s32 $0xFFFFFFFF  }
0xb5: {  	_ =	strace $0x90000048  }
0xb6: {  	_ =	sfence  }
0xb7: {  	s30 =	sld [smem:$0x0];
	_ =	sdelay $0x2  }
0xb8: {  	s31 =	sshll.u32 s1, $0xD;
	s1 =	sshrl.u32 s1, $0x2  }
0xb9: {  	s3 =	sand.u32 $0x4000, s31;
	s1 =	sadd.s32 s1, s30  }
0xba: {  	s0 =	sor.u32 s3, s0;
	s1 =	sshll.u32 s1, $0x11  }
0xbb: {  	s0 =	sor.u32 s1, s0  }
0xbc: {  	s0 =	sadd.s32 $0x8F2B, s0  }
0xbd: {  	[sflag:s0] =	ssyncadd.remote.s32 $0x1  }
0xbe: {  	_ =	sfence.sel $0xFFFF  }
0xbf: {  	[dreg:$0x0] =	wrdreg $0xFFFFFFFF;
	(pc) =	sbr.abs _section_cstart, $3  }
0xc0: {  	[dreg:$0x1] =	wrdreg $0xFFFFFFFF  }
0xc1: {  	_ =	task.clear_ibuf [dreg:s7], $0x2FFFF;
	_ =	strace $0x9FFFFFFF  }
0xc2: {  	(tm) =	ssettm $0x7FFFFFFF  }
0xc3: {  	_ =	shalt  }
tec
execute0_lowered:
.L_overlay_start_1:
0x0: {  	(tag) =	ssettag $0x1  }
0x1: {  	v1 =	vlaneseq.u32  }
0x2: {  	v0 =	vshrl.u32 v1, $0x3  }
0x3: {  	s5 =	rddreg [dreg:$0x0];
	v7 =	vmul.u32 $0x40, v1;
	v0 =	vmul.u32 $0x8, v0  }
0x4: {  	s1 =	rddreg [dreg:$0x1];
	s3 =	simm.s32 $0x0  }
0x5: {  	[smem:$0x7FF] =	sst s3;
	v63 =	vor.u32 $0x1810, v7;
	[tilespmem:$0x1FD40] =	vst v0  }
0x6: {  	s0 =	rddreg [dreg:$0x2];
	v22 =	vand.u32 $0x7, v1;
	_ =	strace $0x80000047;
	[tilespmem:$0x1FD50] =	vst v63  }
0x7: {  	v46 =	vor.u32 $0x400, v7;
	[tilespmem:$0x1FD70] =	vst v22  }
0x8: {  	v28 =	vor.u32 $0x10, v1;
	[tilespmem:$0x1FD80] =	vst v46  }
0x9: {  	v29 =	vor.u32 $0x800, v7;
	[tilespmem:$0x1FD90] =	vst v28  }
0xa: {  	v30 =	vor.u32 $0x20, v1;
	[tilespmem:$0x1FDA0] =	vst v29  }
0xb: {  	v31 =	vor.u32 $0xC00, v7;
	[tilespmem:$0x1FDB0] =	vst v30  }
0xc: {  	v33 =	vor.u32 $0x30, v1;
	[tilespmem:$0x1FDC0] =	vst v31  }
0xd: {  	v21 =	vor.u32 $0x1000, v7;
	[tilespmem:$0x1FDD0] =	vst v33  }
0xe: {  	v32 =	vor.u32 $0x40, v1;
	[tilespmem:$0x1FDE0] =	vst v21  }
0xf: {  	v18 =	vor.u32 $0x1400, v7;
	[tilespmem:$0x1FDF0] =	vst v32  }
0x10: {  	v35 =	vor.u32 $0x50, v1;
	[tilespmem:$0x1FE00] =	vst v18  }
0x11: {  	v36 =	vor.u32 $0x1800, v7;
	[tilespmem:$0x1FE10] =	vst v35  }
0x12: {  	v14 =	vor.u32 $0xC10, v7;
	[tilespmem:$0x1FE20] =	vst v36  }
0x13: {  	v25 =	vor.u32 $0x1010, v7;
	[tilespmem:$0x1FE30] =	vst v14  }
0x14: {  	v59 =	vor.u32 $0x1410, v7;
	[tilespmem:$0x1FE40] =	vst v25  }
0x15: {  	v17 =	vor.u32 $0x1C10, v7;
	[tilespmem:$0x1FE50] =	vst v59  }
0x16: {  	v53 =	vor.u32 $0x1820, v7;
	[tilespmem:$0x1FE60] =	vst v17  }
0x17: {  	v61 =	vor.u32 $0x1C20, v7;
	[tilespmem:$0x1FE70] =	vst v53  }
0x18: {  	v2 =	vor.u32 $0x30, v7;
	[tilespmem:$0x1FE80] =	vst v61  }
0x19: {  	v3 =	vor.u32 $0x1800, v22;
	[tilespmem:$0x1FE90] =	vst v2  }
0x1a: {  	v4 =	vor.u32 $0x430, v7;
	[tilespmem:$0x1FEA0] =	vst v3  }
0x1b: {  	v5 =	vor.u32 $0x830, v7;
	[tilespmem:$0x1FEB0] =	vst v4  }
0x1c: {  	v6 =	vor.u32 $0x1030, v7;
	[tilespmem:$0x1FEC0] =	vst v5  }
0x1d: {  	v19 =	vor.u32 $0x1830, v7;
	[tilespmem:$0x1FED0] =	vst v6  }
0x1e: {  	v16 =	vor.u32 $0x1430, v7;
	[tilespmem:$0x1FEF0] =	vst v19  }
0x1f: {  	v13 =	vor.u32 $0x1000, v22;
	[tilespmem:$0x1FF00] =	vst v16  }
0x20: {  	v15 =	vor.u32 $0x820, v7;
	[tilespmem:$0x1FF10] =	vst v13  }
0x21: {  	v55 =	vor.u32 $0x1020, v7;
	[tilespmem:$0x1FF20] =	vst v15  }
0x22: {  	v11 =	vor.u32 $0x20, v7;
	[tilespmem:$0x1FF30] =	vst v55  }
0x23: {  	v62 =	vor.u32 $0x420, v7;
	[tilespmem:$0x1FF40] =	vst v11  }
0x24: {  	v58 =	vor.u32 $0xC20, v7;
	[tilespmem:$0x1FF50] =	vst v62  }
0x25: {  	v57 =	vor.u32 $0x1420, v7;
	[tilespmem:$0x1FF60] =	vst v58  }
0x26: {  	v37 =	vor.u32 $0xC30, v7;
	[tilespmem:$0x1FF70] =	vst v57  }
0x27: {  	s4 =	srdreg.scid;
	s2 =	stileid.u32;
	s10 =	simm.s32 $0x1000;
	v50 =	vor.u32 $0x60, v1;
	[tilespmem:$0x1FF80] =	vst v37  }
0x28: {  	s11 =	simm.s32 $0x5;
	s12 =	simm.s32 $0x6400;
	s13 =	simm.s32 $0x8400;
	v52 =	vor.u32 $0x1C00, v7;
	[tilespmem:$0x1FF90] =	vst v50  }
0x29: {  	s14 =	simm.s32 $0x1;
	s15 =	simm.s32 $0xA400;
	s16 =	simm.s32 $0x400;
	v60 =	vor.u32 $0x70, v1;
	[tilespmem:$0x1FFA0] =	vst v52  }
0x2a: {  	s17 =	simm.s32 $0x8000;
	s18 =	simm.s32 $0x2;
	s19 =	simm.s32 $0x4;
	v8 =	vor.u32 $0x10, v7;
	[tilespmem:$0x1FFB0] =	vst v60  }
0x2b: {  	s20 =	simm.s32 $0xC400;
	s21 =	simm.s32 $0x3;
	s22 =	simm.s32 $0x0;
	v9 =	vor.u32 $0x800, v22;
	[tilespmem:$0x1FFC0] =	vst v8  }
.Ltmp0:
0x2c: {  	s4 =	sand.u32 $0x1, s4;
	s6 =	sshll.u32 s2, $0x1;
	v12 =	vor.u32 $0x410, v7;
	[tilespmem:$0x1FFD0] =	vst v9;
	(pc) =	sbr.rel .LBB2_1-.Ltmp0, $4  }
0x2d: {  	s6 =	sor.u32 s4, s6;
	s7 =	ssub.s32 $0x2, s4;
	s4 =	sadd.s32 $0x19400, s5;
	v10 =	vor.u32 $0x810, v7;
	[tilespmem:$0x1FFE0] =	vst v12  }
0x2e: {  	s8 =	sshll.u32 s6, $0x4;
	s9 =	sshrl.u32 s7, $0x1;
	s6 =	sshll.u32 s6, $0x7;
	[tilespmem:$0x1FFF0] =	vst v10;
	v63 =	vmov v7  }
0x2f: {  	s5 =	sadd.s32 s8, s5;
	s31 =	ssub.s32 s7, s9;
	s7 =	sadd.s32 $0x8000, s1;
	v7 =	vor.u32 $0x1C30, v7;
	[tilespmem:$0x1FD60] =	vst v63  }
0x30: {  	s9 =	simm.s32 $0x80;
	s5 =	sadd.s32 $0x400, s5;
	s8 =	smax.u32 s31, $0x1;
	[tilespmem:$0x1FEE0] =	vst v7  }
.LBB2_12:
0x31: {  	_ =	swait.ge [sflag:s21], $0x2000  }
0x32: {  	[sflag:s21] =	ssyncset.done $0x0  }
0x33: {  	[sflag:s21] =	ssyncadd.s32 $0xFFFFE000  }
0x34: {  	_ =	swait.ge [sflag:s19], $0x2000  }
0x35: {  	v22 =	vld [tilespmem:$0x1FD70]  }
0x36: {  	v46 =	vld [tilespmem:$0x1FD80]  }
0x37: {  	v28 =	vld [tilespmem:$0x1FD90]  }
0x38: {  	v29 =	vld [tilespmem:$0x1FDA0]  }
0x39: {  	v30 =	vld [tilespmem:$0x1FDB0]  }
0x3a: {  	v31 =	vld [tilespmem:$0x1FDC0]  }
0x3b: {  	v33 =	vld [tilespmem:$0x1FDD0]  }
0x3c: {  	v21 =	vld [tilespmem:$0x1FDE0]  }
0x3d: {  	v32 =	vld [tilespmem:$0x1FDF0]  }
0x3e: {  	s22 =	sadd.s32 $0x1, s22;
	v18 =	vld [tilespmem:$0x1FE00]  }
0x3f: {  	p0 =	sne.s32 s22, s8;
	v35 =	vld [tilespmem:$0x1FE10]  }
.Ltmp1:
0x40: {  	v36 =	vld [tilespmem:$0x1FE20];
	(pc) =	sbr.rel @!p0 .LBB2_13-.Ltmp1, $4  }
0x41: {  	v14 =	vld [tilespmem:$0x1FE30]  }
0x42: {  	v25 =	vld [tilespmem:$0x1FE40]  }
0x43: {  	[sflag:s19] =	ssyncset.done $0x0;
	v59 =	vld [tilespmem:$0x1FE50]  }
0x44: {  	v17 =	vld [tilespmem:$0x1FE60];
	[sflag:s19] =	ssyncadd.s32 $0xFFFFE000  }
.LBB2_1:
0x45: {  	[tilespmem:s3], [sflag:$0x5] =	stream.strided.gather [hbm4b:s5+s9], $0x6400, s10, s9, $0x38;
	[tilespmem:$0xE400] =	vst v63  }
0x46: {  	_ =	swait.ge [sflag:s11], $0x6400  }
0x47: {  	[sflag:s11] =	ssyncset.done $0x0  }
0x48: {  	[sflag:s11] =	ssyncadd.s32 $0xFFFF9C00  }
0x49: {  	[tilespmem:s12], [sflag:$0x1] =	stream.indirect.gather [hbm4b:s4+s9], $0x40, s3, s9, $0xb8;
	[tilespmem:$0xE400] =	vst v63  }
0x4a: {  	s23 =	simm.s32 $0x0  }
0x4b: {  	[tilespmem:s13], [sflag:$0x2] =	stream.indirect.gather [hbm4b:s4+s9], $0x40, s9, s9, $0xb8;
	[tilespmem:$0xE400] =	vst v63  }
.LBB2_2:
0x4c: {  	_ =	swait.ge [sflag:s14], $0x2000  }
0x4d: {  	s24 =	simm.s32 $0x0;
	v1 =	vlaneseq.u32;
	p0 =	seq.s32 s23, $0x0;
	[sflag:s14] =	ssyncset.done $0x0  }
0x4e: {  	v0 =	vadd.s32 s24, v1;
	s24 =	simm.s32 @!p0 $0x3;
	[sflag:s14] =	ssyncadd.s32 $0xFFFFE000  }
0x4f: {  	_ =	swait.ge @!p0 [sflag:s24], $0x2000  }
0x50: {  	s28 =	simm.s32 $0x1;
	v45 =	vand.u32 $0xF, v0;
	v24 =	vld [tilespmem:$0x1FD40]  }
0x51: {  	v1 =	vadd.s32 s28, v1;
	v2 =	vor.u32 v63, v45  }
0x52: {  	v58 =	vand.u32 $0xF, v1  }
0x53: {  	v3 =	vshll.u32 v0, $0x7;
	v0 =	vor.u32 v63, v58  }
0x54: {  	v4 =	vand.u32 $0x380, v3;
	v39 =	vand.u32 $0x400, v3;
	[sflag:s24] =	ssyncset.done @!p0 $0x0  }
0x55: {  	v5 =	vor.u32 v22, v39;
	[sflag:s24] =	ssyncadd.s32 @!p0 $0xFFFFE000;
	v51 =	vor.u32 v24, v4;
	v4 =	vshll.u32 v1, $0x7  }
0x56: {  	v2 =	vld.idx.msk [tilespmem:v2+s12+$0x0], $0xffff;
	v1 =	vand.u32 $0x380, v4;
	v55 =	vand.u32 $0x400, v4;
	v6 =	vor.u32 v51, v5  }
0x57: {  	v27 =	vmovc v12;
	v12 =	vor.u32 v24, v1;
	v7 =	vor.u32 v22, v55;
	v1 =	vor.u32 v46, v45  }
0x58: {  	v47 =	vmov v8;
	v0 =	vld.idx.msk [tilespmem:v0+s12+$0x0], $0xffff;
	v8 =	vor.u32 v12, v7  }
0x59: {  	v38 =	vmov v9;
	v9 =	vor.u32 v46, v58  }
0x5a: {  	v26 =	vmov v10;
	v10 =	vor.u32 v28, v3  }
0x5b: {  	v42 =	vand.u32 $0x398, v10;
	[tilespmem:v6+s15+$0x0] =	vst.idx.msk $0xffff, v2  }
0x5c: {  	v2 =	vor.u32 v28, v4;
	v6 =	vor.u32 v42, v5;
	v1 =	vld.idx.msk [tilespmem:v1+s12+$0x0], $0xffff  }
0x5d: {  	v44 =	vand.u32 $0x398, v2;
	v2 =	vor.u32 v29, v45;
	[tilespmem:v8+s15+$0x0] =	vst.idx.msk $0xffff, v0  }
0x5e: {  	v8 =	vld.idx.msk [tilespmem:v9+s12+$0x0], $0xffff;
	v9 =	vor.u32 v44, v7  }
0x5f: {  	v10 =	vor.u32 v29, v58  }
0x60: {  	v11 =	vor.u32 v30, v3  }
0x61: {  	v19 =	vand.u32 $0x3A8, v11;
	[tilespmem:v6+s15+$0x0] =	vst.idx.msk $0xffff, v1  }
0x62: {  	v1 =	vor.u32 v30, v4;
	v6 =	vor.u32 v19, v5;
	v2 =	vld.idx.msk [tilespmem:v2+s12+$0x0], $0xffff  }
0x63: {  	v62 =	vand.u32 $0x3A8, v1;
	[tilespmem:v9+s15+$0x0] =	vst.idx.msk $0xffff, v8;
	v8 =	vor.u32 v31, v45  }
0x64: {  	v9 =	vld.idx.msk [tilespmem:v10+s12+$0x0], $0xffff;
	v10 =	vor.u32 v62, v7  }
0x65: {  	v11 =	vor.u32 v31, v58  }
0x66: {  	v0 =	vor.u32 v33, v3  }
0x67: {  	v43 =	vand.u32 $0x3B8, v0;
	[tilespmem:v6+s15+$0x0] =	vst.idx.msk $0xffff, v2  }
0x68: {  	v2 =	vor.u32 v33, v4;
	v6 =	vld.idx.msk [tilespmem:v8+s12+$0x0], $0xffff;
	v8 =	vor.u32 v43, v5  }
0x69: {  	v40 =	vmov v52;
	v52 =	vand.u32 $0x3B8, v2;
	v2 =	vor.u32 v21, v45;
	[tilespmem:v10+s15+$0x0] =	vst.idx.msk $0xffff, v9  }
0x6a: {  	v10 =	vor.u32 v52, v7;
	v9 =	vld.idx.msk [tilespmem:v11+s12+$0x0], $0xffff  }
0x6b: {  	v11 =	vor.u32 v21, v58  }
0x6c: {  	v0 =	vor.u32 v32, v3  }
0x6d: {  	v37 =	vand.u32 $0x3C8, v0;
	[tilespmem:v8+s15+$0x0] =	vst.idx.msk $0xffff, v6  }
0x6e: {  	v0 =	vor.u32 v37, v5;
	v6 =	vor.u32 v32, v4;
	v8 =	vld.idx.msk [tilespmem:v2+s12+$0x0], $0xffff;
	[tilespmem:$0x1FC70] =	vst v37  }
0x6f: {  	v48 =	vmov v60;
	v60 =	vand.u32 $0x3C8, v6;
	v6 =	vor.u32 v18, v45;
	[tilespmem:v10+s15+$0x0] =	vst.idx.msk $0xffff, v9  }
0x70: {  	v10 =	vor.u32 v60, v7;
	v9 =	vld.idx.msk [tilespmem:v11+s12+$0x0], $0xffff  }
0x71: {  	v11 =	vor.u32 v18, v58  }
0x72: {  	v13 =	vor.u32 v35, v3  }
0x73: {  	v41 =	vand.u32 $0x3D8, v13;
	[tilespmem:v0+s15+$0x0] =	vst.idx.msk $0xffff, v8  }
0x74: {  	v8 =	vor.u32 v35, v4;
	v0 =	vor.u32 v41, v5;
	v6 =	vld.idx.msk [tilespmem:v6+s12+$0x0], $0xffff  }
0x75: {  	v53 =	vand.u32 $0x3D8, v8;
	v8 =	vor.u32 v36, v45;
	[tilespmem:v10+s15+$0x0] =	vst.idx.msk $0xffff, v9  }
0x76: {  	v10 =	vor.u32 v53, v7;
	v9 =	vld.idx.msk [tilespmem:v11+s12+$0x0], $0xffff  }
0x77: {  	v11 =	vor.u32 v36, v58  }
0x78: {  	v13 =	vor.u32 v50, v3  }
0x79: {  	v34 =	vand.u32 $0x3E8, v13;
	[tilespmem:v0+s15+$0x0] =	vst.idx.msk $0xffff, v6  }
0x7a: {  	v6 =	vor.u32 v50, v4;
	v0 =	vor.u32 v34, v5;
	v8 =	vld.idx.msk [tilespmem:v8+s12+$0x0], $0xffff;
	[tilespmem:$0x1FD30] =	vst v34  }
0x7b: {  	v1 =	vand.u32 $0x3E8, v6;
	v6 =	vor.u32 v40, v45;
	[tilespmem:v10+s15+$0x0] =	vst.idx.msk $0xffff, v9  }
0x7c: {  	v2 =	vmov v40;
	v10 =	vor.u32 v1, v7;
	v9 =	vld.idx.msk [tilespmem:v11+s12+$0x0], $0xffff  }
0x7d: {  	v11 =	vor.u32 v2, v58  }
0x7e: {  	v3 =	vor.u32 v48, v3;
	[tilespmem:$0x1FD10] =	vst v1  }
0x7f: {  	v15 =	vand.u32 $0x3F8, v3;
	[tilespmem:v0+s15+$0x0] =	vst.idx.msk $0xffff, v8  }
0x80: {  	v3 =	vor.u32 v48, v4;
	v4 =	vld.idx.msk [tilespmem:v6+s12+$0x0], $0xffff;
	[tilespmem:$0x1FD20] =	vst v15  }
0x81: {  	v5 =	vor.u32 v15, v5;
	v0 =	vand.u32 $0x3F8, v3;
	[tilespmem:v10+s15+$0x0] =	vst.idx.msk $0xffff, v9  }
0x82: {  	v3 =	vor.u32 v47, v45;
	v7 =	vor.u32 v0, v7;
	v6 =	vld.idx.msk [tilespmem:v11+s12+$0x0], $0xffff  }
0x83: {  	v8 =	vor.u32 v47, v58;
	_ =	sdelay $0x2  }
0x84: {  	[tilespmem:v5+s15+$0x0] =	vst.idx.msk $0xffff, v4;
	v4 =	vor.u32 v38, v39  }
0x85: {  	v3 =	vld.idx.msk [tilespmem:v3+s12+$0x0], $0xffff;
	v5 =	vor.u32 v51, v4;
	[tilespmem:v7+s15+$0x0] =	vst.idx.msk $0xffff, v6;
	v6 =	vor.u32 v38, v55  }
0x86: {  	v7 =	vor.u32 v27, v45;
	v8 =	vld.idx.msk [tilespmem:v8+s12+$0x0], $0xffff;
	v9 =	vor.u32 v12, v6  }
0x87: {  	v10 =	vor.u32 v27, v58;
	_ =	sdelay $0x2  }
0x88: {  	[tilespmem:v5+s15+$0x0] =	vst.idx.msk $0xffff, v3  }
0x89: {  	v5 =	vor.u32 v42, v4;
	v3 =	vld.idx.msk [tilespmem:v7+s12+$0x0], $0xffff;
	[tilespmem:v9+s15+$0x0] =	vst.idx.msk $0xffff, v8  }
0x8a: {  	v7 =	vor.u32 v26, v45;
	v9 =	vor.u32 v44, v6;
	v8 =	vld.idx.msk [tilespmem:v10+s12+$0x0], $0xffff  }
0x8b: {  	v10 =	vor.u32 v26, v58;
	_ =	sdelay $0x2  }
0x8c: {  	[tilespmem:v5+s15+$0x0] =	vst.idx.msk $0xffff, v3  }
0x8d: {  	s29 =	simm.s32 $0x2;
	v40 =	vmov v1;
	v1 =	vlaneseq.u32;
	v5 =	vor.u32 v19, v4;
	v3 =	vld.idx.msk [tilespmem:v7+s12+$0x0], $0xffff;
	[tilespmem:v9+s15+$0x0] =	vst.idx.msk $0xffff, v8  }
0x8e: {  	v2 =	vmovc v17;
	v7 =	vadd.s32 s29, v1;
	v8 =	vor.u32 v14, v45;
	v17 =	vld.idx.msk [tilespmem:v10+s12+$0x0], $0xffff;
	v10 =	vor.u32 v62, v6  }
0x8f: {  	v11 =	vor.u32 v14, v58;
	v49 =	vand.u32 $0xF, v7  }
0x90: {  	s30 =	simm.s32 $0x3;
	v38 =	vshll.u32 v7, $0x7;
	v13 =	vor.u32 v63, v49  }
0x91: {  	v16 =	vor.u32 v25, v45;
	v14 =	vadd.s32 s30, v1;
	v1 =	vand.u32 $0x380, v38  }
0x92: {  	v9 =	vand.u32 $0xF, v14;
	v54 =	vand.u32 $0x400, v38;
	v48 =	vor.u32 v24, v1;
	[tilespmem:v5+s15+$0x0] =	vst.idx.msk $0xffff, v3  }
0x93: {  	v3 =	vor.u32 v63, v9;
	v5 =	vld.idx.msk [tilespmem:v8+s12+$0x0], $0xffff;
	v8 =	vor.u32 v43, v4;
	[tilespmem:v10+s15+$0x0] =	vst.idx.msk $0xffff, v17  }
0x94: {  	v20 =	vor.u32 v22, v54;
	v17 =	vmov v12;
	v10 =	vor.u32 v52, v6;
	v12 =	vld.idx.msk [tilespmem:v11+s12+$0x0], $0xffff  }
0x95: {  	v47 =	vshll.u32 v14, $0x7;
	v14 =	vor.u32 v25, v58;
	v11 =	vld.idx.msk [tilespmem:v13+s12+$0x0], $0xffff;
	v13 =	vor.u32 v48, v20  }
0x96: {  	v7 =	vor.u32 v46, v49;
	v1 =	vand.u32 $0x380, v47;
	v57 =	vand.u32 $0x400, v47  }
0x97: {  	v23 =	vor.u32 v59, v45;
	v61 =	vor.u32 v24, v1;
	v22 =	vor.u32 v22, v57  }
0x98: {  	v25 =	vor.u32 v37, v4;
	v24 =	vor.u32 v61, v22;
	v3 =	vld.idx.msk [tilespmem:v3+s12+$0x0], $0xffff;
	[tilespmem:v8+s15+$0x0] =	vst.idx.msk $0xffff, v5  }
0x99: {  	v5 =	vor.u32 v28, v38;
	v8 =	vor.u32 v46, v9;
	v16 =	vld.idx.msk [tilespmem:v16+s12+$0x0], $0xffff;
	[tilespmem:v10+s15+$0x0] =	vst.idx.msk $0xffff, v12  }
0x9a: {  	v1 =	vor.u32 v60, v6;
	[tilespmem:v13+s15+$0x0] =	vst.idx.msk $0xffff, v11;
	v10 =	vand.u32 $0x398, v5;
	v5 =	vld.idx.msk [tilespmem:v14+s12+$0x0], $0xffff  }
0x9b: {  	v26 =	vor.u32 v59, v58;
	v11 =	vld.idx.msk [tilespmem:v7+s12+$0x0], $0xffff;
	v13 =	vor.u32 v10, v20  }
0x9c: {  	v27 =	vor.u32 v29, v49;
	v14 =	vor.u32 v28, v47;
	v7 =	vld [tilespmem:$0x1FD50]  }
0x9d: {  	[tilespmem:v24+s15+$0x0] =	vst.idx.msk $0xffff, v3;
	v56 =	vand.u32 $0x398, v14  }
0x9e: {  	v14 =	vor.u32 v30, v38;
	v3 =	vld.idx.msk [tilespmem:v8+s12+$0x0], $0xffff;
	v8 =	vor.u32 v56, v22;
	[tilespmem:v25+s15+$0x0] =	vst.idx.msk $0xffff, v16  }
0x9f: {  	v24 =	vor.u32 v41, v4;
	v37 =	vand.u32 $0x3A8, v14;
	v23 =	vld.idx.msk [tilespmem:v23+s12+$0x0], $0xffff;
	[tilespmem:v1+s15+$0x0] =	vst.idx.msk $0xffff, v5  }
0xa0: {  	v16 =	vor.u32 v29, v9;
	[tilespmem:v13+s15+$0x0] =	vst.idx.msk $0xffff, v11;
	v1 =	vor.u32 v53, v6;
	v5 =	vld.idx.msk [tilespmem:v26+s12+$0x0], $0xffff  }
0xa1: {  	v25 =	vor.u32 v37, v20;
	v28 =	vor.u32 v7, v45;
	v13 =	vld.idx.msk [tilespmem:v27+s12+$0x0], $0xffff;
	_ =	sdelay $0x1  }
0xa2: {  	v11 =	vor.u32 v30, v47;
	v26 =	vor.u32 v7, v58;
	[tilespmem:v8+s15+$0x0] =	vst.idx.msk $0xffff, v3  }
0xa3: {  	v29 =	vor.u32 v34, v4;
	v27 =	vor.u32 v31, v49;
	v46 =	vand.u32 $0x3A8, v11;
	[tilespmem:v24+s15+$0x0] =	vst.idx.msk $0xffff, v23  }
0xa4: {  	v3 =	vor.u32 v46, v22;
	v8 =	vld.idx.msk [tilespmem:v16+s12+$0x0], $0xffff;
	v16 =	vor.u32 v33, v38;
	[tilespmem:v1+s15+$0x0] =	vst.idx.msk $0xffff, v5  }
0xa5: {  	v24 =	vor.u32 v31, v9;
	v28 =	vld.idx.msk [tilespmem:v28+s12+$0x0], $0xffff;
	[tilespmem:v25+s15+$0x0] =	vst.idx.msk $0xffff, v13;
	v1 =	vand.u32 $0x3B8, v16  }
0xa6: {  	v23 =	vor.u32 v2, v45;
	[tilespmem:$0x1FD00] =	vst v1  }
0xa7: {  	v7 =	vor.u32 v40, v6;
	v5 =	vld.idx.msk [tilespmem:v26+s12+$0x0], $0xffff  }
0xa8: {  	v16 =	vor.u32 v33, v47;
	v25 =	vld.idx.msk [tilespmem:v27+s12+$0x0], $0xffff;
	v26 =	vor.u32 v1, v20  }
0xa9: {  	v27 =	vor.u32 v2, v58;
	v2 =	vld [tilespmem:$0x1FF40];
	[tilespmem:v3+s15+$0x0] =	vst.idx.msk $0xffff, v8;
	v1 =	vand.u32 $0x3B8, v16  }
0xaa: {  	v3 =	vld.idx.msk [tilespmem:v24+s12+$0x0], $0xffff;
	v8 =	vor.u32 v1, v22;
	[tilespmem:v29+s15+$0x0] =	vst.idx.msk $0xffff, v28  }
0xab: {  	v29 =	vor.u32 v15, v4;
	v23 =	vld.idx.msk [tilespmem:v23+s12+$0x0], $0xffff  }
0xac: {  	[tilespmem:v7+s15+$0x0] =	vst.idx.msk $0xffff, v5  }
0xad: {  	[tilespmem:v26+s15+$0x0] =	vst.idx.msk $0xffff, v25  }
0xae: {  	v5 =	vld.idx.msk [tilespmem:v27+s12+$0x0], $0xffff;
	[tilespmem:$0x1FBA0] =	vst v0  }
0xaf: {  	v30 =	vor.u32 v21, v49;
	v14 =	vmov v1;
	v1 =	vor.u32 v32, v47;
	v16 =	vld [tilespmem:$0x1FF50];
	[tilespmem:v8+s15+$0x0] =	vst.idx.msk $0xffff, v3  }
0xb0: {  	v28 =	vor.u32 v21, v9;
	v1 =	vand.u32 $0x3C8, v1;
	[tilespmem:v29+s15+$0x0] =	vst.idx.msk $0xffff, v23  }
0xb1: {  	v13 =	vmovc v1;
	v31 =	vor.u32 v2, v45;
	v8 =	vmov v41;
	v41 =	vor.u32 v1, v22;
	v1 =	vld [tilespmem:$0x1FF10]  }
0xb2: {  	v24 =	vor.u32 v32, v38;
	v0 =	vor.u32 v0, v6  }
0xb3: {  	v15 =	vand.u32 $0x3C8, v24  }
0xb4: {  	v27 =	vor.u32 v15, v20;
	v26 =	vld.idx.msk [tilespmem:v30+s12+$0x0], $0xffff  }
0xb5: {  	v30 =	vor.u32 v2, v58;
	v28 =	vld.idx.msk [tilespmem:v28+s12+$0x0], $0xffff;
	[tilespmem:$0x1FBB0] =	vst v39  }
0xb6: {  	v29 =	vld.idx.msk [tilespmem:v31+s12+$0x0], $0xffff;
	[tilespmem:$0x1FBC0] =	vst v51;
	v25 =	vor.u32 v1, v39  }
0xb7: {  	v40 =	vor.u32 v18, v49;
	[tilespmem:v0+s15+$0x0] =	vst.idx.msk $0xffff, v5;
	v31 =	vor.u32 v51, v25  }
0xb8: {  	[tilespmem:$0x1FBD0] =	vst v55  }
0xb9: {  	v3 =	vor.u32 v35, v38;
	[tilespmem:v27+s15+$0x0] =	vst.idx.msk $0xffff, v26  }
0xba: {  	v23 =	vor.u32 v18, v9;
	v0 =	vand.u32 $0x3D8, v3;
	v3 =	vld.idx.msk [tilespmem:v30+s12+$0x0], $0xffff;
	[tilespmem:$0x1FBE0] =	vst v17  }
0xbb: {  	v32 =	vor.u32 v16, v45;
	v24 =	vor.u32 v1, v55;
	[tilespmem:v41+s15+$0x0] =	vst.idx.msk $0xffff, v28  }
0xbc: {  	v5 =	vor.u32 v17, v24;
	v26 =	vld.idx.msk [tilespmem:v40+s12+$0x0], $0xffff;
	[tilespmem:v31+s15+$0x0] =	vst.idx.msk $0xffff, v29  }
0xbd: {  	v27 =	vor.u32 v0, v20;
	v1 =	vld [tilespmem:$0x1FF20]  }
0xbe: {  	v18 =	vmov v0;
	v0 =	vor.u32 v35, v47;
	v30 =	vor.u32 v16, v58  }
0xbf: {  	v0 =	vand.u32 $0x3D8, v0;
	v51 =	vor.u32 v36, v49;
	v23 =	vld.idx.msk [tilespmem:v23+s12+$0x0], $0xffff  }
0xc0: {  	v28 =	vor.u32 v0, v22;
	v32 =	vld.idx.msk [tilespmem:v32+s12+$0x0], $0xffff;
	[tilespmem:$0x1FBF0] =	vst v42  }
0xc1: {  	v6 =	vmov v53;
	v53 =	vor.u32 v36, v9;
	v55 =	vor.u32 v42, v25;
	[tilespmem:v5+s15+$0x0] =	vst.idx.msk $0xffff, v3  }
0xc2: {  	v31 =	vor.u32 v50, v38;
	[tilespmem:v27+s15+$0x0] =	vst.idx.msk $0xffff, v26;
	v29 =	vor.u32 v1, v45  }
0xc3: {  	v12 =	vmov v0;
	v0 =	vand.u32 $0x3E8, v31;
	v27 =	vor.u32 v44, v24;
	v26 =	vld.idx.msk [tilespmem:v30+s12+$0x0], $0xffff;
	[tilespmem:$0x1FC00] =	vst v44  }
0xc4: {  	v31 =	vor.u32 v0, v20;
	v30 =	vld.idx.msk [tilespmem:v51+s12+$0x0], $0xffff  }
0xc5: {  	v40 =	vor.u32 v1, v58;
	v1 =	vld [tilespmem:$0x1FFA0];
	[tilespmem:v28+s15+$0x0] =	vst.idx.msk $0xffff, v23  }
0xc6: {  	[tilespmem:v55+s15+$0x0] =	vst.idx.msk $0xffff, v32;
	v23 =	vld.idx.msk [tilespmem:v53+s12+$0x0], $0xffff  }
0xc7: {  	v29 =	vld.idx.msk [tilespmem:v29+s12+$0x0], $0xffff;
	[tilespmem:$0x1FC10] =	vst v19  }
0xc8: {  	v3 =	vld [tilespmem:$0x1FFB0];
	[tilespmem:v27+s15+$0x0] =	vst.idx.msk $0xffff, v26  }
0xc9: {  	[tilespmem:v31+s15+$0x0] =	vst.idx.msk $0xffff, v30  }
0xca: {  	v5 =	vor.u32 v50, v47;
	v41 =	vor.u32 v1, v49;
	v42 =	vor.u32 v1, v9;
	v1 =	vld [tilespmem:$0x1FF60]  }
0xcb: {  	v21 =	vmov v0;
	v0 =	vand.u32 $0x3E8, v5  }
0xcc: {  	v28 =	vor.u32 v0, v22  }
0xcd: {  	v44 =	vor.u32 v19, v25  }
0xce: {  	v11 =	vmov v0;
	v0 =	vor.u32 v3, v38;
	v27 =	vor.u32 v62, v24;
	v26 =	vld.idx.msk [tilespmem:v40+s12+$0x0], $0xffff  }
0xcf: {  	v7 =	vand.u32 $0x3F8, v0;
	[tilespmem:$0x1FC20] =	vst v62;
	v30 =	vor.u32 v1, v45  }
0xd0: {  	v20 =	vor.u32 v7, v20;
	v31 =	vld.idx.msk [tilespmem:v41+s12+$0x0], $0xffff  }
0xd1: {  	v0 =	vor.u32 v3, v47;
	v47 =	vor.u32 v1, v58;
	v1 =	vld [tilespmem:$0x1FFC0];
	[tilespmem:v28+s15+$0x0] =	vst.idx.msk $0xffff, v23  }
0xd2: {  	[tilespmem:v44+s15+$0x0] =	vst.idx.msk $0xffff, v29  }
0xd3: {  	v23 =	vand.u32 $0x3F8, v0;
	[tilespmem:v27+s15+$0x0] =	vst.idx.msk $0xffff, v26;
	v0 =	vld.idx.msk [tilespmem:v42+s12+$0x0], $0xffff  }
0xd4: {  	v26 =	vld.idx.msk [tilespmem:v30+s12+$0x0], $0xffff;
	[tilespmem:$0x1FC30] =	vst v43  }
0xd5: {  	[tilespmem:v20+s15+$0x0] =	vst.idx.msk $0xffff, v31  }
0xd6: {  	v22 =	vor.u32 v23, v22;
	v17 =	vld [tilespmem:$0x1FFD0]  }
0xd7: {  	v50 =	vor.u32 v1, v49;
	v5 =	vld [tilespmem:$0x1FF30]  }
0xd8: {  	v28 =	vor.u32 v1, v9  }
0xd9: {  	v3 =	vor.u32 v43, v25;
	v4 =	vld [tilespmem:$0x1FFE0]  }
0xda: {  	v29 =	vld.idx.msk [tilespmem:v47+s12+$0x0], $0xffff;
	[tilespmem:$0x1FC40] =	vst v52  }
0xdb: {  	v51 =	vor.u32 v52, v24;
	[tilespmem:v22+s15+$0x0] =	vst.idx.msk $0xffff, v0;
	v30 =	vor.u32 v17, v54  }
0xdc: {  	v52 =	vld.idx.msk [tilespmem:v50+s12+$0x0], $0xffff;
	[tilespmem:$0x1FC50] =	vst v57;
	v20 =	vor.u32 v5, v45;
	v53 =	vor.u32 v48, v30  }
0xdd: {  	v27 =	vmov v54;
	v0 =	vld.idx.msk [tilespmem:v28+s12+$0x0], $0xffff;
	[tilespmem:$0x1FC60] =	vst v61;
	v54 =	vor.u32 v5, v58  }
0xde: {  	v55 =	vor.u32 v4, v49;
	v31 =	vor.u32 v17, v57;
	[tilespmem:v3+s15+$0x0] =	vst.idx.msk $0xffff, v26  }
0xdf: {  	v26 =	vor.u32 v4, v9;
	v22 =	vor.u32 v61, v31;
	v4 =	vld [tilespmem:$0x1FC70]  }
0xe0: {  	[tilespmem:v51+s15+$0x0] =	vst.idx.msk $0xffff, v29  }
0xe1: {  	v3 =	vld.idx.msk [tilespmem:v20+s12+$0x0], $0xffff;
	[tilespmem:v53+s15+$0x0] =	vst.idx.msk $0xffff, v52  }
0xe2: {  	v32 =	vld.idx.msk [tilespmem:v54+s12+$0x0], $0xffff;
	[tilespmem:$0x1FC80] =	vst v60  }
0xe3: {  	v34 =	vld.idx.msk [tilespmem:v55+s12+$0x0], $0xffff;
	[tilespmem:$0x1FC90] =	vst v10  }
0xe4: {  	v28 =	vor.u32 v4, v25;
	v4 =	vld [tilespmem:$0x1FF70];
	[tilespmem:v22+s15+$0x0] =	vst.idx.msk $0xffff, v0  }
0xe5: {  	v0 =	vld [tilespmem:$0x1FEF0];
	_ =	sdelay $0x4  }
0xe6: {  	[tilespmem:$0x1FCB0] =	vst v56;
	v0 =	vor.u32 v0, v45  }
0xe7: {  	v5 =	vld [tilespmem:$0x1FD50];
	[tilespmem:$0x1FCA0] =	vst v0  }
0xe8: {  	v29 =	vor.u32 v4, v45;
	v47 =	vor.u32 v4, v58;
	v4 =	vld [tilespmem:$0x1FFF0];
	[tilespmem:v28+s15+$0x0] =	vst.idx.msk $0xffff, v3  }
0xe9: {  	v0 =	vld [tilespmem:$0x1FF00];
	_ =	sdelay $0x1  }
0xea: {  	v57 =	vor.u32 v60, v24  }
0xeb: {  	v3 =	vld [tilespmem:$0x1FF80];
	_ =	sdelay $0x1  }
0xec: {  	v0 =	vor.u32 v0, v45  }
0xed: {  	v62 =	vld.idx.msk [tilespmem:v26+s12+$0x0], $0xffff;
	[tilespmem:$0x1FCC0] =	vst v0  }
0xee: {  	[tilespmem:v57+s15+$0x0] =	vst.idx.msk $0xffff, v32  }
0xef: {  	v26 =	vor.u32 v3, v45;
	v3 =	vld [tilespmem:$0x1FED0];
	_ =	sdelay $0x4  }
0xf0: {  	v3 =	vor.u32 v3, v45  }
0xf1: {  	s31 =	simm.s32 $0x4;
	v1 =	vmov v48;
	v44 =	vor.u32 v10, v30;
	v48 =	vld.idx.msk [tilespmem:v29+s12+$0x0], $0xffff;
	[tilespmem:$0x1FCD0] =	vst v3;
	v3 =	vlaneseq.u32  }
0xf2: {  	v61 =	vor.u32 v56, v31;
	v56 =	vadd.s32 s31, v3;
	v3 =	vld [tilespmem:$0x1FEC0];
	_ =	sdelay $0x3  }
0xf3: {  	[tilespmem:v44+s15+$0x0] =	vst.idx.msk $0xffff, v34  }
0xf4: {  	v52 =	vor.u32 v3, v45;
	v3 =	vld [tilespmem:$0x1FEB0];
	_ =	sdelay $0x4  }
0xf5: {  	v29 =	vor.u32 v3, v45;
	v3 =	vld [tilespmem:$0x1FE80];
	_ =	sdelay $0x3  }
0xf6: {  	v60 =	vor.u32 v4, v49  }
0xf7: {  	v35 =	vor.u32 v3, v45;
	v3 =	vld [tilespmem:$0x1FE90]  }
0xf8: {  	v50 =	vor.u32 v8, v25;
	v53 =	vor.u32 v4, v9;
	v4 =	vld [tilespmem:$0x1FE70];
	_ =	sdelay $0x1  }
0xf9: {  	v19 =	vld.idx.msk [tilespmem:v47+s12+$0x0], $0xffff;
	[tilespmem:$0x1FCE0] =	vst v37  }
0xfa: {  	v43 =	vld.idx.msk [tilespmem:v60+s12+$0x0], $0xffff;
	[tilespmem:v61+s15+$0x0] =	vst.idx.msk $0xffff, v62  }
0xfb: {  	v33 =	vor.u32 v3, v45;
	v3 =	vld [tilespmem:$0x1FE30]  }
0xfc: {  	v57 =	vor.u32 v4, v45;
	[tilespmem:v50+s15+$0x0] =	vst.idx.msk $0xffff, v48;
	v48 =	vld.idx.msk [tilespmem:v53+s12+$0x0], $0xffff  }
0xfd: {  	v0 =	vld [tilespmem:$0x1FD60]  }
0xfe: {  	v40 =	vor.u32 v6, v24;
	v50 =	vor.u32 v46, v31;
	[tilespmem:$0x1FCF0] =	vst v46;
	v46 =	vld [tilespmem:$0x1FD00]  }
0xff: {  	v42 =	vor.u32 v59, v49;
	v17 =	vor.u32 v16, v49;
	v39 =	vor.u32 v4, v58;
	v4 =	vld [tilespmem:$0x1FD10]  }
0x100: {  	v10 =	vlaneseq.u32;
	v41 =	vor.u32 v5, v49;
	v44 =	vor.u32 v37, v30;
	v5 =	vld [tilespmem:$0x1FD30]  }
0x101: {  	v34 =	vor.u32 v2, v49;
	v28 =	vand.u32 $0xF, v56;
	v36 =	vshll.u32 v56, $0x7;
	v38 =	vld.idx.msk [tilespmem:v57+s12+$0x0], $0xffff  }
0x102: {  	s26 =	simm.s32 $0x5;
	s25 =	simm.s32 $0x6;
	s24 =	sshll.u32 s23, $0xA;
	v62 =	vmovc v58;
	v47 =	vor.u32 v3, v49;
	v51 =	vor.u32 v3, v9;
	v3 =	vld [tilespmem:$0x1FD20];
	v53 =	vor.u32 v0, v28  }
.LBB2_3:
0x103: {  	v0 =	vld [tilespmem:$0x1FD40]  }
0x104: {  	v54 =	vadd.s32 s26, v10;
	v10 =	vld [tilespmem:$0x1FE40]  }
0x105: {  	v2 =	vld [tilespmem:$0x1FBA0]  }
0x106: {  	[tilespmem:v40+s15+$0x0] =	vst.idx.msk $0xffff, v19;
	v40 =	vmov v17;
	v17 =	vld [tilespmem:$0x1FD80]  }
0x107: {  	[tilespmem:$0x1FD10] =	vst v4;
	v20 =	vor.u32 v4, v24;
	v4 =	vld [tilespmem:$0x1FE80]  }
0x108: {  	v16 =	vld [tilespmem:$0x1FD70]  }
0x109: {  	[tilespmem:$0x1FD30] =	vst v5;
	v19 =	vld [tilespmem:$0x1FDA0]  }
0x10a: {  	[tilespmem:$0x1FD20] =	vst v3;
	v56 =	vor.u32 v5, v25;
	v25 =	vor.u32 v3, v25;
	v3 =	vld [tilespmem:$0x1FE90]  }
0x10b: {  	v5 =	vmov v45;
	[tilespmem:v44+s15+$0x0] =	vst.idx.msk $0xffff, v43;
	v43 =	vld.idx.msk [tilespmem:v39+s12+$0x0], $0xffff  }
0x10c: {  	[tilespmem:$0x1FB20] =	vst v5;
	v47 =	vld.idx.msk [tilespmem:v47+s12+$0x0], $0xffff  }
0x10d: {  	v45 =	vmov v49;
	v59 =	vor.u32 v46, v30;
	v53 =	vld.idx.msk [tilespmem:v53+s12+$0x0], $0xffff;
	[tilespmem:v50+s15+$0x0] =	vst.idx.msk $0xffff, v48  }
0x10e: {  	v44 =	vand.u32 $0x400, v36;
	v5 =	vmovc v62;
	v39 =	vshll.u32 v54, $0x7;
	v55 =	vor.u32 v10, v49;
	v22 =	vmovc v2;
	v51 =	vld.idx.msk [tilespmem:v51+s12+$0x0], $0xffff  }
0x10f: {  	v2 =	vmovc v23;
	v49 =	vmovc v28;
	v23 =	vand.u32 $0x380, v36;
	v28 =	vand.u32 $0xF, v54;
	v37 =	vor.u32 v3, v5;
	v3 =	vld [tilespmem:$0x1FBB0]  }
0x110: {  	[tilespmem:v56+s15+$0x0] =	vst.idx.msk $0xffff, v38;
	v56 =	vand.u32 $0x400, v39;
	v58 =	vor.u32 v63, v28;
	v50 =	vor.u32 v0, v23;
	v0 =	vld [tilespmem:$0x1FD40]  }
0x111: {  	v23 =	vor.u32 v16, v44;
	v38 =	vor.u32 v16, v56;
	v16 =	vld [tilespmem:$0x1FD90]  }
0x112: {  	v48 =	vor.u32 v4, v62;
	v4 =	vmov v14;
	v54 =	vor.u32 v14, v31;
	v14 =	vld [tilespmem:$0x1FEA0]  }
0x113: {  	v62 =	vld.idx.msk [tilespmem:v35+s12+$0x0], $0xffff;
	v60 =	vor.u32 v50, v23;
	[tilespmem:v59+s15+$0x0] =	vst.idx.msk $0xffff, v47  }
0x114: {  	v32 =	vand.u32 $0x380, v39;
	v61 =	vor.u32 v10, v9;
	v55 =	vld.idx.msk [tilespmem:v55+s12+$0x0], $0xffff  }
0x115: {  	v57 =	vor.u32 v17, v49;
	v58 =	vld.idx.msk [tilespmem:v58+s12+$0x0], $0xffff;
	v63 =	vor.u32 v0, v32;
	[tilespmem:v20+s15+$0x0] =	vst.idx.msk $0xffff, v43  }
0x116: {  	[tilespmem:$0x1FB30] =	vst v15;
	v35 =	vor.u32 v16, v36;
	v0 =	vor.u32 v15, v30;
	v15 =	vor.u32 v16, v39;
	v16 =	vld [tilespmem:$0x1FEC0]  }
0x117: {  	v47 =	vld.idx.msk [tilespmem:v48+s12+$0x0], $0xffff  }
0x118: {  	[tilespmem:v60+s15+$0x0] =	vst.idx.msk $0xffff, v53;
	v53 =	vand.u32 $0x398, v35;
	v35 =	vor.u32 v14, v3;
	v3 =	vld [tilespmem:$0x1FE50]  }
0x119: {  	v43 =	vor.u32 v63, v38;
	v48 =	vor.u32 v17, v28;
	[tilespmem:v54+s15+$0x0] =	vst.idx.msk $0xffff, v51;
	v17 =	vmov v7;
	v7 =	vld [tilespmem:$0x1FBC0]  }
0x11a: {  	v54 =	vld.idx.msk [tilespmem:v61+s12+$0x0], $0xffff  }
0x11b: {  	v57 =	vld.idx.msk [tilespmem:v57+s12+$0x0], $0xffff  }
0x11c: {  	[tilespmem:$0x1FB50] =	vst v13;
	v61 =	vor.u32 v13, v31;
	v13 =	vld [tilespmem:$0x1FDD0]  }
0x11d: {  	v59 =	vor.u32 v22, v24;
	v24 =	vand.u32 $0x398, v15;
	[tilespmem:v25+s15+$0x0] =	vst.idx.msk $0xffff, v62;
	v15 =	vmovc v8;
	v8 =	vmov v1;
	v1 =	vld [tilespmem:$0x1FDC0]  }
0x11e: {  	[tilespmem:v43+s15+$0x0] =	vst.idx.msk $0xffff, v58;
	v58 =	vld.idx.msk [tilespmem:v33+s12+$0x0], $0xffff  }
0x11f: {  	v25 =	vor.u32 v3, v9;
	v62 =	vor.u32 v7, v35;
	v3 =	vmov v44;
	v7 =	vld [tilespmem:$0x1FDB0]  }
0x120: {  	[tilespmem:$0x1FB40] =	vst v3;
	v3 =	vld [tilespmem:$0x1FBD0]  }
0x121: {  	v60 =	vor.u32 v53, v23;
	[tilespmem:v0+s15+$0x0] =	vst.idx.msk $0xffff, v55;
	v48 =	vld.idx.msk [tilespmem:v48+s12+$0x0], $0xffff  }
0x122: {  	v20 =	vor.u32 v19, v49;
	v51 =	vld.idx.msk [tilespmem:v42+s12+$0x0], $0xffff  }
0x123: {  	[tilespmem:v59+s15+$0x0] =	vst.idx.msk $0xffff, v47;
	v47 =	vor.u32 v19, v28;
	v19 =	vld [tilespmem:$0x1FF80]  }
0x124: {  	[tilespmem:$0x1FB70] =	vst v18;
	v59 =	vor.u32 v18, v30;
	v18 =	vmov v63;
	v63 =	vld [tilespmem:$0x1FF40]  }
0x125: {  	v33 =	vor.u32 v14, v3;
	v3 =	vld [tilespmem:$0x1FBE0]  }
0x126: {  	[tilespmem:v60+s15+$0x0] =	vst.idx.msk $0xffff, v57;
	v0 =	vld.idx.msk [tilespmem:v37+s12+$0x0], $0xffff  }
0x127: {  	v44 =	vor.u32 v24, v38;
	v20 =	vld.idx.msk [tilespmem:v20+s12+$0x0], $0xffff  }
0x128: {  	[tilespmem:v61+s15+$0x0] =	vst.idx.msk $0xffff, v54;
	v37 =	vor.u32 v7, v36;
	v32 =	vor.u32 v7, v39;
	v7 =	vld [tilespmem:$0x1FD50]  }
0x129: {  	v25 =	vld.idx.msk [tilespmem:v25+s12+$0x0], $0xffff  }
0x12a: {  	v55 =	vor.u32 v3, v33;
	v3 =	vld [tilespmem:$0x1FEB0]  }
0x12b: {  	v61 =	vor.u32 v21, v30;
	[tilespmem:v62+s15+$0x0] =	vst.idx.msk $0xffff, v58;
	v62 =	vmov v21;
	v21 =	vld [tilespmem:$0x1FF10]  }
0x12c: {  	[tilespmem:v44+s15+$0x0] =	vst.idx.msk $0xffff, v48;
	v48 =	vld.idx.msk [tilespmem:v29+s12+$0x0], $0xffff  }
0x12d: {  	v43 =	vand.u32 $0x3A8, v37;
	v37 =	vor.u32 v7, v9;
	v7 =	vld [tilespmem:$0x1FBF0]  }
0x12e: {  	v14 =	vld [tilespmem:$0x1FDE0]  }
0x12f: {  	v60 =	vor.u32 v12, v31;
	[tilespmem:v59+s15+$0x0] =	vst.idx.msk $0xffff, v51;
	v47 =	vld.idx.msk [tilespmem:v47+s12+$0x0], $0xffff;
	v54 =	vor.u32 v3, v5  }
0x130: {  	v57 =	vor.u32 v1, v49;
	[tilespmem:v55+s15+$0x0] =	vst.idx.msk $0xffff, v0;
	v55 =	vor.u32 v1, v28;
	v1 =	vld [tilespmem:$0x1FC00]  }
0x131: {  	v41 =	vld.idx.msk [tilespmem:v41+s12+$0x0], $0xffff;
	v3 =	vmov v50;
	v50 =	vor.u32 v43, v23  }
0x132: {  	v58 =	vor.u32 v7, v35;
	v7 =	vld [tilespmem:$0x1FE60]  }
0x133: {  	v0 =	vld [tilespmem:$0x1FC50]  }
0x134: {  	[tilespmem:$0x1FB90] =	vst v11;
	v54 =	vld.idx.msk [tilespmem:v54+s12+$0x0], $0xffff  }
0x135: {  	v42 =	vand.u32 $0x3A8, v32;
	v32 =	vor.u32 v1, v33;
	[tilespmem:v60+s15+$0x0] =	vst.idx.msk $0xffff, v25;
	v1 =	vld [tilespmem:$0x1FC60]  }
0x136: {  	[tilespmem:v50+s15+$0x0] =	vst.idx.msk $0xffff, v20;
	v44 =	vld.idx.msk [tilespmem:v37+s12+$0x0], $0xffff  }
0x137: {  	[tilespmem:$0x1FB60] =	vst v22;
	v22 =	vmov v11;
	v50 =	vld.idx.msk [tilespmem:v57+s12+$0x0], $0xffff  }
0x138: {  	[tilespmem:$0x1FBA0] =	vst v2;
	v11 =	vmov v0;
	v0 =	vor.u32 v42, v38;
	v57 =	vor.u32 v22, v31;
	v22 =	vld [tilespmem:$0x1FE10]  }
0x139: {  	[tilespmem:v58+s15+$0x0] =	vst.idx.msk $0xffff, v48;
	v31 =	vor.u32 v2, v31;
	v2 =	vld [tilespmem:$0x1FC40]  }
0x13a: {  	v51 =	vor.u32 v7, v45;
	v48 =	vld.idx.msk [tilespmem:v52+s12+$0x0], $0xffff  }
0x13b: {  	v29 =	vor.u32 v13, v36;
	v60 =	vor.u32 v17, v30;
	[tilespmem:v61+s15+$0x0] =	vst.idx.msk $0xffff, v41;
	v61 =	vmov v17;
	v17 =	vld [tilespmem:$0x1FE00]  }
0x13c: {  	v29 =	vand.u32 $0x3B8, v29;
	v52 =	vld [tilespmem:$0x1FED0]  }
0x13d: {  	v25 =	vor.u32 v16, v5;
	v37 =	vmov v1;
	[tilespmem:v0+s15+$0x0] =	vst.idx.msk $0xffff, v47;
	v0 =	vor.u32 v13, v39;
	v1 =	vld [tilespmem:$0x1FC20]  }
0x13e: {  	[tilespmem:$0x1FB80] =	vst v12;
	v10 =	vmovc v6;
	v6 =	vmovc v27;
	v12 =	vmov v56;
	v56 =	vor.u32 v29, v23;
	v27 =	vand.u32 $0x3B8, v0;
	v0 =	vld [tilespmem:$0x1FC10]  }
0x13f: {  	v20 =	vor.u32 v14, v49;
	v51 =	vld.idx.msk [tilespmem:v51+s12+$0x0], $0xffff  }
0x140: {  	v47 =	vor.u32 v7, v9;
	v13 =	vld [tilespmem:$0x1FDF0]  }
0x141: {  	v55 =	vld.idx.msk [tilespmem:v55+s12+$0x0], $0xffff;
	[tilespmem:v32+s15+$0x0] =	vst.idx.msk $0xffff, v54;
	v58 =	vor.u32 v27, v38  }
0x142: {  	v59 =	vor.u32 v14, v28;
	v25 =	vld.idx.msk [tilespmem:v25+s12+$0x0], $0xffff;
	v1 =	vor.u32 v1, v33  }
0x143: {  	v7 =	vld [tilespmem:$0x1FC90];
	[tilespmem:v56+s15+$0x0] =	vst.idx.msk $0xffff, v50;
	v0 =	vor.u32 v0, v35  }
0x144: {  	[tilespmem:v57+s15+$0x0] =	vst.idx.msk $0xffff, v44;
	v20 =	vld.idx.msk [tilespmem:v20+s12+$0x0], $0xffff  }
0x145: {  	v47 =	vld.idx.msk [tilespmem:v47+s12+$0x0], $0xffff  }
0x146: {  	v44 =	vor.u32 v19, v5;
	[tilespmem:v58+s15+$0x0] =	vst.idx.msk $0xffff, v55;
	v58 =	vor.u32 v2, v33;
	v2 =	vld [tilespmem:$0x1FCE0]  }
0x147: {  	v55 =	vld.idx.msk [tilespmem:v59+s12+$0x0], $0xffff;
	[tilespmem:v1+s15+$0x0] =	vst.idx.msk $0xffff, v25  }
0x148: {  	v41 =	vor.u32 v13, v36;
	v1 =	vld [tilespmem:$0x1FCB0];
	[tilespmem:v0+s15+$0x0] =	vst.idx.msk $0xffff, v48  }
0x149: {  	v14 =	vmovc v7;
	v7 =	vmov v53;
	v0 =	vor.u32 v13, v39;
	v48 =	vor.u32 v63, v9;
	v53 =	vld.idx.msk [tilespmem:v26+s12+$0x0], $0xffff  }
0x14a: {  	v30 =	vand.u32 $0x3C8, v41;
	v41 =	vor.u32 v17, v49;
	v26 =	vand.u32 $0x3C8, v0;
	v0 =	vld [tilespmem:$0x1FC30]  }
0x14b: {  	v50 =	vor.u32 v30, v23;
	v44 =	vld.idx.msk [tilespmem:v44+s12+$0x0], $0xffff;
	[tilespmem:v31+s15+$0x0] =	vst.idx.msk $0xffff, v47;
	v56 =	vor.u32 v26, v38  }
0x14c: {  	v32 =	vld [tilespmem:$0x1FE20];
	v31 =	vor.u32 v52, v5;
	[tilespmem:v60+s15+$0x0] =	vst.idx.msk $0xffff, v51;
	v51 =	vor.u32 v17, v28  }
0x14d: {  	v17 =	vmovc v24;
	v24 =	vor.u32 v21, v11;
	v57 =	vld.idx.msk [tilespmem:v34+s12+$0x0], $0xffff;
	v13 =	vmov v1;
	v1 =	vor.u32 v22, v36  }
0x14e: {  	v47 =	vor.u32 v37, v24;
	v34 =	vand.u32 $0x3D8, v1;
	v1 =	vld.idx.msk [tilespmem:v48+s12+$0x0], $0xffff  }
0x14f: {  	[tilespmem:$0x1FBB0] =	vst v6;
	v60 =	vld [tilespmem:$0x1FF50];
	v0 =	vor.u32 v0, v35  }
0x150: {  	v25 =	vor.u32 v21, v6;
	v6 =	vmov v2;
	v2 =	vld [tilespmem:$0x1FCD0];
	[tilespmem:v56+s15+$0x0] =	vst.idx.msk $0xffff, v55  }
0x151: {  	v51 =	vld.idx.msk [tilespmem:v51+s12+$0x0], $0xffff;
	[tilespmem:v58+s15+$0x0] =	vst.idx.msk $0xffff, v44  }
0x152: {  	[tilespmem:v50+s15+$0x0] =	vst.idx.msk $0xffff, v20;
	v31 =	vld.idx.msk [tilespmem:v31+s12+$0x0], $0xffff  }
0x153: {  	[tilespmem:v47+s15+$0x0] =	vst.idx.msk $0xffff, v1;
	v1 =	vld [tilespmem:$0x1FCF0]  }
0x154: {  	v20 =	vld.idx.msk [tilespmem:v41+s12+$0x0], $0xffff;
	[tilespmem:v0+s15+$0x0] =	vst.idx.msk $0xffff, v53;
	v0 =	vor.u32 v22, v39  }
0x155: {  	v22 =	vand.u32 $0x3D8, v0;
	v0 =	vld [tilespmem:$0x1FC70]  }
0x156: {  	[tilespmem:$0x1FBC0] =	vst v8;
	v59 =	vor.u32 v8, v25;
	v8 =	vld [tilespmem:$0x1FF20]  }
0x157: {  	[tilespmem:$0x1FBD0] =	vst v11;
	v11 =	vld [tilespmem:$0x1FF90]  }
0x158: {  	[tilespmem:$0x1FBF0] =	vst v14;
	v48 =	vor.u32 v60, v9;
	v56 =	vor.u32 v14, v25;
	v14 =	vmovc v13;
	v13 =	vmov v1;
	v1 =	vld [tilespmem:$0x1FCC0]  }
0x159: {  	v41 =	vor.u32 v34, v23;
	v50 =	vld.idx.msk [tilespmem:v2+s12+$0x0], $0xffff  }
0x15a: {  	v54 =	vor.u32 v32, v49;
	v2 =	vld [tilespmem:$0x1FC80];
	v0 =	vor.u32 v0, v35  }
0x15b: {  	[tilespmem:v59+s15+$0x0] =	vst.idx.msk $0xffff, v57;
	v59 =	vld [tilespmem:$0x1FFA0]  }
0x15c: {  	[tilespmem:$0x1FBE0] =	vst v37;
	v37 =	vmov v43;
	v43 =	vor.u32 v22, v38  }
0x15d: {  	v55 =	vor.u32 v32, v28;
	v53 =	vor.u32 v11, v36;
	v48 =	vld.idx.msk [tilespmem:v48+s12+$0x0], $0xffff  }
0x15e: {  	v44 =	vor.u32 v8, v45;
	v32 =	vld.idx.msk [tilespmem:v40+s12+$0x0], $0xffff;
	[tilespmem:v41+s15+$0x0] =	vst.idx.msk $0xffff, v20;
	v20 =	vand.u32 $0x3E8, v53  }
0x15f: {  	v57 =	vmov v42;
	v42 =	vld.idx.msk [tilespmem:v54+s12+$0x0], $0xffff;
	v53 =	vor.u32 v20, v23;
	[tilespmem:v0+s15+$0x0] =	vst.idx.msk $0xffff, v50  }
0x160: {  	v2 =	vor.u32 v2, v33;
	v41 =	vor.u32 v59, v49;
	v21 =	vld.idx.msk [tilespmem:v1+s12+$0x0], $0xffff  }
0x161: {  	[tilespmem:v43+s15+$0x0] =	vst.idx.msk $0xffff, v51;
	v51 =	vor.u32 v15, v35;
	v1 =	vld [tilespmem:$0x1FF60]  }
0x162: {  	v58 =	vld [tilespmem:$0x1FF00]  }
0x163: {  	v50 =	vld.idx.msk [tilespmem:v55+s12+$0x0], $0xffff;
	[tilespmem:v56+s15+$0x0] =	vst.idx.msk $0xffff, v32  }
0x164: {  	v44 =	vld.idx.msk [tilespmem:v44+s12+$0x0], $0xffff;
	[tilespmem:v53+s15+$0x0] =	vst.idx.msk $0xffff, v42  }
0x165: {  	[tilespmem:v2+s15+$0x0] =	vst.idx.msk $0xffff, v31;
	v41 =	vld.idx.msk [tilespmem:v41+s12+$0x0], $0xffff  }
0x166: {  	v31 =	vor.u32 v1, v45;
	[tilespmem:v51+s15+$0x0] =	vst.idx.msk $0xffff, v21;
	v21 =	vor.u32 v1, v9;
	v1 =	vld [tilespmem:$0x1FCA0]  }
0x167: {  	v47 =	vor.u32 v58, v5;
	v54 =	vor.u32 v14, v24;
	v0 =	vor.u32 v11, v39  }
0x168: {  	v43 =	vor.u32 v8, v9;
	v0 =	vand.u32 $0x3E8, v0  }
0x169: {  	v11 =	vld [tilespmem:$0x1FFB0];
	v2 =	vor.u32 v0, v38;
	_ =	sdelay $0x1  }
0x16a: {  	v55 =	vor.u32 v10, v33;
	v10 =	vld [tilespmem:$0x1FEF0]  }
0x16b: {  	v32 =	vld.idx.msk [tilespmem:v47+s12+$0x0], $0xffff;
	[tilespmem:v54+s15+$0x0] =	vst.idx.msk $0xffff, v48  }
0x16c: {  	v42 =	vld.idx.msk [tilespmem:v43+s12+$0x0], $0xffff  }
0x16d: {  	[tilespmem:v2+s15+$0x0] =	vst.idx.msk $0xffff, v50;
	v2 =	vor.u32 v11, v39;
	v39 =	vld.idx.msk [tilespmem:v1+s12+$0x0], $0xffff  }
0x16e: {  	v1 =	vld [tilespmem:$0x1FD30];
	_ =	sdelay $0x2  }
0x16f: {  	v47 =	vor.u32 v59, v28;
	v40 =	vor.u32 v11, v36  }
0x170: {  	v8 =	vmovc v46;
	v46 =	vmovc v29;
	v15 =	vld [tilespmem:$0x1FFC0];
	v53 =	vor.u32 v13, v24;
	v59 =	vor.u32 v10, v5;
	v29 =	vand.u32 $0x3F8, v40  }
0x171: {  	v43 =	vor.u32 v29, v23;
	v23 =	vand.u32 $0x3F8, v2;
	v2 =	vor.u32 v1, v35;
	v1 =	vld [tilespmem:$0x1FEE0];
	_ =	sdelay $0x1  }
0x172: {  	v56 =	vor.u32 v6, v25;
	v54 =	vld [tilespmem:$0x1FB40]  }
0x173: {  	v47 =	vld.idx.msk [tilespmem:v47+s12+$0x0], $0xffff;
	[tilespmem:v55+s15+$0x0] =	vst.idx.msk $0xffff, v32  }
0x174: {  	[tilespmem:$0x1FC00] =	vst v14;
	v14 =	vmov v27;
	v36 =	vor.u32 v15, v49;
	v27 =	vor.u32 v23, v38;
	v38 =	vld.idx.msk [tilespmem:v59+s12+$0x0], $0xffff  }
0x175: {  	[tilespmem:v53+s15+$0x0] =	vst.idx.msk $0xffff, v42;
	v42 =	vor.u32 v1, v5;
	v5 =	vld [tilespmem:$0x1FFD0]  }
0x176: {  	[tilespmem:$0x1FC10] =	vst v6;
	v6 =	vmov v4;
	v4 =	vld [tilespmem:$0x1FB20]  }
0x177: {  	[tilespmem:v56+s15+$0x0] =	vst.idx.msk $0xffff, v44  }
0x178: {  	v44 =	vld.idx.msk [tilespmem:v31+s12+$0x0], $0xffff;
	[tilespmem:v43+s15+$0x0] =	vst.idx.msk $0xffff, v41  }
0x179: {  	v36 =	vld.idx.msk [tilespmem:v36+s12+$0x0], $0xffff  }
0x17a: {  	v40 =	vor.u32 v15, v28;
	v15 =	vmov v30;
	[tilespmem:v2+s15+$0x0] =	vst.idx.msk $0xffff, v39;
	v2 =	vld [tilespmem:$0x1FD20];
	v30 =	vor.u32 v5, v54  }
0x17b: {  	v32 =	vor.u32 v1, v4;
	v1 =	vmov v3;
	v56 =	vor.u32 v3, v30;
	v3 =	vld [tilespmem:$0x1FB50];
	_ =	sdelay $0x2  }
0x17c: {  	[tilespmem:$0x1FC30] =	vst v8;
	v50 =	vor.u32 v8, v25;
	v8 =	vld [tilespmem:$0x1FF30]  }
0x17d: {  	v4 =	vld [tilespmem:$0x1FD10]  }
0x17e: {  	v35 =	vor.u32 v2, v35;
	v2 =	vmov v3;
	v3 =	vld [tilespmem:$0x1FB60]  }
0x17f: {  	v11 =	vld [tilespmem:$0x1FB30];
	_ =	sdelay $0x1  }
0x180: {  	v43 =	vor.u32 v8, v45  }
0x181: {  	v21 =	vld.idx.msk [tilespmem:v21+s12+$0x0], $0xffff  }
0x182: {  	v59 =	vor.u32 v4, v33;
	v33 =	vor.u32 v3, v33;
	v3 =	vld [tilespmem:$0x1FB70]  }
0x183: {  	v4 =	vmov v11;
	v11 =	vld [tilespmem:$0x1FFE0]  }
0x184: {  	v32 =	vld.idx.msk [tilespmem:v32+s12+$0x0], $0xffff;
	[tilespmem:v50+s15+$0x0] =	vst.idx.msk $0xffff, v44  }
0x185: {  	v43 =	vld.idx.msk [tilespmem:v43+s12+$0x0], $0xffff;
	[tilespmem:v56+s15+$0x0] =	vst.idx.msk $0xffff, v36  }
0x186: {  	v53 =	vmov v9;
	[tilespmem:$0x1FC80] =	vst v2;
	v36 =	vor.u32 v2, v24;
	v2 =	vld [tilespmem:$0x1FB90]  }
0x187: {  	[tilespmem:v27+s15+$0x0] =	vst.idx.msk $0xffff, v47;
	v27 =	vor.u32 v8, v53;
	v8 =	vmov v3;
	v3 =	vld [tilespmem:$0x1FB80];
	_ =	sdelay $0x2  }
0x188: {  	[tilespmem:$0x1FC20] =	vst v13  }
0x189: {  	v13 =	vmovc v26;
	v55 =	vor.u32 v6, v24;
	[tilespmem:$0x1FC70] =	vst v4;
	v26 =	vor.u32 v4, v25;
	v4 =	vmov v2;
	v2 =	vld [tilespmem:$0x1FFF0]  }
0x18a: {  	[tilespmem:$0x1FC40] =	vst v6;
	v41 =	vor.u32 v11, v49;
	v6 =	vmov v3;
	v3 =	vld [tilespmem:$0x1FF70];
	_ =	sdelay $0x1  }
0x18b: {  	[tilespmem:$0x1FC50] =	vst v12  }
0x18c: {  	v9 =	vmov v28;
	v40 =	vld.idx.msk [tilespmem:v40+s12+$0x0], $0xffff;
	[tilespmem:v59+s15+$0x0] =	vst.idx.msk $0xffff, v38  }
0x18d: {  	v31 =	vor.u32 v5, v12;
	v12 =	vmov v22;
	v42 =	vld.idx.msk [tilespmem:v42+s12+$0x0], $0xffff;
	[tilespmem:v55+s15+$0x0] =	vst.idx.msk $0xffff, v21;
	v21 =	vmov v20  }
0x18e: {  	v20 =	vld.idx.msk [tilespmem:v41+s12+$0x0], $0xffff;
	v41 =	vor.u32 v2, v9;
	v22 =	vor.u32 v3, v45;
	v47 =	vor.u32 v3, v53  }
0x18f: {  	v3 =	vmovc v61;
	v61 =	vor.u32 v2, v49;
	v2 =	vor.u32 v52, v45;
	v52 =	vor.u32 v16, v45;
	v16 =	vld [tilespmem:$0x1FEB0];
	_ =	sdelay $0x3  }
0x190: {  	v28 =	vor.u32 v11, v9  }
0x191: {  	[tilespmem:$0x1FC90] =	vst v7;
	v11 =	vmovc v0;
	v0 =	vor.u32 v7, v30;
	v7 =	vmov v29;
	v29 =	vor.u32 v16, v45;
	v16 =	vld [tilespmem:$0x1FE80];
	_ =	sdelay $0x1  }
0x192: {  	v59 =	vor.u32 v18, v31;
	_ =	sdelay $0x2  }
0x193: {  	[tilespmem:v35+s15+$0x0] =	vst.idx.msk $0xffff, v32;
	v35 =	vor.u32 v16, v45;
	v16 =	vld [tilespmem:$0x1FE90]  }
0x194: {  	[tilespmem:$0x1FC60] =	vst v18  }
0x195: {  	v18 =	vmov v34;
	v34 =	vld.idx.msk [tilespmem:v27+s12+$0x0], $0xffff;
	[tilespmem:v59+s15+$0x0] =	vst.idx.msk $0xffff, v40  }
0x196: {  	v5 =	vmov v62;
	v62 =	vor.u32 v17, v31;
	v38 =	vld.idx.msk [tilespmem:v28+s12+$0x0], $0xffff;
	[tilespmem:$0x1FCD0] =	vst v2;
	v2 =	vlaneseq.u32  }
0x197: {  	v28 =	vor.u32 v10, v45;
	v10 =	vor.u32 v58, v45;
	v58 =	vadd.s32 s25, v2;
	v2 =	vld [tilespmem:$0x1FE70]  }
0x198: {  	[tilespmem:v33+s15+$0x0] =	vst.idx.msk $0xffff, v42;
	v33 =	vor.u32 v16, v45;
	v16 =	vld [tilespmem:$0x1FD60]  }
0x199: {  	[tilespmem:v26+s15+$0x0] =	vst.idx.msk $0xffff, v43  }
0x19a: {  	[tilespmem:$0x1FCA0] =	vst v28  }
0x19b: {  	v26 =	vor.u32 v19, v45;
	[tilespmem:v36+s15+$0x0] =	vst.idx.msk $0xffff, v34  }
0x19c: {  	v34 =	vor.u32 v63, v49;
	v28 =	vand.u32 $0xF, v58;
	v19 =	vld.idx.msk [tilespmem:v47+s12+$0x0], $0xffff;
	[tilespmem:v62+s15+$0x0] =	vst.idx.msk $0xffff, v38  }
0x19d: {  	v62 =	vmovc v53;
	v39 =	vor.u32 v2, v53;
	v63 =	vmov v16;
	v53 =	vor.u32 v16, v28;
	v16 =	vld [tilespmem:$0x1FE50];
	_ =	sdelay $0x2  }
0x19e: {  	v56 =	vld.idx.msk [tilespmem:v22+s12+$0x0], $0xffff  }
0x19f: {  	v59 =	vor.u32 v8, v25;
	[tilespmem:v0+s15+$0x0] =	vst.idx.msk $0xffff, v20;
	v0 =	vor.u32 v2, v45;
	v2 =	vld [tilespmem:$0x1FE30]  }
0x1a0: {  	p1 =	slt.u32 s25, $0xE;
	[tilespmem:$0x1FCB0] =	vst v17;
	v42 =	vor.u32 v16, v49;
	v16 =	vld [tilespmem:$0x1FD50]  }
.Ltmp2:
0x1a1: {  	[tilespmem:$0x1FCE0] =	vst v37;
	(pc) =	sbr.rel @p1 .LBB2_3-.Ltmp2, $4  }
0x1a2: {  	[tilespmem:$0x1FCF0] =	vst v57;
	v44 =	vor.u32 v37, v30  }
0x1a3: {  	v17 =	vor.u32 v60, v49;
	v50 =	vor.u32 v57, v31;
	[tilespmem:$0x1FCC0] =	vst v10;
	v43 =	vld.idx.msk [tilespmem:v61+s12+$0x0], $0xffff  }
0x1a4: {  	v27 =	vmovc v54;
	v10 =	vlaneseq.u32;
	v40 =	vor.u32 v6, v24;
	v36 =	vshll.u32 v58, $0x7;
	v48 =	vld.idx.msk [tilespmem:v41+s12+$0x0], $0xffff;
	[tilespmem:v59+s15+$0x0] =	vst.idx.msk $0xffff, v56  }
0x1a5: {  	s26 =	sadd.s32 $0x1, s25;
	s25 =	sadd.s32 $0x2, s25;
	v47 =	vor.u32 v2, v49;
	v51 =	vor.u32 v2, v9;
	v38 =	vld.idx.msk [tilespmem:v0+s12+$0x0], $0xffff;
	v41 =	vor.u32 v16, v49  }
0x1a6: {  	v2 =	vld [tilespmem:$0x1FD40]  }
0x1a7: {  	v0 =	vadd.s32 s26, v10;
	v60 =	vld [tilespmem:$0x1FD70]  }
0x1a8: {  	v61 =	vand.u32 $0xF, v0  }
0x1a9: {  	v10 =	vld [tilespmem:$0x1FD80];
	v20 =	vor.u32 v63, v61  }
0x1aa: {  	v54 =	vand.u32 $0x380, v36;
	v16 =	vand.u32 $0x400, v36;
	[tilespmem:$0x1FD30] =	vst v5  }
0x1ab: {  	[tilespmem:$0x1FA20] =	vst v16;
	v0 =	vshll.u32 v0, $0x7;
	v59 =	vor.u32 v2, v54  }
0x1ac: {  	v37 =	vld [tilespmem:$0x1FD90];
	v56 =	vand.u32 $0x380, v0;
	v54 =	vor.u32 v60, v16;
	v16 =	vand.u32 $0x400, v0;
	[tilespmem:$0x1FA30] =	vst v59  }
0x1ad: {  	v22 =	vor.u32 v2, v56;
	v55 =	vor.u32 v59, v54;
	v53 =	vld.idx.msk [tilespmem:v53+s12+$0x0], $0xffff;
	[tilespmem:$0x1FA40] =	vst v16  }
0x1ae: {  	v32 =	vor.u32 v10, v28;
	v57 =	vor.u32 v60, v16;
	v20 =	vld.idx.msk [tilespmem:v20+s12+$0x0], $0xffff;
	[tilespmem:$0x1FA50] =	vst v22  }
0x1af: {  	v58 =	vor.u32 v22, v57;
	[tilespmem:$0x1FD10] =	vst v4  }
0x1b0: {  	[tilespmem:$0x1FD00] =	vst v46  }
0x1b1: {  	v60 =	vor.u32 v37, v36;
	[tilespmem:$0x1FD20] =	vst v3  }
0x1b2: {  	v59 =	vor.u32 v10, v61;
	v10 =	vand.u32 $0x398, v60;
	[tilespmem:v55+s15+$0x0] =	vst.idx.msk $0xffff, v53  }
0x1b3: {  	v53 =	vld.idx.msk [tilespmem:v32+s12+$0x0], $0xffff;
	[tilespmem:$0x1FAA0] =	vst v10  }
0x1b4: {  	[tilespmem:v58+s15+$0x0] =	vst.idx.msk $0xffff, v20  }
0x1b5: {  	v4 =	vld [tilespmem:$0x1FDA0]  }
0x1b6: {  	v46 =	vor.u32 v37, v0;
	v37 =	vld [tilespmem:$0x1FDB0]  }
0x1b7: {  	v60 =	vand.u32 $0x398, v46;
	v55 =	vor.u32 v10, v54  }
0x1b8: {  	[tilespmem:$0x1FAB0] =	vst v60  }
0x1b9: {  	v58 =	vor.u32 v60, v57;
	v56 =	vld.idx.msk [tilespmem:v59+s12+$0x0], $0xffff;
	_ =	sdelay $0x1  }
0x1ba: {  	v32 =	vor.u32 v4, v61;
	v46 =	vor.u32 v37, v36  }
0x1bb: {  	[tilespmem:v55+s15+$0x0] =	vst.idx.msk $0xffff, v53;
	v60 =	vand.u32 $0x3A8, v46  }
0x1bc: {  	v20 =	vor.u32 v4, v28;
	[tilespmem:$0x1FAC0] =	vst v60  }
0x1bd: {  	[tilespmem:v58+s15+$0x0] =	vst.idx.msk $0xffff, v56  }
0x1be: {  	v4 =	vld [tilespmem:$0x1FDC0]  }
0x1bf: {  	v56 =	vld.idx.msk [tilespmem:v32+s12+$0x0], $0xffff  }
0x1c0: {  	v32 =	vld [tilespmem:$0x1FDD0]  }
0x1c1: {  	v3 =	vor.u32 v37, v0;
	v53 =	vor.u32 v60, v54;
	v20 =	vld.idx.msk [tilespmem:v20+s12+$0x0], $0xffff  }
0x1c2: {  	v46 =	vand.u32 $0x3A8, v3  }
0x1c3: {  	v58 =	vor.u32 v46, v57;
	v55 =	vor.u32 v4, v28;
	_ =	sdelay $0x1  }
0x1c4: {  	v59 =	vor.u32 v4, v61;
	v37 =	vor.u32 v32, v36  }
0x1c5: {  	[tilespmem:v53+s15+$0x0] =	vst.idx.msk $0xffff, v20;
	v60 =	vand.u32 $0x3B8, v37  }
0x1c6: {  	[tilespmem:$0x1FAE0] =	vst v60  }
0x1c7: {  	v4 =	vor.u32 v32, v0;
	[tilespmem:v58+s15+$0x0] =	vst.idx.msk $0xffff, v56;
	v20 =	vld.idx.msk [tilespmem:v55+s12+$0x0], $0xffff  }
0x1c8: {  	v4 =	vand.u32 $0x3B8, v4;
	v53 =	vor.u32 v60, v54;
	v32 =	vld [tilespmem:$0x1FDE0]  }
0x1c9: {  	v58 =	vor.u32 v4, v57;
	v56 =	vld.idx.msk [tilespmem:v59+s12+$0x0], $0xffff;
	_ =	sdelay $0x1  }
0x1ca: {  	v37 =	vld [tilespmem:$0x1FDF0];
	_ =	sdelay $0x1  }
0x1cb: {  	v55 =	vor.u32 v32, v28;
	[tilespmem:v53+s15+$0x0] =	vst.idx.msk $0xffff, v20  }
0x1cc: {  	[tilespmem:v58+s15+$0x0] =	vst.idx.msk $0xffff, v56  }
0x1cd: {  	v59 =	vor.u32 v32, v61;
	v60 =	vld [tilespmem:$0x1FE00]  }
0x1ce: {  	v32 =	vor.u32 v37, v36  }
0x1cf: {  	v32 =	vand.u32 $0x3C8, v32;
	v2 =	vld [tilespmem:$0x1FE10]  }
0x1d0: {  	v37 =	vor.u32 v37, v0;
	v53 =	vor.u32 v32, v54;
	v20 =	vld.idx.msk [tilespmem:v55+s12+$0x0], $0xffff  }
0x1d1: {  	v5 =	vmov v16;
	v16 =	vand.u32 $0x3C8, v37  }
0x1d2: {  	v58 =	vor.u32 v16, v57;
	v56 =	vld.idx.msk [tilespmem:v59+s12+$0x0], $0xffff;
	v55 =	vor.u32 v60, v28;
	_ =	sdelay $0x1  }
0x1d3: {  	v37 =	vor.u32 v2, v36  }
0x1d4: {  	v59 =	vor.u32 v60, v61;
	v60 =	vand.u32 $0x3D8, v37;
	[tilespmem:v53+s15+$0x0] =	vst.idx.msk $0xffff, v20  }
0x1d5: {  	[tilespmem:$0x1FB10] =	vst v60  }
0x1d6: {  	v20 =	vld.idx.msk [tilespmem:v55+s12+$0x0], $0xffff;
	[tilespmem:v58+s15+$0x0] =	vst.idx.msk $0xffff, v56  }
0x1d7: {  	v37 =	vor.u32 v2, v0;
	v2 =	vld [tilespmem:$0x1FF90]  }
0x1d8: {  	v53 =	vor.u32 v60, v54;
	v60 =	vld [tilespmem:$0x1FE20]  }
0x1d9: {  	v37 =	vand.u32 $0x3D8, v37  }
0x1da: {  	v58 =	vor.u32 v37, v57;
	v56 =	vld.idx.msk [tilespmem:v59+s12+$0x0], $0xffff;
	_ =	sdelay $0x1  }
0x1db: {  	v3 =	vor.u32 v2, v36  }
0x1dc: {  	[tilespmem:v53+s15+$0x0] =	vst.idx.msk $0xffff, v20;
	v55 =	vor.u32 v60, v28;
	v59 =	vor.u32 v60, v61;
	v60 =	vand.u32 $0x3E8, v3  }
0x1dd: {  	[tilespmem:$0x1FA10] =	vst v60  }
0x1de: {  	v2 =	vor.u32 v2, v0;
	[tilespmem:v58+s15+$0x0] =	vst.idx.msk $0xffff, v56  }
0x1df: {  	v53 =	vor.u32 v60, v54;
	v60 =	vand.u32 $0x3E8, v2;
	v2 =	vld [tilespmem:$0x1FFA0];
	_ =	sdelay $0x2  }
0x1e0: {  	v20 =	vld.idx.msk [tilespmem:v55+s12+$0x0], $0xffff  }
0x1e1: {  	v56 =	vld.idx.msk [tilespmem:v59+s12+$0x0], $0xffff  }
0x1e2: {  	v55 =	vor.u32 v2, v28;
	v59 =	vor.u32 v2, v61;
	v2 =	vld [tilespmem:$0x1FFB0];
	_ =	sdelay $0x2  }
0x1e3: {  	v58 =	vor.u32 v60, v57;
	_ =	sdelay $0x1  }
0x1e4: {  	[tilespmem:$0x1FA70] =	vst v60;
	v3 =	vor.u32 v2, v36  }
0x1e5: {  	[tilespmem:v53+s15+$0x0] =	vst.idx.msk $0xffff, v20;
	v53 =	vand.u32 $0x3F8, v3  }
0x1e6: {  	v20 =	vld.idx.msk [tilespmem:v55+s12+$0x0], $0xffff;
	v36 =	vor.u32 v53, v54;
	[tilespmem:$0x1FA80] =	vst v53  }
0x1e7: {  	v0 =	vor.u32 v2, v0;
	[tilespmem:v58+s15+$0x0] =	vst.idx.msk $0xffff, v56  }
0x1e8: {  	v58 =	vand.u32 $0x3F8, v0;
	v2 =	vld [tilespmem:$0x1FFC0]  }
0x1e9: {  	v53 =	vld.idx.msk [tilespmem:v59+s12+$0x0], $0xffff;
	v54 =	vor.u32 v58, v57  }
0x1ea: {  	[tilespmem:$0x1FA90] =	vst v58  }
0x1eb: {  	[tilespmem:v36+s15+$0x0] =	vst.idx.msk $0xffff, v20  }
0x1ec: {  	v56 =	vld [tilespmem:$0x1FFD0]  }
0x1ed: {  	v57 =	vld [tilespmem:$0x1FA20]  }
0x1ee: {  	v59 =	vld [tilespmem:$0x1FA30];
	v0 =	vor.u32 v2, v28;
	[tilespmem:v54+s15+$0x0] =	vst.idx.msk $0xffff, v53  }
0x1ef: {  	v55 =	vor.u32 v2, v61;
	v3 =	vld [tilespmem:$0x1FFE0];
	_ =	sdelay $0x2  }
0x1f0: {  	v20 =	vor.u32 v56, v57  }
0x1f1: {  	v54 =	vor.u32 v56, v5;
	v0 =	vld.idx.msk [tilespmem:v0+s12+$0x0], $0xffff;
	v36 =	vor.u32 v59, v20  }
0x1f2: {  	v55 =	vld.idx.msk [tilespmem:v55+s12+$0x0], $0xffff;
	v56 =	vor.u32 v22, v54;
	v53 =	vor.u32 v3, v28;
	_ =	sdelay $0x3  }
0x1f3: {  	[tilespmem:v36+s15+$0x0] =	vst.idx.msk $0xffff, v0  }
0x1f4: {  	[tilespmem:v56+s15+$0x0] =	vst.idx.msk $0xffff, v55;
	v0 =	vld.idx.msk [tilespmem:v53+s12+$0x0], $0xffff  }
0x1f5: {  	v5 =	vor.u32 v3, v61;
	v36 =	vor.u32 v10, v20;
	v10 =	vld [tilespmem:$0x1FFF0]  }
0x1f6: {  	v3 =	vld [tilespmem:$0x1FAB0];
	_ =	sdelay $0x3  }
0x1f7: {  	v55 =	vld.idx.msk [tilespmem:v5+s12+$0x0], $0xffff;
	[tilespmem:v36+s15+$0x0] =	vst.idx.msk $0xffff, v0  }
0x1f8: {  	v53 =	vor.u32 v10, v28;
	v56 =	vor.u32 v3, v54;
	v5 =	vld [tilespmem:$0x1FAC0];
	_ =	sdelay $0x1  }
0x1f9: {  	v10 =	vor.u32 v10, v61;
	_ =	sdelay $0x2  }
0x1fa: {  	v0 =	vld.idx.msk [tilespmem:v53+s12+$0x0], $0xffff;
	[tilespmem:v56+s15+$0x0] =	vst.idx.msk $0xffff, v55;
	v36 =	vor.u32 v5, v20  }
0x1fb: {  	v2 =	vld [tilespmem:$0x1FE30]  }
0x1fc: {  	v55 =	vld.idx.msk [tilespmem:v10+s12+$0x0], $0xffff;
	[tilespmem:$0x1FAD0] =	vst v46  }
0x1fd: {  	[tilespmem:v44+s15+$0x0] =	vst.idx.msk $0xffff, v43  }
0x1fe: {  	[tilespmem:v50+s15+$0x0] =	vst.idx.msk $0xffff, v48  }
0x1ff: {  	v59 =	vld [tilespmem:$0x1FD00];
	[tilespmem:v36+s15+$0x0] =	vst.idx.msk $0xffff, v0  }
0x200: {  	v56 =	vor.u32 v46, v54;
	v10 =	vmov v46;
	v53 =	vor.u32 v2, v28;
	v46 =	vld [tilespmem:$0x1FAE0];
	_ =	sdelay $0x1  }
0x201: {  	v0 =	vld.idx.msk [tilespmem:v51+s12+$0x0], $0xffff  }
0x202: {  	v48 =	vor.u32 v14, v31;
	v43 =	vor.u32 v2, v61;
	v2 =	vld [tilespmem:$0x1FE40]  }
0x203: {  	v44 =	vld.idx.msk [tilespmem:v47+s12+$0x0], $0xffff;
	v47 =	vor.u32 v59, v30  }
0x204: {  	v50 =	vld.idx.msk [tilespmem:v53+s12+$0x0], $0xffff;
	v53 =	vor.u32 v46, v20;
	_ =	sdelay $0x1  }
0x205: {  	[tilespmem:v56+s15+$0x0] =	vst.idx.msk $0xffff, v55  }
0x206: {  	[tilespmem:v48+s15+$0x0] =	vst.idx.msk $0xffff, v0;
	v36 =	vor.u32 v2, v49  }
0x207: {  	v51 =	vor.u32 v2, v9;
	[tilespmem:v47+s15+$0x0] =	vst.idx.msk $0xffff, v44  }
0x208: {  	v43 =	vld.idx.msk [tilespmem:v43+s12+$0x0], $0xffff;
	v55 =	vor.u32 v2, v28;
	[tilespmem:v53+s15+$0x0] =	vst.idx.msk $0xffff, v50  }
0x209: {  	v56 =	vor.u32 v4, v54;
	v44 =	vor.u32 v2, v61;
	v2 =	vld [tilespmem:$0x1FE50];
	_ =	sdelay $0x1  }
0x20a: {  	v0 =	vld.idx.msk [tilespmem:v36+s12+$0x0], $0xffff;
	v36 =	vor.u32 v15, v30  }
0x20b: {  	v48 =	vor.u32 v13, v31;
	v47 =	vld.idx.msk [tilespmem:v51+s12+$0x0], $0xffff;
	[tilespmem:$0x1FB50] =	vst v13  }
0x20c: {  	v50 =	vld.idx.msk [tilespmem:v55+s12+$0x0], $0xffff;
	[tilespmem:$0x1FAF0] =	vst v32  }
0x20d: {  	v57 =	vor.u32 v32, v20;
	[tilespmem:v56+s15+$0x0] =	vst.idx.msk $0xffff, v43;
	v51 =	vor.u32 v2, v9  }
0x20e: {  	v44 =	vld.idx.msk [tilespmem:v44+s12+$0x0], $0xffff;
	[tilespmem:$0x1FB00] =	vst v16  }
0x20f: {  	[tilespmem:v36+s15+$0x0] =	vst.idx.msk $0xffff, v0  }
0x210: {  	[tilespmem:v48+s15+$0x0] =	vst.idx.msk $0xffff, v47  }
0x211: {  	v36 =	vld.idx.msk [tilespmem:v42+s12+$0x0], $0xffff;
	[tilespmem:$0x1FB70] =	vst v18  }
0x212: {  	[tilespmem:v57+s15+$0x0] =	vst.idx.msk $0xffff, v50;
	v47 =	vld.idx.msk [tilespmem:v51+s12+$0x0], $0xffff  }
0x213: {  	v22 =	vmovc v32;
	v48 =	vor.u32 v12, v31;
	v32 =	vor.u32 v2, v28;
	v57 =	vmov v12;
	[tilespmem:$0x1FB80] =	vst v12;
	v12 =	vld [tilespmem:$0x1FB10]  }
0x214: {  	v55 =	vor.u32 v16, v54;
	v0 =	vor.u32 v2, v61;
	v2 =	vld [tilespmem:$0x1FD50]  }
0x215: {  	v42 =	vor.u32 v18, v30;
	_ =	sdelay $0x2  }
0x216: {  	v43 =	vld.idx.msk [tilespmem:v32+s12+$0x0], $0xffff;
	v32 =	vor.u32 v12, v20  }
0x217: {  	[tilespmem:v55+s15+$0x0] =	vst.idx.msk $0xffff, v44;
	v50 =	vor.u32 v2, v9  }
0x218: {  	[tilespmem:v42+s15+$0x0] =	vst.idx.msk $0xffff, v36;
	v56 =	vor.u32 v2, v28  }
0x219: {  	v0 =	vld.idx.msk [tilespmem:v0+s12+$0x0], $0xffff;
	[tilespmem:v48+s15+$0x0] =	vst.idx.msk $0xffff, v47  }
0x21a: {  	v41 =	vld.idx.msk [tilespmem:v41+s12+$0x0], $0xffff;
	[tilespmem:$0x1FA60] =	vst v21  }
0x21b: {  	[tilespmem:v32+s15+$0x0] =	vst.idx.msk $0xffff, v43  }
0x21c: {  	v43 =	vld.idx.msk [tilespmem:v50+s12+$0x0], $0xffff;
	[tilespmem:$0x1FB90] =	vst v11  }
0x21d: {  	v44 =	vld.idx.msk [tilespmem:v56+s12+$0x0], $0xffff  }
0x21e: {  	v56 =	vld [tilespmem:$0x1FA10];
	_ =	sdelay $0x1  }
0x21f: {  	v53 =	vor.u32 v37, v54  }
0x220: {  	v42 =	vor.u32 v21, v30  }
0x221: {  	v36 =	vor.u32 v2, v61;
	v32 =	vor.u32 v11, v31;
	v2 =	vld [tilespmem:$0x1FE60]  }
0x222: {  	v51 =	vor.u32 v56, v20;
	_ =	sdelay $0x1  }
0x223: {  	[tilespmem:v53+s15+$0x0] =	vst.idx.msk $0xffff, v0  }
0x224: {  	[tilespmem:v42+s15+$0x0] =	vst.idx.msk $0xffff, v41  }
0x225: {  	[tilespmem:v32+s15+$0x0] =	vst.idx.msk $0xffff, v43;
	v47 =	vor.u32 v2, v49  }
0x226: {  	v50 =	vor.u32 v2, v9;
	[tilespmem:v51+s15+$0x0] =	vst.idx.msk $0xffff, v44  }
0x227: {  	v53 =	vor.u32 v60, v54;
	v11 =	vor.u32 v2, v28;
	v60 =	vld [tilespmem:$0x1FA80];
	_ =	sdelay $0x1  }
0x228: {  	v36 =	vld.idx.msk [tilespmem:v36+s12+$0x0], $0xffff  }
0x229: {  	v30 =	vor.u32 v7, v30;
	v42 =	vld.idx.msk [tilespmem:v47+s12+$0x0], $0xffff  }
0x22a: {  	v55 =	vor.u32 v23, v31;
	v43 =	vld.idx.msk [tilespmem:v50+s12+$0x0], $0xffff  }
0x22b: {  	v0 =	vld.idx.msk [tilespmem:v11+s12+$0x0], $0xffff;
	v20 =	vor.u32 v60, v20  }
0x22c: {  	v11 =	vld [tilespmem:$0x1FF40]  }
0x22d: {  	[tilespmem:v53+s15+$0x0] =	vst.idx.msk $0xffff, v36  }
0x22e: {  	[tilespmem:v30+s15+$0x0] =	vst.idx.msk $0xffff, v42  }
0x22f: {  	v41 =	vor.u32 v2, v61;
	v32 =	vld [tilespmem:$0x1FF10];
	[tilespmem:v55+s15+$0x0] =	vst.idx.msk $0xffff, v43  }
0x230: {  	v55 =	vld [tilespmem:$0x1FC50];
	[tilespmem:v20+s15+$0x0] =	vst.idx.msk $0xffff, v0  }
0x231: {  	v48 =	vor.u32 v11, v9;
	v21 =	vld [tilespmem:$0x1FC60]  }
0x232: {  	v53 =	vld [tilespmem:$0x1FA20]  }
0x233: {  	v50 =	vor.u32 v11, v28;
	v42 =	vor.u32 v11, v61;
	v11 =	vld [tilespmem:$0x1FA30]  }
0x234: {  	v47 =	vor.u32 v58, v54;
	v41 =	vld.idx.msk [tilespmem:v41+s12+$0x0], $0xffff  }
0x235: {  	v31 =	vld.idx.msk [tilespmem:v34+s12+$0x0], $0xffff;
	v30 =	vor.u32 v32, v27  }
0x236: {  	v34 =	vor.u32 v1, v30;
	v43 =	vor.u32 v32, v55;
	v0 =	vld.idx.msk [tilespmem:v48+s12+$0x0], $0xffff  }
0x237: {  	v60 =	vld [tilespmem:$0x1FF50];
	v20 =	vor.u32 v21, v43;
	v44 =	vor.u32 v32, v53  }
0x238: {  	v36 =	vld.idx.msk [tilespmem:v50+s12+$0x0], $0xffff;
	v50 =	vor.u32 v11, v44  }
0x239: {  	[tilespmem:v47+s15+$0x0] =	vst.idx.msk $0xffff, v41  }
0x23a: {  	v54 =	vld [tilespmem:$0x1FA40]  }
0x23b: {  	v58 =	vmov v27;
	v27 =	vld [tilespmem:$0x1FA50];
	[tilespmem:v34+s15+$0x0] =	vst.idx.msk $0xffff, v31  }
0x23c: {  	v48 =	vor.u32 v60, v9;
	[tilespmem:v20+s15+$0x0] =	vst.idx.msk $0xffff, v0;
	v0 =	vld.idx.msk [tilespmem:v17+s12+$0x0], $0xffff  }
0x23d: {  	v41 =	vor.u32 v60, v28;
	v31 =	vor.u32 v60, v61;
	v60 =	vld [tilespmem:$0x1FC90];
	[tilespmem:v50+s15+$0x0] =	vst.idx.msk $0xffff, v36  }
0x23e: {  	v17 =	vld [tilespmem:$0x1FCB0]  }
0x23f: {  	v50 =	vld [tilespmem:$0x1FAA0]  }
0x240: {  	v47 =	vor.u32 v32, v54  }
0x241: {  	v42 =	vld.idx.msk [tilespmem:v42+s12+$0x0], $0xffff;
	v51 =	vor.u32 v27, v47  }
0x242: {  	v32 =	vld.idx.msk [tilespmem:v48+s12+$0x0], $0xffff;
	v20 =	vor.u32 v60, v30  }
0x243: {  	v2 =	vld [tilespmem:$0x1FF20];
	v36 =	vor.u32 v17, v43  }
0x244: {  	v41 =	vld.idx.msk [tilespmem:v41+s12+$0x0], $0xffff;
	v50 =	vor.u32 v50, v44;
	_ =	sdelay $0x1  }
0x245: {  	[tilespmem:v51+s15+$0x0] =	vst.idx.msk $0xffff, v42  }
0x246: {  	[tilespmem:v20+s15+$0x0] =	vst.idx.msk $0xffff, v0  }
0x247: {  	[tilespmem:v36+s15+$0x0] =	vst.idx.msk $0xffff, v32  }
0x248: {  	v34 =	vor.u32 v2, v49;
	v36 =	vld [tilespmem:$0x1FCE0];
	[tilespmem:v50+s15+$0x0] =	vst.idx.msk $0xffff, v41  }
0x249: {  	v48 =	vor.u32 v2, v9;
	v42 =	vor.u32 v2, v28;
	v0 =	vor.u32 v2, v61;
	v2 =	vld [tilespmem:$0x1FF60]  }
0x24a: {  	v50 =	vld [tilespmem:$0x1FCF0];
	_ =	sdelay $0x2  }
0x24b: {  	v51 =	vor.u32 v3, v47;
	v31 =	vld.idx.msk [tilespmem:v31+s12+$0x0], $0xffff  }
0x24c: {  	v20 =	vld.idx.msk [tilespmem:v34+s12+$0x0], $0xffff;
	v32 =	vor.u32 v36, v30  }
0x24d: {  	v34 =	vld.idx.msk [tilespmem:v48+s12+$0x0], $0xffff;
	v36 =	vor.u32 v2, v49;
	v41 =	vor.u32 v50, v43  }
0x24e: {  	v42 =	vld.idx.msk [tilespmem:v42+s12+$0x0], $0xffff;
	v48 =	vor.u32 v2, v9;
	v50 =	vor.u32 v5, v44;
	_ =	sdelay $0x1  }
0x24f: {  	[tilespmem:v51+s15+$0x0] =	vst.idx.msk $0xffff, v31;
	v31 =	vor.u32 v2, v28  }
0x250: {  	v0 =	vld.idx.msk [tilespmem:v0+s12+$0x0], $0xffff;
	[tilespmem:v32+s15+$0x0] =	vst.idx.msk $0xffff, v20  }
0x251: {  	v5 =	vor.u32 v10, v47;
	[tilespmem:v41+s15+$0x0] =	vst.idx.msk $0xffff, v34;
	v32 =	vld.idx.msk [tilespmem:v36+s12+$0x0], $0xffff  }
0x252: {  	v34 =	vor.u32 v59, v30;
	[tilespmem:v50+s15+$0x0] =	vst.idx.msk $0xffff, v42;
	v36 =	vld.idx.msk [tilespmem:v48+s12+$0x0], $0xffff  }
0x253: {  	v20 =	vor.u32 v2, v61;
	v42 =	vor.u32 v14, v43;
	v2 =	vld [tilespmem:$0x1FF30]  }
0x254: {  	v59 =	vor.u32 v46, v44;
	v31 =	vld.idx.msk [tilespmem:v31+s12+$0x0], $0xffff;
	_ =	sdelay $0x1  }
0x255: {  	[tilespmem:v5+s15+$0x0] =	vst.idx.msk $0xffff, v0  }
0x256: {  	[tilespmem:v34+s15+$0x0] =	vst.idx.msk $0xffff, v32  }
0x257: {  	v41 =	vor.u32 v2, v49;
	[tilespmem:v42+s15+$0x0] =	vst.idx.msk $0xffff, v36  }
0x258: {  	v10 =	vor.u32 v2, v9;
	[tilespmem:v59+s15+$0x0] =	vst.idx.msk $0xffff, v31  }
0x259: {  	v5 =	vor.u32 v2, v28;
	v32 =	vor.u32 v2, v61;
	v2 =	vld [tilespmem:$0x1FF70];
	_ =	sdelay $0x1  }
0x25a: {  	v51 =	vor.u32 v4, v47;
	v20 =	vld.idx.msk [tilespmem:v20+s12+$0x0], $0xffff  }
0x25b: {  	v36 =	vor.u32 v15, v30;
	v34 =	vld.idx.msk [tilespmem:v41+s12+$0x0], $0xffff  }
0x25c: {  	v59 =	vor.u32 v13, v43;
	v31 =	vld.idx.msk [tilespmem:v10+s12+$0x0], $0xffff  }
0x25d: {  	v0 =	vld.idx.msk [tilespmem:v5+s12+$0x0], $0xffff;
	v5 =	vor.u32 v22, v44;
	v10 =	vor.u32 v2, v49;
	_ =	sdelay $0x1  }
0x25e: {  	[tilespmem:v51+s15+$0x0] =	vst.idx.msk $0xffff, v20  }
0x25f: {  	[tilespmem:v36+s15+$0x0] =	vst.idx.msk $0xffff, v34  }
0x260: {  	v32 =	vld.idx.msk [tilespmem:v32+s12+$0x0], $0xffff;
	[tilespmem:v59+s15+$0x0] =	vst.idx.msk $0xffff, v31  }
0x261: {  	[tilespmem:v5+s15+$0x0] =	vst.idx.msk $0xffff, v0;
	v31 =	vld.idx.msk [tilespmem:v10+s12+$0x0], $0xffff  }
0x262: {  	v46 =	vmov v4;
	v51 =	vor.u32 v16, v47;
	v4 =	vor.u32 v2, v9;
	v10 =	vld [tilespmem:$0x1FE70];
	_ =	sdelay $0x2  }
0x263: {  	v20 =	vor.u32 v2, v28;
	v36 =	vor.u32 v18, v30;
	_ =	sdelay $0x1  }
0x264: {  	v5 =	vor.u32 v57, v43;
	v0 =	vld.idx.msk [tilespmem:v4+s12+$0x0], $0xffff;
	[tilespmem:v51+s15+$0x0] =	vst.idx.msk $0xffff, v32;
	v59 =	vor.u32 v10, v49  }
0x265: {  	v18 =	vld [tilespmem:$0x1FD30]  }
0x266: {  	v34 =	vor.u32 v2, v61;
	[tilespmem:v40+s15+$0x0] =	vst.idx.msk $0xffff, v19  }
0x267: {  	v20 =	vld.idx.msk [tilespmem:v20+s12+$0x0], $0xffff;
	[tilespmem:v36+s15+$0x0] =	vst.idx.msk $0xffff, v31  }
0x268: {  	v16 =	vld [tilespmem:$0x1FD10]  }
0x269: {  	v50 =	vor.u32 v12, v44;
	[tilespmem:v5+s15+$0x0] =	vst.idx.msk $0xffff, v0;
	v0 =	vld.idx.msk [tilespmem:v59+s12+$0x0], $0xffff  }
0x26a: {  	v32 =	vor.u32 v18, v25;
	v59 =	vld [tilespmem:$0x1FA60]  }
0x26b: {  	v2 =	vor.u32 v37, v47;
	v34 =	vld.idx.msk [tilespmem:v34+s12+$0x0], $0xffff;
	_ =	sdelay $0x1  }
0x26c: {  	v48 =	vor.u32 v10, v9;
	v31 =	vld.idx.msk [tilespmem:v39+s12+$0x0], $0xffff  }
0x26d: {  	v51 =	vor.u32 v10, v28;
	v4 =	vld [tilespmem:$0x1FE80];
	[tilespmem:v50+s15+$0x0] =	vst.idx.msk $0xffff, v20;
	v36 =	vor.u32 v16, v24  }
0x26e: {  	v12 =	vld [tilespmem:$0x1FB90];
	[tilespmem:v32+s15+$0x0] =	vst.idx.msk $0xffff, v38;
	v3 =	vor.u32 v59, v30  }
0x26f: {  	[tilespmem:v2+s15+$0x0] =	vst.idx.msk $0xffff, v34  }
0x270: {  	v57 =	vmov v56;
	v50 =	vor.u32 v56, v44;
	v56 =	vld [tilespmem:$0x1FD20]  }
0x271: {  	v20 =	vld.idx.msk [tilespmem:v48+s12+$0x0], $0xffff  }
0x272: {  	v32 =	vld.idx.msk [tilespmem:v51+s12+$0x0], $0xffff;
	[tilespmem:v36+s15+$0x0] =	vst.idx.msk $0xffff, v31  }
0x273: {  	v39 =	vor.u32 v10, v61;
	v48 =	vor.u32 v12, v43;
	v19 =	vld [tilespmem:$0x1FA70];
	[tilespmem:v3+s15+$0x0] =	vst.idx.msk $0xffff, v0  }
0x274: {  	v10 =	vor.u32 v4, v62;
	v51 =	vld [tilespmem:$0x1FBA0]  }
0x275: {  	v34 =	vld.idx.msk [tilespmem:v35+s12+$0x0], $0xffff;
	v25 =	vor.u32 v56, v25;
	_ =	sdelay $0x2  }
0x276: {  	v42 =	vor.u32 v4, v49;
	v31 =	vld.idx.msk [tilespmem:v39+s12+$0x0], $0xffff;
	[tilespmem:v48+s15+$0x0] =	vst.idx.msk $0xffff, v20;
	v5 =	vor.u32 v19, v47  }
0x277: {  	v38 =	vor.u32 v4, v9;
	v10 =	vld.idx.msk [tilespmem:v10+s12+$0x0], $0xffff;
	[tilespmem:v50+s15+$0x0] =	vst.idx.msk $0xffff, v32;
	v24 =	vor.u32 v51, v24  }
0x278: {  	[tilespmem:v25+s15+$0x0] =	vst.idx.msk $0xffff, v34  }
0x279: {  	v35 =	vor.u32 v4, v28;
	v50 =	vld [tilespmem:$0x1FA80];
	_ =	sdelay $0x1  }
0x27a: {  	v41 =	vld.idx.msk [tilespmem:v42+s12+$0x0], $0xffff;
	[tilespmem:v5+s15+$0x0] =	vst.idx.msk $0xffff, v31  }
0x27b: {  	v20 =	vor.u32 v7, v30;
	v42 =	vld.idx.msk [tilespmem:v38+s12+$0x0], $0xffff;
	[tilespmem:v24+s15+$0x0] =	vst.idx.msk $0xffff, v10  }
0x27c: {  	v40 =	vor.u32 v4, v61;
	v43 =	vor.u32 v23, v43;
	v48 =	vld [tilespmem:$0x1FA90]  }
0x27d: {  	v25 =	vor.u32 v50, v44;
	v44 =	vld.idx.msk [tilespmem:v35+s12+$0x0], $0xffff;
	_ =	sdelay $0x2  }
0x27e: {  	v39 =	vld [tilespmem:$0x1FE90];
	[tilespmem:v20+s15+$0x0] =	vst.idx.msk $0xffff, v41  }
0x27f: {  	v0 =	vld.idx.msk [tilespmem:v40+s12+$0x0], $0xffff;
	[tilespmem:v43+s15+$0x0] =	vst.idx.msk $0xffff, v42;
	v10 =	vor.u32 v48, v47  }
0x280: {  	[tilespmem:v25+s15+$0x0] =	vst.idx.msk $0xffff, v44  }
0x281: {  	v42 =	vld [tilespmem:$0x1FBB0]  }
0x282: {  	v16 =	vld [tilespmem:$0x1FEA0]  }
0x283: {  	v43 =	vld [tilespmem:$0x1FBC0]  }
0x284: {  	v44 =	vld [tilespmem:$0x1FBD0];
	v40 =	vor.u32 v39, v62;
	[tilespmem:v10+s15+$0x0] =	vst.idx.msk $0xffff, v0  }
0x285: {  	v47 =	vld [tilespmem:$0x1FBE0];
	_ =	sdelay $0x1  }
0x286: {  	v20 =	vor.u32 v39, v49  }
0x287: {  	v33 =	vld.idx.msk [tilespmem:v33+s12+$0x0], $0xffff;
	v24 =	vor.u32 v16, v42  }
0x288: {  	v41 =	vor.u32 v39, v9;
	v25 =	vor.u32 v16, v44;
	v34 =	vor.u32 v43, v24;
	v0 =	vld.idx.msk [tilespmem:v40+s12+$0x0], $0xffff  }
0x289: {  	v4 =	vmovc v15;
	v32 =	vor.u32 v39, v28;
	v15 =	vor.u32 v16, v58;
	v58 =	vld [tilespmem:$0x1FEB0];
	v31 =	vor.u32 v47, v25;
	_ =	sdelay $0x1  }
0x28a: {  	v36 =	vor.u32 v39, v61;
	v35 =	vor.u32 v1, v15;
	v20 =	vld.idx.msk [tilespmem:v20+s12+$0x0], $0xffff;
	_ =	sdelay $0x1  }
0x28b: {  	v30 =	vld.idx.msk [tilespmem:v41+s12+$0x0], $0xffff;
	[tilespmem:v34+s15+$0x0] =	vst.idx.msk $0xffff, v33  }
0x28c: {  	v44 =	vor.u32 v16, v55;
	v32 =	vld.idx.msk [tilespmem:v32+s12+$0x0], $0xffff;
	v1 =	vor.u32 v58, v62;
	[tilespmem:v31+s15+$0x0] =	vst.idx.msk $0xffff, v0  }
0x28d: {  	v38 =	vor.u32 v21, v44;
	v47 =	vor.u32 v58, v49;
	v55 =	vld [tilespmem:$0x1FBF0]  }
0x28e: {  	v42 =	vor.u32 v16, v53;
	v33 =	vld.idx.msk [tilespmem:v36+s12+$0x0], $0xffff;
	[tilespmem:v35+s15+$0x0] =	vst.idx.msk $0xffff, v20  }
0x28f: {  	v43 =	vor.u32 v16, v54;
	v40 =	vor.u32 v11, v42;
	v53 =	vor.u32 v58, v9;
	v35 =	vld [tilespmem:$0x1FC00]  }
0x290: {  	v5 =	vor.u32 v27, v43;
	v54 =	vor.u32 v58, v28;
	v0 =	vld.idx.msk [tilespmem:v29+s12+$0x0], $0xffff  }
0x291: {  	v20 =	vld.idx.msk [tilespmem:v1+s12+$0x0], $0xffff  }
0x292: {  	v58 =	vor.u32 v58, v61;
	[tilespmem:v38+s15+$0x0] =	vst.idx.msk $0xffff, v30;
	v30 =	vld.idx.msk [tilespmem:v47+s12+$0x0], $0xffff;
	v29 =	vor.u32 v55, v24  }
0x293: {  	v16 =	vld [tilespmem:$0x1FEC0]  }
0x294: {  	[tilespmem:v40+s15+$0x0] =	vst.idx.msk $0xffff, v32;
	v32 =	vld.idx.msk [tilespmem:v53+s12+$0x0], $0xffff;
	v35 =	vor.u32 v35, v25  }
0x295: {  	v10 =	vor.u32 v60, v15;
	[tilespmem:v5+s15+$0x0] =	vst.idx.msk $0xffff, v33;
	v33 =	vld.idx.msk [tilespmem:v54+s12+$0x0], $0xffff  }
0x296: {  	v53 =	vor.u32 v17, v44;
	v54 =	vld [tilespmem:$0x1FAA0]  }
0x297: {  	[tilespmem:v29+s15+$0x0] =	vst.idx.msk $0xffff, v0;
	v0 =	vld.idx.msk [tilespmem:v58+s12+$0x0], $0xffff  }
0x298: {  	v58 =	vld [tilespmem:$0x1FAB0]  }
0x299: {  	v47 =	vor.u32 v16, v62;
	[tilespmem:v35+s15+$0x0] =	vst.idx.msk $0xffff, v20;
	v20 =	vld.idx.msk [tilespmem:v52+s12+$0x0], $0xffff  }
0x29a: {  	v38 =	vor.u32 v16, v49;
	v40 =	vld [tilespmem:$0x1FC10];
	[tilespmem:v10+s15+$0x0] =	vst.idx.msk $0xffff, v30  }
0x29b: {  	v34 =	vor.u32 v54, v42;
	v52 =	vld [tilespmem:$0x1FC20];
	[tilespmem:v53+s15+$0x0] =	vst.idx.msk $0xffff, v32  }
0x29c: {  	v54 =	vld [tilespmem:$0x1FCE0]  }
0x29d: {  	v55 =	vor.u32 v16, v9  }
0x29e: {  	v39 =	vor.u32 v16, v28;
	v47 =	vld.idx.msk [tilespmem:v47+s12+$0x0], $0xffff;
	v60 =	vor.u32 v58, v43  }
0x29f: {  	v30 =	vld.idx.msk [tilespmem:v38+s12+$0x0], $0xffff;
	v27 =	vor.u32 v40, v24  }
0x2a0: {  	v5 =	vld [tilespmem:$0x1FF80];
	[tilespmem:v34+s15+$0x0] =	vst.idx.msk $0xffff, v33;
	v1 =	vor.u32 v52, v25  }
0x2a1: {  	v41 =	vor.u32 v16, v61;
	v58 =	vld [tilespmem:$0x1FCF0];
	v16 =	vor.u32 v54, v15  }
0x2a2: {  	v55 =	vld.idx.msk [tilespmem:v55+s12+$0x0], $0xffff  }
0x2a3: {  	[tilespmem:v60+s15+$0x0] =	vst.idx.msk $0xffff, v0;
	v60 =	vld.idx.msk [tilespmem:v39+s12+$0x0], $0xffff  }
0x2a4: {  	v36 =	vld [tilespmem:$0x1FAC0];
	[tilespmem:v27+s15+$0x0] =	vst.idx.msk $0xffff, v20  }
0x2a5: {  	v39 =	vld [tilespmem:$0x1FAD0];
	[tilespmem:v1+s15+$0x0] =	vst.idx.msk $0xffff, v47  }
0x2a6: {  	v53 =	vor.u32 v5, v62;
	v21 =	vor.u32 v58, v44;
	v47 =	vld [tilespmem:$0x1FC30];
	[tilespmem:v16+s15+$0x0] =	vst.idx.msk $0xffff, v30  }
0x2a7: {  	v54 =	vld [tilespmem:$0x1FC40];
	_ =	sdelay $0x1  }
0x2a8: {  	v27 =	vld.idx.msk [tilespmem:v41+s12+$0x0], $0xffff;
	v38 =	vor.u32 v36, v42  }
0x2a9: {  	v41 =	vld.idx.msk [tilespmem:v26+s12+$0x0], $0xffff;
	v40 =	vor.u32 v39, v43  }
0x2aa: {  	v53 =	vld.idx.msk [tilespmem:v53+s12+$0x0], $0xffff;
	[tilespmem:v21+s15+$0x0] =	vst.idx.msk $0xffff, v55;
	v52 =	vor.u32 v47, v24  }
0x2ab: {  	v32 =	vor.u32 v5, v49;
	v58 =	vld [tilespmem:$0x1FD00];
	v13 =	vor.u32 v54, v25;
	_ =	sdelay $0x1  }
0x2ac: {  	v0 =	vor.u32 v5, v9;
	v17 =	vld [tilespmem:$0x1FED0];
	[tilespmem:v38+s15+$0x0] =	vst.idx.msk $0xffff, v60  }
0x2ad: {  	v20 =	vor.u32 v5, v28;
	[tilespmem:v40+s15+$0x0] =	vst.idx.msk $0xffff, v27  }
0x2ae: {  	v26 =	vor.u32 v5, v61;
	v33 =	vld [tilespmem:$0x1FAE0];
	[tilespmem:v52+s15+$0x0] =	vst.idx.msk $0xffff, v41  }
0x2af: {  	v30 =	vld.idx.msk [tilespmem:v32+s12+$0x0], $0xffff;
	v2 =	vor.u32 v58, v15;
	[tilespmem:v13+s15+$0x0] =	vst.idx.msk $0xffff, v53  }
0x2b0: {  	v3 =	vld [tilespmem:$0x1FCD0]  }
0x2b1: {  	v16 =	vor.u32 v14, v44;
	v0 =	vld.idx.msk [tilespmem:v0+s12+$0x0], $0xffff;
	v55 =	vor.u32 v17, v62  }
0x2b2: {  	v20 =	vld.idx.msk [tilespmem:v20+s12+$0x0], $0xffff  }
0x2b3: {  	v38 =	vld.idx.msk [tilespmem:v26+s12+$0x0], $0xffff;
	v34 =	vor.u32 v33, v42  }
0x2b4: {  	v26 =	vor.u32 v46, v43;
	v39 =	vld [tilespmem:$0x1FC70];
	[tilespmem:v2+s15+$0x0] =	vst.idx.msk $0xffff, v30  }
0x2b5: {  	v2 =	vld [tilespmem:$0x1FC80]  }
0x2b6: {  	v11 =	vld.idx.msk [tilespmem:v55+s12+$0x0], $0xffff;
	[tilespmem:v16+s15+$0x0] =	vst.idx.msk $0xffff, v0  }
0x2b7: {  	v41 =	vld [tilespmem:$0x1FF00]  }
0x2b8: {  	v60 =	vor.u32 v17, v49;
	v14 =	vld.idx.msk [tilespmem:v3+s12+$0x0], $0xffff;
	[tilespmem:v34+s15+$0x0] =	vst.idx.msk $0xffff, v20  }
0x2b9: {  	v35 =	vmov v12;
	v27 =	vor.u32 v17, v9;
	v40 =	vor.u32 v39, v24;
	v12 =	vld [tilespmem:$0x1FB50];
	[tilespmem:v26+s15+$0x0] =	vst.idx.msk $0xffff, v38  }
0x2ba: {  	v36 =	vor.u32 v17, v28;
	v22 =	vor.u32 v17, v61;
	v2 =	vor.u32 v2, v25;
	v17 =	vld [tilespmem:$0x1FAF0];
	_ =	sdelay $0x2  }
0x2bb: {  	v4 =	vor.u32 v4, v15;
	v13 =	vld.idx.msk [tilespmem:v60+s12+$0x0], $0xffff  }
0x2bc: {  	v20 =	vld.idx.msk [tilespmem:v27+s12+$0x0], $0xffff;
	[tilespmem:v40+s15+$0x0] =	vst.idx.msk $0xffff, v14;
	v12 =	vor.u32 v12, v44  }
0x2bd: {  	v26 =	vor.u32 v17, v42;
	v17 =	vld [tilespmem:$0x1FB00];
	[tilespmem:v2+s15+$0x0] =	vst.idx.msk $0xffff, v11  }
0x2be: {  	v2 =	vld [tilespmem:$0x1FCC0]  }
0x2bf: {  	v46 =	vor.u32 v41, v62  }
0x2c0: {  	v16 =	vor.u32 v41, v49;
	[tilespmem:v4+s15+$0x0] =	vst.idx.msk $0xffff, v13  }
0x2c1: {  	v1 =	vld.idx.msk [tilespmem:v36+s12+$0x0], $0xffff;
	[tilespmem:v12+s15+$0x0] =	vst.idx.msk $0xffff, v20  }
0x2c2: {  	v58 =	vld [tilespmem:$0x1FB70]  }
0x2c3: {  	v52 =	vld.idx.msk [tilespmem:v22+s12+$0x0], $0xffff  }
0x2c4: {  	v0 =	vld.idx.msk [tilespmem:v46+s12+$0x0], $0xffff;
	v22 =	vor.u32 v17, v43  }
0x2c5: {  	v54 =	vor.u32 v6, v25;
	v13 =	vld.idx.msk [tilespmem:v16+s12+$0x0], $0xffff  }
0x2c6: {  	v53 =	vor.u32 v8, v24;
	v47 =	vor.u32 v41, v9;
	v2 =	vld.idx.msk [tilespmem:v2+s12+$0x0], $0xffff  }
0x2c7: {  	v55 =	vld [tilespmem:$0x1FEF0];
	[tilespmem:v26+s15+$0x0] =	vst.idx.msk $0xffff, v1;
	v6 =	vor.u32 v58, v15  }
0x2c8: {  	v29 =	vld [tilespmem:$0x1FB80]  }
0x2c9: {  	[tilespmem:v22+s15+$0x0] =	vst.idx.msk $0xffff, v52  }
0x2ca: {  	v14 =	vor.u32 v41, v28;
	v31 =	vld [tilespmem:$0x1FB10];
	[tilespmem:v54+s15+$0x0] =	vst.idx.msk $0xffff, v0  }
0x2cb: {  	v10 =	vld.idx.msk [tilespmem:v47+s12+$0x0], $0xffff;
	[tilespmem:v53+s15+$0x0] =	vst.idx.msk $0xffff, v2  }
0x2cc: {  	v21 =	vor.u32 v41, v61;
	v20 =	vor.u32 v37, v43;
	v0 =	vld [tilespmem:$0x1FCA0];
	[tilespmem:v6+s15+$0x0] =	vst.idx.msk $0xffff, v13  }
0x2cd: {  	v37 =	vor.u32 v18, v24;
	v60 =	vor.u32 v55, v49;
	v30 =	vor.u32 v29, v44;
	v18 =	vld [tilespmem:$0x1FEE0]  }
0x2ce: {  	v12 =	vor.u32 v55, v62;
	v39 =	vld [tilespmem:$0x1FD10]  }
0x2cf: {  	v14 =	vld.idx.msk [tilespmem:v14+s12+$0x0], $0xffff;
	v16 =	vor.u32 v55, v9;
	v33 =	vor.u32 v31, v42  }
0x2d0: {  	v34 =	vor.u32 v55, v28  }
0x2d1: {  	v36 =	vld.idx.msk [tilespmem:v21+s12+$0x0], $0xffff  }
0x2d2: {  	v41 =	vor.u32 v59, v15;
	v21 =	vor.u32 v55, v61;
	[tilespmem:v30+s15+$0x0] =	vst.idx.msk $0xffff, v10;
	v1 =	vld.idx.msk [tilespmem:v60+s12+$0x0], $0xffff  }
0x2d3: {  	v12 =	vld.idx.msk [tilespmem:v12+s12+$0x0], $0xffff;
	v38 =	vor.u32 v18, v45;
	v13 =	vor.u32 v39, v25;
	v45 =	vor.u32 v18, v49  }
0x2d4: {  	v46 =	vor.u32 v35, v44;
	v40 =	vor.u32 v18, v62;
	[tilespmem:v33+s15+$0x0] =	vst.idx.msk $0xffff, v14;
	v14 =	vld.idx.msk [tilespmem:v16+s12+$0x0], $0xffff  }
0x2d5: {  	v47 =	vor.u32 v18, v9;
	v16 =	vor.u32 v57, v42;
	v2 =	vld.idx.msk [tilespmem:v34+s12+$0x0], $0xffff  }
0x2d6: {  	v32 =	vmov v7;
	[tilespmem:v20+s15+$0x0] =	vst.idx.msk $0xffff, v36;
	v49 =	vor.u32 v18, v28;
	v0 =	vld.idx.msk [tilespmem:v0+s12+$0x0], $0xffff  }
0x2d7: {  	v17 =	vor.u32 v19, v43;
	v53 =	vor.u32 v56, v24;
	v52 =	vld.idx.msk [tilespmem:v21+s12+$0x0], $0xffff;
	[tilespmem:v41+s15+$0x0] =	vst.idx.msk $0xffff, v1  }
0x2d8: {  	v56 =	vor.u32 v32, v15;
	[tilespmem:v13+s15+$0x0] =	vst.idx.msk $0xffff, v12;
	v13 =	vor.u32 v18, v61;
	v57 =	vld.idx.msk [tilespmem:v45+s12+$0x0], $0xffff  }
0x2d9: {  	v54 =	vor.u32 v51, v25;
	[tilespmem:v46+s15+$0x0] =	vst.idx.msk $0xffff, v14;
	v55 =	vld.idx.msk [tilespmem:v40+s12+$0x0], $0xffff  }
0x2da: {  	v58 =	vor.u32 v23, v44;
	[tilespmem:v16+s15+$0x0] =	vst.idx.msk $0xffff, v2;
	v59 =	vld.idx.msk [tilespmem:v47+s12+$0x0], $0xffff  }
0x2db: {  	v60 =	vor.u32 v50, v42;
	[tilespmem:v37+s15+$0x0] =	vst.idx.msk $0xffff, v0;
	v0 =	vld.idx.msk [tilespmem:v49+s12+$0x0], $0xffff  }
0x2dc: {  	[tilespmem:v17+s15+$0x0] =	vst.idx.msk $0xffff, v52;
	v6 =	vld.idx.msk [tilespmem:v38+s12+$0x0], $0xffff  }
0x2dd: {  	v61 =	vor.u32 v48, v43;
	v62 =	vld.idx.msk [tilespmem:v13+s12+$0x0], $0xffff;
	[tilespmem:v56+s15+$0x0] =	vst.idx.msk $0xffff, v57  }
0x2de: {  	[tilespmem:v54+s15+$0x0] =	vst.idx.msk $0xffff, v55  }
0x2df: {  	[tilespmem:v58+s15+$0x0] =	vst.idx.msk $0xffff, v59  }
0x2e0: {  	[tilespmem:v60+s15+$0x0] =	vst.idx.msk $0xffff, v0  }
0x2e1: {  	[tilespmem:v53+s15+$0x0] =	vst.idx.msk $0xffff, v6  }
0x2e2: {  	[tilespmem:v61+s15+$0x0] =	vst.idx.msk $0xffff, v62  }
0x2e3: {  	v16 =	vld [tilespmem:$0x1FF90]  }
0x2e4: {  	p1 =	sne.s32 s23, $0x63;
	v20 =	vld [tilespmem:$0x1FFA0]  }
.Ltmp3:
0x2e5: {  	v23 =	vld [tilespmem:$0x1FFB0];
	(pc) =	sbr.rel @p1 .LBB2_6-.Ltmp3, $4  }
0x2e6: {  	s25 =	sshll.u32 s23, $0x10;
	v62 =	vld [tilespmem:$0x1FFC0]  }
0x2e7: {  	s25 =	sor.u32 s6, s25;
	v24 =	vld [tilespmem:$0x1FFD0]  }
0x2e8: {  	s31 =	sadd.s32 s1, s25;
	v26 =	vld [tilespmem:$0x1FFE0]  }
0x2e9: {  	[hbm4b:s31+s16] =	stream.strided.scatter [tilespmem:s15], [sflag:$0x3], $0x2000, s17, s16, $0x38;
	v14 =	vld [tilespmem:$0x1FFF0]  }
.Ltmp4:
0x2ea: {  	(pc) =	sbr.rel .LBB2_7-.Ltmp4, $4  }
0x2eb: {  	_ = 	snop  }
0x2ec: {  	_ =	swait.ge [sflag:s18], $0x2000  }
0x2ed: {  	[sflag:s18] =	ssyncset.done $0x0  }
0x2ee: {  	[sflag:s18] =	ssyncadd.s32 $0xFFFFE000  }
.LBB2_6:
0x2ef: {  	s26 =	sshrl.u32 s24, $0x2  }
.Ltmp5:
0x2f0: {  	s26 =	sadd.s32 $0x100, s26;
	(pc) =	sbr.rel @p0 .LBB2_8-.Ltmp5, $4  }
0x2f1: {  	[tilespmem:s12], [sflag:$0x1] =	stream.indirect.gather [hbm4b:s4+s9], $0x40, s26, s9, $0xb8;
	[tilespmem:$0xE400] =	vst v63  }
0x2f2: {  	_ =	swait.ge [sflag:s18], $0x2000  }
0x2f3: {  	[sflag:s18] =	ssyncset.done $0x0  }
0x2f4: {  	[sflag:s18] =	ssyncadd.s32 $0xFFFFE000  }
.LBB2_7:
0x2f5: {  	_ =	swait.ge [sflag:s19], $0x2000  }
0x2f6: {  	[sflag:s19] =	ssyncset.done $0x0  }
0x2f7: {  	[sflag:s19] =	ssyncadd.s32 $0xFFFFE000  }
.LBB2_8:
0x2f8: {  	s26 =	simm.s32 $0x0;
	v1 =	vlaneseq.u32  }
0x2f9: {  	s31 =	simm.s32 $0x1;
	v22 =	vld [tilespmem:$0x1FD40];
	v0 =	vadd.s32 s26, v1  }
0x2fa: {  	v18 =	vld [tilespmem:$0x1FD70];
	v1 =	vadd.s32 s31, v1;
	v46 =	vand.u32 $0xF, v0  }
0x2fb: {  	v17 =	vand.u32 $0xF, v1;
	v2 =	vor.u32 v63, v46  }
0x2fc: {  	v3 =	vshll.u32 v0, $0x7;
	v0 =	vor.u32 v63, v17  }
0x2fd: {  	v4 =	vand.u32 $0x380, v3  }
0x2fe: {  	v25 =	vld [tilespmem:$0x1FD80];
	v35 =	vand.u32 $0x400, v3;
	v36 =	vor.u32 v22, v4;
	v4 =	vshll.u32 v1, $0x7  }
0x2ff: {  	v5 =	vor.u32 v18, v35;
	v1 =	vand.u32 $0x380, v4;
	v34 =	vand.u32 $0x400, v4  }
0x300: {  	v6 =	vor.u32 v36, v5;
	v41 =	vor.u32 v22, v1;
	v7 =	vor.u32 v18, v34;
	v2 =	vld.idx.msk [tilespmem:v2+s13+$0x0], $0xffff  }
0x301: {  	v0 =	vld.idx.msk [tilespmem:v0+s13+$0x0], $0xffff;
	v8 =	vor.u32 v41, v7  }
0x302: {  	v21 =	vld [tilespmem:$0x1FD90]  }
0x303: {  	v1 =	vor.u32 v25, v46  }
0x304: {  	v9 =	vor.u32 v25, v17  }
0x305: {  	[tilespmem:v6+s20+$0x0] =	vst.idx.msk $0xffff, v2  }
0x306: {  	[tilespmem:v8+s20+$0x0] =	vst.idx.msk $0xffff, v0  }
0x307: {  	v10 =	vor.u32 v21, v3;
	v30 =	vld [tilespmem:$0x1FDA0]  }
0x308: {  	v59 =	vand.u32 $0x398, v10;
	v2 =	vor.u32 v21, v4;
	v1 =	vld.idx.msk [tilespmem:v1+s13+$0x0], $0xffff  }
0x309: {  	v6 =	vor.u32 v59, v5;
	v44 =	vand.u32 $0x398, v2;
	v2 =	vld.idx.msk [tilespmem:v9+s13+$0x0], $0xffff  }
0x30a: {  	v29 =	vld [tilespmem:$0x1FDB0];
	v8 =	vor.u32 v44, v7;
	_ =	sdelay $0x1  }
0x30b: {  	v0 =	vor.u32 v30, v46  }
0x30c: {  	v9 =	vor.u32 v30, v17  }
0x30d: {  	[tilespmem:v6+s20+$0x0] =	vst.idx.msk $0xffff, v1  }
0x30e: {  	v10 =	vor.u32 v29, v3;
	[tilespmem:v8+s20+$0x0] =	vst.idx.msk $0xffff, v2  }
0x30f: {  	v1 =	vor.u32 v29, v4;
	v53 =	vand.u32 $0x3A8, v10;
	v40 =	vld [tilespmem:$0x1FDC0]  }
0x310: {  	v50 =	vand.u32 $0x3A8, v1;
	v6 =	vor.u32 v53, v5;
	v0 =	vld.idx.msk [tilespmem:v0+s13+$0x0], $0xffff  }
0x311: {  	v8 =	vld.idx.msk [tilespmem:v9+s13+$0x0], $0xffff;
	v9 =	vor.u32 v50, v7;
	_ =	sdelay $0x2  }
0x312: {  	v31 =	vld [tilespmem:$0x1FDD0]  }
0x313: {  	[tilespmem:v6+s20+$0x0] =	vst.idx.msk $0xffff, v0  }
0x314: {  	v2 =	vor.u32 v40, v46;
	[tilespmem:v9+s20+$0x0] =	vst.idx.msk $0xffff, v8  }
0x315: {  	v56 =	vld [tilespmem:$0x1FDE0]  }
0x316: {  	v10 =	vor.u32 v40, v17  }
0x317: {  	v11 =	vor.u32 v31, v3;
	v0 =	vor.u32 v31, v4  }
0x318: {  	v51 =	vand.u32 $0x3B8, v11;
	v33 =	vand.u32 $0x3B8, v0;
	v0 =	vld [tilespmem:$0x1FDF0]  }
0x319: {  	v6 =	vor.u32 v51, v5;
	v2 =	vld.idx.msk [tilespmem:v2+s13+$0x0], $0xffff  }
0x31a: {  	v8 =	vor.u32 v56, v46  }
0x31b: {  	v9 =	vld.idx.msk [tilespmem:v10+s13+$0x0], $0xffff;
	v10 =	vor.u32 v33, v7;
	_ =	sdelay $0x1  }
0x31c: {  	v11 =	vor.u32 v56, v17;
	v12 =	vor.u32 v0, v3  }
0x31d: {  	[tilespmem:v6+s20+$0x0] =	vst.idx.msk $0xffff, v2;
	v28 =	vand.u32 $0x3C8, v12  }
0x31e: {  	v6 =	vld.idx.msk [tilespmem:v8+s13+$0x0], $0xffff;
	[tilespmem:$0x1F940] =	vst v28  }
0x31f: {  	v2 =	vor.u32 v0, v4;
	[tilespmem:v10+s20+$0x0] =	vst.idx.msk $0xffff, v9  }
0x320: {  	v38 =	vand.u32 $0x3C8, v2;
	v8 =	vor.u32 v28, v5;
	v57 =	vld [tilespmem:$0x1FE00]  }
0x321: {  	v10 =	vld.idx.msk [tilespmem:v11+s13+$0x0], $0xffff;
	v11 =	vor.u32 v38, v7;
	_ =	sdelay $0x2  }
0x322: {  	[tilespmem:$0x1F950] =	vst v38;
	v1 =	vld [tilespmem:$0x1FE10]  }
0x323: {  	[tilespmem:v8+s20+$0x0] =	vst.idx.msk $0xffff, v6  }
0x324: {  	v9 =	vor.u32 v57, v46;
	[tilespmem:v11+s20+$0x0] =	vst.idx.msk $0xffff, v10  }
0x325: {  	v58 =	vld [tilespmem:$0x1FE20]  }
0x326: {  	v12 =	vor.u32 v57, v17  }
0x327: {  	v13 =	vor.u32 v1, v3  }
0x328: {  	v32 =	vand.u32 $0x3D8, v13  }
0x329: {  	v6 =	vor.u32 v1, v4;
	v8 =	vld.idx.msk [tilespmem:v9+s13+$0x0], $0xffff;
	v9 =	vor.u32 v32, v5  }
0x32a: {  	v55 =	vand.u32 $0x3D8, v6;
	v6 =	vor.u32 v58, v46  }
0x32b: {  	v11 =	vor.u32 v55, v7;
	v10 =	vld.idx.msk [tilespmem:v12+s13+$0x0], $0xffff  }
0x32c: {  	v12 =	vor.u32 v58, v17  }
0x32d: {  	v13 =	vor.u32 v16, v3  }
0x32e: {  	v42 =	vand.u32 $0x3E8, v13;
	[tilespmem:v9+s20+$0x0] =	vst.idx.msk $0xffff, v8  }
0x32f: {  	v8 =	vor.u32 v16, v4;
	v9 =	vor.u32 v42, v5;
	v6 =	vld.idx.msk [tilespmem:v6+s13+$0x0], $0xffff;
	[tilespmem:$0x1F9E0] =	vst v42  }
0x330: {  	v15 =	vand.u32 $0x3E8, v8;
	[tilespmem:v11+s20+$0x0] =	vst.idx.msk $0xffff, v10  }
0x331: {  	v8 =	vor.u32 v20, v46;
	v11 =	vor.u32 v15, v7;
	v10 =	vld.idx.msk [tilespmem:v12+s13+$0x0], $0xffff  }
0x332: {  	v12 =	vor.u32 v20, v17  }
0x333: {  	v3 =	vor.u32 v23, v3;
	[tilespmem:$0x1F9D0] =	vst v15  }
0x334: {  	v2 =	vand.u32 $0x3F8, v3;
	[tilespmem:v9+s20+$0x0] =	vst.idx.msk $0xffff, v6  }
0x335: {  	v3 =	vor.u32 v23, v4;
	[tilespmem:$0x1FA00] =	vst v2  }
0x336: {  	v5 =	vor.u32 v2, v5;
	v2 =	vand.u32 $0x3F8, v3;
	v4 =	vld.idx.msk [tilespmem:v8+s13+$0x0], $0xffff;
	[tilespmem:v11+s20+$0x0] =	vst.idx.msk $0xffff, v10  }
0x337: {  	v3 =	vor.u32 v62, v46;
	v7 =	vor.u32 v2, v7;
	v6 =	vld.idx.msk [tilespmem:v12+s13+$0x0], $0xffff  }
0x338: {  	v8 =	vor.u32 v62, v17;
	_ =	sdelay $0x2  }
0x339: {  	[tilespmem:v5+s20+$0x0] =	vst.idx.msk $0xffff, v4;
	v4 =	vor.u32 v24, v35  }
0x33a: {  	v3 =	vld.idx.msk [tilespmem:v3+s13+$0x0], $0xffff;
	v5 =	vor.u32 v36, v4;
	[tilespmem:v7+s20+$0x0] =	vst.idx.msk $0xffff, v6;
	v6 =	vor.u32 v24, v34  }
0x33b: {  	v7 =	vor.u32 v26, v46;
	v8 =	vld.idx.msk [tilespmem:v8+s13+$0x0], $0xffff;
	v9 =	vor.u32 v41, v6  }
0x33c: {  	v10 =	vor.u32 v26, v17;
	_ =	sdelay $0x2  }
0x33d: {  	[tilespmem:v5+s20+$0x0] =	vst.idx.msk $0xffff, v3  }
0x33e: {  	v5 =	vor.u32 v59, v4;
	v3 =	vld.idx.msk [tilespmem:v7+s13+$0x0], $0xffff;
	[tilespmem:v9+s20+$0x0] =	vst.idx.msk $0xffff, v8  }
0x33f: {  	v9 =	vor.u32 v44, v6;
	v8 =	vld.idx.msk [tilespmem:v10+s13+$0x0], $0xffff;
	_ =	sdelay $0x2  }
0x340: {  	v7 =	vor.u32 v14, v46  }
0x341: {  	v10 =	vor.u32 v14, v17;
	[tilespmem:v5+s20+$0x0] =	vst.idx.msk $0xffff, v3  }
0x342: {  	[tilespmem:v9+s20+$0x0] =	vst.idx.msk $0xffff, v8  }
0x343: {  	v54 =	vld [tilespmem:$0x1FE30];
	_ =	sdelay $0x1  }
0x344: {  	v5 =	vor.u32 v53, v4;
	v3 =	vld.idx.msk [tilespmem:v7+s13+$0x0], $0xffff  }
0x345: {  	v9 =	vld.idx.msk [tilespmem:v10+s13+$0x0], $0xffff;
	v10 =	vor.u32 v50, v6  }
0x346: {  	s29 =	simm.s32 $0x2;
	v12 =	vlaneseq.u32  }
0x347: {  	v7 =	vadd.s32 s29, v12;
	v8 =	vor.u32 v54, v46  }
0x348: {  	v49 =	vand.u32 $0xF, v7;
	v19 =	vld [tilespmem:$0x1FE40];
	v11 =	vor.u32 v54, v17  }
0x349: {  	s30 =	simm.s32 $0x3;
	v37 =	vshll.u32 v7, $0x7;
	v13 =	vor.u32 v63, v49;
	[tilespmem:v5+s20+$0x0] =	vst.idx.msk $0xffff, v3  }
0x34a: {  	v14 =	vadd.s32 s30, v12;
	v12 =	vand.u32 $0x380, v37;
	[tilespmem:v10+s20+$0x0] =	vst.idx.msk $0xffff, v9  }
0x34b: {  	v52 =	vand.u32 $0xF, v14;
	v7 =	vor.u32 v22, v12;
	v60 =	vld [tilespmem:$0x1FE50]  }
0x34c: {  	v48 =	vand.u32 $0x400, v37;
	v3 =	vor.u32 v63, v52;
	v5 =	vld.idx.msk [tilespmem:v8+s13+$0x0], $0xffff;
	v8 =	vor.u32 v51, v4;
	[tilespmem:$0x1F910] =	vst v7  }
0x34d: {  	v20 =	vor.u32 v18, v48;
	v16 =	vor.u32 v19, v46;
	v10 =	vor.u32 v33, v6;
	v9 =	vld.idx.msk [tilespmem:v11+s13+$0x0], $0xffff  }
0x34e: {  	v12 =	vshll.u32 v14, $0x7;
	v14 =	vor.u32 v19, v17;
	v11 =	vld.idx.msk [tilespmem:v13+s13+$0x0], $0xffff;
	v13 =	vor.u32 v7, v20  }
0x34f: {  	v26 =	vor.u32 v25, v49;
	v47 =	vand.u32 $0x400, v12;
	v19 =	vand.u32 $0x380, v12  }
0x350: {  	v39 =	vor.u32 v22, v19;
	v22 =	vor.u32 v18, v47  }
0x351: {  	v24 =	vor.u32 v39, v22;
	v3 =	vld.idx.msk [tilespmem:v3+s13+$0x0], $0xffff;
	[tilespmem:v8+s20+$0x0] =	vst.idx.msk $0xffff, v5;
	v5 =	vor.u32 v21, v37  }
0x352: {  	v8 =	vor.u32 v25, v52;
	v25 =	vor.u32 v28, v4;
	v16 =	vld.idx.msk [tilespmem:v16+s13+$0x0], $0xffff;
	[tilespmem:v10+s20+$0x0] =	vst.idx.msk $0xffff, v9  }
0x353: {  	v23 =	vor.u32 v60, v46;
	[tilespmem:v13+s20+$0x0] =	vst.idx.msk $0xffff, v11;
	v10 =	vand.u32 $0x398, v5;
	v5 =	vld.idx.msk [tilespmem:v14+s13+$0x0], $0xffff  }
0x354: {  	v9 =	vor.u32 v38, v6;
	v11 =	vld.idx.msk [tilespmem:v26+s13+$0x0], $0xffff  }
0x355: {  	v13 =	vor.u32 v10, v20;
	v26 =	vor.u32 v60, v17;
	v14 =	vor.u32 v21, v12;
	v45 =	vld [tilespmem:$0x1FD50]  }
0x356: {  	v27 =	vor.u32 v30, v49;
	[tilespmem:v24+s20+$0x0] =	vst.idx.msk $0xffff, v3;
	v38 =	vand.u32 $0x398, v14  }
0x357: {  	v3 =	vld.idx.msk [tilespmem:v8+s13+$0x0], $0xffff;
	v8 =	vor.u32 v38, v22;
	[tilespmem:v25+s20+$0x0] =	vst.idx.msk $0xffff, v16  }
0x358: {  	v24 =	vor.u32 v32, v4;
	v14 =	vor.u32 v29, v37;
	v16 =	vor.u32 v30, v52;
	v23 =	vld.idx.msk [tilespmem:v23+s13+$0x0], $0xffff  }
0x359: {  	v43 =	vand.u32 $0x3A8, v14;
	[tilespmem:v9+s20+$0x0] =	vst.idx.msk $0xffff, v5  }
0x35a: {  	v28 =	vor.u32 v45, v46;
	[tilespmem:v13+s20+$0x0] =	vst.idx.msk $0xffff, v11;
	v9 =	vor.u32 v55, v6;
	v5 =	vld.idx.msk [tilespmem:v26+s13+$0x0], $0xffff  }
0x35b: {  	v25 =	vor.u32 v43, v20;
	v13 =	vld.idx.msk [tilespmem:v27+s13+$0x0], $0xffff  }
0x35c: {  	v11 =	vor.u32 v29, v12;
	[tilespmem:v8+s20+$0x0] =	vst.idx.msk $0xffff, v3  }
0x35d: {  	v18 =	vmov v62;
	v26 =	vor.u32 v45, v17;
	v62 =	vand.u32 $0x3A8, v11;
	v8 =	vld.idx.msk [tilespmem:v16+s13+$0x0], $0xffff;
	[tilespmem:v24+s20+$0x0] =	vst.idx.msk $0xffff, v23  }
0x35e: {  	v27 =	vor.u32 v40, v49;
	v3 =	vor.u32 v62, v22;
	v7 =	vld [tilespmem:$0x1FE60]  }
0x35f: {  	v29 =	vor.u32 v42, v4;
	v16 =	vor.u32 v31, v37;
	v28 =	vld.idx.msk [tilespmem:v28+s13+$0x0], $0xffff;
	[tilespmem:v9+s20+$0x0] =	vst.idx.msk $0xffff, v5  }
0x360: {  	v11 =	vand.u32 $0x3B8, v16;
	[tilespmem:v25+s20+$0x0] =	vst.idx.msk $0xffff, v13  }
0x361: {  	[tilespmem:$0x1F9F0] =	vst v11;
	v42 =	vld [tilespmem:$0x1FF40]  }
0x362: {  	v5 =	vld.idx.msk [tilespmem:v26+s13+$0x0], $0xffff  }
0x363: {  	v24 =	vor.u32 v40, v52;
	v16 =	vor.u32 v31, v12;
	v25 =	vld.idx.msk [tilespmem:v27+s13+$0x0], $0xffff;
	[tilespmem:v3+s20+$0x0] =	vst.idx.msk $0xffff, v8  }
0x364: {  	v23 =	vor.u32 v7, v46;
	v27 =	vor.u32 v7, v17;
	v7 =	vand.u32 $0x3B8, v16;
	[tilespmem:v29+s20+$0x0] =	vst.idx.msk $0xffff, v28  }
0x365: {  	v9 =	vor.u32 v15, v6;
	v61 =	vmov v7;
	v8 =	vor.u32 v7, v22;
	v7 =	vld [tilespmem:$0x1FA00]  }
0x366: {  	v26 =	vor.u32 v11, v20;
	_ =	sdelay $0x1  }
0x367: {  	v30 =	vor.u32 v56, v49  }
0x368: {  	v3 =	vld.idx.msk [tilespmem:v24+s13+$0x0], $0xffff  }
0x369: {  	[tilespmem:v9+s20+$0x0] =	vst.idx.msk $0xffff, v5;
	v23 =	vld.idx.msk [tilespmem:v23+s13+$0x0], $0xffff;
	v29 =	vor.u32 v7, v4  }
0x36a: {  	v24 =	vor.u32 v0, v37;
	[tilespmem:v26+s20+$0x0] =	vst.idx.msk $0xffff, v25  }
0x36b: {  	v5 =	vld.idx.msk [tilespmem:v27+s13+$0x0], $0xffff;
	[tilespmem:$0x1F850] =	vst v2;
	v7 =	vand.u32 $0x3C8, v24  }
0x36c: {  	v26 =	vld.idx.msk [tilespmem:v30+s13+$0x0], $0xffff;
	[tilespmem:$0x1F860] =	vst v7  }
0x36d: {  	v9 =	vor.u32 v0, v12;
	v0 =	vld [tilespmem:$0x1FF50];
	[tilespmem:v8+s20+$0x0] =	vst.idx.msk $0xffff, v3  }
0x36e: {  	v28 =	vor.u32 v56, v52;
	[tilespmem:v29+s20+$0x0] =	vst.idx.msk $0xffff, v23  }
0x36f: {  	v31 =	vor.u32 v42, v46;
	v8 =	vld [tilespmem:$0x1FF10]  }
0x370: {  	v4 =	vor.u32 v2, v6;
	_ =	sdelay $0x1  }
0x371: {  	v27 =	vor.u32 v7, v20  }
0x372: {  	v30 =	vor.u32 v42, v17;
	v2 =	vand.u32 $0x3C8, v9;
	v28 =	vld.idx.msk [tilespmem:v28+s13+$0x0], $0xffff;
	[tilespmem:$0x1F870] =	vst v35  }
0x373: {  	v40 =	vmov v33;
	v56 =	vor.u32 v2, v22;
	v29 =	vld.idx.msk [tilespmem:v31+s13+$0x0], $0xffff;
	[tilespmem:$0x1F880] =	vst v36;
	v25 =	vor.u32 v8, v35  }
0x374: {  	v33 =	vor.u32 v57, v49;
	v7 =	vmov v34;
	[tilespmem:v4+s20+$0x0] =	vst.idx.msk $0xffff, v5;
	v31 =	vor.u32 v36, v25  }
0x375: {  	[tilespmem:$0x1F890] =	vst v7  }
0x376: {  	v3 =	vor.u32 v1, v37;
	[tilespmem:v27+s20+$0x0] =	vst.idx.msk $0xffff, v26  }
0x377: {  	v4 =	vand.u32 $0x3D8, v3;
	v3 =	vld.idx.msk [tilespmem:v30+s13+$0x0], $0xffff;
	[tilespmem:$0x1F8A0] =	vst v41  }
0x378: {  	v6 =	vmov v32;
	v23 =	vor.u32 v57, v52;
	[tilespmem:v56+s20+$0x0] =	vst.idx.msk $0xffff, v28  }
0x379: {  	v32 =	vor.u32 v0, v46;
	v24 =	vor.u32 v8, v7;
	v26 =	vld.idx.msk [tilespmem:v33+s13+$0x0], $0xffff;
	[tilespmem:v31+s20+$0x0] =	vst.idx.msk $0xffff, v29  }
0x37a: {  	v5 =	vor.u32 v41, v24;
	v7 =	vld [tilespmem:$0x1FF20]  }
0x37b: {  	v14 =	vmovc v2;
	v2 =	vmov v4;
	v27 =	vor.u32 v4, v20;
	v4 =	vor.u32 v1, v12;
	v1 =	vld [tilespmem:$0x1FF90]  }
0x37c: {  	v30 =	vor.u32 v0, v17  }
0x37d: {  	v4 =	vand.u32 $0x3D8, v4;
	v36 =	vor.u32 v58, v49;
	v23 =	vld.idx.msk [tilespmem:v23+s13+$0x0], $0xffff  }
0x37e: {  	v28 =	vor.u32 v4, v22;
	v32 =	vld.idx.msk [tilespmem:v32+s13+$0x0], $0xffff;
	[tilespmem:$0x1F8B0] =	vst v59  }
0x37f: {  	v34 =	vor.u32 v58, v52;
	v35 =	vor.u32 v59, v25;
	[tilespmem:v5+s20+$0x0] =	vst.idx.msk $0xffff, v3  }
0x380: {  	[tilespmem:v27+s20+$0x0] =	vst.idx.msk $0xffff, v26;
	v29 =	vor.u32 v7, v46;
	v31 =	vor.u32 v1, v37  }
0x381: {  	v27 =	vor.u32 v44, v24;
	v26 =	vld.idx.msk [tilespmem:v30+s13+$0x0], $0xffff;
	[tilespmem:$0x1F8C0] =	vst v44;
	v3 =	vand.u32 $0x3E8, v31  }
0x382: {  	v30 =	vld.idx.msk [tilespmem:v36+s13+$0x0], $0xffff;
	v31 =	vor.u32 v3, v20  }
0x383: {  	v21 =	vmov v4;
	v4 =	vld [tilespmem:$0x1FFA0];
	[tilespmem:v28+s20+$0x0] =	vst.idx.msk $0xffff, v23  }
0x384: {  	v23 =	vld.idx.msk [tilespmem:v34+s13+$0x0], $0xffff;
	[tilespmem:v35+s20+$0x0] =	vst.idx.msk $0xffff, v32  }
0x385: {  	v29 =	vld.idx.msk [tilespmem:v29+s13+$0x0], $0xffff;
	[tilespmem:$0x1F8D0] =	vst v53  }
0x386: {  	v44 =	vld [tilespmem:$0x1FFB0];
	[tilespmem:v27+s20+$0x0] =	vst.idx.msk $0xffff, v26  }
0x387: {  	v33 =	vor.u32 v7, v17;
	[tilespmem:v31+s20+$0x0] =	vst.idx.msk $0xffff, v30  }
0x388: {  	v5 =	vor.u32 v1, v12;
	v1 =	vld [tilespmem:$0x1FF60]  }
0x389: {  	v15 =	vmov v3;
	v41 =	vor.u32 v4, v49;
	v3 =	vand.u32 $0x3E8, v5  }
0x38a: {  	v28 =	vor.u32 v3, v22  }
0x38b: {  	v11 =	vmov v3;
	v3 =	vor.u32 v44, v37;
	v37 =	vor.u32 v53, v25  }
0x38c: {  	v58 =	vor.u32 v4, v52;
	v27 =	vor.u32 v50, v24;
	v26 =	vld.idx.msk [tilespmem:v33+s13+$0x0], $0xffff  }
0x38d: {  	v19 =	vand.u32 $0x3F8, v3;
	[tilespmem:$0x1F8E0] =	vst v50;
	v30 =	vor.u32 v1, v46  }
0x38e: {  	v20 =	vor.u32 v19, v20;
	v31 =	vld.idx.msk [tilespmem:v41+s13+$0x0], $0xffff;
	v41 =	vor.u32 v1, v17  }
0x38f: {  	[tilespmem:v28+s20+$0x0] =	vst.idx.msk $0xffff, v23  }
0x390: {  	v3 =	vor.u32 v44, v12;
	[tilespmem:v37+s20+$0x0] =	vst.idx.msk $0xffff, v29  }
0x391: {  	v23 =	vand.u32 $0x3F8, v3;
	v3 =	vld.idx.msk [tilespmem:v58+s13+$0x0], $0xffff;
	[tilespmem:v27+s20+$0x0] =	vst.idx.msk $0xffff, v26  }
0x392: {  	v22 =	vor.u32 v23, v22;
	v26 =	vld.idx.msk [tilespmem:v30+s13+$0x0], $0xffff;
	[tilespmem:$0x1F8F0] =	vst v51  }
0x393: {  	v44 =	vor.u32 v18, v49;
	[tilespmem:v20+s20+$0x0] =	vst.idx.msk $0xffff, v31;
	v29 =	vld.idx.msk [tilespmem:v41+s13+$0x0], $0xffff  }
0x394: {  	v28 =	vor.u32 v18, v52;
	v18 =	vld [tilespmem:$0x1FFD0]  }
0x395: {  	v27 =	vor.u32 v51, v25;
	v4 =	vld [tilespmem:$0x1F910]  }
0x396: {  	v9 =	vld [tilespmem:$0x1FF30];
	[tilespmem:$0x1F900] =	vst v40  }
0x397: {  	v13 =	vld [tilespmem:$0x1FFE0];
	[tilespmem:v22+s20+$0x0] =	vst.idx.msk $0xffff, v3  }
0x398: {  	v51 =	vld.idx.msk [tilespmem:v44+s13+$0x0], $0xffff;
	[tilespmem:$0x1F920] =	vst v47  }
0x399: {  	v50 =	vor.u32 v40, v24;
	v3 =	vld.idx.msk [tilespmem:v28+s13+$0x0], $0xffff;
	[tilespmem:$0x1F930] =	vst v39;
	v30 =	vor.u32 v18, v48  }
0x39a: {  	[tilespmem:v27+s20+$0x0] =	vst.idx.msk $0xffff, v26;
	v53 =	vor.u32 v4, v30  }
0x39b: {  	v16 =	vmov v4;
	v4 =	vld [tilespmem:$0x1F940]  }
0x39c: {  	v20 =	vor.u32 v9, v46  }
0x39d: {  	v56 =	vor.u32 v9, v17  }
0x39e: {  	v57 =	vor.u32 v13, v49;
	v31 =	vor.u32 v18, v47;
	[tilespmem:v50+s20+$0x0] =	vst.idx.msk $0xffff, v29  }
0x39f: {  	v22 =	vor.u32 v39, v31;
	[tilespmem:v53+s20+$0x0] =	vst.idx.msk $0xffff, v51  }
0x3a0: {  	v28 =	vor.u32 v4, v25;
	v4 =	vld [tilespmem:$0x1F950]  }
0x3a1: {  	v27 =	vld.idx.msk [tilespmem:v20+s13+$0x0], $0xffff  }
0x3a2: {  	v32 =	vld.idx.msk [tilespmem:v56+s13+$0x0], $0xffff  }
0x3a3: {  	v34 =	vld.idx.msk [tilespmem:v57+s13+$0x0], $0xffff;
	[tilespmem:$0x1F960] =	vst v10  }
0x3a4: {  	v5 =	vld [tilespmem:$0x1FF70];
	[tilespmem:v22+s20+$0x0] =	vst.idx.msk $0xffff, v3  }
0x3a5: {  	v58 =	vor.u32 v4, v24;
	v4 =	vld [tilespmem:$0x1FEF0];
	_ =	sdelay $0x4  }
0x3a6: {  	[tilespmem:$0x1F980] =	vst v38;
	v3 =	vor.u32 v4, v46  }
0x3a7: {  	[tilespmem:$0x1F970] =	vst v3  }
0x3a8: {  	v20 =	vld [tilespmem:$0x1FFF0];
	[tilespmem:v28+s20+$0x0] =	vst.idx.msk $0xffff, v27  }
0x3a9: {  	v44 =	vor.u32 v10, v30;
	v10 =	vld [tilespmem:$0x1FF00]  }
0x3aa: {  	v26 =	vor.u32 v13, v52;
	_ =	sdelay $0x3  }
0x3ab: {  	v3 =	vor.u32 v10, v46  }
0x3ac: {  	v41 =	vld.idx.msk [tilespmem:v26+s13+$0x0], $0xffff;
	[tilespmem:$0x1F990] =	vst v3  }
0x3ad: {  	v1 =	vld [tilespmem:$0x1FF80];
	[tilespmem:v58+s20+$0x0] =	vst.idx.msk $0xffff, v32  }
0x3ae: {  	v7 =	vld [tilespmem:$0x1FED0]  }
0x3af: {  	v29 =	vor.u32 v5, v46;
	_ =	sdelay $0x1  }
0x3b0: {  	v47 =	vor.u32 v5, v17;
	v5 =	vld [tilespmem:$0x1FEC0];
	_ =	sdelay $0x1  }
0x3b1: {  	v4 =	vmov v0;
	v0 =	vor.u32 v7, v46  }
0x3b2: {  	v12 =	vmov v48;
	v48 =	vld.idx.msk [tilespmem:v29+s13+$0x0], $0xffff;
	[tilespmem:$0x1F9A0] =	vst v0  }
0x3b3: {  	[tilespmem:v44+s20+$0x0] =	vst.idx.msk $0xffff, v34  }
0x3b4: {  	v27 =	vor.u32 v5, v46;
	v5 =	vld [tilespmem:$0x1FEB0];
	_ =	sdelay $0x3  }
0x3b5: {  	v37 =	vor.u32 v20, v49  }
0x3b6: {  	v39 =	vor.u32 v38, v31;
	v29 =	vor.u32 v5, v46;
	v5 =	vld [tilespmem:$0x1FE80]  }
0x3b7: {  	v56 =	vor.u32 v6, v25;
	v53 =	vor.u32 v20, v52  }
0x3b8: {  	v7 =	vld [tilespmem:$0x1FE70]  }
0x3b9: {  	v38 =	vld.idx.msk [tilespmem:v47+s13+$0x0], $0xffff;
	[tilespmem:$0x1F9B0] =	vst v43  }
0x3ba: {  	v44 =	vor.u32 v43, v30;
	v43 =	vld.idx.msk [tilespmem:v37+s13+$0x0], $0xffff  }
0x3bb: {  	v35 =	vor.u32 v5, v46;
	v5 =	vld [tilespmem:$0x1FE90];
	[tilespmem:v39+s20+$0x0] =	vst.idx.msk $0xffff, v41  }
0x3bc: {  	s31 =	simm.s32 $0x4;
	v0 =	vlaneseq.u32;
	[tilespmem:v56+s20+$0x0] =	vst.idx.msk $0xffff, v48;
	v48 =	vld.idx.msk [tilespmem:v53+s13+$0x0], $0xffff  }
0x3bd: {  	v57 =	vadd.s32 s31, v0;
	v58 =	vor.u32 v7, v46;
	v0 =	vld [tilespmem:$0x1FD60]  }
0x3be: {  	v40 =	vor.u32 v55, v24;
	v50 =	vor.u32 v62, v31;
	v32 =	vor.u32 v4, v49;
	v4 =	vld [tilespmem:$0x1F9D0]  }
0x3bf: {  	v51 =	vor.u32 v54, v52;
	v26 =	vor.u32 v1, v46;
	v10 =	vlaneseq.u32;
	v3 =	vmovc v42;
	v1 =	vld [tilespmem:$0x1F9E0]  }
0x3c0: {  	v42 =	vor.u32 v60, v49;
	v47 =	vor.u32 v54, v49;
	v34 =	vor.u32 v3, v49;
	v60 =	vld [tilespmem:$0x1F9F0]  }
0x3c1: {  	v59 =	vmovc v55;
	v28 =	vand.u32 $0xF, v57;
	v36 =	vshll.u32 v57, $0x7;
	v39 =	vor.u32 v7, v17;
	[tilespmem:$0x1F9C0] =	vst v62;
	v3 =	vld [tilespmem:$0x1FA00]  }
0x3c2: {  	s28 =	simm.s32 $0x5;
	s26 =	simm.s32 $0x6;
	v41 =	vor.u32 v45, v49;
	v37 =	vld.idx.msk [tilespmem:v58+s13+$0x0], $0xffff;
	v33 =	vor.u32 v5, v46;
	v53 =	vor.u32 v0, v28  }
.LBB2_9:
0x3c3: {  	v5 =	vld [tilespmem:$0x1FE40]  }
0x3c4: {  	v0 =	vld [tilespmem:$0x1F850]  }
0x3c5: {  	v7 =	vld [tilespmem:$0x1FD80]  }
0x3c6: {  	[tilespmem:$0x1F9D0] =	vst v4;
	v20 =	vor.u32 v4, v24;
	v4 =	vld [tilespmem:$0x1FD70]  }
0x3c7: {  	v9 =	vld [tilespmem:$0x1FDA0];
	[tilespmem:$0x1F840] =	vst v19  }
0x3c8: {  	v22 =	vmovc v26;
	v26 =	vmovc v19;
	v19 =	vmov v11;
	[tilespmem:$0x1F830] =	vst v11;
	v11 =	vmov v6;
	v6 =	vmov v12;
	v12 =	vld [tilespmem:$0x1FDE0]  }
0x3c9: {  	[tilespmem:v40+s20+$0x0] =	vst.idx.msk $0xffff, v38;
	v18 =	vld [tilespmem:$0x1FF40];
	v8 =	vmov v0;
	v0 =	vmov v46  }
0x3ca: {  	[tilespmem:$0x1F7E0] =	vst v0;
	v0 =	vld [tilespmem:$0x1FE80]  }
0x3cb: {  	v56 =	vor.u32 v1, v25;
	[tilespmem:v44+s20+$0x0] =	vst.idx.msk $0xffff, v43;
	v43 =	vld.idx.msk [tilespmem:v39+s13+$0x0], $0xffff  }
0x3cc: {  	v54 =	vadd.s32 s28, v10;
	v40 =	vmov v59;
	v59 =	vor.u32 v60, v30;
	[tilespmem:v50+s20+$0x0] =	vst.idx.msk $0xffff, v48;
	v47 =	vld.idx.msk [tilespmem:v47+s13+$0x0], $0xffff  }
0x3cd: {  	v53 =	vld.idx.msk [tilespmem:v53+s13+$0x0], $0xffff;
	v55 =	vor.u32 v5, v49;
	v46 =	vmovc v49;
	v49 =	vmov v28;
	v28 =	vand.u32 $0xF, v54  }
0x3ce: {  	v51 =	vld.idx.msk [tilespmem:v51+s13+$0x0], $0xffff;
	v58 =	vor.u32 v63, v28  }
0x3cf: {  	v13 =	vmov v61;
	v48 =	vor.u32 v0, v17;
	v0 =	vld [tilespmem:$0x1FD40]  }
0x3d0: {  	v39 =	vshll.u32 v54, $0x7;
	v54 =	vor.u32 v61, v31;
	[tilespmem:v56+s20+$0x0] =	vst.idx.msk $0xffff, v37;
	v61 =	vor.u32 v5, v52;
	v5 =	vld [tilespmem:$0x1FD90]  }
0x3d1: {  	v62 =	vld.idx.msk [tilespmem:v35+s13+$0x0], $0xffff;
	[tilespmem:v59+s20+$0x0] =	vst.idx.msk $0xffff, v47  }
0x3d2: {  	[tilespmem:$0x1F9E0] =	vst v1;
	v56 =	vand.u32 $0x400, v39;
	v55 =	vld.idx.msk [tilespmem:v55+s13+$0x0], $0xffff  }
0x3d3: {  	[tilespmem:$0x1FA00] =	vst v3;
	v1 =	vmovc v23;
	v23 =	vand.u32 $0x380, v36;
	v44 =	vand.u32 $0x400, v36;
	v37 =	vor.u32 v4, v56;
	v58 =	vld.idx.msk [tilespmem:v58+s13+$0x0], $0xffff  }
0x3d4: {  	[tilespmem:v20+s20+$0x0] =	vst.idx.msk $0xffff, v43;
	v50 =	vor.u32 v0, v23;
	v23 =	vor.u32 v4, v44;
	v4 =	vld [tilespmem:$0x1F860]  }
0x3d5: {  	v25 =	vor.u32 v3, v25;
	v3 =	vmovc v60;
	v45 =	vand.u32 $0x380, v39;
	v57 =	vor.u32 v7, v49;
	v47 =	vld.idx.msk [tilespmem:v48+s13+$0x0], $0xffff  }
0x3d6: {  	[tilespmem:$0x1F800] =	vst v8;
	v0 =	vor.u32 v0, v45;
	v45 =	vor.u32 v8, v24;
	v8 =	vld [tilespmem:$0x1FEA0];
	v60 =	vor.u32 v50, v23  }
0x3d7: {  	v48 =	vor.u32 v7, v28;
	[tilespmem:v54+s20+$0x0] =	vst.idx.msk $0xffff, v51;
	v7 =	vld [tilespmem:$0x1F880];
	v43 =	vor.u32 v0, v37  }
0x3d8: {  	[tilespmem:$0x1F820] =	vst v15;
	v38 =	vor.u32 v5, v36;
	v54 =	vld.idx.msk [tilespmem:v61+s13+$0x0], $0xffff  }
0x3d9: {  	[tilespmem:$0x1F860] =	vst v4;
	v63 =	vor.u32 v4, v30;
	v4 =	vld [tilespmem:$0x1FE90]  }
0x3da: {  	[tilespmem:$0x1F7F0] =	vst v14;
	v61 =	vor.u32 v14, v31;
	v14 =	vld [tilespmem:$0x1FE60]  }
0x3db: {  	[tilespmem:v60+s20+$0x0] =	vst.idx.msk $0xffff, v53;
	v53 =	vand.u32 $0x398, v38;
	v38 =	vmov v15;
	v15 =	vor.u32 v5, v39;
	v5 =	vld [tilespmem:$0x1F890]  }
0x3dc: {  	[tilespmem:v43+s20+$0x0] =	vst.idx.msk $0xffff, v58;
	v57 =	vld.idx.msk [tilespmem:v57+s13+$0x0], $0xffff  }
0x3dd: {  	v48 =	vld.idx.msk [tilespmem:v48+s13+$0x0], $0xffff  }
0x3de: {  	[tilespmem:v25+s20+$0x0] =	vst.idx.msk $0xffff, v62;
	v51 =	vor.u32 v4, v17;
	v4 =	vld [tilespmem:$0x1F870]  }
0x3df: {  	v20 =	vor.u32 v9, v49;
	v60 =	vor.u32 v53, v23;
	v58 =	vld.idx.msk [tilespmem:v33+s13+$0x0], $0xffff  }
0x3e0: {  	v24 =	vand.u32 $0x398, v15;
	v15 =	vmov v2;
	[tilespmem:v63+s20+$0x0] =	vst.idx.msk $0xffff, v55;
	v63 =	vor.u32 v2, v30;
	v2 =	vld [tilespmem:$0x1FEB0]  }
0x3e1: {  	v55 =	vld.idx.msk [tilespmem:v42+s13+$0x0], $0xffff  }
0x3e2: {  	v33 =	vor.u32 v8, v5;
	v5 =	vld [tilespmem:$0x1F8A0]  }
0x3e3: {  	[tilespmem:$0x1F810] =	vst v21;
	v35 =	vor.u32 v8, v4;
	v4 =	vld [tilespmem:$0x1FE50]  }
0x3e4: {  	[tilespmem:v60+s20+$0x0] =	vst.idx.msk $0xffff, v57;
	v60 =	vor.u32 v21, v31;
	v21 =	vld [tilespmem:$0x1FF90]  }
0x3e5: {  	[tilespmem:v45+s20+$0x0] =	vst.idx.msk $0xffff, v47;
	v20 =	vld.idx.msk [tilespmem:v20+s13+$0x0], $0xffff  }
0x3e6: {  	v47 =	vld.idx.msk [tilespmem:v51+s13+$0x0], $0xffff  }
0x3e7: {  	v51 =	vor.u32 v9, v28;
	v62 =	vor.u32 v7, v35;
	v7 =	vmov v1;
	v1 =	vld [tilespmem:$0x1F8C0]  }
0x3e8: {  	[tilespmem:v61+s20+$0x0] =	vst.idx.msk $0xffff, v54;
	v54 =	vor.u32 v2, v17;
	v9 =	vld [tilespmem:$0x1FDC0];
	v2 =	vmov v50;
	v25 =	vor.u32 v4, v52  }
0x3e9: {  	v10 =	vmov v44;
	v44 =	vor.u32 v24, v37;
	[tilespmem:$0x1F910] =	vst v2;
	v2 =	vld [tilespmem:$0x1FD50]  }
0x3ea: {  	v59 =	vor.u32 v5, v33;
	v5 =	vld [tilespmem:$0x1FDD0]  }
0x3eb: {  	v4 =	vld [tilespmem:$0x1FDB0]  }
0x3ec: {  	v61 =	vor.u32 v1, v33;
	v1 =	vld [tilespmem:$0x1FEC0]  }
0x3ed: {  	[tilespmem:v62+s20+$0x0] =	vst.idx.msk $0xffff, v58;
	v25 =	vld.idx.msk [tilespmem:v25+s13+$0x0], $0xffff  }
0x3ee: {  	[tilespmem:v44+s20+$0x0] =	vst.idx.msk $0xffff, v48;
	v48 =	vld.idx.msk [tilespmem:v29+s13+$0x0], $0xffff  }
0x3ef: {  	v44 =	vor.u32 v2, v52;
	v2 =	vld [tilespmem:$0x1F8B0]  }
0x3f0: {  	v45 =	vor.u32 v4, v36;
	v62 =	vor.u32 v4, v39;
	v4 =	vld [tilespmem:$0x1F920]  }
0x3f1: {  	[tilespmem:v63+s20+$0x0] =	vst.idx.msk $0xffff, v55;
	v63 =	vld [tilespmem:$0x1FF80]  }
0x3f2: {  	v51 =	vld.idx.msk [tilespmem:v51+s13+$0x0], $0xffff;
	v42 =	vand.u32 $0x3A8, v62;
	[tilespmem:v59+s20+$0x0] =	vst.idx.msk $0xffff, v47  }
0x3f3: {  	v43 =	vand.u32 $0x3A8, v45;
	v47 =	vor.u32 v42, v37;
	v54 =	vld.idx.msk [tilespmem:v54+s13+$0x0], $0xffff  }
0x3f4: {  	v50 =	vor.u32 v43, v23;
	[tilespmem:v60+s20+$0x0] =	vst.idx.msk $0xffff, v25;
	v25 =	vor.u32 v1, v17;
	v1 =	vld [tilespmem:$0x1F930]  }
0x3f5: {  	v57 =	vor.u32 v9, v49;
	v41 =	vld.idx.msk [tilespmem:v41+s13+$0x0], $0xffff  }
0x3f6: {  	v59 =	vor.u32 v9, v28;
	v9 =	vld [tilespmem:$0x1FDF0]  }
0x3f7: {  	v58 =	vor.u32 v2, v35;
	v44 =	vld.idx.msk [tilespmem:v44+s13+$0x0], $0xffff  }
0x3f8: {  	v55 =	vor.u32 v14, v46;
	[tilespmem:v47+s20+$0x0] =	vst.idx.msk $0xffff, v51;
	v47 =	vor.u32 v14, v52;
	v14 =	vld [tilespmem:$0x1FF10]  }
0x3f9: {  	v8 =	vmov v16;
	[tilespmem:v50+s20+$0x0] =	vst.idx.msk $0xffff, v20;
	v16 =	vmov v1;
	v1 =	vld [tilespmem:$0x1F8D0]  }
0x3fa: {  	v50 =	vld.idx.msk [tilespmem:v57+s13+$0x0], $0xffff  }
0x3fb: {  	v29 =	vor.u32 v5, v36;
	v62 =	vor.u32 v38, v30;
	v51 =	vld.idx.msk [tilespmem:v59+s13+$0x0], $0xffff  }
0x3fc: {  	v29 =	vand.u32 $0x3B8, v29;
	v57 =	vor.u32 v19, v31;
	v19 =	vor.u32 v5, v39;
	v5 =	vld [tilespmem:$0x1F960];
	[tilespmem:v58+s20+$0x0] =	vst.idx.msk $0xffff, v48  }
0x3fd: {  	v2 =	vmov v4;
	v4 =	vmov v56;
	v56 =	vor.u32 v29, v23;
	v48 =	vld.idx.msk [tilespmem:v27+s13+$0x0], $0xffff  }
0x3fe: {  	[tilespmem:$0x1F850] =	vst v7;
	v20 =	vor.u32 v12, v49;
	v27 =	vand.u32 $0x3B8, v19;
	v58 =	vor.u32 v1, v35;
	v1 =	vld [tilespmem:$0x1F8E0]  }
0x3ff: {  	[tilespmem:v61+s20+$0x0] =	vst.idx.msk $0xffff, v54;
	v31 =	vor.u32 v7, v31;
	v7 =	vld [tilespmem:$0x1F8F0];
	v54 =	vor.u32 v27, v37  }
0x400: {  	[tilespmem:$0x1F870] =	vst v6;
	v59 =	vor.u32 v12, v28;
	v25 =	vld.idx.msk [tilespmem:v25+s13+$0x0], $0xffff  }
0x401: {  	[tilespmem:v62+s20+$0x0] =	vst.idx.msk $0xffff, v41;
	v61 =	vmov v5;
	v5 =	vld [tilespmem:$0x1FE00]  }
0x402: {  	v60 =	vor.u32 v26, v30;
	v55 =	vld.idx.msk [tilespmem:v55+s13+$0x0], $0xffff;
	[tilespmem:v57+s20+$0x0] =	vst.idx.msk $0xffff, v44  }
0x403: {  	[tilespmem:v56+s20+$0x0] =	vst.idx.msk $0xffff, v50;
	v47 =	vld.idx.msk [tilespmem:v47+s13+$0x0], $0xffff;
	v1 =	vor.u32 v1, v33  }
0x404: {  	v20 =	vld.idx.msk [tilespmem:v20+s13+$0x0], $0xffff;
	[tilespmem:v54+s20+$0x0] =	vst.idx.msk $0xffff, v51  }
0x405: {  	v41 =	vor.u32 v9, v36;
	v54 =	vld.idx.msk [tilespmem:v59+s13+$0x0], $0xffff;
	[tilespmem:v58+s20+$0x0] =	vst.idx.msk $0xffff, v48  }
0x406: {  	[tilespmem:$0x1F890] =	vst v2;
	v19 =	vmov v53;
	v30 =	vand.u32 $0x3C8, v41;
	v41 =	vor.u32 v5, v49;
	v53 =	vld.idx.msk [tilespmem:v22+s13+$0x0], $0xffff  }
0x407: {  	[tilespmem:v60+s20+$0x0] =	vst.idx.msk $0xffff, v55;
	v55 =	vor.u32 v5, v28;
	v5 =	vmov v24;
	v24 =	vor.u32 v14, v2;
	v2 =	vld [tilespmem:$0x1F9B0]  }
0x408: {  	[tilespmem:v1+s20+$0x0] =	vst.idx.msk $0xffff, v25;
	v25 =	vor.u32 v14, v6;
	v6 =	vld [tilespmem:$0x1F900]  }
0x409: {  	v38 =	vmov v32;
	v32 =	vld [tilespmem:$0x1FE20]  }
0x40a: {  	v48 =	vor.u32 v7, v35;
	v7 =	vld [tilespmem:$0x1FE10]  }
0x40b: {  	v50 =	vor.u32 v30, v23;
	v58 =	vor.u32 v9, v39;
	v9 =	vld [tilespmem:$0x1FF50]  }
0x40c: {  	v57 =	vld.idx.msk [tilespmem:v34+s13+$0x0], $0xffff  }
0x40d: {  	v44 =	vor.u32 v63, v17;
	v26 =	vand.u32 $0x3C8, v58;
	v58 =	vor.u32 v6, v33;
	v6 =	vmovc v2;
	v2 =	vld [tilespmem:$0x1F9A0]  }
0x40e: {  	[tilespmem:$0x1F880] =	vst v8;
	v1 =	vld [tilespmem:$0x1F980]  }
0x40f: {  	[tilespmem:$0x1F8A0] =	vst v16;
	v51 =	vor.u32 v18, v52;
	v60 =	vor.u32 v16, v24;
	v16 =	vld [tilespmem:$0x1FF20]  }
0x410: {  	[tilespmem:v50+s20+$0x0] =	vst.idx.msk $0xffff, v20;
	v59 =	vor.u32 v8, v25;
	v8 =	vld [tilespmem:$0x1FED0]  }
0x411: {  	v56 =	vor.u32 v26, v37;
	v20 =	vld.idx.msk [tilespmem:v41+s13+$0x0], $0xffff  }
0x412: {  	v14 =	vor.u32 v7, v39;
	v44 =	vld.idx.msk [tilespmem:v44+s13+$0x0], $0xffff  }
0x413: {  	[tilespmem:v31+s20+$0x0] =	vst.idx.msk $0xffff, v47;
	v22 =	vand.u32 $0x3D8, v14;
	v14 =	vld [tilespmem:$0x1F9C0];
	v12 =	vmov v1;
	v1 =	vor.u32 v7, v36  }
0x414: {  	[tilespmem:v48+s20+$0x0] =	vst.idx.msk $0xffff, v53;
	v34 =	vand.u32 $0x3D8, v1;
	v1 =	vld.idx.msk [tilespmem:v51+s13+$0x0], $0xffff  }
0x415: {  	[tilespmem:$0x1F8B0] =	vst v61;
	v31 =	vor.u32 v8, v17;
	v50 =	vld.idx.msk [tilespmem:v2+s13+$0x0], $0xffff  }
0x416: {  	[tilespmem:v56+s20+$0x0] =	vst.idx.msk $0xffff, v54;
	v2 =	vld [tilespmem:$0x1F940]  }
0x417: {  	v56 =	vor.u32 v61, v25;
	[tilespmem:$0x1F8C0] =	vst v12;
	v61 =	vor.u32 v12, v24;
	v12 =	vld [tilespmem:$0x1F990]  }
0x418: {  	v48 =	vor.u32 v9, v52;
	v7 =	vmov v43;
	v43 =	vor.u32 v22, v37;
	v51 =	vld.idx.msk [tilespmem:v55+s13+$0x0], $0xffff  }
0x419: {  	v55 =	vor.u32 v32, v28;
	[tilespmem:v58+s20+$0x0] =	vst.idx.msk $0xffff, v44;
	v58 =	vld [tilespmem:$0x1FF00]  }
0x41a: {  	v31 =	vld.idx.msk [tilespmem:v31+s13+$0x0], $0xffff  }
0x41b: {  	v41 =	vor.u32 v34, v23;
	v53 =	vor.u32 v2, v35;
	v2 =	vld [tilespmem:$0x1F950]  }
0x41c: {  	v45 =	vmov v0;
	v0 =	vor.u32 v32, v49;
	[tilespmem:v60+s20+$0x0] =	vst.idx.msk $0xffff, v1;
	v1 =	vmov v14;
	v14 =	vld [tilespmem:$0x1FFA0]  }
0x41d: {  	v48 =	vld.idx.msk [tilespmem:v48+s13+$0x0], $0xffff;
	[tilespmem:v43+s20+$0x0] =	vst.idx.msk $0xffff, v51  }
0x41e: {  	[tilespmem:v59+s20+$0x0] =	vst.idx.msk $0xffff, v57;
	v51 =	vld.idx.msk [tilespmem:v55+s13+$0x0], $0xffff  }
0x41f: {  	v54 =	vor.u32 v21, v36;
	v44 =	vor.u32 v16, v46;
	[tilespmem:$0x1F8E0] =	vst v1;
	v32 =	vld.idx.msk [tilespmem:v38+s13+$0x0], $0xffff  }
0x420: {  	v59 =	vor.u32 v1, v24;
	v1 =	vld [tilespmem:$0x1F970];
	[tilespmem:v41+s20+$0x0] =	vst.idx.msk $0xffff, v20;
	v20 =	vand.u32 $0x3E8, v54;
	v2 =	vor.u32 v2, v33  }
0x421: {  	v57 =	vmov v42;
	v0 =	vld.idx.msk [tilespmem:v0+s13+$0x0], $0xffff;
	v42 =	vor.u32 v20, v23;
	[tilespmem:v53+s20+$0x0] =	vst.idx.msk $0xffff, v50  }
0x422: {  	v38 =	vor.u32 v21, v39;
	v41 =	vor.u32 v14, v49;
	v21 =	vld.idx.msk [tilespmem:v12+s13+$0x0], $0xffff  }
0x423: {  	v60 =	vor.u32 v58, v17;
	v47 =	vor.u32 v14, v28;
	v12 =	vld [tilespmem:$0x1FFB0]  }
0x424: {  	v43 =	vand.u32 $0x3E8, v38;
	v14 =	vld [tilespmem:$0x1FFC0];
	v50 =	vor.u32 v16, v52;
	v53 =	vor.u32 v11, v35;
	[tilespmem:v56+s20+$0x0] =	vst.idx.msk $0xffff, v32  }
0x425: {  	v11 =	vmov v3;
	v3 =	vld [tilespmem:$0x1FF60];
	[tilespmem:v2+s20+$0x0] =	vst.idx.msk $0xffff, v31;
	v2 =	vor.u32 v43, v37  }
0x426: {  	v44 =	vld.idx.msk [tilespmem:v44+s13+$0x0], $0xffff;
	[tilespmem:v42+s20+$0x0] =	vst.idx.msk $0xffff, v0  }
0x427: {  	v41 =	vld.idx.msk [tilespmem:v41+s13+$0x0], $0xffff  }
0x428: {  	v32 =	vld.idx.msk [tilespmem:v60+s13+$0x0], $0xffff;
	v36 =	vor.u32 v12, v36;
	[tilespmem:v61+s20+$0x0] =	vst.idx.msk $0xffff, v48  }
0x429: {  	[tilespmem:v53+s20+$0x0] =	vst.idx.msk $0xffff, v21;
	v0 =	vand.u32 $0x3F8, v36;
	v36 =	vld.idx.msk [tilespmem:v50+s13+$0x0], $0xffff  }
0x42a: {  	[tilespmem:v2+s20+$0x0] =	vst.idx.msk $0xffff, v51;
	v2 =	vor.u32 v12, v39;
	v39 =	vld.idx.msk [tilespmem:v1+s13+$0x0], $0xffff  }
0x42b: {  	v1 =	vld [tilespmem:$0x1F9E0];
	_ =	sdelay $0x1  }
0x42c: {  	v56 =	vor.u32 v6, v25  }
0x42d: {  	v54 =	vld [tilespmem:$0x1FEF0];
	v31 =	vor.u32 v3, v46;
	v42 =	vor.u32 v0, v23  }
0x42e: {  	v60 =	vmov v29;
	v29 =	vor.u32 v14, v49;
	v12 =	vld [tilespmem:$0x1FEE0]  }
0x42f: {  	v55 =	vor.u32 v40, v33;
	v23 =	vand.u32 $0x3F8, v2;
	v2 =	vor.u32 v1, v35;
	v1 =	vld [tilespmem:$0x1F7E0]  }
0x430: {  	v21 =	vor.u32 v3, v52;
	v3 =	vld [tilespmem:$0x1F860]  }
0x431: {  	[tilespmem:v56+s20+$0x0] =	vst.idx.msk $0xffff, v44;
	v47 =	vld.idx.msk [tilespmem:v47+s13+$0x0], $0xffff  }
0x432: {  	v44 =	vld.idx.msk [tilespmem:v31+s13+$0x0], $0xffff;
	[tilespmem:v42+s20+$0x0] =	vst.idx.msk $0xffff, v41  }
0x433: {  	v29 =	vld.idx.msk [tilespmem:v29+s13+$0x0], $0xffff  }
0x434: {  	v48 =	vor.u32 v54, v17;
	[tilespmem:v55+s20+$0x0] =	vst.idx.msk $0xffff, v32;
	v32 =	vor.u32 v12, v1;
	v1 =	vld [tilespmem:$0x1F9D0]  }
0x435: {  	[tilespmem:v2+s20+$0x0] =	vst.idx.msk $0xffff, v39;
	v2 =	vld [tilespmem:$0x1FA00];
	_ =	sdelay $0x1  }
0x436: {  	v16 =	vld [tilespmem:$0x1F910]  }
0x437: {  	[tilespmem:$0x1F8F0] =	vst v11;
	v51 =	vor.u32 v11, v25;
	v11 =	vld [tilespmem:$0x1FFD0]  }
0x438: {  	v61 =	vmov v27;
	v27 =	vor.u32 v23, v37;
	v37 =	vld.idx.msk [tilespmem:v48+s13+$0x0], $0xffff  }
0x439: {  	[tilespmem:$0x1F8D0] =	vst v6;
	v48 =	vor.u32 v1, v33;
	v1 =	vmovc v3;
	v3 =	vmov v30;
	v35 =	vor.u32 v2, v35;
	v2 =	vld [tilespmem:$0x1F7F0]  }
0x43a: {  	[tilespmem:$0x1F860] =	vst v3;
	v3 =	vld [tilespmem:$0x1FF30]  }
0x43b: {  	v40 =	vor.u32 v14, v28;
	v6 =	vmov v13;
	v13 =	vld [tilespmem:$0x1FFE0];
	[tilespmem:v59+s20+$0x0] =	vst.idx.msk $0xffff, v36  }
0x43c: {  	v21 =	vld.idx.msk [tilespmem:v21+s13+$0x0], $0xffff  }
0x43d: {  	[tilespmem:$0x1F920] =	vst v4;
	v55 =	vor.u32 v12, v17;
	v31 =	vor.u32 v11, v4;
	v4 =	vld [tilespmem:$0x1F820]  }
0x43e: {  	v59 =	vor.u32 v6, v24;
	v17 =	vmovc v52;
	v12 =	vmov v10;
	v30 =	vor.u32 v11, v10;
	v10 =	vld [tilespmem:$0x1FF70]  }
0x43f: {  	[tilespmem:v27+s20+$0x0] =	vst.idx.msk $0xffff, v47;
	v56 =	vor.u32 v3, v46;
	v27 =	vor.u32 v3, v17;
	v3 =	vmov v2;
	v2 =	vld [tilespmem:$0x1F800]  }
0x440: {  	v40 =	vld.idx.msk [tilespmem:v40+s13+$0x0], $0xffff;
	[tilespmem:$0x1F940] =	vst v1  }
0x441: {  	v14 =	vmov v26;
	v26 =	vor.u32 v1, v25;
	v1 =	vld [tilespmem:$0x1F810];
	[tilespmem:v48+s20+$0x0] =	vst.idx.msk $0xffff, v37  }
0x442: {  	[tilespmem:$0x1F930] =	vst v45;
	v48 =	vor.u32 v45, v31;
	v36 =	vld.idx.msk [tilespmem:v55+s13+$0x0], $0xffff  }
0x443: {  	v45 =	vor.u32 v10, v17;
	[tilespmem:v59+s20+$0x0] =	vst.idx.msk $0xffff, v21;
	v21 =	vmov v22;
	v22 =	vor.u32 v10, v46;
	v10 =	vld [tilespmem:$0x1F840]  }
0x444: {  	[tilespmem:$0x1F950] =	vst v3;
	v33 =	vor.u32 v2, v33;
	v2 =	vmov v34;
	v34 =	vor.u32 v3, v24;
	v3 =	vld [tilespmem:$0x1F830]  }
0x445: {  	[tilespmem:$0x1F980] =	vst v5;
	v39 =	vor.u32 v16, v30  }
0x446: {  	v32 =	vld.idx.msk [tilespmem:v32+s13+$0x0], $0xffff;
	[tilespmem:v51+s20+$0x0] =	vst.idx.msk $0xffff, v44;
	v55 =	vor.u32 v5, v31;
	v5 =	vor.u32 v58, v46  }
0x447: {  	v41 =	vor.u32 v13, v49;
	v52 =	vmov v28;
	[tilespmem:$0x1F990] =	vst v5;
	v5 =	vor.u32 v8, v46;
	v8 =	vld [tilespmem:$0x1FEB0]  }
0x448: {  	v28 =	vor.u32 v13, v52;
	v42 =	vld.idx.msk [tilespmem:v56+s13+$0x0], $0xffff  }
0x449: {  	v59 =	vmovc v1;
	v1 =	vmov v4;
	[tilespmem:$0x1F9A0] =	vst v5;
	v4 =	vmov v3;
	v3 =	vmov v10;
	v10 =	vld [tilespmem:$0x1FFF0]  }
0x44a: {  	v5 =	vlaneseq.u32;
	[tilespmem:v39+s20+$0x0] =	vst.idx.msk $0xffff, v29;
	v29 =	vld.idx.msk [tilespmem:v27+s13+$0x0], $0xffff  }
0x44b: {  	[tilespmem:$0x1F900] =	vst v6;
	v56 =	vadd.s32 s26, v5;
	v5 =	vld [tilespmem:$0x1FEC0]  }
0x44c: {  	v6 =	vmov v15;
	v15 =	vmov v20;
	[tilespmem:v48+s20+$0x0] =	vst.idx.msk $0xffff, v40;
	v20 =	vld.idx.msk [tilespmem:v41+s13+$0x0], $0xffff  }
0x44d: {  	[tilespmem:$0x1F960] =	vst v19;
	v39 =	vld.idx.msk [tilespmem:v28+s13+$0x0], $0xffff  }
0x44e: {  	[tilespmem:v35+s20+$0x0] =	vst.idx.msk $0xffff, v32;
	v32 =	vor.u32 v19, v30;
	v19 =	vmov v0;
	v0 =	vor.u32 v10, v52;
	_ =	sdelay $0x1  }
0x44f: {  	[tilespmem:v33+s20+$0x0] =	vst.idx.msk $0xffff, v36;
	v27 =	vor.u32 v5, v46;
	v5 =	vld [tilespmem:$0x1FE70]  }
0x450: {  	[tilespmem:v34+s20+$0x0] =	vst.idx.msk $0xffff, v29;
	v29 =	vor.u32 v8, v46;
	v8 =	vld [tilespmem:$0x1FE80]  }
0x451: {  	v38 =	vld.idx.msk [tilespmem:v45+s13+$0x0], $0xffff;
	[tilespmem:v55+s20+$0x0] =	vst.idx.msk $0xffff, v39  }
0x452: {  	v48 =	vld.idx.msk [tilespmem:v0+s13+$0x0], $0xffff  }
0x453: {  	v0 =	vld [tilespmem:$0x1FE50]  }
0x454: {  	v62 =	vld [tilespmem:$0x1FD60];
	[tilespmem:v26+s20+$0x0] =	vst.idx.msk $0xffff, v42  }
0x455: {  	v41 =	vld.idx.msk [tilespmem:v22+s13+$0x0], $0xffff  }
0x456: {  	[tilespmem:v32+s20+$0x0] =	vst.idx.msk $0xffff, v20;
	v20 =	vor.u32 v5, v46;
	v39 =	vor.u32 v5, v17;
	v5 =	vld [tilespmem:$0x1FE30]  }
0x457: {  	v58 =	vor.u32 v6, v25;
	v47 =	vor.u32 v10, v49;
	v35 =	vor.u32 v8, v46;
	v8 =	vld [tilespmem:$0x1FE90]  }
0x458: {  	p0 =	slt.u32 s26, $0xE;
	[tilespmem:$0x1F9B0] =	vst v7;
	v42 =	vor.u32 v0, v49;
	v0 =	vld [tilespmem:$0x1FD50]  }
.Ltmp6:
0x459: {  	[tilespmem:$0x1F9C0] =	vst v57;
	v13 =	vor.u32 v54, v46;
	v50 =	vor.u32 v57, v31;
	v28 =	vand.u32 $0xF, v56;
	(pc) =	sbr.rel @p0 .LBB2_9-.Ltmp6, $4  }
0x45a: {  	[tilespmem:$0x1F970] =	vst v13;
	v44 =	vor.u32 v7, v30;
	v40 =	vor.u32 v59, v24;
	v53 =	vor.u32 v62, v28  }
0x45b: {  	v11 =	vmovc v43;
	v26 =	vor.u32 v63, v46;
	v36 =	vshll.u32 v56, $0x7;
	v63 =	vmovc v62;
	v34 =	vor.u32 v18, v49  }
0x45c: {  	v32 =	vor.u32 v9, v49;
	v10 =	vlaneseq.u32;
	v43 =	vld.idx.msk [tilespmem:v47+s13+$0x0], $0xffff;
	v47 =	vor.u32 v5, v49;
	[tilespmem:v58+s20+$0x0] =	vst.idx.msk $0xffff, v41  }
0x45d: {  	s28 =	sadd.s32 $0x1, s26;
	s26 =	sadd.s32 $0x2, s26;
	v51 =	vor.u32 v5, v52;
	v33 =	vor.u32 v8, v46;
	v37 =	vld.idx.msk [tilespmem:v20+s13+$0x0], $0xffff;
	v41 =	vor.u32 v0, v49  }
0x45e: {  	v57 =	vld [tilespmem:$0x1FD40]  }
0x45f: {  	v5 =	vld [tilespmem:$0x1FD70];
	_ =	sdelay $0x1  }
0x460: {  	v0 =	vadd.s32 s28, v10  }
0x461: {  	v45 =	vand.u32 $0xF, v0  }
0x462: {  	v54 =	vand.u32 $0x380, v36;
	v8 =	vand.u32 $0x400, v36;
	v20 =	vor.u32 v63, v45  }
0x463: {  	v7 =	vor.u32 v57, v54;
	v54 =	vor.u32 v5, v8  }
0x464: {  	v0 =	vshll.u32 v0, $0x7;
	[tilespmem:$0x1F6E0] =	vst v7;
	v55 =	vor.u32 v7, v54;
	v7 =	vld [tilespmem:$0x1FD80]  }
0x465: {  	v22 =	vld [tilespmem:$0x1FD90];
	[tilespmem:$0x1F6D0] =	vst v8;
	v56 =	vand.u32 $0x380, v0;
	v9 =	vand.u32 $0x400, v0  }
0x466: {  	v8 =	vor.u32 v57, v56;
	v57 =	vor.u32 v5, v9;
	v53 =	vld.idx.msk [tilespmem:v53+s13+$0x0], $0xffff  }
0x467: {  	v58 =	vor.u32 v8, v57;
	v20 =	vld.idx.msk [tilespmem:v20+s13+$0x0], $0xffff;
	_ =	sdelay $0x1  }
0x468: {  	[tilespmem:$0x1F9D0] =	vst v4;
	v56 =	vor.u32 v7, v28  }
0x469: {  	[tilespmem:$0x1FA00] =	vst v3;
	v4 =	vor.u32 v7, v45  }
0x46a: {  	[tilespmem:v55+s20+$0x0] =	vst.idx.msk $0xffff, v53  }
0x46b: {  	v18 =	vor.u32 v22, v36;
	v22 =	vor.u32 v22, v0;
	[tilespmem:v58+s20+$0x0] =	vst.idx.msk $0xffff, v20  }
0x46c: {  	v62 =	vmov v60;
	v5 =	vand.u32 $0x398, v22;
	v60 =	vld [tilespmem:$0x1FDA0]  }
0x46d: {  	v53 =	vld.idx.msk [tilespmem:v56+s13+$0x0], $0xffff;
	[tilespmem:$0x1F720] =	vst v5  }
0x46e: {  	v56 =	vld.idx.msk [tilespmem:v4+s13+$0x0], $0xffff  }
0x46f: {  	v13 =	vand.u32 $0x398, v18;
	v4 =	vld [tilespmem:$0x1FDB0]  }
0x470: {  	v55 =	vor.u32 v13, v54  }
0x471: {  	v20 =	vor.u32 v60, v28  }
0x472: {  	v58 =	vor.u32 v5, v57;
	_ =	sdelay $0x1  }
0x473: {  	v18 =	vor.u32 v4, v36  }
0x474: {  	[tilespmem:v55+s20+$0x0] =	vst.idx.msk $0xffff, v53;
	v18 =	vand.u32 $0x3A8, v18  }
0x475: {  	v3 =	vor.u32 v60, v45;
	v20 =	vld.idx.msk [tilespmem:v20+s13+$0x0], $0xffff;
	[tilespmem:$0x1F6B0] =	vst v18  }
0x476: {  	[tilespmem:v58+s20+$0x0] =	vst.idx.msk $0xffff, v56  }
0x477: {  	v22 =	vor.u32 v4, v0;
	v4 =	vld [tilespmem:$0x1FDD0]  }
0x478: {  	v53 =	vor.u32 v18, v54;
	v60 =	vld [tilespmem:$0x1FDC0]  }
0x479: {  	v10 =	vand.u32 $0x3A8, v22  }
0x47a: {  	v58 =	vor.u32 v10, v57;
	v56 =	vld.idx.msk [tilespmem:v3+s13+$0x0], $0xffff;
	_ =	sdelay $0x1  }
0x47b: {  	v22 =	vor.u32 v4, v36  }
0x47c: {  	[tilespmem:v53+s20+$0x0] =	vst.idx.msk $0xffff, v20;
	v55 =	vor.u32 v60, v28;
	v3 =	vor.u32 v60, v45;
	v60 =	vand.u32 $0x3B8, v22  }
0x47d: {  	[tilespmem:$0x1F740] =	vst v60  }
0x47e: {  	[tilespmem:v58+s20+$0x0] =	vst.idx.msk $0xffff, v56  }
0x47f: {  	v53 =	vor.u32 v60, v54;
	v60 =	vld [tilespmem:$0x1FDE0]  }
0x480: {  	v22 =	vor.u32 v4, v0;
	v4 =	vld [tilespmem:$0x1FDF0]  }
0x481: {  	v20 =	vld.idx.msk [tilespmem:v55+s13+$0x0], $0xffff  }
0x482: {  	v22 =	vand.u32 $0x3B8, v22  }
0x483: {  	v58 =	vor.u32 v22, v57;
	v56 =	vld.idx.msk [tilespmem:v3+s13+$0x0], $0xffff;
	_ =	sdelay $0x1  }
0x484: {  	[tilespmem:$0x1F750] =	vst v22;
	v5 =	vor.u32 v4, v36  }
0x485: {  	v55 =	vor.u32 v60, v28;
	v3 =	vor.u32 v60, v45;
	[tilespmem:v53+s20+$0x0] =	vst.idx.msk $0xffff, v20;
	v60 =	vand.u32 $0x3C8, v5  }
0x486: {  	[tilespmem:$0x1F760] =	vst v60  }
0x487: {  	[tilespmem:v58+s20+$0x0] =	vst.idx.msk $0xffff, v56  }
0x488: {  	v53 =	vor.u32 v60, v54;
	v60 =	vld [tilespmem:$0x1FE00]  }
0x489: {  	v5 =	vor.u32 v4, v0;
	v4 =	vld [tilespmem:$0x1FE10]  }
0x48a: {  	v5 =	vand.u32 $0x3C8, v5;
	v20 =	vld.idx.msk [tilespmem:v55+s13+$0x0], $0xffff  }
0x48b: {  	[tilespmem:$0x1F770] =	vst v5  }
0x48c: {  	v58 =	vor.u32 v5, v57;
	v56 =	vld.idx.msk [tilespmem:v3+s13+$0x0], $0xffff;
	_ =	sdelay $0x1  }
0x48d: {  	v5 =	vor.u32 v4, v36  }
0x48e: {  	v55 =	vor.u32 v60, v28;
	v3 =	vor.u32 v60, v45;
	[tilespmem:v53+s20+$0x0] =	vst.idx.msk $0xffff, v20;
	v60 =	vand.u32 $0x3D8, v5  }
0x48f: {  	[tilespmem:$0x1F790] =	vst v60  }
0x490: {  	[tilespmem:v58+s20+$0x0] =	vst.idx.msk $0xffff, v56  }
0x491: {  	v53 =	vor.u32 v60, v54;
	v60 =	vld [tilespmem:$0x1FE20]  }
0x492: {  	v5 =	vor.u32 v4, v0;
	v4 =	vld [tilespmem:$0x1FF90]  }
0x493: {  	v5 =	vand.u32 $0x3D8, v5;
	v20 =	vld.idx.msk [tilespmem:v55+s13+$0x0], $0xffff  }
0x494: {  	[tilespmem:$0x1F7A0] =	vst v5  }
0x495: {  	v58 =	vor.u32 v5, v57;
	v56 =	vld.idx.msk [tilespmem:v3+s13+$0x0], $0xffff;
	_ =	sdelay $0x1  }
0x496: {  	v5 =	vor.u32 v4, v36  }
0x497: {  	v55 =	vor.u32 v60, v28;
	v3 =	vor.u32 v60, v45;
	[tilespmem:v53+s20+$0x0] =	vst.idx.msk $0xffff, v20;
	v60 =	vand.u32 $0x3E8, v5  }
0x498: {  	[tilespmem:$0x1F7B0] =	vst v60  }
0x499: {  	[tilespmem:v58+s20+$0x0] =	vst.idx.msk $0xffff, v56  }
0x49a: {  	v53 =	vor.u32 v60, v54;
	v60 =	vld [tilespmem:$0x1FFA0]  }
0x49b: {  	v5 =	vor.u32 v4, v0  }
0x49c: {  	v5 =	vand.u32 $0x3E8, v5  }
0x49d: {  	v20 =	vld.idx.msk [tilespmem:v55+s13+$0x0], $0xffff;
	[tilespmem:$0x1F7C0] =	vst v5  }
0x49e: {  	v56 =	vld.idx.msk [tilespmem:v3+s13+$0x0], $0xffff  }
0x49f: {  	v55 =	vor.u32 v60, v28;
	v3 =	vor.u32 v60, v45;
	v60 =	vld [tilespmem:$0x1FFB0];
	_ =	sdelay $0x3  }
0x4a0: {  	v58 =	vor.u32 v5, v57  }
0x4a1: {  	v5 =	vor.u32 v60, v36  }
0x4a2: {  	[tilespmem:v53+s20+$0x0] =	vst.idx.msk $0xffff, v20;
	v53 =	vand.u32 $0x3F8, v5  }
0x4a3: {  	[tilespmem:$0x1F7D0] =	vst v53  }
0x4a4: {  	v36 =	vor.u32 v53, v54;
	v20 =	vld.idx.msk [tilespmem:v55+s13+$0x0], $0xffff  }
0x4a5: {  	v0 =	vor.u32 v60, v0;
	[tilespmem:v58+s20+$0x0] =	vst.idx.msk $0xffff, v56  }
0x4a6: {  	v58 =	vand.u32 $0x3F8, v0;
	v60 =	vld [tilespmem:$0x1FFC0]  }
0x4a7: {  	v53 =	vld.idx.msk [tilespmem:v3+s13+$0x0], $0xffff;
	v54 =	vor.u32 v58, v57;
	_ =	sdelay $0x1  }
0x4a8: {  	[tilespmem:v36+s20+$0x0] =	vst.idx.msk $0xffff, v20  }
0x4a9: {  	v57 =	vld [tilespmem:$0x1FFD0]  }
0x4aa: {  	v5 =	vld [tilespmem:$0x1F6D0]  }
0x4ab: {  	v0 =	vor.u32 v60, v28;
	v7 =	vld [tilespmem:$0x1F6E0];
	[tilespmem:v54+s20+$0x0] =	vst.idx.msk $0xffff, v53  }
0x4ac: {  	v4 =	vld [tilespmem:$0x1FFE0]  }
0x4ad: {  	v60 =	vor.u32 v60, v45;
	_ =	sdelay $0x1  }
0x4ae: {  	v20 =	vor.u32 v57, v5  }
0x4af: {  	v0 =	vld.idx.msk [tilespmem:v0+s13+$0x0], $0xffff;
	v36 =	vor.u32 v7, v20  }
0x4b0: {  	[tilespmem:$0x1F6F0] =	vst v9;
	v54 =	vor.u32 v57, v9;
	v53 =	vor.u32 v4, v28  }
0x4b1: {  	v55 =	vld.idx.msk [tilespmem:v60+s13+$0x0], $0xffff;
	v60 =	vor.u32 v8, v54;
	_ =	sdelay $0x1  }
0x4b2: {  	[tilespmem:$0x1F700] =	vst v8  }
0x4b3: {  	[tilespmem:v36+s20+$0x0] =	vst.idx.msk $0xffff, v0  }
0x4b4: {  	v0 =	vld.idx.msk [tilespmem:v53+s13+$0x0], $0xffff;
	[tilespmem:$0x1F710] =	vst v13  }
0x4b5: {  	[tilespmem:v60+s20+$0x0] =	vst.idx.msk $0xffff, v55  }
0x4b6: {  	v60 =	vld [tilespmem:$0x1FFF0]  }
0x4b7: {  	v57 =	vor.u32 v4, v45;
	v4 =	vld [tilespmem:$0x1F720];
	_ =	sdelay $0x3  }
0x4b8: {  	v36 =	vor.u32 v13, v20  }
0x4b9: {  	v55 =	vld.idx.msk [tilespmem:v57+s13+$0x0], $0xffff;
	v53 =	vor.u32 v60, v28;
	v56 =	vor.u32 v4, v54;
	_ =	sdelay $0x2  }
0x4ba: {  	v60 =	vor.u32 v60, v45  }
0x4bb: {  	[tilespmem:v36+s20+$0x0] =	vst.idx.msk $0xffff, v0  }
0x4bc: {  	v36 =	vor.u32 v18, v20;
	v0 =	vld.idx.msk [tilespmem:v53+s13+$0x0], $0xffff;
	[tilespmem:v56+s20+$0x0] =	vst.idx.msk $0xffff, v55  }
0x4bd: {  	v18 =	vld [tilespmem:$0x1FE30]  }
0x4be: {  	[tilespmem:v44+s20+$0x0] =	vst.idx.msk $0xffff, v43  }
0x4bf: {  	v55 =	vld.idx.msk [tilespmem:v60+s13+$0x0], $0xffff;
	[tilespmem:v50+s20+$0x0] =	vst.idx.msk $0xffff, v48  }
0x4c0: {  	v44 =	vld.idx.msk [tilespmem:v47+s13+$0x0], $0xffff;
	[tilespmem:$0x1F9F0] =	vst v62  }
0x4c1: {  	[tilespmem:v36+s20+$0x0] =	vst.idx.msk $0xffff, v0  }
0x4c2: {  	v56 =	vor.u32 v10, v54;
	v60 =	vmov v10;
	v53 =	vor.u32 v18, v28;
	v10 =	vld [tilespmem:$0x1F740]  }
0x4c3: {  	v47 =	vor.u32 v62, v30  }
0x4c4: {  	v48 =	vor.u32 v61, v31;
	v0 =	vld.idx.msk [tilespmem:v51+s13+$0x0], $0xffff  }
0x4c5: {  	v43 =	vor.u32 v18, v45;
	v18 =	vld [tilespmem:$0x1FE40]  }
0x4c6: {  	[tilespmem:$0x1F730] =	vst v61  }
0x4c7: {  	v57 =	vmov v62;
	[tilespmem:v56+s20+$0x0] =	vst.idx.msk $0xffff, v55;
	v50 =	vld.idx.msk [tilespmem:v53+s13+$0x0], $0xffff;
	v62 =	vor.u32 v10, v20  }
0x4c8: {  	[tilespmem:v47+s20+$0x0] =	vst.idx.msk $0xffff, v44  }
0x4c9: {  	[tilespmem:v48+s20+$0x0] =	vst.idx.msk $0xffff, v0  }
0x4ca: {  	v56 =	vor.u32 v22, v54;
	v36 =	vor.u32 v18, v49;
	v22 =	vld [tilespmem:$0x1F860]  }
0x4cb: {  	v61 =	vor.u32 v18, v52  }
0x4cc: {  	v43 =	vld.idx.msk [tilespmem:v43+s13+$0x0], $0xffff;
	[tilespmem:v62+s20+$0x0] =	vst.idx.msk $0xffff, v50  }
0x4cd: {  	v48 =	vor.u32 v14, v31;
	v55 =	vor.u32 v18, v28;
	v62 =	vmov v14;
	v14 =	vld [tilespmem:$0x1F760]  }
0x4ce: {  	v18 =	vor.u32 v18, v45;
	v3 =	vld [tilespmem:$0x1FE50]  }
0x4cf: {  	v0 =	vld.idx.msk [tilespmem:v36+s13+$0x0], $0xffff;
	v36 =	vor.u32 v22, v30  }
0x4d0: {  	v47 =	vld.idx.msk [tilespmem:v61+s13+$0x0], $0xffff;
	_ =	sdelay $0x1  }
0x4d1: {  	v50 =	vld.idx.msk [tilespmem:v55+s13+$0x0], $0xffff;
	[tilespmem:v56+s20+$0x0] =	vst.idx.msk $0xffff, v43;
	v53 =	vor.u32 v14, v20  }
0x4d2: {  	v44 =	vld.idx.msk [tilespmem:v18+s13+$0x0], $0xffff;
	v51 =	vor.u32 v3, v52  }
0x4d3: {  	v18 =	vld [tilespmem:$0x1F770];
	[tilespmem:v36+s20+$0x0] =	vst.idx.msk $0xffff, v0;
	v61 =	vor.u32 v3, v28  }
0x4d4: {  	[tilespmem:v48+s20+$0x0] =	vst.idx.msk $0xffff, v47  }
0x4d5: {  	v36 =	vld.idx.msk [tilespmem:v42+s13+$0x0], $0xffff;
	[tilespmem:$0x1F780] =	vst v2  }
0x4d6: {  	[tilespmem:v53+s20+$0x0] =	vst.idx.msk $0xffff, v50  }
0x4d7: {  	v47 =	vld.idx.msk [tilespmem:v51+s13+$0x0], $0xffff;
	[tilespmem:$0x1F810] =	vst v21  }
0x4d8: {  	v43 =	vld.idx.msk [tilespmem:v61+s13+$0x0], $0xffff  }
0x4d9: {  	v55 =	vor.u32 v18, v54;
	v61 =	vld [tilespmem:$0x1F790];
	_ =	sdelay $0x1  }
0x4da: {  	v42 =	vor.u32 v2, v30  }
0x4db: {  	v48 =	vor.u32 v21, v31;
	v0 =	vor.u32 v3, v45;
	_ =	sdelay $0x1  }
0x4dc: {  	v56 =	vmov v2;
	v2 =	vld [tilespmem:$0x1FD50];
	[tilespmem:v55+s20+$0x0] =	vst.idx.msk $0xffff, v44;
	v51 =	vor.u32 v61, v20  }
0x4dd: {  	v21 =	vld [tilespmem:$0x1F7A0]  }
0x4de: {  	[tilespmem:v42+s20+$0x0] =	vst.idx.msk $0xffff, v36  }
0x4df: {  	v0 =	vld.idx.msk [tilespmem:v0+s13+$0x0], $0xffff;
	[tilespmem:v48+s20+$0x0] =	vst.idx.msk $0xffff, v47  }
0x4e0: {  	v41 =	vld.idx.msk [tilespmem:v41+s13+$0x0], $0xffff;
	[tilespmem:$0x1F820] =	vst v15  }
0x4e1: {  	v50 =	vor.u32 v2, v52;
	[tilespmem:v51+s20+$0x0] =	vst.idx.msk $0xffff, v43  }
0x4e2: {  	v44 =	vor.u32 v2, v28;
	v55 =	vor.u32 v2, v45;
	v53 =	vor.u32 v21, v54;
	v2 =	vld [tilespmem:$0x1FE60]  }
0x4e3: {  	v3 =	vld [tilespmem:$0x1F7B0];
	_ =	sdelay $0x2  }
0x4e4: {  	v42 =	vor.u32 v15, v30;
	v43 =	vld.idx.msk [tilespmem:v50+s13+$0x0], $0xffff;
	[tilespmem:$0x1F830] =	vst v11  }
0x4e5: {  	v48 =	vor.u32 v11, v31;
	v44 =	vld.idx.msk [tilespmem:v44+s13+$0x0], $0xffff;
	[tilespmem:v53+s20+$0x0] =	vst.idx.msk $0xffff, v0  }
0x4e6: {  	v15 =	vld [tilespmem:$0x1F7C0];
	v47 =	vor.u32 v2, v49;
	v51 =	vor.u32 v3, v20;
	_ =	sdelay $0x2  }
0x4e7: {  	[tilespmem:v42+s20+$0x0] =	vst.idx.msk $0xffff, v41  }
0x4e8: {  	v36 =	vld.idx.msk [tilespmem:v55+s13+$0x0], $0xffff;
	[tilespmem:v48+s20+$0x0] =	vst.idx.msk $0xffff, v43;
	v50 =	vor.u32 v2, v52  }
0x4e9: {  	v53 =	vor.u32 v15, v54;
	v42 =	vld.idx.msk [tilespmem:v47+s13+$0x0], $0xffff;
	[tilespmem:v51+s20+$0x0] =	vst.idx.msk $0xffff, v44  }
0x4ea: {  	v48 =	vor.u32 v19, v30;
	v0 =	vor.u32 v2, v28;
	v11 =	vld [tilespmem:$0x1F7D0];
	_ =	sdelay $0x2  }
0x4eb: {  	v55 =	vor.u32 v2, v45;
	v43 =	vld.idx.msk [tilespmem:v50+s13+$0x0], $0xffff  }
0x4ec: {  	v31 =	vor.u32 v23, v31;
	v2 =	vld [tilespmem:$0x1FF40];
	[tilespmem:v53+s20+$0x0] =	vst.idx.msk $0xffff, v36  }
0x4ed: {  	v0 =	vld.idx.msk [tilespmem:v0+s13+$0x0], $0xffff;
	[tilespmem:v48+s20+$0x0] =	vst.idx.msk $0xffff, v42;
	v20 =	vor.u32 v11, v20  }
0x4ee: {  	v51 =	vld [tilespmem:$0x1FF10];
	_ =	sdelay $0x1  }
0x4ef: {  	v41 =	vld.idx.msk [tilespmem:v55+s13+$0x0], $0xffff;
	[tilespmem:$0x1F6C0] =	vst v12  }
0x4f0: {  	[tilespmem:v31+s20+$0x0] =	vst.idx.msk $0xffff, v43  }
0x4f1: {  	v47 =	vor.u32 v58, v54;
	v54 =	vmov v58;
	v58 =	vld [tilespmem:$0x1F920];
	[tilespmem:v20+s20+$0x0] =	vst.idx.msk $0xffff, v0  }
0x4f2: {  	v44 =	vor.u32 v2, v52;
	v30 =	vor.u32 v51, v12;
	v12 =	vld [tilespmem:$0x1F930];
	_ =	sdelay $0x1  }
0x4f3: {  	v36 =	vor.u32 v2, v28;
	v53 =	vor.u32 v2, v45;
	v2 =	vld [tilespmem:$0x1FF50];
	_ =	sdelay $0x1  }
0x4f4: {  	v31 =	vld.idx.msk [tilespmem:v34+s13+$0x0], $0xffff;
	v34 =	vor.u32 v16, v30;
	v43 =	vor.u32 v51, v58  }
0x4f5: {  	v0 =	vld.idx.msk [tilespmem:v44+s13+$0x0], $0xffff;
	v20 =	vor.u32 v12, v43  }
0x4f6: {  	v44 =	vor.u32 v51, v5  }
0x4f7: {  	v36 =	vld.idx.msk [tilespmem:v36+s13+$0x0], $0xffff;
	v55 =	vor.u32 v7, v44;
	v5 =	vor.u32 v2, v52  }
0x4f8: {  	[tilespmem:v47+s20+$0x0] =	vst.idx.msk $0xffff, v41  }
0x4f9: {  	[tilespmem:v34+s20+$0x0] =	vst.idx.msk $0xffff, v31  }
0x4fa: {  	v47 =	vor.u32 v51, v9;
	[tilespmem:v20+s20+$0x0] =	vst.idx.msk $0xffff, v0;
	v0 =	vld.idx.msk [tilespmem:v32+s13+$0x0], $0xffff  }
0x4fb: {  	v51 =	vor.u32 v8, v47;
	v8 =	vld [tilespmem:$0x1F960]  }
0x4fc: {  	[tilespmem:v55+s20+$0x0] =	vst.idx.msk $0xffff, v36;
	v32 =	vld.idx.msk [tilespmem:v5+s13+$0x0], $0xffff  }
0x4fd: {  	v5 =	vld [tilespmem:$0x1F980]  }
0x4fe: {  	v58 =	vor.u32 v2, v28;
	_ =	sdelay $0x1  }
0x4ff: {  	v42 =	vld.idx.msk [tilespmem:v53+s13+$0x0], $0xffff  }
0x500: {  	v20 =	vor.u32 v8, v30  }
0x501: {  	v53 =	vor.u32 v2, v45;
	v2 =	vld [tilespmem:$0x1FF20];
	v36 =	vor.u32 v5, v43  }
0x502: {  	v41 =	vld.idx.msk [tilespmem:v58+s13+$0x0], $0xffff;
	v58 =	vor.u32 v13, v44;
	_ =	sdelay $0x1  }
0x503: {  	[tilespmem:v51+s20+$0x0] =	vst.idx.msk $0xffff, v42  }
0x504: {  	[tilespmem:v20+s20+$0x0] =	vst.idx.msk $0xffff, v0  }
0x505: {  	v34 =	vor.u32 v2, v49;
	[tilespmem:v36+s20+$0x0] =	vst.idx.msk $0xffff, v32  }
0x506: {  	v51 =	vor.u32 v4, v47;
	v48 =	vor.u32 v2, v52;
	v4 =	vld [tilespmem:$0x1F9B0];
	[tilespmem:v58+s20+$0x0] =	vst.idx.msk $0xffff, v41  }
0x507: {  	v9 =	vld [tilespmem:$0x1F9C0]  }
0x508: {  	v55 =	vor.u32 v2, v28;
	v13 =	vld [tilespmem:$0x1F6B0]  }
0x509: {  	v31 =	vld.idx.msk [tilespmem:v53+s13+$0x0], $0xffff  }
0x50a: {  	v20 =	vld.idx.msk [tilespmem:v34+s13+$0x0], $0xffff  }
0x50b: {  	v34 =	vld.idx.msk [tilespmem:v48+s13+$0x0], $0xffff;
	v32 =	vor.u32 v4, v30  }
0x50c: {  	v58 =	vld [tilespmem:$0x1FF60];
	v41 =	vor.u32 v9, v43  }
0x50d: {  	v53 =	vor.u32 v2, v45;
	v42 =	vld.idx.msk [tilespmem:v55+s13+$0x0], $0xffff;
	v55 =	vor.u32 v13, v44;
	_ =	sdelay $0x1  }
0x50e: {  	[tilespmem:v51+s20+$0x0] =	vst.idx.msk $0xffff, v31  }
0x50f: {  	[tilespmem:v32+s20+$0x0] =	vst.idx.msk $0xffff, v20  }
0x510: {  	v36 =	vor.u32 v58, v49;
	[tilespmem:v41+s20+$0x0] =	vst.idx.msk $0xffff, v34  }
0x511: {  	v51 =	vor.u32 v60, v47;
	v0 =	vld.idx.msk [tilespmem:v53+s13+$0x0], $0xffff;
	v31 =	vor.u32 v58, v28;
	[tilespmem:v55+s20+$0x0] =	vst.idx.msk $0xffff, v42  }
0x512: {  	v55 =	vld [tilespmem:$0x1FF30]  }
0x513: {  	v48 =	vor.u32 v58, v52;
	v53 =	vld [tilespmem:$0x1F730];
	_ =	sdelay $0x1  }
0x514: {  	v32 =	vld.idx.msk [tilespmem:v36+s13+$0x0], $0xffff  }
0x515: {  	v20 =	vor.u32 v58, v45;
	v34 =	vor.u32 v57, v30;
	v31 =	vld.idx.msk [tilespmem:v31+s13+$0x0], $0xffff;
	[tilespmem:v51+s20+$0x0] =	vst.idx.msk $0xffff, v0  }
0x516: {  	v58 =	vor.u32 v10, v44;
	v51 =	vld [tilespmem:$0x1F750];
	v41 =	vor.u32 v55, v49  }
0x517: {  	v36 =	vld.idx.msk [tilespmem:v48+s13+$0x0], $0xffff;
	v42 =	vor.u32 v53, v43;
	v0 =	vor.u32 v55, v28  }
0x518: {  	v57 =	vor.u32 v55, v52;
	_ =	sdelay $0x1  }
0x519: {  	v20 =	vld.idx.msk [tilespmem:v20+s13+$0x0], $0xffff;
	[tilespmem:v34+s20+$0x0] =	vst.idx.msk $0xffff, v32  }
0x51a: {  	[tilespmem:v58+s20+$0x0] =	vst.idx.msk $0xffff, v31;
	v51 =	vor.u32 v51, v47;
	v34 =	vld.idx.msk [tilespmem:v41+s13+$0x0], $0xffff  }
0x51b: {  	[tilespmem:v42+s20+$0x0] =	vst.idx.msk $0xffff, v36;
	v36 =	vor.u32 v22, v30;
	v0 =	vld.idx.msk [tilespmem:v0+s13+$0x0], $0xffff  }
0x51c: {  	v53 =	vor.u32 v55, v45;
	v55 =	vor.u32 v14, v44;
	v31 =	vld.idx.msk [tilespmem:v57+s13+$0x0], $0xffff  }
0x51d: {  	v58 =	vor.u32 v62, v43;
	v57 =	vld [tilespmem:$0x1FF70];
	_ =	sdelay $0x1  }
0x51e: {  	[tilespmem:v51+s20+$0x0] =	vst.idx.msk $0xffff, v20  }
0x51f: {  	[tilespmem:v36+s20+$0x0] =	vst.idx.msk $0xffff, v34  }
0x520: {  	[tilespmem:v55+s20+$0x0] =	vst.idx.msk $0xffff, v0  }
0x521: {  	v41 =	vor.u32 v57, v49;
	[tilespmem:v58+s20+$0x0] =	vst.idx.msk $0xffff, v31  }
0x522: {  	v2 =	vor.u32 v57, v52;
	v7 =	vld [tilespmem:$0x1F810];
	_ =	sdelay $0x1  }
0x523: {  	v51 =	vor.u32 v18, v47;
	v32 =	vld.idx.msk [tilespmem:v53+s13+$0x0], $0xffff;
	_ =	sdelay $0x1  }
0x524: {  	v36 =	vor.u32 v56, v30;
	v31 =	vld.idx.msk [tilespmem:v41+s13+$0x0], $0xffff  }
0x525: {  	v56 =	vld.idx.msk [tilespmem:v2+s13+$0x0], $0xffff;
	v58 =	vor.u32 v7, v43  }
0x526: {  	v53 =	vld [tilespmem:$0x1FE70]  }
0x527: {  	v20 =	vor.u32 v57, v28;
	[tilespmem:v51+s20+$0x0] =	vst.idx.msk $0xffff, v32  }
0x528: {  	[tilespmem:v40+s20+$0x0] =	vst.idx.msk $0xffff, v38  }
0x529: {  	v34 =	vor.u32 v57, v45;
	[tilespmem:v36+s20+$0x0] =	vst.idx.msk $0xffff, v31  }
0x52a: {  	v38 =	vld [tilespmem:$0x1F9D0];
	[tilespmem:v58+s20+$0x0] =	vst.idx.msk $0xffff, v56  }
0x52b: {  	v57 =	vor.u32 v53, v49;
	v14 =	vld [tilespmem:$0x1F820]  }
0x52c: {  	v22 =	vor.u32 v61, v44;
	v20 =	vld.idx.msk [tilespmem:v20+s13+$0x0], $0xffff  }
0x52d: {  	v32 =	vor.u32 v1, v25  }
0x52e: {  	v34 =	vld.idx.msk [tilespmem:v34+s13+$0x0], $0xffff;
	v2 =	vor.u32 v21, v47  }
0x52f: {  	v18 =	vor.u32 v53, v52;
	v31 =	vld.idx.msk [tilespmem:v39+s13+$0x0], $0xffff;
	v36 =	vor.u32 v38, v24  }
0x530: {  	v51 =	vor.u32 v53, v28;
	v39 =	vor.u32 v53, v45;
	v0 =	vld.idx.msk [tilespmem:v57+s13+$0x0], $0xffff;
	v53 =	vor.u32 v14, v30  }
0x531: {  	v61 =	vld [tilespmem:$0x1FE80];
	[tilespmem:v22+s20+$0x0] =	vst.idx.msk $0xffff, v20  }
0x532: {  	v56 =	vld [tilespmem:$0x1F830];
	[tilespmem:v32+s20+$0x0] =	vst.idx.msk $0xffff, v37  }
0x533: {  	[tilespmem:v2+s20+$0x0] =	vst.idx.msk $0xffff, v34  }
0x534: {  	v2 =	vld [tilespmem:$0x1FA00];
	[tilespmem:v36+s20+$0x0] =	vst.idx.msk $0xffff, v31  }
0x535: {  	v32 =	vld.idx.msk [tilespmem:v51+s13+$0x0], $0xffff;
	[tilespmem:v53+s20+$0x0] =	vst.idx.msk $0xffff, v0  }
0x536: {  	v40 =	vor.u32 v61, v17;
	v51 =	vld [tilespmem:$0x1F850]  }
0x537: {  	v20 =	vld.idx.msk [tilespmem:v18+s13+$0x0], $0xffff;
	v42 =	vor.u32 v61, v49;
	v57 =	vor.u32 v56, v43  }
0x538: {  	v58 =	vor.u32 v3, v44;
	v37 =	vor.u32 v61, v52  }
0x539: {  	v34 =	vld.idx.msk [tilespmem:v35+s13+$0x0], $0xffff;
	v35 =	vor.u32 v61, v28;
	v25 =	vor.u32 v2, v25  }
0x53a: {  	v31 =	vld.idx.msk [tilespmem:v39+s13+$0x0], $0xffff;
	v36 =	vor.u32 v15, v47  }
0x53b: {  	v0 =	vld.idx.msk [tilespmem:v40+s13+$0x0], $0xffff;
	v41 =	vor.u32 v51, v24  }
0x53c: {  	v55 =	vor.u32 v19, v30;
	[tilespmem:v57+s20+$0x0] =	vst.idx.msk $0xffff, v20;
	v57 =	vld.idx.msk [tilespmem:v42+s13+$0x0], $0xffff  }
0x53d: {  	v53 =	vor.u32 v61, v45;
	v61 =	vor.u32 v23, v43;
	[tilespmem:v58+s20+$0x0] =	vst.idx.msk $0xffff, v32;
	v58 =	vld.idx.msk [tilespmem:v37+s13+$0x0], $0xffff  }
0x53e: {  	v39 =	vor.u32 v11, v44;
	[tilespmem:v25+s20+$0x0] =	vst.idx.msk $0xffff, v34;
	v40 =	vld.idx.msk [tilespmem:v35+s13+$0x0], $0xffff  }
0x53f: {  	[tilespmem:v36+s20+$0x0] =	vst.idx.msk $0xffff, v31  }
0x540: {  	[tilespmem:v41+s20+$0x0] =	vst.idx.msk $0xffff, v0  }
0x541: {  	v43 =	vld [tilespmem:$0x1FE90];
	[tilespmem:v55+s20+$0x0] =	vst.idx.msk $0xffff, v57  }
0x542: {  	v42 =	vor.u32 v54, v47;
	v41 =	vld.idx.msk [tilespmem:v53+s13+$0x0], $0xffff;
	[tilespmem:v61+s20+$0x0] =	vst.idx.msk $0xffff, v58  }
0x543: {  	[tilespmem:v39+s20+$0x0] =	vst.idx.msk $0xffff, v40  }
0x544: {  	v57 =	vld [tilespmem:$0x1F870]  }
0x545: {  	v48 =	vld [tilespmem:$0x1FEA0]  }
0x546: {  	v58 =	vld [tilespmem:$0x1F880]  }
0x547: {  	v61 =	vld [tilespmem:$0x1F890];
	[tilespmem:v42+s20+$0x0] =	vst.idx.msk $0xffff, v41  }
0x548: {  	v18 =	vld [tilespmem:$0x1F8A0]  }
0x549: {  	v53 =	vor.u32 v43, v17;
	v21 =	vld [tilespmem:$0x1F6C0]  }
0x54a: {  	v33 =	vld.idx.msk [tilespmem:v33+s13+$0x0], $0xffff;
	v55 =	vor.u32 v43, v49  }
0x54b: {  	v47 =	vld [tilespmem:$0x1F920]  }
0x54c: {  	v24 =	vor.u32 v48, v57;
	v57 =	vld [tilespmem:$0x1F6D0]  }
0x54d: {  	v36 =	vor.u32 v43, v45;
	v25 =	vor.u32 v48, v61;
	v61 =	vld [tilespmem:$0x1F6F0];
	v34 =	vor.u32 v58, v24  }
0x54e: {  	v0 =	vld.idx.msk [tilespmem:v53+s13+$0x0], $0xffff;
	v31 =	vor.u32 v18, v25;
	v15 =	vor.u32 v48, v21  }
0x54f: {  	v20 =	vld.idx.msk [tilespmem:v55+s13+$0x0], $0xffff;
	v22 =	vor.u32 v16, v15  }
0x550: {  	v53 =	vld [tilespmem:$0x1FEB0]  }
0x551: {  	v30 =	vor.u32 v43, v52;
	v58 =	vld [tilespmem:$0x1F6E0]  }
0x552: {  	v32 =	vor.u32 v43, v28;
	[tilespmem:v34+s20+$0x0] =	vst.idx.msk $0xffff, v33;
	v33 =	vld.idx.msk [tilespmem:v36+s13+$0x0], $0xffff  }
0x553: {  	v36 =	vld [tilespmem:$0x1F700];
	[tilespmem:v31+s20+$0x0] =	vst.idx.msk $0xffff, v0  }
0x554: {  	v42 =	vor.u32 v48, v47;
	v47 =	vld [tilespmem:$0x1F8B0];
	[tilespmem:v22+s20+$0x0] =	vst.idx.msk $0xffff, v20  }
0x555: {  	v18 =	vor.u32 v48, v57;
	v55 =	vor.u32 v53, v17;
	v57 =	vld [tilespmem:$0x1F8C0]  }
0x556: {  	v50 =	vmov v7;
	v30 =	vld.idx.msk [tilespmem:v30+s13+$0x0], $0xffff;
	v7 =	vor.u32 v12, v42;
	v39 =	vor.u32 v53, v49  }
0x557: {  	v32 =	vld.idx.msk [tilespmem:v32+s13+$0x0], $0xffff;
	v43 =	vor.u32 v48, v61;
	v40 =	vor.u32 v58, v18  }
0x558: {  	v34 =	vor.u32 v36, v43;
	v36 =	vor.u32 v53, v28  }
0x559: {  	v0 =	vld.idx.msk [tilespmem:v29+s13+$0x0], $0xffff;
	v48 =	vor.u32 v47, v24  }
0x55a: {  	v55 =	vld.idx.msk [tilespmem:v55+s13+$0x0], $0xffff;
	v58 =	vor.u32 v57, v25  }
0x55b: {  	v10 =	vor.u32 v8, v15;
	[tilespmem:v7+s20+$0x0] =	vst.idx.msk $0xffff, v30;
	v30 =	vld.idx.msk [tilespmem:v39+s13+$0x0], $0xffff  }
0x55c: {  	v61 =	vld [tilespmem:$0x1FEC0];
	[tilespmem:v40+s20+$0x0] =	vst.idx.msk $0xffff, v32  }
0x55d: {  	v16 =	vor.u32 v53, v52;
	[tilespmem:v34+s20+$0x0] =	vst.idx.msk $0xffff, v33;
	v33 =	vld.idx.msk [tilespmem:v36+s13+$0x0], $0xffff  }
0x55e: {  	v36 =	vld [tilespmem:$0x1F710];
	[tilespmem:v48+s20+$0x0] =	vst.idx.msk $0xffff, v0  }
0x55f: {  	v53 =	vor.u32 v53, v45;
	v47 =	vld [tilespmem:$0x1F720];
	[tilespmem:v58+s20+$0x0] =	vst.idx.msk $0xffff, v55  }
0x560: {  	v57 =	vld [tilespmem:$0x1F8D0];
	[tilespmem:v10+s20+$0x0] =	vst.idx.msk $0xffff, v30  }
0x561: {  	v7 =	vor.u32 v5, v42;
	v37 =	vor.u32 v61, v17;
	v5 =	vld [tilespmem:$0x1F8E0]  }
0x562: {  	v16 =	vld.idx.msk [tilespmem:v16+s13+$0x0], $0xffff;
	v11 =	vor.u32 v61, v49  }
0x563: {  	v40 =	vor.u32 v36, v18  }
0x564: {  	v41 =	vor.u32 v61, v52;
	v44 =	vld.idx.msk [tilespmem:v53+s13+$0x0], $0xffff;
	v48 =	vor.u32 v47, v43  }
0x565: {  	v53 =	vor.u32 v61, v28;
	v55 =	vld.idx.msk [tilespmem:v27+s13+$0x0], $0xffff;
	v58 =	vor.u32 v57, v24  }
0x566: {  	v3 =	vmov v1;
	v61 =	vor.u32 v61, v45;
	v10 =	vld.idx.msk [tilespmem:v37+s13+$0x0], $0xffff;
	v1 =	vor.u32 v5, v25  }
0x567: {  	[tilespmem:v7+s20+$0x0] =	vst.idx.msk $0xffff, v16;
	v30 =	vld.idx.msk [tilespmem:v11+s13+$0x0], $0xffff  }
0x568: {  	v39 =	vor.u32 v4, v15;
	v16 =	vld [tilespmem:$0x1FF80];
	[tilespmem:v40+s20+$0x0] =	vst.idx.msk $0xffff, v33  }
0x569: {  	v11 =	vor.u32 v9, v42;
	v41 =	vld.idx.msk [tilespmem:v41+s13+$0x0], $0xffff;
	[tilespmem:v48+s20+$0x0] =	vst.idx.msk $0xffff, v44  }
0x56a: {  	v47 =	vld.idx.msk [tilespmem:v53+s13+$0x0], $0xffff;
	[tilespmem:v58+s20+$0x0] =	vst.idx.msk $0xffff, v55  }
0x56b: {  	v48 =	vor.u32 v13, v18;
	v55 =	vld.idx.msk [tilespmem:v61+s13+$0x0], $0xffff;
	[tilespmem:v1+s20+$0x0] =	vst.idx.msk $0xffff, v10  }
0x56c: {  	v57 =	vor.u32 v60, v43;
	v60 =	vld [tilespmem:$0x1F8F0]  }
0x56d: {  	v58 =	vld.idx.msk [tilespmem:v26+s13+$0x0], $0xffff;
	[tilespmem:v39+s20+$0x0] =	vst.idx.msk $0xffff, v30  }
0x56e: {  	v12 =	vor.u32 v16, v17;
	v2 =	vld [tilespmem:$0x1F900];
	[tilespmem:v11+s20+$0x0] =	vst.idx.msk $0xffff, v41  }
0x56f: {  	v33 =	vld [tilespmem:$0x1FED0]  }
0x570: {  	v36 =	vld [tilespmem:$0x1F9F0];
	[tilespmem:v48+s20+$0x0] =	vst.idx.msk $0xffff, v47  }
0x571: {  	v40 =	vor.u32 v16, v49;
	v39 =	vld [tilespmem:$0x1F730];
	[tilespmem:v57+s20+$0x0] =	vst.idx.msk $0xffff, v55;
	v10 =	vor.u32 v60, v24  }
0x572: {  	v7 =	vmov v14;
	v53 =	vor.u32 v16, v28;
	v8 =	vld [tilespmem:$0x1F740]  }
0x573: {  	v44 =	vor.u32 v16, v52;
	v61 =	vor.u32 v16, v45;
	v14 =	vld.idx.msk [tilespmem:v12+s13+$0x0], $0xffff;
	v16 =	vor.u32 v2, v25;
	_ =	sdelay $0x2  }
0x574: {  	v30 =	vld.idx.msk [tilespmem:v40+s13+$0x0], $0xffff;
	[tilespmem:v10+s20+$0x0] =	vst.idx.msk $0xffff, v58  }
0x575: {  	v2 =	vor.u32 v36, v15;
	v41 =	vor.u32 v8, v18;
	v8 =	vld [tilespmem:$0x1F750]  }
0x576: {  	v0 =	vld.idx.msk [tilespmem:v44+s13+$0x0], $0xffff;
	[tilespmem:v16+s20+$0x0] =	vst.idx.msk $0xffff, v14  }
0x577: {  	v11 =	vor.u32 v33, v17;
	v5 =	vor.u32 v39, v42;
	v4 =	vld [tilespmem:$0x1F9A0]  }
0x578: {  	v20 =	vld.idx.msk [tilespmem:v53+s13+$0x0], $0xffff  }
0x579: {  	v10 =	vld.idx.msk [tilespmem:v61+s13+$0x0], $0xffff  }
0x57a: {  	v48 =	vld [tilespmem:$0x1F940];
	[tilespmem:v2+s20+$0x0] =	vst.idx.msk $0xffff, v30;
	v47 =	vor.u32 v8, v43  }
0x57b: {  	v2 =	vld [tilespmem:$0x1F950]  }
0x57c: {  	v11 =	vld.idx.msk [tilespmem:v11+s13+$0x0], $0xffff;
	[tilespmem:v5+s20+$0x0] =	vst.idx.msk $0xffff, v0  }
0x57d: {  	v30 =	vld [tilespmem:$0x1FF00]  }
0x57e: {  	v58 =	vld [tilespmem:$0x1F860];
	[tilespmem:v41+s20+$0x0] =	vst.idx.msk $0xffff, v20  }
0x57f: {  	v53 =	vor.u32 v48, v24;
	v14 =	vld.idx.msk [tilespmem:v4+s13+$0x0], $0xffff;
	[tilespmem:v47+s20+$0x0] =	vst.idx.msk $0xffff, v10  }
0x580: {  	v2 =	vor.u32 v2, v25;
	v8 =	vld [tilespmem:$0x1F760];
	_ =	sdelay $0x3  }
0x581: {  	v37 =	vor.u32 v33, v49;
	[tilespmem:v53+s20+$0x0] =	vst.idx.msk $0xffff, v14  }
0x582: {  	v40 =	vor.u32 v33, v52;
	v31 =	vor.u32 v8, v18;
	v8 =	vld [tilespmem:$0x1F770];
	[tilespmem:v2+s20+$0x0] =	vst.idx.msk $0xffff, v11  }
0x583: {  	v2 =	vld [tilespmem:$0x1F990]  }
0x584: {  	v44 =	vor.u32 v33, v28  }
0x585: {  	v55 =	vor.u32 v33, v45  }
0x586: {  	v13 =	vld.idx.msk [tilespmem:v37+s13+$0x0], $0xffff;
	v4 =	vor.u32 v58, v15  }
0x587: {  	v9 =	vor.u32 v62, v42;
	v61 =	vld.idx.msk [tilespmem:v40+s13+$0x0], $0xffff;
	v57 =	vor.u32 v30, v17;
	_ =	sdelay $0x1  }
0x588: {  	v1 =	vld.idx.msk [tilespmem:v44+s13+$0x0], $0xffff  }
0x589: {  	v32 =	vld.idx.msk [tilespmem:v55+s13+$0x0], $0xffff;
	v33 =	vor.u32 v8, v43  }
0x58a: {  	v11 =	vor.u32 v6, v24;
	[tilespmem:v4+s20+$0x0] =	vst.idx.msk $0xffff, v13;
	v2 =	vld.idx.msk [tilespmem:v2+s13+$0x0], $0xffff  }
0x58b: {  	v0 =	vld.idx.msk [tilespmem:v57+s13+$0x0], $0xffff;
	[tilespmem:v9+s20+$0x0] =	vst.idx.msk $0xffff, v61  }
0x58c: {  	v35 =	vor.u32 v59, v25;
	v60 =	vor.u32 v30, v49;
	v36 =	vld [tilespmem:$0x1FEF0]  }
0x58d: {  	v6 =	vld [tilespmem:$0x1F780];
	[tilespmem:v31+s20+$0x0] =	vst.idx.msk $0xffff, v1  }
0x58e: {  	v10 =	vor.u32 v30, v52;
	[tilespmem:v33+s20+$0x0] =	vst.idx.msk $0xffff, v32  }
0x58f: {  	v14 =	vor.u32 v30, v28;
	v20 =	vld [tilespmem:$0x1F790];
	[tilespmem:v11+s20+$0x0] =	vst.idx.msk $0xffff, v2  }
0x590: {  	v34 =	vor.u32 v30, v45;
	v44 =	vld [tilespmem:$0x1F7A0]  }
0x591: {  	v13 =	vld.idx.msk [tilespmem:v60+s13+$0x0], $0xffff;
	[tilespmem:v35+s20+$0x0] =	vst.idx.msk $0xffff, v0  }
0x592: {  	v6 =	vor.u32 v6, v15;
	v0 =	vld [tilespmem:$0x1F970]  }
0x593: {  	v10 =	vld.idx.msk [tilespmem:v10+s13+$0x0], $0xffff;
	v8 =	vor.u32 v50, v42  }
0x594: {  	v14 =	vld.idx.msk [tilespmem:v14+s13+$0x0], $0xffff;
	v40 =	vor.u32 v20, v18  }
0x595: {  	v11 =	vld.idx.msk [tilespmem:v34+s13+$0x0], $0xffff;
	v20 =	vor.u32 v44, v43;
	_ =	sdelay $0x1  }
0x596: {  	[tilespmem:v6+s20+$0x0] =	vst.idx.msk $0xffff, v13  }
0x597: {  	v22 =	vld [tilespmem:$0x1FEE0];
	[tilespmem:v8+s20+$0x0] =	vst.idx.msk $0xffff, v10  }
0x598: {  	[tilespmem:v40+s20+$0x0] =	vst.idx.msk $0xffff, v14  }
0x599: {  	v47 =	vor.u32 v3, v24;
	v9 =	vor.u32 v36, v17;
	v0 =	vld.idx.msk [tilespmem:v0+s13+$0x0], $0xffff;
	[tilespmem:v20+s20+$0x0] =	vst.idx.msk $0xffff, v11  }
0x59a: {  	v50 =	vor.u32 v7, v15;
	v7 =	vld [tilespmem:$0x1F7B0]  }
0x59b: {  	v37 =	vor.u32 v36, v49  }
0x59c: {  	v39 =	vor.u32 v36, v52  }
0x59d: {  	v41 =	vor.u32 v36, v28  }
0x59e: {  	v48 =	vor.u32 v36, v45;
	v9 =	vld.idx.msk [tilespmem:v9+s13+$0x0], $0xffff;
	v13 =	vor.u32 v38, v25;
	[tilespmem:v47+s20+$0x0] =	vst.idx.msk $0xffff, v0  }
0x59f: {  	v55 =	vor.u32 v7, v18;
	v7 =	vld [tilespmem:$0x1F7C0]  }
0x5a0: {  	v1 =	vld.idx.msk [tilespmem:v37+s13+$0x0], $0xffff  }
0x5a1: {  	v14 =	vld.idx.msk [tilespmem:v39+s13+$0x0], $0xffff  }
0x5a2: {  	v53 =	vor.u32 v56, v42;
	v2 =	vld.idx.msk [tilespmem:v41+s13+$0x0], $0xffff  }
0x5a3: {  	v57 =	vld.idx.msk [tilespmem:v48+s13+$0x0], $0xffff;
	[tilespmem:v13+s20+$0x0] =	vst.idx.msk $0xffff, v9  }
0x5a4: {  	v6 =	vor.u32 v22, v46;
	v58 =	vor.u32 v7, v43;
	v7 =	vld [tilespmem:$0x1FA00];
	_ =	sdelay $0x1  }
0x5a5: {  	v8 =	vor.u32 v22, v17;
	[tilespmem:v50+s20+$0x0] =	vst.idx.msk $0xffff, v1  }
0x5a6: {  	v11 =	vor.u32 v22, v52;
	[tilespmem:v53+s20+$0x0] =	vst.idx.msk $0xffff, v14  }
0x5a7: {  	v10 =	vor.u32 v22, v49;
	[tilespmem:v55+s20+$0x0] =	vst.idx.msk $0xffff, v2  }
0x5a8: {  	v6 =	vld.idx.msk [tilespmem:v6+s13+$0x0], $0xffff;
	v13 =	vor.u32 v22, v45;
	v9 =	vor.u32 v7, v24;
	[tilespmem:v58+s20+$0x0] =	vst.idx.msk $0xffff, v57  }
0x5a9: {  	v56 =	vor.u32 v22, v28;
	v4 =	vld [tilespmem:$0x1F7D0]  }
0x5aa: {  	v59 =	vor.u32 v51, v25;
	v60 =	vld.idx.msk [tilespmem:v8+s13+$0x0], $0xffff  }
0x5ab: {  	v62 =	vor.u32 v23, v42;
	v12 =	vmov v19;
	v8 =	vld.idx.msk [tilespmem:v11+s13+$0x0], $0xffff  }
0x5ac: {  	v61 =	vor.u32 v12, v15;
	v7 =	vld.idx.msk [tilespmem:v10+s13+$0x0], $0xffff  }
0x5ad: {  	[tilespmem:v9+s20+$0x0] =	vst.idx.msk $0xffff, v6;
	v6 =	vor.u32 v54, v43;
	v9 =	vld.idx.msk [tilespmem:v13+s13+$0x0], $0xffff  }
0x5ae: {  	v0 =	vld.idx.msk [tilespmem:v56+s13+$0x0], $0xffff;
	v4 =	vor.u32 v4, v18  }
0x5af: {  	[tilespmem:v59+s20+$0x0] =	vst.idx.msk $0xffff, v60  }
0x5b0: {  	[tilespmem:v62+s20+$0x0] =	vst.idx.msk $0xffff, v8  }
0x5b1: {  	[tilespmem:v61+s20+$0x0] =	vst.idx.msk $0xffff, v7  }
0x5b2: {  	[tilespmem:v6+s20+$0x0] =	vst.idx.msk $0xffff, v9  }
0x5b3: {  	[tilespmem:v4+s20+$0x0] =	vst.idx.msk $0xffff, v0  }
0x5b4: {  	v50 =	vld [tilespmem:$0x1FF90]  }
0x5b5: {  	p0 =	seq.s32 s23, $0x63;
	v52 =	vld [tilespmem:$0x1FFA0]  }
.Ltmp7:
0x5b6: {  	v60 =	vld [tilespmem:$0x1FFB0];
	(pc) =	sbr.rel @p0 .LBB2_12-.Ltmp7, $4  }
0x5b7: {  	v8 =	vld [tilespmem:$0x1FFC0]  }
0x5b8: {  	v9 =	vld [tilespmem:$0x1FFD0]  }
0x5b9: {  	s25 =	sadd.s32 s25, s7;
	v12 =	vld [tilespmem:$0x1FFE0]  }
0x5ba: {  	[hbm4b:s25+s16] =	stream.strided.scatter [tilespmem:s20], [sflag:$0x4], $0x2000, s17, s16, $0x38;
	v10 =	vld [tilespmem:$0x1FFF0]  }
0x5bb: {  	v22 =	vld [tilespmem:$0x1FD70]  }
0x5bc: {  	v46 =	vld [tilespmem:$0x1FD80]  }
0x5bd: {  	v28 =	vld [tilespmem:$0x1FD90]  }
0x5be: {  	v29 =	vld [tilespmem:$0x1FDA0]  }
0x5bf: {  	v30 =	vld [tilespmem:$0x1FDB0]  }
0x5c0: {  	v31 =	vld [tilespmem:$0x1FDC0]  }
0x5c1: {  	v33 =	vld [tilespmem:$0x1FDD0]  }
0x5c2: {  	v21 =	vld [tilespmem:$0x1FDE0]  }
0x5c3: {  	v32 =	vld [tilespmem:$0x1FDF0]  }
0x5c4: {  	v18 =	vld [tilespmem:$0x1FE00]  }
0x5c5: {  	v35 =	vld [tilespmem:$0x1FE10]  }
.Ltmp8:
0x5c6: {  	v36 =	vld [tilespmem:$0x1FE20];
	(pc) =	sbr.rel .LBB2_2-.Ltmp8, $4  }
0x5c7: {  	v14 =	vld [tilespmem:$0x1FE30]  }
0x5c8: {  	s24 =	sshrl.u32 s24, $0x2;
	v25 =	vld [tilespmem:$0x1FE40]  }
0x5c9: {  	s23 =	sadd.s32 $0x1, s23;
	v59 =	vld [tilespmem:$0x1FE50];
	s24 =	sadd.s32 $0x180, s24  }
0x5ca: {  	v17 =	vld [tilespmem:$0x1FE60];
	[tilespmem:s13], [sflag:$0x2] =	stream.indirect.gather [hbm4b:s4+s9], $0x40, s24, s9, $0xb8  }
.LBB2_13:
0x5cb: {  	_ =	sfence.sel $0x180000  }
0x5cc: {  	[bflag:$0x0] =	sbarrier.arrive $0xFFFF  }
0x5cd: {  	p0 =	sne.s32 s2, $0x0;
	_ =	strace $0x90000047  }
0x5ce: {  	s0 =	sadd.s32 @!p0 $0x100000, s0;
	[bflag:$0x2] =	sbarrier.arrive $0xFFFF  }
0x5cf: {  	[sflag:s0] =	ssyncadd.tile.s32 @!p0 $0x1;
	_ =	shalt  }
.Lfunc_end2:
_tile_overlayer_lowered:
.L_overlay_start_2:
0x5d0: {  	(tag) =	ssettag $0x2  }
0x5d1: {  	s0 =	rddreg [dreg:$0x0];
	s2 =	stileid.u32  }
0x5d2: {  	s1 =	rddreg [dreg:$0x1];
	p0 =	sne.s32 s2, $0x0  }
0x5d3: {  	s3 =	rddreg [dreg:$0x2];
	[bflag:$0x3] =	sbarrier.arrive $0xFFFF;
	s2 =	simm.s32 @!p0 $0x1C05  }
0x5d4: {  	[timem:s3], [sflag:s2] =	dma.local @!p0 [hbm:s0], s1  }
0x5d5: {  	s0 =	simm.s32 @!p0 $0x5  }
0x5d6: {  	_ =	swait.ge @!p0 [sflag:s0], s1  }
0x5d7: {  	s1 =	ssub.s32 @!p0 $0x0, s1;
	[sflag:s0] =	ssyncset.done @!p0 $0x0  }
0x5d8: {  	[sflag:s0] =	ssyncadd.s32 @!p0 s1  }
0x5d9: {  	[bflag:$0x3] =	sbarrier.arrive $0xFFFF  }
0x5da: {  	_ =	shalt  }

</sc_bundles>
